<compile_context>
chip_gen: v7x
topology: tpu7x:2x2x1
jax: 0.10.2.dev20260603
libtpu: 0.0.44.dev20260713+nightly
codegen_flags: <defaults>
</compile_context>

<pallas_src>
import jax
import jax.numpy as jnp
from jax import lax
from jax.experimental import pallas as pl
from jax.experimental.pallas import tpu as pltpu
from jax.experimental.pallas import tpu_sc as plsc

B = 16384
F = 64
_INFO = plsc.get_sparse_core_info()
NC, NS, L = _INFO.num_cores, _INFO.num_subcores, _INFO.num_lanes
NCORES = 1
NW = NCORES * NS
BPW = 512
NBLK = B // BPW // NW
NCHUNK = BPW // 128
GROUPS = BPW // L


def _body(cell_idx_hbm, drug_idx_hbm, cell_fac_hbm, drug_fac_hbm,
          cell_b_hbm, drug_b_hbm, gb_hbm, out_hbm,
          cidx_v, didx_v, crow_v, drow_v, cbf_v, dbf_v, gb_v, pbuf_v,
          out_v, sem):
    wid = lax.axis_index("s") * NCORES + lax.axis_index("c")
    pltpu.sync_copy(gb_hbm, gb_v)
    for blk in range(NBLK):
        _block(blk * NW + wid, cell_idx_hbm, drug_idx_hbm, cell_fac_hbm,
               drug_fac_hbm, cell_b_hbm, drug_b_hbm, out_hbm,
               cidx_v, didx_v, crow_v, drow_v, cbf_v, dbf_v, gb_v, pbuf_v,
               out_v, sem)


def _block(slot, cell_idx_hbm, drug_idx_hbm, cell_fac_hbm, drug_fac_hbm,
           cell_b_hbm, drug_b_hbm, out_hbm,
           cidx_v, didx_v, crow_v, drow_v, cbf_v, dbf_v, gb_v, pbuf_v,
           out_v, sem):
    base = slot * BPW

    for j in range(NCHUNK):
        pltpu.sync_copy(cell_idx_hbm.at[pl.ds(base + j * 128, 128)],
                        cidx_v.at[j])
        pltpu.sync_copy(drug_idx_hbm.at[pl.ds(base + j * 128, 128)],
                        didx_v.at[j])

    copies = []
    for j in range(NCHUNK):
        copies.append(pltpu.async_copy(
            cell_fac_hbm.at[cidx_v.at[j]], crow_v.at[pl.ds(j * 128, 128)],
            sem))
        copies.append(pltpu.async_copy(
            drug_fac_hbm.at[didx_v.at[j]], drow_v.at[pl.ds(j * 128, 128)],
            sem))
        copies.append(pltpu.async_copy(
            cell_b_hbm.at[cidx_v.at[j]], cbf_v.at[pl.ds(j * 128, 128)], sem))
        copies.append(pltpu.async_copy(
            drug_b_hbm.at[didx_v.at[j]], dbf_v.at[pl.ds(j * 128, 128)], sem))
    for c in copies:
        c.wait()

    iota = lax.broadcasted_iota(jnp.int32, (L,), 0)
    iota16 = iota * L
    gb = gb_v[...]

    def group(g, _):
        for rr in range(L):
            r = g * L + rr
            s = jnp.zeros((L,), jnp.float32)
            for k in range(F // L):
                c = crow_v[r, pl.ds(k * L, L)]
                d = drow_v[r, pl.ds(k * L, L)]
                s = s + c * d
            pbuf_v[pl.ds(rr * L, L)] = s
        acc = jnp.zeros((L,), jnp.float32)
        for j in range(L):
            rot = jnp.bitwise_and(iota + j, L - 1)
            acc = acc + plsc.load_gather(pbuf_v, [iota16 + rot])
        cb = cbf_v[pl.ds(g * L, L)]
        db = dbf_v[pl.ds(g * L, L)]
        out_v[pl.ds(g * L, L)] = acc + cb + db + gb
        return _

    lax.fori_loop(0, GROUPS, group, None)
    pltpu.sync_copy(out_v, out_hbm.at[pl.ds(base, BPW)])


def kernel(cell_indices, drug_indices, cell_factors, drug_factors,
           cell_bias, drug_bias, global_bias):
    mesh = plsc.VectorSubcoreMesh(core_axis_name="c", subcore_axis_name="s",
                                  num_cores=NCORES)
    run = pl.kernel(
        _body, mesh=mesh,
        out_type=jax.ShapeDtypeStruct((B,), jnp.float32),
        scratch_types=[
            pltpu.VMEM((NCHUNK, 128), jnp.int32),
            pltpu.VMEM((NCHUNK, 128), jnp.int32),
            pltpu.VMEM((BPW, F), jnp.float32),
            pltpu.VMEM((BPW, F), jnp.float32),
            pltpu.VMEM((BPW,), jnp.float32),
            pltpu.VMEM((BPW,), jnp.float32),
            pltpu.VMEM((L,), jnp.float32),
            pltpu.VMEM((L * L,), jnp.float32),
            pltpu.VMEM((BPW,), jnp.float32),
            pltpu.SemaphoreType.DMA,
        ],
        compiler_params=pltpu.CompilerParams(
            needs_layout_passes=False, use_tc_tiling_on_sc=False),
    )
    return run(cell_indices.astype(jnp.int32), drug_indices.astype(jnp.int32),
               cell_factors, drug_factors,
               cell_bias.reshape(-1), drug_bias.reshape(-1),
               jnp.tile(global_bias, L))

# --- scband reference (transcript-rebuilt; emitter-appended) ---
"""Pipeline reference for scband-matrix-factorization-31550829756458 (READ-ONLY COPY).

The authoritative reference and input builder live on the scoring server;
editing this copy changes nothing except your own understanding.
"""

import jax, jax.numpy as jnp
import numpy as np

N_CELLS = 1000000
N_DRUGS = 100000
N_FACTORS = 64
BATCH = 16384

def setup_inputs(seed: int = 0) -> dict:
    key = jax.random.key(seed)
    k1, k2, k3, k4 = jax.random.split(key, 4)
    cell_indices = jax.random.randint(k1, (BATCH,), 0, N_CELLS, dtype=jnp.int64 if jax.config.jax_enable_x64 else jnp.int32)
    drug_indices = jax.random.randint(k2, (BATCH,), 0, N_DRUGS, dtype=jnp.int64 if jax.config.jax_enable_x64 else jnp.int32)
    cell_factors = jax.random.normal(k3, (N_CELLS, N_FACTORS), dtype=jnp.float32) * 0.1
    drug_factors = jax.random.normal(k4, (N_DRUGS, N_FACTORS), dtype=jnp.float32) * 0.1
    cell_bias = jnp.zeros((N_CELLS, 1), dtype=jnp.float32)
    drug_bias = jnp.zeros((N_DRUGS, 1), dtype=jnp.float32)
    global_bias = jnp.zeros((1,), dtype=jnp.float32)
    return {
        "cell_indices": cell_indices,
        "drug_indices": drug_indices,
        "cell_factors": cell_factors,
        "drug_factors": drug_factors,
        "cell_bias": cell_bias,
        "drug_bias": drug_bias,
        "global_bias": global_bias,
    }

def reference(cell_indices, drug_indices, cell_factors, drug_factors, cell_bias, drug_bias, global_bias):
    cell_emb = jnp.take(cell_factors, cell_indices, axis=0)           # [B, F]
    drug_emb = jnp.take(drug_factors, drug_indices, axis=0)           # [B, F]
    cell_b = jnp.take(cell_bias, cell_indices, axis=0).squeeze()      # [B]
    drug_b = jnp.take(drug_bias, drug_indices, axis=0).squeeze()      # [B]
    interaction = jnp.sum(cell_emb * drug_emb, axis=1)                # [B]
    pred = interaction + cell_b + drug_b + global_bias
    return pred

if __name__ == "__main__":
    import jax
    _d = setup_inputs()
    print(jax.jit(kernel)(*tuple(_d.values())))

</pallas_src>

<mosaic_0001>
#map = affine_map<(d0, d1) -> (0)>
#map1 = affine_map<(d0, d1) -> (0, 0)>
module attributes {stable_mosaic.version = 14 : i64} {
  func.func @_body(%arg0: i32, %arg1: i32, %arg2: memref<16384xi32, #tpu.memory_space<hbm>>, %arg3: memref<16384xi32, #tpu.memory_space<hbm>>, %arg4: memref<1000000x64xf32, #tpu.memory_space<hbm>>, %arg5: memref<100000x64xf32, #tpu.memory_space<hbm>>, %arg6: memref<1000000xf32, #tpu.memory_space<hbm>>, %arg7: memref<100000xf32, #tpu.memory_space<hbm>>, %arg8: memref<16xf32, #tpu.memory_space<hbm>>, %arg9: memref<16384xf32, #tpu.memory_space<hbm>>, %arg10: memref<4x128xi32, #tpu.memory_space<vmem>>, %arg11: memref<4x128xi32, #tpu.memory_space<vmem>>, %arg12: memref<512x64xf32, #tpu.memory_space<vmem>>, %arg13: memref<512x64xf32, #tpu.memory_space<vmem>>, %arg14: memref<512xf32, #tpu.memory_space<vmem>>, %arg15: memref<512xf32, #tpu.memory_space<vmem>>, %arg16: memref<16xf32, #tpu.memory_space<vmem>>, %arg17: memref<256xf32, #tpu.memory_space<vmem>>, %arg18: memref<512xf32, #tpu.memory_space<vmem>>, %arg19: memref<!tpu.dma_semaphore, #tpu.memory_space<semaphore_mem>>) attributes {dimension_semantics = [#tpu.dimension_semantics<core_parallel>, #tpu.dimension_semantics<subcore_parallel>], iteration_bounds = array<i64: 1, 16>, scalar_prefetch = 0 : i64, scratch_operands = 10 : i64, tpu.core_type = #tpu.core_type<sc_vector_subcore>, window_params = [{transform_indices = #map}, {transform_indices = #map}, {transform_indices = #map1}, {transform_indices = #map1}, {transform_indices = #map}, {transform_indices = #map}, {transform_indices = #map}, {transform_indices = #map}]} {
    %mul3A = arith.constant 1 : i32
    %mul3A_0 = arith.muli %arg1, %mul3A : i32
    %add3A = arith.addi %mul3A_0, %arg0 : i32
    "tpu.region"() ({
      %run_scoped3A_649 = tpu.sem_alloc : memref<!tpu.dma_semaphore, #tpu.memory_space<semaphore_mem>>
      tpu.enqueue_dma source(%arg8 : memref<16xf32, #tpu.memory_space<hbm>>) target(%arg16 : memref<16xf32, #tpu.memory_space<vmem>>) target_semaphore(%run_scoped3A_649 : memref<!tpu.dma_semaphore, #tpu.memory_space<semaphore_mem>>)
      tpu.wait_dma2 semaphore(%run_scoped3A_649 : memref<!tpu.dma_semaphore, #tpu.memory_space<semaphore_mem>>) src(%arg8 : memref<16xf32, #tpu.memory_space<hbm>>) dst(%arg16 : memref<16xf32, #tpu.memory_space<vmem>>)
      tpu.yield
    }) : () -> ()
    %add3A_1 = arith.constant 0 : i32
    %add3A_2 = arith.addi %add3A_1, %add3A : i32
    %mul3A_3 = arith.constant 512 : i32
    %mul3A_4 = arith.muli %add3A_2, %mul3A_3 : i32
    %add3A_5 = arith.constant 0 : i32
    %add3A_6 = arith.addi %mul3A_4, %add3A_5 : i32
    %run_scoped3A = arith.constant 0 : i32
    "tpu.region"() ({
      %run_scoped3A_649 = tpu.sem_alloc : memref<!tpu.dma_semaphore, #tpu.memory_space<semaphore_mem>>
      %dma_start3A_650 = arith.constant 0 : i32
      %dma_start3A_651 = tpu.memref_slice %arg10[%run_scoped3A, %dma_start3A_650] : memref<4x128xi32, #tpu.memory_space<vmem>> -> memref<1x128xi32, #tpu.memory_space<vmem>>
      %dma_start3A_652 = tpu.memref_squeeze %dma_start3A_651 : memref<1x128xi32, #tpu.memory_space<vmem>> -> memref<128xi32, #tpu.memory_space<vmem>>
      %dma_start3A_653 = tpu.memref_slice %arg2[%add3A_6] : memref<16384xi32, #tpu.memory_space<hbm>> -> memref<128xi32, #tpu.memory_space<hbm>>
      %dma_start3A_654 = arith.constant 0 : i32
      %dma_start3A_655 = tpu.memref_slice %arg10[%run_scoped3A, %dma_start3A_654] : memref<4x128xi32, #tpu.memory_space<vmem>> -> memref<1x128xi32, #tpu.memory_space<vmem>>
      %dma_start3A_656 = tpu.memref_squeeze %dma_start3A_655 : memref<1x128xi32, #tpu.memory_space<vmem>> -> memref<128xi32, #tpu.memory_space<vmem>>
      %dma_start3A_657 = tpu.memref_slice %arg2[%add3A_6] : memref<16384xi32, #tpu.memory_space<hbm>> -> memref<128xi32, #tpu.memory_space<hbm>>
      tpu.enqueue_dma source(%dma_start3A_657 : memref<128xi32, #tpu.memory_space<hbm>>) target(%dma_start3A_656 : memref<128xi32, #tpu.memory_space<vmem>>) target_semaphore(%run_scoped3A_649 : memref<!tpu.dma_semaphore, #tpu.memory_space<semaphore_mem>>)
      %dma_wait3A_658 = arith.constant 0 : i32
      %dma_wait3A_659 = tpu.memref_slice %arg10[%run_scoped3A, %dma_wait3A_658] : memref<4x128xi32, #tpu.memory_space<vmem>> -> memref<1x128xi32, #tpu.memory_space<vmem>>
      %dma_wait3A_660 = tpu.memref_squeeze %dma_wait3A_659 : memref<1x128xi32, #tpu.memory_space<vmem>> -> memref<128xi32, #tpu.memory_space<vmem>>
      %dma_wait3A_661 = tpu.memref_slice %arg2[%add3A_6] : memref<16384xi32, #tpu.memory_space<hbm>> -> memref<128xi32, #tpu.memory_space<hbm>>
      %dma_wait3A_662 = arith.constant 0 : i32
      %dma_wait3A_663 = tpu.memref_slice %arg10[%run_scoped3A, %dma_wait3A_662] : memref<4x128xi32, #tpu.memory_space<vmem>> -> memref<1x128xi32, #tpu.memory_space<vmem>>
      %dma_wait3A_664 = tpu.memref_squeeze %dma_wait3A_663 : memref<1x128xi32, #tpu.memory_space<vmem>> -> memref<128xi32, #tpu.memory_space<vmem>>
      %dma_wait3A_665 = tpu.memref_slice %arg2[%add3A_6] : memref<16384xi32, #tpu.memory_space<hbm>> -> memref<128xi32, #tpu.memory_space<hbm>>
      tpu.wait_dma2 semaphore(%run_scoped3A_649 : memref<!tpu.dma_semaphore, #tpu.memory_space<semaphore_mem>>) src(%dma_wait3A_665 : memref<128xi32, #tpu.memory_space<hbm>>) dst(%dma_wait3A_664 : memref<128xi32, #tpu.memory_space<vmem>>)
      tpu.yield
    }) : () -> ()
    %add3A_7 = arith.constant 0 : i32
    %add3A_8 = arith.addi %mul3A_4, %add3A_7 : i32
    %run_scoped3A_9 = arith.constant 0 : i32
    "tpu.region"() ({
      %run_scoped3A_649 = tpu.sem_alloc : memref<!tpu.dma_semaphore, #tpu.memory_space<semaphore_mem>>
      %dma_start3A_650 = arith.constant 0 : i32
      %dma_start3A_651 = tpu.memref_slice %arg11[%run_scoped3A_9, %dma_start3A_650] : memref<4x128xi32, #tpu.memory_space<vmem>> -> memref<1x128xi32, #tpu.memory_space<vmem>>
      %dma_start3A_652 = tpu.memref_squeeze %dma_start3A_651 : memref<1x128xi32, #tpu.memory_space<vmem>> -> memref<128xi32, #tpu.memory_space<vmem>>
      %dma_start3A_653 = tpu.memref_slice %arg3[%add3A_8] : memref<16384xi32, #tpu.memory_space<hbm>> -> memref<128xi32, #tpu.memory_space<hbm>>
      %dma_start3A_654 = arith.constant 0 : i32
      %dma_start3A_655 = tpu.memref_slice %arg11[%run_scoped3A_9, %dma_start3A_654] : memref<4x128xi32, #tpu.memory_space<vmem>> -> memref<1x128xi32, #tpu.memory_space<vmem>>
      %dma_start3A_656 = tpu.memref_squeeze %dma_start3A_655 : memref<1x128xi32, #tpu.memory_space<vmem>> -> memref<128xi32, #tpu.memory_space<vmem>>
      %dma_start3A_657 = tpu.memref_slice %arg3[%add3A_8] : memref<16384xi32, #tpu.memory_space<hbm>> -> memref<128xi32, #tpu.memory_space<hbm>>
      tpu.enqueue_dma source(%dma_start3A_657 : memref<128xi32, #tpu.memory_space<hbm>>) target(%dma_start3A_656 : memref<128xi32, #tpu.memory_space<vmem>>) target_semaphore(%run_scoped3A_649 : memref<!tpu.dma_semaphore, #tpu.memory_space<semaphore_mem>>)
      %dma_wait3A_658 = arith.constant 0 : i32
      %dma_wait3A_659 = tpu.memref_slice %arg11[%run_scoped3A_9, %dma_wait3A_658] : memref<4x128xi32, #tpu.memory_space<vmem>> -> memref<1x128xi32, #tpu.memory_space<vmem>>
      %dma_wait3A_660 = tpu.memref_squeeze %dma_wait3A_659 : memref<1x128xi32, #tpu.memory_space<vmem>> -> memref<128xi32, #tpu.memory_space<vmem>>
      %dma_wait3A_661 = tpu.memref_slice %arg3[%add3A_8] : memref<16384xi32, #tpu.memory_space<hbm>> -> memref<128xi32, #tpu.memory_space<hbm>>
      %dma_wait3A_662 = arith.constant 0 : i32
      %dma_wait3A_663 = tpu.memref_slice %arg11[%run_scoped3A_9, %dma_wait3A_662] : memref<4x128xi32, #tpu.memory_space<vmem>> -> memref<1x128xi32, #tpu.memory_space<vmem>>
      %dma_wait3A_664 = tpu.memref_squeeze %dma_wait3A_663 : memref<1x128xi32, #tpu.memory_space<vmem>> -> memref<128xi32, #tpu.memory_space<vmem>>
      %dma_wait3A_665 = tpu.memref_slice %arg3[%add3A_8] : memref<16384xi32, #tpu.memory_space<hbm>> -> memref<128xi32, #tpu.memory_space<hbm>>
      tpu.wait_dma2 semaphore(%run_scoped3A_649 : memref<!tpu.dma_semaphore, #tpu.memory_space<semaphore_mem>>) src(%dma_wait3A_665 : memref<128xi32, #tpu.memory_space<hbm>>) dst(%dma_wait3A_664 : memref<128xi32, #tpu.memory_space<vmem>>)
      tpu.yield
    }) : () -> ()
    %add3A_10 = arith.constant 128 : i32
    %add3A_11 = arith.addi %mul3A_4, %add3A_10 : i32
    %run_scoped3A_12 = arith.constant 1 : i32
    "tpu.region"() ({
      %run_scoped3A_649 = tpu.sem_alloc : memref<!tpu.dma_semaphore, #tpu.memory_space<semaphore_mem>>
      %dma_start3A_650 = arith.constant 0 : i32
      %dma_start3A_651 = tpu.memref_slice %arg10[%run_scoped3A_12, %dma_start3A_650] : memref<4x128xi32, #tpu.memory_space<vmem>> -> memref<1x128xi32, #tpu.memory_space<vmem>>
      %dma_start3A_652 = tpu.memref_squeeze %dma_start3A_651 : memref<1x128xi32, #tpu.memory_space<vmem>> -> memref<128xi32, #tpu.memory_space<vmem>>
      %dma_start3A_653 = tpu.memref_slice %arg2[%add3A_11] : memref<16384xi32, #tpu.memory_space<hbm>> -> memref<128xi32, #tpu.memory_space<hbm>>
      %dma_start3A_654 = arith.constant 0 : i32
      %dma_start3A_655 = tpu.memref_slice %arg10[%run_scoped3A_12, %dma_start3A_654] : memref<4x128xi32, #tpu.memory_space<vmem>> -> memref<1x128xi32, #tpu.memory_space<vmem>>
      %dma_start3A_656 = tpu.memref_squeeze %dma_start3A_655 : memref<1x128xi32, #tpu.memory_space<vmem>> -> memref<128xi32, #tpu.memory_space<vmem>>
      %dma_start3A_657 = tpu.memref_slice %arg2[%add3A_11] : memref<16384xi32, #tpu.memory_space<hbm>> -> memref<128xi32, #tpu.memory_space<hbm>>
      tpu.enqueue_dma source(%dma_start3A_657 : memref<128xi32, #tpu.memory_space<hbm>>) target(%dma_start3A_656 : memref<128xi32, #tpu.memory_space<vmem>>) target_semaphore(%run_scoped3A_649 : memref<!tpu.dma_semaphore, #tpu.memory_space<semaphore_mem>>)
      %dma_wait3A_658 = arith.constant 0 : i32
      %dma_wait3A_659 = tpu.memref_slice %arg10[%run_scoped3A_12, %dma_wait3A_658] : memref<4x128xi32, #tpu.memory_space<vmem>> -> memref<1x128xi32, #tpu.memory_space<vmem>>
      %dma_wait3A_660 = tpu.memref_squeeze %dma_wait3A_659 : memref<1x128xi32, #tpu.memory_space<vmem>> -> memref<128xi32, #tpu.memory_space<vmem>>
      %dma_wait3A_661 = tpu.memref_slice %arg2[%add3A_11] : memref<16384xi32, #tpu.memory_space<hbm>> -> memref<128xi32, #tpu.memory_space<hbm>>
      %dma_wait3A_662 = arith.constant 0 : i32
      %dma_wait3A_663 = tpu.memref_slice %arg10[%run_scoped3A_12, %dma_wait3A_662] : memref<4x128xi32, #tpu.memory_space<vmem>> -> memref<1x128xi32, #tpu.memory_space<vmem>>
      %dma_wait3A_664 = tpu.memref_squeeze %dma_wait3A_663 : memref<1x128xi32, #tpu.memory_space<vmem>> -> memref<128xi32, #tpu.memory_space<vmem>>
      %dma_wait3A_665 = tpu.memref_slice %arg2[%add3A_11] : memref<16384xi32, #tpu.memory_space<hbm>> -> memref<128xi32, #tpu.memory_space<hbm>>
      tpu.wait_dma2 semaphore(%run_scoped3A_649 : memref<!tpu.dma_semaphore, #tpu.memory_space<semaphore_mem>>) src(%dma_wait3A_665 : memref<128xi32, #tpu.memory_space<hbm>>) dst(%dma_wait3A_664 : memref<128xi32, #tpu.memory_space<vmem>>)
      tpu.yield
    }) : () -> ()
    %add3A_13 = arith.constant 128 : i32
    %add3A_14 = arith.addi %mul3A_4, %add3A_13 : i32
    %run_scoped3A_15 = arith.constant 1 : i32
    "tpu.region"() ({
      %run_scoped3A_649 = tpu.sem_alloc : memref<!tpu.dma_semaphore, #tpu.memory_space<semaphore_mem>>
      %dma_start3A_650 = arith.constant 0 : i32
      %dma_start3A_651 = tpu.memref_slice %arg11[%run_scoped3A_15, %dma_start3A_650] : memref<4x128xi32, #tpu.memory_space<vmem>> -> memref<1x128xi32, #tpu.memory_space<vmem>>
      %dma_start3A_652 = tpu.memref_squeeze %dma_start3A_651 : memref<1x128xi32, #tpu.memory_space<vmem>> -> memref<128xi32, #tpu.memory_space<vmem>>
      %dma_start3A_653 = tpu.memref_slice %arg3[%add3A_14] : memref<16384xi32, #tpu.memory_space<hbm>> -> memref<128xi32, #tpu.memory_space<hbm>>
      %dma_start3A_654 = arith.constant 0 : i32
      %dma_start3A_655 = tpu.memref_slice %arg11[%run_scoped3A_15, %dma_start3A_654] : memref<4x128xi32, #tpu.memory_space<vmem>> -> memref<1x128xi32, #tpu.memory_space<vmem>>
      %dma_start3A_656 = tpu.memref_squeeze %dma_start3A_655 : memref<1x128xi32, #tpu.memory_space<vmem>> -> memref<128xi32, #tpu.memory_space<vmem>>
      %dma_start3A_657 = tpu.memref_slice %arg3[%add3A_14] : memref<16384xi32, #tpu.memory_space<hbm>> -> memref<128xi32, #tpu.memory_space<hbm>>
      tpu.enqueue_dma source(%dma_start3A_657 : memref<128xi32, #tpu.memory_space<hbm>>) target(%dma_start3A_656 : memref<128xi32, #tpu.memory_space<vmem>>) target_semaphore(%run_scoped3A_649 : memref<!tpu.dma_semaphore, #tpu.memory_space<semaphore_mem>>)
      %dma_wait3A_658 = arith.constant 0 : i32
      %dma_wait3A_659 = tpu.memref_slice %arg11[%run_scoped3A_15, %dma_wait3A_658] : memref<4x128xi32, #tpu.memory_space<vmem>> -> memref<1x128xi32, #tpu.memory_space<vmem>>
      %dma_wait3A_660 = tpu.memref_squeeze %dma_wait3A_659 : memref<1x128xi32, #tpu.memory_space<vmem>> -> memref<128xi32, #tpu.memory_space<vmem>>
      %dma_wait3A_661 = tpu.memref_slice %arg3[%add3A_14] : memref<16384xi32, #tpu.memory_space<hbm>> -> memref<128xi32, #tpu.memory_space<hbm>>
      %dma_wait3A_662 = arith.constant 0 : i32
      %dma_wait3A_663 = tpu.memref_slice %arg11[%run_scoped3A_15, %dma_wait3A_662] : memref<4x128xi32, #tpu.memory_space<vmem>> -> memref<1x128xi32, #tpu.memory_space<vmem>>
      %dma_wait3A_664 = tpu.memref_squeeze %dma_wait3A_663 : memref<1x128xi32, #tpu.memory_space<vmem>> -> memref<128xi32, #tpu.memory_space<vmem>>
      %dma_wait3A_665 = tpu.memref_slice %arg3[%add3A_14] : memref<16384xi32, #tpu.memory_space<hbm>> -> memref<128xi32, #tpu.memory_space<hbm>>
      tpu.wait_dma2 semaphore(%run_scoped3A_649 : memref<!tpu.dma_semaphore, #tpu.memory_space<semaphore_mem>>) src(%dma_wait3A_665 : memref<128xi32, #tpu.memory_space<hbm>>) dst(%dma_wait3A_664 : memref<128xi32, #tpu.memory_space<vmem>>)
      tpu.yield
    }) : () -> ()
    %add3A_16 = arith.constant 256 : i32
    %add3A_17 = arith.addi %mul3A_4, %add3A_16 : i32
    %run_scoped3A_18 = arith.constant 2 : i32
    "tpu.region"() ({
      %run_scoped3A_649 = tpu.sem_alloc : memref<!tpu.dma_semaphore, #tpu.memory_space<semaphore_mem>>
      %dma_start3A_650 = arith.constant 0 : i32
      %dma_start3A_651 = tpu.memref_slice %arg10[%run_scoped3A_18, %dma_start3A_650] : memref<4x128xi32, #tpu.memory_space<vmem>> -> memref<1x128xi32, #tpu.memory_space<vmem>>
      %dma_start3A_652 = tpu.memref_squeeze %dma_start3A_651 : memref<1x128xi32, #tpu.memory_space<vmem>> -> memref<128xi32, #tpu.memory_space<vmem>>
      %dma_start3A_653 = tpu.memref_slice %arg2[%add3A_17] : memref<16384xi32, #tpu.memory_space<hbm>> -> memref<128xi32, #tpu.memory_space<hbm>>
      %dma_start3A_654 = arith.constant 0 : i32
      %dma_start3A_655 = tpu.memref_slice %arg10[%run_scoped3A_18, %dma_start3A_654] : memref<4x128xi32, #tpu.memory_space<vmem>> -> memref<1x128xi32, #tpu.memory_space<vmem>>
      %dma_start3A_656 = tpu.memref_squeeze %dma_start3A_655 : memref<1x128xi32, #tpu.memory_space<vmem>> -> memref<128xi32, #tpu.memory_space<vmem>>
      %dma_start3A_657 = tpu.memref_slice %arg2[%add3A_17] : memref<16384xi32, #tpu.memory_space<hbm>> -> memref<128xi32, #tpu.memory_space<hbm>>
      tpu.enqueue_dma source(%dma_start3A_657 : memref<128xi32, #tpu.memory_space<hbm>>) target(%dma_start3A_656 : memref<128xi32, #tpu.memory_space<vmem>>) target_semaphore(%run_scoped3A_649 : memref<!tpu.dma_semaphore, #tpu.memory_space<semaphore_mem>>)
      %dma_wait3A_658 = arith.constant 0 : i32
      %dma_wait3A_659 = tpu.memref_slice %arg10[%run_scoped3A_18, %dma_wait3A_658] : memref<4x128xi32, #tpu.memory_space<vmem>> -> memref<1x128xi32, #tpu.memory_space<vmem>>
      %dma_wait3A_660 = tpu.memref_squeeze %dma_wait3A_659 : memref<1x128xi32, #tpu.memory_space<vmem>> -> memref<128xi32, #tpu.memory_space<vmem>>
      %dma_wait3A_661 = tpu.memref_slice %arg2[%add3A_17] : memref<16384xi32, #tpu.memory_space<hbm>> -> memref<128xi32, #tpu.memory_space<hbm>>
      %dma_wait3A_662 = arith.constant 0 : i32
      %dma_wait3A_663 = tpu.memref_slice %arg10[%run_scoped3A_18, %dma_wait3A_662] : memref<4x128xi32, #tpu.memory_space<vmem>> -> memref<1x128xi32, #tpu.memory_space<vmem>>
      %dma_wait3A_664 = tpu.memref_squeeze %dma_wait3A_663 : memref<1x128xi32, #tpu.memory_space<vmem>> -> memref<128xi32, #tpu.memory_space<vmem>>
      %dma_wait3A_665 = tpu.memref_slice %arg2[%add3A_17] : memref<16384xi32, #tpu.memory_space<hbm>> -> memref<128xi32, #tpu.memory_space<hbm>>
      tpu.wait_dma2 semaphore(%run_scoped3A_649 : memref<!tpu.dma_semaphore, #tpu.memory_space<semaphore_mem>>) src(%dma_wait3A_665 : memref<128xi32, #tpu.memory_space<hbm>>) dst(%dma_wait3A_664 : memref<128xi32, #tpu.memory_space<vmem>>)
      tpu.yield
    }) : () -> ()
    %add3A_19 = arith.constant 256 : i32
    %add3A_20 = arith.addi %mul3A_4, %add3A_19 : i32
    %run_scoped3A_21 = arith.constant 2 : i32
    "tpu.region"() ({
      %run_scoped3A_649 = tpu.sem_alloc : memref<!tpu.dma_semaphore, #tpu.memory_space<semaphore_mem>>
      %dma_start3A_650 = arith.constant 0 : i32
      %dma_start3A_651 = tpu.memref_slice %arg11[%run_scoped3A_21, %dma_start3A_650] : memref<4x128xi32, #tpu.memory_space<vmem>> -> memref<1x128xi32, #tpu.memory_space<vmem>>
      %dma_start3A_652 = tpu.memref_squeeze %dma_start3A_651 : memref<1x128xi32, #tpu.memory_space<vmem>> -> memref<128xi32, #tpu.memory_space<vmem>>
      %dma_start3A_653 = tpu.memref_slice %arg3[%add3A_20] : memref<16384xi32, #tpu.memory_space<hbm>> -> memref<128xi32, #tpu.memory_space<hbm>>
      %dma_start3A_654 = arith.constant 0 : i32
      %dma_start3A_655 = tpu.memref_slice %arg11[%run_scoped3A_21, %dma_start3A_654] : memref<4x128xi32, #tpu.memory_space<vmem>> -> memref<1x128xi32, #tpu.memory_space<vmem>>
      %dma_start3A_656 = tpu.memref_squeeze %dma_start3A_655 : memref<1x128xi32, #tpu.memory_space<vmem>> -> memref<128xi32, #tpu.memory_space<vmem>>
      %dma_start3A_657 = tpu.memref_slice %arg3[%add3A_20] : memref<16384xi32, #tpu.memory_space<hbm>> -> memref<128xi32, #tpu.memory_space<hbm>>
      tpu.enqueue_dma source(%dma_start3A_657 : memref<128xi32, #tpu.memory_space<hbm>>) target(%dma_start3A_656 : memref<128xi32, #tpu.memory_space<vmem>>) target_semaphore(%run_scoped3A_649 : memref<!tpu.dma_semaphore, #tpu.memory_space<semaphore_mem>>)
      %dma_wait3A_658 = arith.constant 0 : i32
      %dma_wait3A_659 = tpu.memref_slice %arg11[%run_scoped3A_21, %dma_wait3A_658] : memref<4x128xi32, #tpu.memory_space<vmem>> -> memref<1x128xi32, #tpu.memory_space<vmem>>
      %dma_wait3A_660 = tpu.memref_squeeze %dma_wait3A_659 : memref<1x128xi32, #tpu.memory_space<vmem>> -> memref<128xi32, #tpu.memory_space<vmem>>
      %dma_wait3A_661 = tpu.memref_slice %arg3[%add3A_20] : memref<16384xi32, #tpu.memory_space<hbm>> -> memref<128xi32, #tpu.memory_space<hbm>>
      %dma_wait3A_662 = arith.constant 0 : i32
      %dma_wait3A_663 = tpu.memref_slice %arg11[%run_scoped3A_21, %dma_wait3A_662] : memref<4x128xi32, #tpu.memory_space<vmem>> -> memref<1x128xi32, #tpu.memory_space<vmem>>
      %dma_wait3A_664 = tpu.memref_squeeze %dma_wait3A_663 : memref<1x128xi32, #tpu.memory_space<vmem>> -> memref<128xi32, #tpu.memory_space<vmem>>
      %dma_wait3A_665 = tpu.memref_slice %arg3[%add3A_20] : memref<16384xi32, #tpu.memory_space<hbm>> -> memref<128xi32, #tpu.memory_space<hbm>>
      tpu.wait_dma2 semaphore(%run_scoped3A_649 : memref<!tpu.dma_semaphore, #tpu.memory_space<semaphore_mem>>) src(%dma_wait3A_665 : memref<128xi32, #tpu.memory_space<hbm>>) dst(%dma_wait3A_664 : memref<128xi32, #tpu.memory_space<vmem>>)
      tpu.yield
    }) : () -> ()
    %add3A_22 = arith.constant 384 : i32
    %add3A_23 = arith.addi %mul3A_4, %add3A_22 : i32
    %run_scoped3A_24 = arith.constant 3 : i32
    "tpu.region"() ({
      %run_scoped3A_649 = tpu.sem_alloc : memref<!tpu.dma_semaphore, #tpu.memory_space<semaphore_mem>>
      %dma_start3A_650 = arith.constant 0 : i32
      %dma_start3A_651 = tpu.memref_slice %arg10[%run_scoped3A_24, %dma_start3A_650] : memref<4x128xi32, #tpu.memory_space<vmem>> -> memref<1x128xi32, #tpu.memory_space<vmem>>
      %dma_start3A_652 = tpu.memref_squeeze %dma_start3A_651 : memref<1x128xi32, #tpu.memory_space<vmem>> -> memref<128xi32, #tpu.memory_space<vmem>>
      %dma_start3A_653 = tpu.memref_slice %arg2[%add3A_23] : memref<16384xi32, #tpu.memory_space<hbm>> -> memref<128xi32, #tpu.memory_space<hbm>>
      %dma_start3A_654 = arith.constant 0 : i32
      %dma_start3A_655 = tpu.memref_slice %arg10[%run_scoped3A_24, %dma_start3A_654] : memref<4x128xi32, #tpu.memory_space<vmem>> -> memref<1x128xi32, #tpu.memory_space<vmem>>
      %dma_start3A_656 = tpu.memref_squeeze %dma_start3A_655 : memref<1x128xi32, #tpu.memory_space<vmem>> -> memref<128xi32, #tpu.memory_space<vmem>>
      %dma_start3A_657 = tpu.memref_slice %arg2[%add3A_23] : memref<16384xi32, #tpu.memory_space<hbm>> -> memref<128xi32, #tpu.memory_space<hbm>>
      tpu.enqueue_dma source(%dma_start3A_657 : memref<128xi32, #tpu.memory_space<hbm>>) target(%dma_start3A_656 : memref<128xi32, #tpu.memory_space<vmem>>) target_semaphore(%run_scoped3A_649 : memref<!tpu.dma_semaphore, #tpu.memory_space<semaphore_mem>>)
      %dma_wait3A_658 = arith.constant 0 : i32
      %dma_wait3A_659 = tpu.memref_slice %arg10[%run_scoped3A_24, %dma_wait3A_658] : memref<4x128xi32, #tpu.memory_space<vmem>> -> memref<1x128xi32, #tpu.memory_space<vmem>>
      %dma_wait3A_660 = tpu.memref_squeeze %dma_wait3A_659 : memref<1x128xi32, #tpu.memory_space<vmem>> -> memref<128xi32, #tpu.memory_space<vmem>>
      %dma_wait3A_661 = tpu.memref_slice %arg2[%add3A_23] : memref<16384xi32, #tpu.memory_space<hbm>> -> memref<128xi32, #tpu.memory_space<hbm>>
      %dma_wait3A_662 = arith.constant 0 : i32
      %dma_wait3A_663 = tpu.memref_slice %arg10[%run_scoped3A_24, %dma_wait3A_662] : memref<4x128xi32, #tpu.memory_space<vmem>> -> memref<1x128xi32, #tpu.memory_space<vmem>>
      %dma_wait3A_664 = tpu.memref_squeeze %dma_wait3A_663 : memref<1x128xi32, #tpu.memory_space<vmem>> -> memref<128xi32, #tpu.memory_space<vmem>>
      %dma_wait3A_665 = tpu.memref_slice %arg2[%add3A_23] : memref<16384xi32, #tpu.memory_space<hbm>> -> memref<128xi32, #tpu.memory_space<hbm>>
      tpu.wait_dma2 semaphore(%run_scoped3A_649 : memref<!tpu.dma_semaphore, #tpu.memory_space<semaphore_mem>>) src(%dma_wait3A_665 : memref<128xi32, #tpu.memory_space<hbm>>) dst(%dma_wait3A_664 : memref<128xi32, #tpu.memory_space<vmem>>)
      tpu.yield
    }) : () -> ()
    %add3A_25 = arith.constant 384 : i32
    %add3A_26 = arith.addi %mul3A_4, %add3A_25 : i32
    %run_scoped3A_27 = arith.constant 3 : i32
    "tpu.region"() ({
      %run_scoped3A_649 = tpu.sem_alloc : memref<!tpu.dma_semaphore, #tpu.memory_space<semaphore_mem>>
      %dma_start3A_650 = arith.constant 0 : i32
      %dma_start3A_651 = tpu.memref_slice %arg11[%run_scoped3A_27, %dma_start3A_650] : memref<4x128xi32, #tpu.memory_space<vmem>> -> memref<1x128xi32, #tpu.memory_space<vmem>>
      %dma_start3A_652 = tpu.memref_squeeze %dma_start3A_651 : memref<1x128xi32, #tpu.memory_space<vmem>> -> memref<128xi32, #tpu.memory_space<vmem>>
      %dma_start3A_653 = tpu.memref_slice %arg3[%add3A_26] : memref<16384xi32, #tpu.memory_space<hbm>> -> memref<128xi32, #tpu.memory_space<hbm>>
      %dma_start3A_654 = arith.constant 0 : i32
      %dma_start3A_655 = tpu.memref_slice %arg11[%run_scoped3A_27, %dma_start3A_654] : memref<4x128xi32, #tpu.memory_space<vmem>> -> memref<1x128xi32, #tpu.memory_space<vmem>>
      %dma_start3A_656 = tpu.memref_squeeze %dma_start3A_655 : memref<1x128xi32, #tpu.memory_space<vmem>> -> memref<128xi32, #tpu.memory_space<vmem>>
      %dma_start3A_657 = tpu.memref_slice %arg3[%add3A_26] : memref<16384xi32, #tpu.memory_space<hbm>> -> memref<128xi32, #tpu.memory_space<hbm>>
      tpu.enqueue_dma source(%dma_start3A_657 : memref<128xi32, #tpu.memory_space<hbm>>) target(%dma_start3A_656 : memref<128xi32, #tpu.memory_space<vmem>>) target_semaphore(%run_scoped3A_649 : memref<!tpu.dma_semaphore, #tpu.memory_space<semaphore_mem>>)
      %dma_wait3A_658 = arith.constant 0 : i32
      %dma_wait3A_659 = tpu.memref_slice %arg11[%run_scoped3A_27, %dma_wait3A_658] : memref<4x128xi32, #tpu.memory_space<vmem>> -> memref<1x128xi32, #tpu.memory_space<vmem>>
      %dma_wait3A_660 = tpu.memref_squeeze %dma_wait3A_659 : memref<1x128xi32, #tpu.memory_space<vmem>> -> memref<128xi32, #tpu.memory_space<vmem>>
      %dma_wait3A_661 = tpu.memref_slice %arg3[%add3A_26] : memref<16384xi32, #tpu.memory_space<hbm>> -> memref<128xi32, #tpu.memory_space<hbm>>
      %dma_wait3A_662 = arith.constant 0 : i32
      %dma_wait3A_663 = tpu.memref_slice %arg11[%run_scoped3A_27, %dma_wait3A_662] : memref<4x128xi32, #tpu.memory_space<vmem>> -> memref<1x128xi32, #tpu.memory_space<vmem>>
      %dma_wait3A_664 = tpu.memref_squeeze %dma_wait3A_663 : memref<1x128xi32, #tpu.memory_space<vmem>> -> memref<128xi32, #tpu.memory_space<vmem>>
      %dma_wait3A_665 = tpu.memref_slice %arg3[%add3A_26] : memref<16384xi32, #tpu.memory_space<hbm>> -> memref<128xi32, #tpu.memory_space<hbm>>
      tpu.wait_dma2 semaphore(%run_scoped3A_649 : memref<!tpu.dma_semaphore, #tpu.memory_space<semaphore_mem>>) src(%dma_wait3A_665 : memref<128xi32, #tpu.memory_space<hbm>>) dst(%dma_wait3A_664 : memref<128xi32, #tpu.memory_space<vmem>>)
      tpu.yield
    }) : () -> ()
    %dma_start3A = arith.constant 0 : i32
    %dma_start3A_28 = arith.constant 0 : i32
    %dma_start3A_29 = arith.constant 0 : i32
    %dma_start3A_30 = tpu.memref_slice %arg12[%dma_start3A_28, %dma_start3A_29] : memref<512x64xf32, #tpu.memory_space<vmem>> -> memref<128x64xf32, #tpu.memory_space<vmem>>
    %dma_start3A_31 = arith.constant 0 : i32
    %dma_start3A_32 = tpu.memref_slice %arg10[%dma_start3A, %dma_start3A_31] : memref<4x128xi32, #tpu.memory_space<vmem>> -> memref<1x128xi32, #tpu.memory_space<vmem>>
    %dma_start3A_33 = tpu.memref_squeeze %dma_start3A_32 : memref<1x128xi32, #tpu.memory_space<vmem>> -> memref<128xi32, #tpu.memory_space<vmem>>
    %dma_start3A_34 = arith.constant 0 : i32
    %dma_start3A_35 = arith.constant 0 : i32
    %dma_start3A_36 = tpu.memref_slice %arg4[%dma_start3A_34, %dma_start3A_35] : memref<1000000x64xf32, #tpu.memory_space<hbm>> -> memref<1000000x64xf32, #tpu.memory_space<hbm>>
    tpu.enqueue_indirect_dma source(%dma_start3A_36 : memref<1000000x64xf32, #tpu.memory_space<hbm>>) target(%dma_start3A_30 : memref<128x64xf32, #tpu.memory_space<vmem>>) offsets(%dma_start3A_33 : memref<128xi32, #tpu.memory_space<vmem>>) semaphore(%arg19 : memref<!tpu.dma_semaphore, #tpu.memory_space<semaphore_mem>>)
    %dma_start3A_37 = arith.constant 0 : i32
    %dma_start3A_38 = arith.constant 0 : i32
    %dma_start3A_39 = arith.constant 0 : i32
    %dma_start3A_40 = tpu.memref_slice %arg13[%dma_start3A_38, %dma_start3A_39] : memref<512x64xf32, #tpu.memory_space<vmem>> -> memref<128x64xf32, #tpu.memory_space<vmem>>
    %dma_start3A_41 = arith.constant 0 : i32
    %dma_start3A_42 = tpu.memref_slice %arg11[%dma_start3A_37, %dma_start3A_41] : memref<4x128xi32, #tpu.memory_space<vmem>> -> memref<1x128xi32, #tpu.memory_space<vmem>>
    %dma_start3A_43 = tpu.memref_squeeze %dma_start3A_42 : memref<1x128xi32, #tpu.memory_space<vmem>> -> memref<128xi32, #tpu.memory_space<vmem>>
    %dma_start3A_44 = arith.constant 0 : i32
    %dma_start3A_45 = arith.constant 0 : i32
    %dma_start3A_46 = tpu.memref_slice %arg5[%dma_start3A_44, %dma_start3A_45] : memref<100000x64xf32, #tpu.memory_space<hbm>> -> memref<100000x64xf32, #tpu.memory_space<hbm>>
    tpu.enqueue_indirect_dma source(%dma_start3A_46 : memref<100000x64xf32, #tpu.memory_space<hbm>>) target(%dma_start3A_40 : memref<128x64xf32, #tpu.memory_space<vmem>>) offsets(%dma_start3A_43 : memref<128xi32, #tpu.memory_space<vmem>>) semaphore(%arg19 : memref<!tpu.dma_semaphore, #tpu.memory_space<semaphore_mem>>)
    %dma_start3A_47 = arith.constant 0 : i32
    %dma_start3A_48 = arith.constant 0 : i32
    %dma_start3A_49 = tpu.memref_slice %arg14[%dma_start3A_48] : memref<512xf32, #tpu.memory_space<vmem>> -> memref<128xf32, #tpu.memory_space<vmem>>
    %dma_start3A_50 = arith.constant 0 : i32
    %dma_start3A_51 = tpu.memref_slice %arg10[%dma_start3A_47, %dma_start3A_50] : memref<4x128xi32, #tpu.memory_space<vmem>> -> memref<1x128xi32, #tpu.memory_space<vmem>>
    %dma_start3A_52 = tpu.memref_squeeze %dma_start3A_51 : memref<1x128xi32, #tpu.memory_space<vmem>> -> memref<128xi32, #tpu.memory_space<vmem>>
    %dma_start3A_53 = arith.constant 0 : i32
    %dma_start3A_54 = tpu.memref_slice %arg6[%dma_start3A_53] : memref<1000000xf32, #tpu.memory_space<hbm>> -> memref<1000000xf32, #tpu.memory_space<hbm>>
    tpu.enqueue_indirect_dma source(%dma_start3A_54 : memref<1000000xf32, #tpu.memory_space<hbm>>) target(%dma_start3A_49 : memref<128xf32, #tpu.memory_space<vmem>>) offsets(%dma_start3A_52 : memref<128xi32, #tpu.memory_space<vmem>>) semaphore(%arg19 : memref<!tpu.dma_semaphore, #tpu.memory_space<semaphore_mem>>)
    %dma_start3A_55 = arith.constant 0 : i32
    %dma_start3A_56 = arith.constant 0 : i32
    %dma_start3A_57 = tpu.memref_slice %arg15[%dma_start3A_56] : memref<512xf32, #tpu.memory_space<vmem>> -> memref<128xf32, #tpu.memory_space<vmem>>
    %dma_start3A_58 = arith.constant 0 : i32
    %dma_start3A_59 = tpu.memref_slice %arg11[%dma_start3A_55, %dma_start3A_58] : memref<4x128xi32, #tpu.memory_space<vmem>> -> memref<1x128xi32, #tpu.memory_space<vmem>>
    %dma_start3A_60 = tpu.memref_squeeze %dma_start3A_59 : memref<1x128xi32, #tpu.memory_space<vmem>> -> memref<128xi32, #tpu.memory_space<vmem>>
    %dma_start3A_61 = arith.constant 0 : i32
    %dma_start3A_62 = tpu.memref_slice %arg7[%dma_start3A_61] : memref<100000xf32, #tpu.memory_space<hbm>> -> memref<100000xf32, #tpu.memory_space<hbm>>
    tpu.enqueue_indirect_dma source(%dma_start3A_62 : memref<100000xf32, #tpu.memory_space<hbm>>) target(%dma_start3A_57 : memref<128xf32, #tpu.memory_space<vmem>>) offsets(%dma_start3A_60 : memref<128xi32, #tpu.memory_space<vmem>>) semaphore(%arg19 : memref<!tpu.dma_semaphore, #tpu.memory_space<semaphore_mem>>)
    %dma_start3A_63 = arith.constant 1 : i32
    %dma_start3A_64 = arith.constant 128 : i32
    %dma_start3A_65 = arith.constant 0 : i32
    %dma_start3A_66 = tpu.memref_slice %arg12[%dma_start3A_64, %dma_start3A_65] : memref<512x64xf32, #tpu.memory_space<vmem>> -> memref<128x64xf32, #tpu.memory_space<vmem>>
    %dma_start3A_67 = arith.constant 0 : i32
    %dma_start3A_68 = tpu.memref_slice %arg10[%dma_start3A_63, %dma_start3A_67] : memref<4x128xi32, #tpu.memory_space<vmem>> -> memref<1x128xi32, #tpu.memory_space<vmem>>
    %dma_start3A_69 = tpu.memref_squeeze %dma_start3A_68 : memref<1x128xi32, #tpu.memory_space<vmem>> -> memref<128xi32, #tpu.memory_space<vmem>>
    %dma_start3A_70 = arith.constant 0 : i32
    %dma_start3A_71 = arith.constant 0 : i32
    %dma_start3A_72 = tpu.memref_slice %arg4[%dma_start3A_70, %dma_start3A_71] : memref<1000000x64xf32, #tpu.memory_space<hbm>> -> memref<1000000x64xf32, #tpu.memory_space<hbm>>
    tpu.enqueue_indirect_dma source(%dma_start3A_72 : memref<1000000x64xf32, #tpu.memory_space<hbm>>) target(%dma_start3A_66 : memref<128x64xf32, #tpu.memory_space<vmem>>) offsets(%dma_start3A_69 : memref<128xi32, #tpu.memory_space<vmem>>) semaphore(%arg19 : memref<!tpu.dma_semaphore, #tpu.memory_space<semaphore_mem>>)
    %dma_start3A_73 = arith.constant 1 : i32
    %dma_start3A_74 = arith.constant 128 : i32
    %dma_start3A_75 = arith.constant 0 : i32
    %dma_start3A_76 = tpu.memref_slice %arg13[%dma_start3A_74, %dma_start3A_75] : memref<512x64xf32, #tpu.memory_space<vmem>> -> memref<128x64xf32, #tpu.memory_space<vmem>>
    %dma_start3A_77 = arith.constant 0 : i32
    %dma_start3A_78 = tpu.memref_slice %arg11[%dma_start3A_73, %dma_start3A_77] : memref<4x128xi32, #tpu.memory_space<vmem>> -> memref<1x128xi32, #tpu.memory_space<vmem>>
    %dma_start3A_79 = tpu.memref_squeeze %dma_start3A_78 : memref<1x128xi32, #tpu.memory_space<vmem>> -> memref<128xi32, #tpu.memory_space<vmem>>
    %dma_start3A_80 = arith.constant 0 : i32
    %dma_start3A_81 = arith.constant 0 : i32
    %dma_start3A_82 = tpu.memref_slice %arg5[%dma_start3A_80, %dma_start3A_81] : memref<100000x64xf32, #tpu.memory_space<hbm>> -> memref<100000x64xf32, #tpu.memory_space<hbm>>
    tpu.enqueue_indirect_dma source(%dma_start3A_82 : memref<100000x64xf32, #tpu.memory_space<hbm>>) target(%dma_start3A_76 : memref<128x64xf32, #tpu.memory_space<vmem>>) offsets(%dma_start3A_79 : memref<128xi32, #tpu.memory_space<vmem>>) semaphore(%arg19 : memref<!tpu.dma_semaphore, #tpu.memory_space<semaphore_mem>>)
    %dma_start3A_83 = arith.constant 1 : i32
    %dma_start3A_84 = arith.constant 128 : i32
    %dma_start3A_85 = tpu.memref_slice %arg14[%dma_start3A_84] : memref<512xf32, #tpu.memory_space<vmem>> -> memref<128xf32, #tpu.memory_space<vmem>>
    %dma_start3A_86 = arith.constant 0 : i32
    %dma_start3A_87 = tpu.memref_slice %arg10[%dma_start3A_83, %dma_start3A_86] : memref<4x128xi32, #tpu.memory_space<vmem>> -> memref<1x128xi32, #tpu.memory_space<vmem>>
    %dma_start3A_88 = tpu.memref_squeeze %dma_start3A_87 : memref<1x128xi32, #tpu.memory_space<vmem>> -> memref<128xi32, #tpu.memory_space<vmem>>
    %dma_start3A_89 = arith.constant 0 : i32
    %dma_start3A_90 = tpu.memref_slice %arg6[%dma_start3A_89] : memref<1000000xf32, #tpu.memory_space<hbm>> -> memref<1000000xf32, #tpu.memory_space<hbm>>
    tpu.enqueue_indirect_dma source(%dma_start3A_90 : memref<1000000xf32, #tpu.memory_space<hbm>>) target(%dma_start3A_85 : memref<128xf32, #tpu.memory_space<vmem>>) offsets(%dma_start3A_88 : memref<128xi32, #tpu.memory_space<vmem>>) semaphore(%arg19 : memref<!tpu.dma_semaphore, #tpu.memory_space<semaphore_mem>>)
    %dma_start3A_91 = arith.constant 1 : i32
    %dma_start3A_92 = arith.constant 128 : i32
    %dma_start3A_93 = tpu.memref_slice %arg15[%dma_start3A_92] : memref<512xf32, #tpu.memory_space<vmem>> -> memref<128xf32, #tpu.memory_space<vmem>>
    %dma_start3A_94 = arith.constant 0 : i32
    %dma_start3A_95 = tpu.memref_slice %arg11[%dma_start3A_91, %dma_start3A_94] : memref<4x128xi32, #tpu.memory_space<vmem>> -> memref<1x128xi32, #tpu.memory_space<vmem>>
    %dma_start3A_96 = tpu.memref_squeeze %dma_start3A_95 : memref<1x128xi32, #tpu.memory_space<vmem>> -> memref<128xi32, #tpu.memory_space<vmem>>
    %dma_start3A_97 = arith.constant 0 : i32
    %dma_start3A_98 = tpu.memref_slice %arg7[%dma_start3A_97] : memref<100000xf32, #tpu.memory_space<hbm>> -> memref<100000xf32, #tpu.memory_space<hbm>>
    tpu.enqueue_indirect_dma source(%dma_start3A_98 : memref<100000xf32, #tpu.memory_space<hbm>>) target(%dma_start3A_93 : memref<128xf32, #tpu.memory_space<vmem>>) offsets(%dma_start3A_96 : memref<128xi32, #tpu.memory_space<vmem>>) semaphore(%arg19 : memref<!tpu.dma_semaphore, #tpu.memory_space<semaphore_mem>>)
    %dma_start3A_99 = arith.constant 2 : i32
    %dma_start3A_100 = arith.constant 256 : i32
    %dma_start3A_101 = arith.constant 0 : i32
    %dma_start3A_102 = tpu.memref_slice %arg12[%dma_start3A_100, %dma_start3A_101] : memref<512x64xf32, #tpu.memory_space<vmem>> -> memref<128x64xf32, #tpu.memory_space<vmem>>
    %dma_start3A_103 = arith.constant 0 : i32
    %dma_start3A_104 = tpu.memref_slice %arg10[%dma_start3A_99, %dma_start3A_103] : memref<4x128xi32, #tpu.memory_space<vmem>> -> memref<1x128xi32, #tpu.memory_space<vmem>>
    %dma_start3A_105 = tpu.memref_squeeze %dma_start3A_104 : memref<1x128xi32, #tpu.memory_space<vmem>> -> memref<128xi32, #tpu.memory_space<vmem>>
    %dma_start3A_106 = arith.constant 0 : i32
    %dma_start3A_107 = arith.constant 0 : i32
    %dma_start3A_108 = tpu.memref_slice %arg4[%dma_start3A_106, %dma_start3A_107] : memref<1000000x64xf32, #tpu.memory_space<hbm>> -> memref<1000000x64xf32, #tpu.memory_space<hbm>>
    tpu.enqueue_indirect_dma source(%dma_start3A_108 : memref<1000000x64xf32, #tpu.memory_space<hbm>>) target(%dma_start3A_102 : memref<128x64xf32, #tpu.memory_space<vmem>>) offsets(%dma_start3A_105 : memref<128xi32, #tpu.memory_space<vmem>>) semaphore(%arg19 : memref<!tpu.dma_semaphore, #tpu.memory_space<semaphore_mem>>)
    %dma_start3A_109 = arith.constant 2 : i32
    %dma_start3A_110 = arith.constant 256 : i32
    %dma_start3A_111 = arith.constant 0 : i32
    %dma_start3A_112 = tpu.memref_slice %arg13[%dma_start3A_110, %dma_start3A_111] : memref<512x64xf32, #tpu.memory_space<vmem>> -> memref<128x64xf32, #tpu.memory_space<vmem>>
    %dma_start3A_113 = arith.constant 0 : i32
    %dma_start3A_114 = tpu.memref_slice %arg11[%dma_start3A_109, %dma_start3A_113] : memref<4x128xi32, #tpu.memory_space<vmem>> -> memref<1x128xi32, #tpu.memory_space<vmem>>
    %dma_start3A_115 = tpu.memref_squeeze %dma_start3A_114 : memref<1x128xi32, #tpu.memory_space<vmem>> -> memref<128xi32, #tpu.memory_space<vmem>>
    %dma_start3A_116 = arith.constant 0 : i32
    %dma_start3A_117 = arith.constant 0 : i32
    %dma_start3A_118 = tpu.memref_slice %arg5[%dma_start3A_116, %dma_start3A_117] : memref<100000x64xf32, #tpu.memory_space<hbm>> -> memref<100000x64xf32, #tpu.memory_space<hbm>>
    tpu.enqueue_indirect_dma source(%dma_start3A_118 : memref<100000x64xf32, #tpu.memory_space<hbm>>) target(%dma_start3A_112 : memref<128x64xf32, #tpu.memory_space<vmem>>) offsets(%dma_start3A_115 : memref<128xi32, #tpu.memory_space<vmem>>) semaphore(%arg19 : memref<!tpu.dma_semaphore, #tpu.memory_space<semaphore_mem>>)
    %dma_start3A_119 = arith.constant 2 : i32
    %dma_start3A_120 = arith.constant 256 : i32
    %dma_start3A_121 = tpu.memref_slice %arg14[%dma_start3A_120] : memref<512xf32, #tpu.memory_space<vmem>> -> memref<128xf32, #tpu.memory_space<vmem>>
    %dma_start3A_122 = arith.constant 0 : i32
    %dma_start3A_123 = tpu.memref_slice %arg10[%dma_start3A_119, %dma_start3A_122] : memref<4x128xi32, #tpu.memory_space<vmem>> -> memref<1x128xi32, #tpu.memory_space<vmem>>
    %dma_start3A_124 = tpu.memref_squeeze %dma_start3A_123 : memref<1x128xi32, #tpu.memory_space<vmem>> -> memref<128xi32, #tpu.memory_space<vmem>>
    %dma_start3A_125 = arith.constant 0 : i32
    %dma_start3A_126 = tpu.memref_slice %arg6[%dma_start3A_125] : memref<1000000xf32, #tpu.memory_space<hbm>> -> memref<1000000xf32, #tpu.memory_space<hbm>>
    tpu.enqueue_indirect_dma source(%dma_start3A_126 : memref<1000000xf32, #tpu.memory_space<hbm>>) target(%dma_start3A_121 : memref<128xf32, #tpu.memory_space<vmem>>) offsets(%dma_start3A_124 : memref<128xi32, #tpu.memory_space<vmem>>) semaphore(%arg19 : memref<!tpu.dma_semaphore, #tpu.memory_space<semaphore_mem>>)
    %dma_start3A_127 = arith.constant 2 : i32
    %dma_start3A_128 = arith.constant 256 : i32
    %dma_start3A_129 = tpu.memref_slice %arg15[%dma_start3A_128] : memref<512xf32, #tpu.memory_space<vmem>> -> memref<128xf32, #tpu.memory_space<vmem>>
    %dma_start3A_130 = arith.constant 0 : i32
    %dma_start3A_131 = tpu.memref_slice %arg11[%dma_start3A_127, %dma_start3A_130] : memref<4x128xi32, #tpu.memory_space<vmem>> -> memref<1x128xi32, #tpu.memory_space<vmem>>
    %dma_start3A_132 = tpu.memref_squeeze %dma_start3A_131 : memref<1x128xi32, #tpu.memory_space<vmem>> -> memref<128xi32, #tpu.memory_space<vmem>>
    %dma_start3A_133 = arith.constant 0 : i32
    %dma_start3A_134 = tpu.memref_slice %arg7[%dma_start3A_133] : memref<100000xf32, #tpu.memory_space<hbm>> -> memref<100000xf32, #tpu.memory_space<hbm>>
    tpu.enqueue_indirect_dma source(%dma_start3A_134 : memref<100000xf32, #tpu.memory_space<hbm>>) target(%dma_start3A_129 : memref<128xf32, #tpu.memory_space<vmem>>) offsets(%dma_start3A_132 : memref<128xi32, #tpu.memory_space<vmem>>) semaphore(%arg19 : memref<!tpu.dma_semaphore, #tpu.memory_space<semaphore_mem>>)
    %dma_start3A_135 = arith.constant 3 : i32
    %dma_start3A_136 = arith.constant 384 : i32
    %dma_start3A_137 = arith.constant 0 : i32
    %dma_start3A_138 = tpu.memref_slice %arg12[%dma_start3A_136, %dma_start3A_137] : memref<512x64xf32, #tpu.memory_space<vmem>> -> memref<128x64xf32, #tpu.memory_space<vmem>>
    %dma_start3A_139 = arith.constant 0 : i32
    %dma_start3A_140 = tpu.memref_slice %arg10[%dma_start3A_135, %dma_start3A_139] : memref<4x128xi32, #tpu.memory_space<vmem>> -> memref<1x128xi32, #tpu.memory_space<vmem>>
    %dma_start3A_141 = tpu.memref_squeeze %dma_start3A_140 : memref<1x128xi32, #tpu.memory_space<vmem>> -> memref<128xi32, #tpu.memory_space<vmem>>
    %dma_start3A_142 = arith.constant 0 : i32
    %dma_start3A_143 = arith.constant 0 : i32
    %dma_start3A_144 = tpu.memref_slice %arg4[%dma_start3A_142, %dma_start3A_143] : memref<1000000x64xf32, #tpu.memory_space<hbm>> -> memref<1000000x64xf32, #tpu.memory_space<hbm>>
    tpu.enqueue_indirect_dma source(%dma_start3A_144 : memref<1000000x64xf32, #tpu.memory_space<hbm>>) target(%dma_start3A_138 : memref<128x64xf32, #tpu.memory_space<vmem>>) offsets(%dma_start3A_141 : memref<128xi32, #tpu.memory_space<vmem>>) semaphore(%arg19 : memref<!tpu.dma_semaphore, #tpu.memory_space<semaphore_mem>>)
    %dma_start3A_145 = arith.constant 3 : i32
    %dma_start3A_146 = arith.constant 384 : i32
    %dma_start3A_147 = arith.constant 0 : i32
    %dma_start3A_148 = tpu.memref_slice %arg13[%dma_start3A_146, %dma_start3A_147] : memref<512x64xf32, #tpu.memory_space<vmem>> -> memref<128x64xf32, #tpu.memory_space<vmem>>
    %dma_start3A_149 = arith.constant 0 : i32
    %dma_start3A_150 = tpu.memref_slice %arg11[%dma_start3A_145, %dma_start3A_149] : memref<4x128xi32, #tpu.memory_space<vmem>> -> memref<1x128xi32, #tpu.memory_space<vmem>>
    %dma_start3A_151 = tpu.memref_squeeze %dma_start3A_150 : memref<1x128xi32, #tpu.memory_space<vmem>> -> memref<128xi32, #tpu.memory_space<vmem>>
    %dma_start3A_152 = arith.constant 0 : i32
    %dma_start3A_153 = arith.constant 0 : i32
    %dma_start3A_154 = tpu.memref_slice %arg5[%dma_start3A_152, %dma_start3A_153] : memref<100000x64xf32, #tpu.memory_space<hbm>> -> memref<100000x64xf32, #tpu.memory_space<hbm>>
    tpu.enqueue_indirect_dma source(%dma_start3A_154 : memref<100000x64xf32, #tpu.memory_space<hbm>>) target(%dma_start3A_148 : memref<128x64xf32, #tpu.memory_space<vmem>>) offsets(%dma_start3A_151 : memref<128xi32, #tpu.memory_space<vmem>>) semaphore(%arg19 : memref<!tpu.dma_semaphore, #tpu.memory_space<semaphore_mem>>)
    %dma_start3A_155 = arith.constant 3 : i32
    %dma_start3A_156 = arith.constant 384 : i32
    %dma_start3A_157 = tpu.memref_slice %arg14[%dma_start3A_156] : memref<512xf32, #tpu.memory_space<vmem>> -> memref<128xf32, #tpu.memory_space<vmem>>
    %dma_start3A_158 = arith.constant 0 : i32
    %dma_start3A_159 = tpu.memref_slice %arg10[%dma_start3A_155, %dma_start3A_158] : memref<4x128xi32, #tpu.memory_space<vmem>> -> memref<1x128xi32, #tpu.memory_space<vmem>>
    %dma_start3A_160 = tpu.memref_squeeze %dma_start3A_159 : memref<1x128xi32, #tpu.memory_space<vmem>> -> memref<128xi32, #tpu.memory_space<vmem>>
    %dma_start3A_161 = arith.constant 0 : i32
    %dma_start3A_162 = tpu.memref_slice %arg6[%dma_start3A_161] : memref<1000000xf32, #tpu.memory_space<hbm>> -> memref<1000000xf32, #tpu.memory_space<hbm>>
    tpu.enqueue_indirect_dma source(%dma_start3A_162 : memref<1000000xf32, #tpu.memory_space<hbm>>) target(%dma_start3A_157 : memref<128xf32, #tpu.memory_space<vmem>>) offsets(%dma_start3A_160 : memref<128xi32, #tpu.memory_space<vmem>>) semaphore(%arg19 : memref<!tpu.dma_semaphore, #tpu.memory_space<semaphore_mem>>)
    %dma_start3A_163 = arith.constant 3 : i32
    %dma_start3A_164 = arith.constant 384 : i32
    %dma_start3A_165 = tpu.memref_slice %arg15[%dma_start3A_164] : memref<512xf32, #tpu.memory_space<vmem>> -> memref<128xf32, #tpu.memory_space<vmem>>
    %dma_start3A_166 = arith.constant 0 : i32
    %dma_start3A_167 = tpu.memref_slice %arg11[%dma_start3A_163, %dma_start3A_166] : memref<4x128xi32, #tpu.memory_space<vmem>> -> memref<1x128xi32, #tpu.memory_space<vmem>>
    %dma_start3A_168 = tpu.memref_squeeze %dma_start3A_167 : memref<1x128xi32, #tpu.memory_space<vmem>> -> memref<128xi32, #tpu.memory_space<vmem>>
    %dma_start3A_169 = arith.constant 0 : i32
    %dma_start3A_170 = tpu.memref_slice %arg7[%dma_start3A_169] : memref<100000xf32, #tpu.memory_space<hbm>> -> memref<100000xf32, #tpu.memory_space<hbm>>
    tpu.enqueue_indirect_dma source(%dma_start3A_170 : memref<100000xf32, #tpu.memory_space<hbm>>) target(%dma_start3A_165 : memref<128xf32, #tpu.memory_space<vmem>>) offsets(%dma_start3A_168 : memref<128xi32, #tpu.memory_space<vmem>>) semaphore(%arg19 : memref<!tpu.dma_semaphore, #tpu.memory_space<semaphore_mem>>)
    %dma_wait3A = arith.constant 0 : i32
    %dma_wait3A_171 = arith.constant 0 : i32
    %dma_wait3A_172 = arith.constant 0 : i32
    %dma_wait3A_173 = tpu.memref_slice %arg12[%dma_wait3A_171, %dma_wait3A_172] : memref<512x64xf32, #tpu.memory_space<vmem>> -> memref<128x64xf32, #tpu.memory_space<vmem>>
    %dma_wait3A_174 = arith.constant 0 : i32
    %dma_wait3A_175 = tpu.memref_slice %arg10[%dma_wait3A, %dma_wait3A_174] : memref<4x128xi32, #tpu.memory_space<vmem>> -> memref<1x128xi32, #tpu.memory_space<vmem>>
    %dma_wait3A_176 = tpu.memref_squeeze %dma_wait3A_175 : memref<1x128xi32, #tpu.memory_space<vmem>> -> memref<128xi32, #tpu.memory_space<vmem>>
    %dma_wait3A_177 = arith.constant 0 : i32
    %dma_wait3A_178 = arith.constant 0 : i32
    %dma_wait3A_179 = tpu.memref_slice %arg4[%dma_wait3A_177, %dma_wait3A_178] : memref<1000000x64xf32, #tpu.memory_space<hbm>> -> memref<1000000x64xf32, #tpu.memory_space<hbm>>
    tpu.wait_indirect_dma semaphore(%arg19 : memref<!tpu.dma_semaphore, #tpu.memory_space<semaphore_mem>>) src(%dma_wait3A_179 : memref<1000000x64xf32, #tpu.memory_space<hbm>>) dst(%dma_wait3A_173 : memref<128x64xf32, #tpu.memory_space<vmem>>)
    %dma_wait3A_180 = arith.constant 0 : i32
    %dma_wait3A_181 = arith.constant 0 : i32
    %dma_wait3A_182 = arith.constant 0 : i32
    %dma_wait3A_183 = tpu.memref_slice %arg13[%dma_wait3A_181, %dma_wait3A_182] : memref<512x64xf32, #tpu.memory_space<vmem>> -> memref<128x64xf32, #tpu.memory_space<vmem>>
    %dma_wait3A_184 = arith.constant 0 : i32
    %dma_wait3A_185 = tpu.memref_slice %arg11[%dma_wait3A_180, %dma_wait3A_184] : memref<4x128xi32, #tpu.memory_space<vmem>> -> memref<1x128xi32, #tpu.memory_space<vmem>>
    %dma_wait3A_186 = tpu.memref_squeeze %dma_wait3A_185 : memref<1x128xi32, #tpu.memory_space<vmem>> -> memref<128xi32, #tpu.memory_space<vmem>>
    %dma_wait3A_187 = arith.constant 0 : i32
    %dma_wait3A_188 = arith.constant 0 : i32
    %dma_wait3A_189 = tpu.memref_slice %arg5[%dma_wait3A_187, %dma_wait3A_188] : memref<100000x64xf32, #tpu.memory_space<hbm>> -> memref<100000x64xf32, #tpu.memory_space<hbm>>
    tpu.wait_indirect_dma semaphore(%arg19 : memref<!tpu.dma_semaphore, #tpu.memory_space<semaphore_mem>>) src(%dma_wait3A_189 : memref<100000x64xf32, #tpu.memory_space<hbm>>) dst(%dma_wait3A_183 : memref<128x64xf32, #tpu.memory_space<vmem>>)
    %dma_wait3A_190 = arith.constant 0 : i32
    %dma_wait3A_191 = arith.constant 0 : i32
    %dma_wait3A_192 = tpu.memref_slice %arg14[%dma_wait3A_191] : memref<512xf32, #tpu.memory_space<vmem>> -> memref<128xf32, #tpu.memory_space<vmem>>
    %dma_wait3A_193 = arith.constant 0 : i32
    %dma_wait3A_194 = tpu.memref_slice %arg10[%dma_wait3A_190, %dma_wait3A_193] : memref<4x128xi32, #tpu.memory_space<vmem>> -> memref<1x128xi32, #tpu.memory_space<vmem>>
    %dma_wait3A_195 = tpu.memref_squeeze %dma_wait3A_194 : memref<1x128xi32, #tpu.memory_space<vmem>> -> memref<128xi32, #tpu.memory_space<vmem>>
    %dma_wait3A_196 = arith.constant 0 : i32
    %dma_wait3A_197 = tpu.memref_slice %arg6[%dma_wait3A_196] : memref<1000000xf32, #tpu.memory_space<hbm>> -> memref<1000000xf32, #tpu.memory_space<hbm>>
    tpu.wait_indirect_dma semaphore(%arg19 : memref<!tpu.dma_semaphore, #tpu.memory_space<semaphore_mem>>) src(%dma_wait3A_197 : memref<1000000xf32, #tpu.memory_space<hbm>>) dst(%dma_wait3A_192 : memref<128xf32, #tpu.memory_space<vmem>>)
    %dma_wait3A_198 = arith.constant 0 : i32
    %dma_wait3A_199 = arith.constant 0 : i32
    %dma_wait3A_200 = tpu.memref_slice %arg15[%dma_wait3A_199] : memref<512xf32, #tpu.memory_space<vmem>> -> memref<128xf32, #tpu.memory_space<vmem>>
    %dma_wait3A_201 = arith.constant 0 : i32
    %dma_wait3A_202 = tpu.memref_slice %arg11[%dma_wait3A_198, %dma_wait3A_201] : memref<4x128xi32, #tpu.memory_space<vmem>> -> memref<1x128xi32, #tpu.memory_space<vmem>>
    %dma_wait3A_203 = tpu.memref_squeeze %dma_wait3A_202 : memref<1x128xi32, #tpu.memory_space<vmem>> -> memref<128xi32, #tpu.memory_space<vmem>>
    %dma_wait3A_204 = arith.constant 0 : i32
    %dma_wait3A_205 = tpu.memref_slice %arg7[%dma_wait3A_204] : memref<100000xf32, #tpu.memory_space<hbm>> -> memref<100000xf32, #tpu.memory_space<hbm>>
    tpu.wait_indirect_dma semaphore(%arg19 : memref<!tpu.dma_semaphore, #tpu.memory_space<semaphore_mem>>) src(%dma_wait3A_205 : memref<100000xf32, #tpu.memory_space<hbm>>) dst(%dma_wait3A_200 : memref<128xf32, #tpu.memory_space<vmem>>)
    %dma_wait3A_206 = arith.constant 1 : i32
    %dma_wait3A_207 = arith.constant 128 : i32
    %dma_wait3A_208 = arith.constant 0 : i32
    %dma_wait3A_209 = tpu.memref_slice %arg12[%dma_wait3A_207, %dma_wait3A_208] : memref<512x64xf32, #tpu.memory_space<vmem>> -> memref<128x64xf32, #tpu.memory_space<vmem>>
    %dma_wait3A_210 = arith.constant 0 : i32
    %dma_wait3A_211 = tpu.memref_slice %arg10[%dma_wait3A_206, %dma_wait3A_210] : memref<4x128xi32, #tpu.memory_space<vmem>> -> memref<1x128xi32, #tpu.memory_space<vmem>>
    %dma_wait3A_212 = tpu.memref_squeeze %dma_wait3A_211 : memref<1x128xi32, #tpu.memory_space<vmem>> -> memref<128xi32, #tpu.memory_space<vmem>>
    %dma_wait3A_213 = arith.constant 0 : i32
    %dma_wait3A_214 = arith.constant 0 : i32
    %dma_wait3A_215 = tpu.memref_slice %arg4[%dma_wait3A_213, %dma_wait3A_214] : memref<1000000x64xf32, #tpu.memory_space<hbm>> -> memref<1000000x64xf32, #tpu.memory_space<hbm>>
    tpu.wait_indirect_dma semaphore(%arg19 : memref<!tpu.dma_semaphore, #tpu.memory_space<semaphore_mem>>) src(%dma_wait3A_215 : memref<1000000x64xf32, #tpu.memory_space<hbm>>) dst(%dma_wait3A_209 : memref<128x64xf32, #tpu.memory_space<vmem>>)
    %dma_wait3A_216 = arith.constant 1 : i32
    %dma_wait3A_217 = arith.constant 128 : i32
    %dma_wait3A_218 = arith.constant 0 : i32
    %dma_wait3A_219 = tpu.memref_slice %arg13[%dma_wait3A_217, %dma_wait3A_218] : memref<512x64xf32, #tpu.memory_space<vmem>> -> memref<128x64xf32, #tpu.memory_space<vmem>>
    %dma_wait3A_220 = arith.constant 0 : i32
    %dma_wait3A_221 = tpu.memref_slice %arg11[%dma_wait3A_216, %dma_wait3A_220] : memref<4x128xi32, #tpu.memory_space<vmem>> -> memref<1x128xi32, #tpu.memory_space<vmem>>
    %dma_wait3A_222 = tpu.memref_squeeze %dma_wait3A_221 : memref<1x128xi32, #tpu.memory_space<vmem>> -> memref<128xi32, #tpu.memory_space<vmem>>
    %dma_wait3A_223 = arith.constant 0 : i32
    %dma_wait3A_224 = arith.constant 0 : i32
    %dma_wait3A_225 = tpu.memref_slice %arg5[%dma_wait3A_223, %dma_wait3A_224] : memref<100000x64xf32, #tpu.memory_space<hbm>> -> memref<100000x64xf32, #tpu.memory_space<hbm>>
    tpu.wait_indirect_dma semaphore(%arg19 : memref<!tpu.dma_semaphore, #tpu.memory_space<semaphore_mem>>) src(%dma_wait3A_225 : memref<100000x64xf32, #tpu.memory_space<hbm>>) dst(%dma_wait3A_219 : memref<128x64xf32, #tpu.memory_space<vmem>>)
    %dma_wait3A_226 = arith.constant 1 : i32
    %dma_wait3A_227 = arith.constant 128 : i32
    %dma_wait3A_228 = tpu.memref_slice %arg14[%dma_wait3A_227] : memref<512xf32, #tpu.memory_space<vmem>> -> memref<128xf32, #tpu.memory_space<vmem>>
    %dma_wait3A_229 = arith.constant 0 : i32
    %dma_wait3A_230 = tpu.memref_slice %arg10[%dma_wait3A_226, %dma_wait3A_229] : memref<4x128xi32, #tpu.memory_space<vmem>> -> memref<1x128xi32, #tpu.memory_space<vmem>>
    %dma_wait3A_231 = tpu.memref_squeeze %dma_wait3A_230 : memref<1x128xi32, #tpu.memory_space<vmem>> -> memref<128xi32, #tpu.memory_space<vmem>>
    %dma_wait3A_232 = arith.constant 0 : i32
    %dma_wait3A_233 = tpu.memref_slice %arg6[%dma_wait3A_232] : memref<1000000xf32, #tpu.memory_space<hbm>> -> memref<1000000xf32, #tpu.memory_space<hbm>>
    tpu.wait_indirect_dma semaphore(%arg19 : memref<!tpu.dma_semaphore, #tpu.memory_space<semaphore_mem>>) src(%dma_wait3A_233 : memref<1000000xf32, #tpu.memory_space<hbm>>) dst(%dma_wait3A_228 : memref<128xf32, #tpu.memory_space<vmem>>)
    %dma_wait3A_234 = arith.constant 1 : i32
    %dma_wait3A_235 = arith.constant 128 : i32
    %dma_wait3A_236 = tpu.memref_slice %arg15[%dma_wait3A_235] : memref<512xf32, #tpu.memory_space<vmem>> -> memref<128xf32, #tpu.memory_space<vmem>>
    %dma_wait3A_237 = arith.constant 0 : i32
    %dma_wait3A_238 = tpu.memref_slice %arg11[%dma_wait3A_234, %dma_wait3A_237] : memref<4x128xi32, #tpu.memory_space<vmem>> -> memref<1x128xi32, #tpu.memory_space<vmem>>
    %dma_wait3A_239 = tpu.memref_squeeze %dma_wait3A_238 : memref<1x128xi32, #tpu.memory_space<vmem>> -> memref<128xi32, #tpu.memory_space<vmem>>
    %dma_wait3A_240 = arith.constant 0 : i32
    %dma_wait3A_241 = tpu.memref_slice %arg7[%dma_wait3A_240] : memref<100000xf32, #tpu.memory_space<hbm>> -> memref<100000xf32, #tpu.memory_space<hbm>>
    tpu.wait_indirect_dma semaphore(%arg19 : memref<!tpu.dma_semaphore, #tpu.memory_space<semaphore_mem>>) src(%dma_wait3A_241 : memref<100000xf32, #tpu.memory_space<hbm>>) dst(%dma_wait3A_236 : memref<128xf32, #tpu.memory_space<vmem>>)
    %dma_wait3A_242 = arith.constant 2 : i32
    %dma_wait3A_243 = arith.constant 256 : i32
    %dma_wait3A_244 = arith.constant 0 : i32
    %dma_wait3A_245 = tpu.memref_slice %arg12[%dma_wait3A_243, %dma_wait3A_244] : memref<512x64xf32, #tpu.memory_space<vmem>> -> memref<128x64xf32, #tpu.memory_space<vmem>>
    %dma_wait3A_246 = arith.constant 0 : i32
    %dma_wait3A_247 = tpu.memref_slice %arg10[%dma_wait3A_242, %dma_wait3A_246] : memref<4x128xi32, #tpu.memory_space<vmem>> -> memref<1x128xi32, #tpu.memory_space<vmem>>
    %dma_wait3A_248 = tpu.memref_squeeze %dma_wait3A_247 : memref<1x128xi32, #tpu.memory_space<vmem>> -> memref<128xi32, #tpu.memory_space<vmem>>
    %dma_wait3A_249 = arith.constant 0 : i32
    %dma_wait3A_250 = arith.constant 0 : i32
    %dma_wait3A_251 = tpu.memref_slice %arg4[%dma_wait3A_249, %dma_wait3A_250] : memref<1000000x64xf32, #tpu.memory_space<hbm>> -> memref<1000000x64xf32, #tpu.memory_space<hbm>>
    tpu.wait_indirect_dma semaphore(%arg19 : memref<!tpu.dma_semaphore, #tpu.memory_space<semaphore_mem>>) src(%dma_wait3A_251 : memref<1000000x64xf32, #tpu.memory_space<hbm>>) dst(%dma_wait3A_245 : memref<128x64xf32, #tpu.memory_space<vmem>>)
    %dma_wait3A_252 = arith.constant 2 : i32
    %dma_wait3A_253 = arith.constant 256 : i32
    %dma_wait3A_254 = arith.constant 0 : i32
    %dma_wait3A_255 = tpu.memref_slice %arg13[%dma_wait3A_253, %dma_wait3A_254] : memref<512x64xf32, #tpu.memory_space<vmem>> -> memref<128x64xf32, #tpu.memory_space<vmem>>
    %dma_wait3A_256 = arith.constant 0 : i32
    %dma_wait3A_257 = tpu.memref_slice %arg11[%dma_wait3A_252, %dma_wait3A_256] : memref<4x128xi32, #tpu.memory_space<vmem>> -> memref<1x128xi32, #tpu.memory_space<vmem>>
    %dma_wait3A_258 = tpu.memref_squeeze %dma_wait3A_257 : memref<1x128xi32, #tpu.memory_space<vmem>> -> memref<128xi32, #tpu.memory_space<vmem>>
    %dma_wait3A_259 = arith.constant 0 : i32
    %dma_wait3A_260 = arith.constant 0 : i32
    %dma_wait3A_261 = tpu.memref_slice %arg5[%dma_wait3A_259, %dma_wait3A_260] : memref<100000x64xf32, #tpu.memory_space<hbm>> -> memref<100000x64xf32, #tpu.memory_space<hbm>>
    tpu.wait_indirect_dma semaphore(%arg19 : memref<!tpu.dma_semaphore, #tpu.memory_space<semaphore_mem>>) src(%dma_wait3A_261 : memref<100000x64xf32, #tpu.memory_space<hbm>>) dst(%dma_wait3A_255 : memref<128x64xf32, #tpu.memory_space<vmem>>)
    %dma_wait3A_262 = arith.constant 2 : i32
    %dma_wait3A_263 = arith.constant 256 : i32
    %dma_wait3A_264 = tpu.memref_slice %arg14[%dma_wait3A_263] : memref<512xf32, #tpu.memory_space<vmem>> -> memref<128xf32, #tpu.memory_space<vmem>>
    %dma_wait3A_265 = arith.constant 0 : i32
    %dma_wait3A_266 = tpu.memref_slice %arg10[%dma_wait3A_262, %dma_wait3A_265] : memref<4x128xi32, #tpu.memory_space<vmem>> -> memref<1x128xi32, #tpu.memory_space<vmem>>
    %dma_wait3A_267 = tpu.memref_squeeze %dma_wait3A_266 : memref<1x128xi32, #tpu.memory_space<vmem>> -> memref<128xi32, #tpu.memory_space<vmem>>
    %dma_wait3A_268 = arith.constant 0 : i32
    %dma_wait3A_269 = tpu.memref_slice %arg6[%dma_wait3A_268] : memref<1000000xf32, #tpu.memory_space<hbm>> -> memref<1000000xf32, #tpu.memory_space<hbm>>
    tpu.wait_indirect_dma semaphore(%arg19 : memref<!tpu.dma_semaphore, #tpu.memory_space<semaphore_mem>>) src(%dma_wait3A_269 : memref<1000000xf32, #tpu.memory_space<hbm>>) dst(%dma_wait3A_264 : memref<128xf32, #tpu.memory_space<vmem>>)
    %dma_wait3A_270 = arith.constant 2 : i32
    %dma_wait3A_271 = arith.constant 256 : i32
    %dma_wait3A_272 = tpu.memref_slice %arg15[%dma_wait3A_271] : memref<512xf32, #tpu.memory_space<vmem>> -> memref<128xf32, #tpu.memory_space<vmem>>
    %dma_wait3A_273 = arith.constant 0 : i32
    %dma_wait3A_274 = tpu.memref_slice %arg11[%dma_wait3A_270, %dma_wait3A_273] : memref<4x128xi32, #tpu.memory_space<vmem>> -> memref<1x128xi32, #tpu.memory_space<vmem>>
    %dma_wait3A_275 = tpu.memref_squeeze %dma_wait3A_274 : memref<1x128xi32, #tpu.memory_space<vmem>> -> memref<128xi32, #tpu.memory_space<vmem>>
    %dma_wait3A_276 = arith.constant 0 : i32
    %dma_wait3A_277 = tpu.memref_slice %arg7[%dma_wait3A_276] : memref<100000xf32, #tpu.memory_space<hbm>> -> memref<100000xf32, #tpu.memory_space<hbm>>
    tpu.wait_indirect_dma semaphore(%arg19 : memref<!tpu.dma_semaphore, #tpu.memory_space<semaphore_mem>>) src(%dma_wait3A_277 : memref<100000xf32, #tpu.memory_space<hbm>>) dst(%dma_wait3A_272 : memref<128xf32, #tpu.memory_space<vmem>>)
    %dma_wait3A_278 = arith.constant 3 : i32
    %dma_wait3A_279 = arith.constant 384 : i32
    %dma_wait3A_280 = arith.constant 0 : i32
    %dma_wait3A_281 = tpu.memref_slice %arg12[%dma_wait3A_279, %dma_wait3A_280] : memref<512x64xf32, #tpu.memory_space<vmem>> -> memref<128x64xf32, #tpu.memory_space<vmem>>
    %dma_wait3A_282 = arith.constant 0 : i32
    %dma_wait3A_283 = tpu.memref_slice %arg10[%dma_wait3A_278, %dma_wait3A_282] : memref<4x128xi32, #tpu.memory_space<vmem>> -> memref<1x128xi32, #tpu.memory_space<vmem>>
    %dma_wait3A_284 = tpu.memref_squeeze %dma_wait3A_283 : memref<1x128xi32, #tpu.memory_space<vmem>> -> memref<128xi32, #tpu.memory_space<vmem>>
    %dma_wait3A_285 = arith.constant 0 : i32
    %dma_wait3A_286 = arith.constant 0 : i32
    %dma_wait3A_287 = tpu.memref_slice %arg4[%dma_wait3A_285, %dma_wait3A_286] : memref<1000000x64xf32, #tpu.memory_space<hbm>> -> memref<1000000x64xf32, #tpu.memory_space<hbm>>
    tpu.wait_indirect_dma semaphore(%arg19 : memref<!tpu.dma_semaphore, #tpu.memory_space<semaphore_mem>>) src(%dma_wait3A_287 : memref<1000000x64xf32, #tpu.memory_space<hbm>>) dst(%dma_wait3A_281 : memref<128x64xf32, #tpu.memory_space<vmem>>)
    %dma_wait3A_288 = arith.constant 3 : i32
    %dma_wait3A_289 = arith.constant 384 : i32
    %dma_wait3A_290 = arith.constant 0 : i32
    %dma_wait3A_291 = tpu.memref_slice %arg13[%dma_wait3A_289, %dma_wait3A_290] : memref<512x64xf32, #tpu.memory_space<vmem>> -> memref<128x64xf32, #tpu.memory_space<vmem>>
    %dma_wait3A_292 = arith.constant 0 : i32
    %dma_wait3A_293 = tpu.memref_slice %arg11[%dma_wait3A_288, %dma_wait3A_292] : memref<4x128xi32, #tpu.memory_space<vmem>> -> memref<1x128xi32, #tpu.memory_space<vmem>>
    %dma_wait3A_294 = tpu.memref_squeeze %dma_wait3A_293 : memref<1x128xi32, #tpu.memory_space<vmem>> -> memref<128xi32, #tpu.memory_space<vmem>>
    %dma_wait3A_295 = arith.constant 0 : i32
    %dma_wait3A_296 = arith.constant 0 : i32
    %dma_wait3A_297 = tpu.memref_slice %arg5[%dma_wait3A_295, %dma_wait3A_296] : memref<100000x64xf32, #tpu.memory_space<hbm>> -> memref<100000x64xf32, #tpu.memory_space<hbm>>
    tpu.wait_indirect_dma semaphore(%arg19 : memref<!tpu.dma_semaphore, #tpu.memory_space<semaphore_mem>>) src(%dma_wait3A_297 : memref<100000x64xf32, #tpu.memory_space<hbm>>) dst(%dma_wait3A_291 : memref<128x64xf32, #tpu.memory_space<vmem>>)
    %dma_wait3A_298 = arith.constant 3 : i32
    %dma_wait3A_299 = arith.constant 384 : i32
    %dma_wait3A_300 = tpu.memref_slice %arg14[%dma_wait3A_299] : memref<512xf32, #tpu.memory_space<vmem>> -> memref<128xf32, #tpu.memory_space<vmem>>
    %dma_wait3A_301 = arith.constant 0 : i32
    %dma_wait3A_302 = tpu.memref_slice %arg10[%dma_wait3A_298, %dma_wait3A_301] : memref<4x128xi32, #tpu.memory_space<vmem>> -> memref<1x128xi32, #tpu.memory_space<vmem>>
    %dma_wait3A_303 = tpu.memref_squeeze %dma_wait3A_302 : memref<1x128xi32, #tpu.memory_space<vmem>> -> memref<128xi32, #tpu.memory_space<vmem>>
    %dma_wait3A_304 = arith.constant 0 : i32
    %dma_wait3A_305 = tpu.memref_slice %arg6[%dma_wait3A_304] : memref<1000000xf32, #tpu.memory_space<hbm>> -> memref<1000000xf32, #tpu.memory_space<hbm>>
    tpu.wait_indirect_dma semaphore(%arg19 : memref<!tpu.dma_semaphore, #tpu.memory_space<semaphore_mem>>) src(%dma_wait3A_305 : memref<1000000xf32, #tpu.memory_space<hbm>>) dst(%dma_wait3A_300 : memref<128xf32, #tpu.memory_space<vmem>>)
    %dma_wait3A_306 = arith.constant 3 : i32
    %dma_wait3A_307 = arith.constant 384 : i32
    %dma_wait3A_308 = tpu.memref_slice %arg15[%dma_wait3A_307] : memref<512xf32, #tpu.memory_space<vmem>> -> memref<128xf32, #tpu.memory_space<vmem>>
    %dma_wait3A_309 = arith.constant 0 : i32
    %dma_wait3A_310 = tpu.memref_slice %arg11[%dma_wait3A_306, %dma_wait3A_309] : memref<4x128xi32, #tpu.memory_space<vmem>> -> memref<1x128xi32, #tpu.memory_space<vmem>>
    %dma_wait3A_311 = tpu.memref_squeeze %dma_wait3A_310 : memref<1x128xi32, #tpu.memory_space<vmem>> -> memref<128xi32, #tpu.memory_space<vmem>>
    %dma_wait3A_312 = arith.constant 0 : i32
    %dma_wait3A_313 = tpu.memref_slice %arg7[%dma_wait3A_312] : memref<100000xf32, #tpu.memory_space<hbm>> -> memref<100000xf32, #tpu.memory_space<hbm>>
    tpu.wait_indirect_dma semaphore(%arg19 : memref<!tpu.dma_semaphore, #tpu.memory_space<semaphore_mem>>) src(%dma_wait3A_313 : memref<100000xf32, #tpu.memory_space<hbm>>) dst(%dma_wait3A_308 : memref<128xf32, #tpu.memory_space<vmem>>)
    %iota3A = tpu.iota {dimensions = array<i32: 0>} : vector<16xi32>
    %mul3A_314 = arith.constant 16 : i32
    %mul3A_315 = vector.broadcast %mul3A_314 : i32 to vector<16xi32>
    %mul3A_316 = arith.muli %iota3A, %mul3A_315 : vector<16xi32>
    %get3A = arith.constant 0 : index
    %get3A_317 = tpu.vector_load %arg16[%get3A] {strides = array<i32>} : memref<16xf32, #tpu.memory_space<vmem>>, vector<16xf32>,
    %scan3A = arith.constant 0 : i32
    %scan3A_318 = arith.constant 32 : i32
    %scan3A_319 = arith.addi %scan3A, %scan3A_318 : i32
    %scan3A_320 = arith.constant 1 : i32
    scf.for %scan3A_649 = %scan3A to %scan3A_319 step %scan3A_320  : i32 {
      %mul3A_650 = arith.constant 16 : i32
      %mul3A_651 = arith.muli %scan3A_649, %mul3A_650 : i32
      %add3A_652 = arith.constant 0 : i32
      %add3A_653 = arith.addi %mul3A_651, %add3A_652 : i32
      %broadcast_in_dim3A = arith.constant 0.000000e+00 : f32
      %broadcast_in_dim3A_654 = vector.broadcast %broadcast_in_dim3A : f32 to vector<16xf32>
      %get3A_655 = arith.index_cast %add3A_653 : i32 to index
      %get3A_656 = arith.constant 0 : index
      %get3A_657 = tpu.vector_load %arg12[%get3A_655, %get3A_656] {strides = array<i32>} : memref<512x64xf32, #tpu.memory_space<vmem>>, vector<16xf32>,
      %get3A_658 = arith.index_cast %add3A_653 : i32 to index
      %get3A_659 = arith.constant 0 : index
      %get3A_660 = tpu.vector_load %arg13[%get3A_658, %get3A_659] {strides = array<i32>} : memref<512x64xf32, #tpu.memory_space<vmem>>, vector<16xf32>,
      %mul3A_661 = arith.mulf %get3A_657, %get3A_660 : vector<16xf32>
      %add3A_662 = arith.addf %broadcast_in_dim3A_654, %mul3A_661 : vector<16xf32>
      %get3A_663 = arith.index_cast %add3A_653 : i32 to index
      %get3A_664 = arith.constant 16 : index
      %get3A_665 = tpu.vector_load %arg12[%get3A_663, %get3A_664] {strides = array<i32>} : memref<512x64xf32, #tpu.memory_space<vmem>>, vector<16xf32>,
      %get3A_666 = arith.index_cast %add3A_653 : i32 to index
      %get3A_667 = arith.constant 16 : index
      %get3A_668 = tpu.vector_load %arg13[%get3A_666, %get3A_667] {strides = array<i32>} : memref<512x64xf32, #tpu.memory_space<vmem>>, vector<16xf32>,
      %mul3A_669 = arith.mulf %get3A_665, %get3A_668 : vector<16xf32>
      %add3A_670 = arith.addf %add3A_662, %mul3A_669 : vector<16xf32>
      %get3A_671 = arith.index_cast %add3A_653 : i32 to index
      %get3A_672 = arith.constant 32 : index
      %get3A_673 = tpu.vector_load %arg12[%get3A_671, %get3A_672] {strides = array<i32>} : memref<512x64xf32, #tpu.memory_space<vmem>>, vector<16xf32>,
      %get3A_674 = arith.index_cast %add3A_653 : i32 to index
      %get3A_675 = arith.constant 32 : index
      %get3A_676 = tpu.vector_load %arg13[%get3A_674, %get3A_675] {strides = array<i32>} : memref<512x64xf32, #tpu.memory_space<vmem>>, vector<16xf32>,
      %mul3A_677 = arith.mulf %get3A_673, %get3A_676 : vector<16xf32>
      %add3A_678 = arith.addf %add3A_670, %mul3A_677 : vector<16xf32>
      %get3A_679 = arith.index_cast %add3A_653 : i32 to index
      %get3A_680 = arith.constant 48 : index
      %get3A_681 = tpu.vector_load %arg12[%get3A_679, %get3A_680] {strides = array<i32>} : memref<512x64xf32, #tpu.memory_space<vmem>>, vector<16xf32>,
      %get3A_682 = arith.index_cast %add3A_653 : i32 to index
      %get3A_683 = arith.constant 48 : index
      %get3A_684 = tpu.vector_load %arg13[%get3A_682, %get3A_683] {strides = array<i32>} : memref<512x64xf32, #tpu.memory_space<vmem>>, vector<16xf32>,
      %mul3A_685 = arith.mulf %get3A_681, %get3A_684 : vector<16xf32>
      %add3A_686 = arith.addf %add3A_678, %mul3A_685 : vector<16xf32>
      %swap3A = arith.constant 0 : index
      %swap3A_687 = tpu.vector_load %arg17[%swap3A] {strides = array<i32>} : memref<256xf32, #tpu.memory_space<vmem>>, vector<16xf32>,
      tpu.vector_store %arg17[%swap3A], %add3A_686 {strides = array<i32>} : memref<256xf32, #tpu.memory_space<vmem>>, vector<16xf32>,
      %mul3A_688 = arith.constant 16 : i32
      %mul3A_689 = arith.muli %scan3A_649, %mul3A_688 : i32
      %add3A_690 = arith.constant 1 : i32
      %add3A_691 = arith.addi %mul3A_689, %add3A_690 : i32
      %broadcast_in_dim3A_692 = arith.constant 0.000000e+00 : f32
      %broadcast_in_dim3A_693 = vector.broadcast %broadcast_in_dim3A_692 : f32 to vector<16xf32>
      %get3A_694 = arith.index_cast %add3A_691 : i32 to index
      %get3A_695 = arith.constant 0 : index
      %get3A_696 = tpu.vector_load %arg12[%get3A_694, %get3A_695] {strides = array<i32>} : memref<512x64xf32, #tpu.memory_space<vmem>>, vector<16xf32>,
      %get3A_697 = arith.index_cast %add3A_691 : i32 to index
      %get3A_698 = arith.constant 0 : index
      %get3A_699 = tpu.vector_load %arg13[%get3A_697, %get3A_698] {strides = array<i32>} : memref<512x64xf32, #tpu.memory_space<vmem>>, vector<16xf32>,
      %mul3A_700 = arith.mulf %get3A_696, %get3A_699 : vector<16xf32>
      %add3A_701 = arith.addf %broadcast_in_dim3A_693, %mul3A_700 : vector<16xf32>
      %get3A_702 = arith.index_cast %add3A_691 : i32 to index
      %get3A_703 = arith.constant 16 : index
      %get3A_704 = tpu.vector_load %arg12[%get3A_702, %get3A_703] {strides = array<i32>} : memref<512x64xf32, #tpu.memory_space<vmem>>, vector<16xf32>,
      %get3A_705 = arith.index_cast %add3A_691 : i32 to index
      %get3A_706 = arith.constant 16 : index
      %get3A_707 = tpu.vector_load %arg13[%get3A_705, %get3A_706] {strides = array<i32>} : memref<512x64xf32, #tpu.memory_space<vmem>>, vector<16xf32>,
      %mul3A_708 = arith.mulf %get3A_704, %get3A_707 : vector<16xf32>
      %add3A_709 = arith.addf %add3A_701, %mul3A_708 : vector<16xf32>
      %get3A_710 = arith.index_cast %add3A_691 : i32 to index
      %get3A_711 = arith.constant 32 : index
      %get3A_712 = tpu.vector_load %arg12[%get3A_710, %get3A_711] {strides = array<i32>} : memref<512x64xf32, #tpu.memory_space<vmem>>, vector<16xf32>,
      %get3A_713 = arith.index_cast %add3A_691 : i32 to index
      %get3A_714 = arith.constant 32 : index
      %get3A_715 = tpu.vector_load %arg13[%get3A_713, %get3A_714] {strides = array<i32>} : memref<512x64xf32, #tpu.memory_space<vmem>>, vector<16xf32>,
      %mul3A_716 = arith.mulf %get3A_712, %get3A_715 : vector<16xf32>
      %add3A_717 = arith.addf %add3A_709, %mul3A_716 : vector<16xf32>
      %get3A_718 = arith.index_cast %add3A_691 : i32 to index
      %get3A_719 = arith.constant 48 : index
      %get3A_720 = tpu.vector_load %arg12[%get3A_718, %get3A_719] {strides = array<i32>} : memref<512x64xf32, #tpu.memory_space<vmem>>, vector<16xf32>,
      %get3A_721 = arith.index_cast %add3A_691 : i32 to index
      %get3A_722 = arith.constant 48 : index
      %get3A_723 = tpu.vector_load %arg13[%get3A_721, %get3A_722] {strides = array<i32>} : memref<512x64xf32, #tpu.memory_space<vmem>>, vector<16xf32>,
      %mul3A_724 = arith.mulf %get3A_720, %get3A_723 : vector<16xf32>
      %add3A_725 = arith.addf %add3A_717, %mul3A_724 : vector<16xf32>
      %swap3A_726 = arith.constant 16 : index
      %swap3A_727 = tpu.vector_load %arg17[%swap3A_726] {strides = array<i32>} : memref<256xf32, #tpu.memory_space<vmem>>, vector<16xf32>,
      tpu.vector_store %arg17[%swap3A_726], %add3A_725 {strides = array<i32>} : memref<256xf32, #tpu.memory_space<vmem>>, vector<16xf32>,
      %mul3A_728 = arith.constant 16 : i32
      %mul3A_729 = arith.muli %scan3A_649, %mul3A_728 : i32
      %add3A_730 = arith.constant 2 : i32
      %add3A_731 = arith.addi %mul3A_729, %add3A_730 : i32
      %broadcast_in_dim3A_732 = arith.constant 0.000000e+00 : f32
      %broadcast_in_dim3A_733 = vector.broadcast %broadcast_in_dim3A_732 : f32 to vector<16xf32>
      %get3A_734 = arith.index_cast %add3A_731 : i32 to index
      %get3A_735 = arith.constant 0 : index
      %get3A_736 = tpu.vector_load %arg12[%get3A_734, %get3A_735] {strides = array<i32>} : memref<512x64xf32, #tpu.memory_space<vmem>>, vector<16xf32>,
      %get3A_737 = arith.index_cast %add3A_731 : i32 to index
      %get3A_738 = arith.constant 0 : index
      %get3A_739 = tpu.vector_load %arg13[%get3A_737, %get3A_738] {strides = array<i32>} : memref<512x64xf32, #tpu.memory_space<vmem>>, vector<16xf32>,
      %mul3A_740 = arith.mulf %get3A_736, %get3A_739 : vector<16xf32>
      %add3A_741 = arith.addf %broadcast_in_dim3A_733, %mul3A_740 : vector<16xf32>
      %get3A_742 = arith.index_cast %add3A_731 : i32 to index
      %get3A_743 = arith.constant 16 : index
      %get3A_744 = tpu.vector_load %arg12[%get3A_742, %get3A_743] {strides = array<i32>} : memref<512x64xf32, #tpu.memory_space<vmem>>, vector<16xf32>,
      %get3A_745 = arith.index_cast %add3A_731 : i32 to index
      %get3A_746 = arith.constant 16 : index
      %get3A_747 = tpu.vector_load %arg13[%get3A_745, %get3A_746] {strides = array<i32>} : memref<512x64xf32, #tpu.memory_space<vmem>>, vector<16xf32>,
      %mul3A_748 = arith.mulf %get3A_744, %get3A_747 : vector<16xf32>
      %add3A_749 = arith.addf %add3A_741, %mul3A_748 : vector<16xf32>
      %get3A_750 = arith.index_cast %add3A_731 : i32 to index
      %get3A_751 = arith.constant 32 : index
      %get3A_752 = tpu.vector_load %arg12[%get3A_750, %get3A_751] {strides = array<i32>} : memref<512x64xf32, #tpu.memory_space<vmem>>, vector<16xf32>,
      %get3A_753 = arith.index_cast %add3A_731 : i32 to index
      %get3A_754 = arith.constant 32 : index
      %get3A_755 = tpu.vector_load %arg13[%get3A_753, %get3A_754] {strides = array<i32>} : memref<512x64xf32, #tpu.memory_space<vmem>>, vector<16xf32>,
      %mul3A_756 = arith.mulf %get3A_752, %get3A_755 : vector<16xf32>
      %add3A_757 = arith.addf %add3A_749, %mul3A_756 : vector<16xf32>
      %get3A_758 = arith.index_cast %add3A_731 : i32 to index
      %get3A_759 = arith.constant 48 : index
      %get3A_760 = tpu.vector_load %arg12[%get3A_758, %get3A_759] {strides = array<i32>} : memref<512x64xf32, #tpu.memory_space<vmem>>, vector<16xf32>,
      %get3A_761 = arith.index_cast %add3A_731 : i32 to index
      %get3A_762 = arith.constant 48 : index
      %get3A_763 = tpu.vector_load %arg13[%get3A_761, %get3A_762] {strides = array<i32>} : memref<512x64xf32, #tpu.memory_space<vmem>>, vector<16xf32>,
      %mul3A_764 = arith.mulf %get3A_760, %get3A_763 : vector<16xf32>
      %add3A_765 = arith.addf %add3A_757, %mul3A_764 : vector<16xf32>
      %swap3A_766 = arith.constant 32 : index
      %swap3A_767 = tpu.vector_load %arg17[%swap3A_766] {strides = array<i32>} : memref<256xf32, #tpu.memory_space<vmem>>, vector<16xf32>,
      tpu.vector_store %arg17[%swap3A_766], %add3A_765 {strides = array<i32>} : memref<256xf32, #tpu.memory_space<vmem>>, vector<16xf32>,
      %mul3A_768 = arith.constant 16 : i32
      %mul3A_769 = arith.muli %scan3A_649, %mul3A_768 : i32
      %add3A_770 = arith.constant 3 : i32
      %add3A_771 = arith.addi %mul3A_769, %add3A_770 : i32
      %broadcast_in_dim3A_772 = arith.constant 0.000000e+00 : f32
      %broadcast_in_dim3A_773 = vector.broadcast %broadcast_in_dim3A_772 : f32 to vector<16xf32>
      %get3A_774 = arith.index_cast %add3A_771 : i32 to index
      %get3A_775 = arith.constant 0 : index
      %get3A_776 = tpu.vector_load %arg12[%get3A_774, %get3A_775] {strides = array<i32>} : memref<512x64xf32, #tpu.memory_space<vmem>>, vector<16xf32>,
      %get3A_777 = arith.index_cast %add3A_771 : i32 to index
      %get3A_778 = arith.constant 0 : index
      %get3A_779 = tpu.vector_load %arg13[%get3A_777, %get3A_778] {strides = array<i32>} : memref<512x64xf32, #tpu.memory_space<vmem>>, vector<16xf32>,
      %mul3A_780 = arith.mulf %get3A_776, %get3A_779 : vector<16xf32>
      %add3A_781 = arith.addf %broadcast_in_dim3A_773, %mul3A_780 : vector<16xf32>
      %get3A_782 = arith.index_cast %add3A_771 : i32 to index
      %get3A_783 = arith.constant 16 : index
      %get3A_784 = tpu.vector_load %arg12[%get3A_782, %get3A_783] {strides = array<i32>} : memref<512x64xf32, #tpu.memory_space<vmem>>, vector<16xf32>,
      %get3A_785 = arith.index_cast %add3A_771 : i32 to index
      %get3A_786 = arith.constant 16 : index
      %get3A_787 = tpu.vector_load %arg13[%get3A_785, %get3A_786] {strides = array<i32>} : memref<512x64xf32, #tpu.memory_space<vmem>>, vector<16xf32>,
      %mul3A_788 = arith.mulf %get3A_784, %get3A_787 : vector<16xf32>
      %add3A_789 = arith.addf %add3A_781, %mul3A_788 : vector<16xf32>
      %get3A_790 = arith.index_cast %add3A_771 : i32 to index
      %get3A_791 = arith.constant 32 : index
      %get3A_792 = tpu.vector_load %arg12[%get3A_790, %get3A_791] {strides = array<i32>} : memref<512x64xf32, #tpu.memory_space<vmem>>, vector<16xf32>,
      %get3A_793 = arith.index_cast %add3A_771 : i32 to index
      %get3A_794 = arith.constant 32 : index
      %get3A_795 = tpu.vector_load %arg13[%get3A_793, %get3A_794] {strides = array<i32>} : memref<512x64xf32, #tpu.memory_space<vmem>>, vector<16xf32>,
      %mul3A_796 = arith.mulf %get3A_792, %get3A_795 : vector<16xf32>
      %add3A_797 = arith.addf %add3A_789, %mul3A_796 : vector<16xf32>
      %get3A_798 = arith.index_cast %add3A_771 : i32 to index
      %get3A_799 = arith.constant 48 : index
      %get3A_800 = tpu.vector_load %arg12[%get3A_798, %get3A_799] {strides = array<i32>} : memref<512x64xf32, #tpu.memory_space<vmem>>, vector<16xf32>,
      %get3A_801 = arith.index_cast %add3A_771 : i32 to index
      %get3A_802 = arith.constant 48 : index
      %get3A_803 = tpu.vector_load %arg13[%get3A_801, %get3A_802] {strides = array<i32>} : memref<512x64xf32, #tpu.memory_space<vmem>>, vector<16xf32>,
      %mul3A_804 = arith.mulf %get3A_800, %get3A_803 : vector<16xf32>
      %add3A_805 = arith.addf %add3A_797, %mul3A_804 : vector<16xf32>
      %swap3A_806 = arith.constant 48 : index
      %swap3A_807 = tpu.vector_load %arg17[%swap3A_806] {strides = array<i32>} : memref<256xf32, #tpu.memory_space<vmem>>, vector<16xf32>,
      tpu.vector_store %arg17[%swap3A_806], %add3A_805 {strides = array<i32>} : memref<256xf32, #tpu.memory_space<vmem>>, vector<16xf32>,
      %mul3A_808 = arith.constant 16 : i32
      %mul3A_809 = arith.muli %scan3A_649, %mul3A_808 : i32
      %add3A_810 = arith.constant 4 : i32
      %add3A_811 = arith.addi %mul3A_809, %add3A_810 : i32
      %broadcast_in_dim3A_812 = arith.constant 0.000000e+00 : f32
      %broadcast_in_dim3A_813 = vector.broadcast %broadcast_in_dim3A_812 : f32 to vector<16xf32>
      %get3A_814 = arith.index_cast %add3A_811 : i32 to index
      %get3A_815 = arith.constant 0 : index
      %get3A_816 = tpu.vector_load %arg12[%get3A_814, %get3A_815] {strides = array<i32>} : memref<512x64xf32, #tpu.memory_space<vmem>>, vector<16xf32>,
      %get3A_817 = arith.index_cast %add3A_811 : i32 to index
      %get3A_818 = arith.constant 0 : index
      %get3A_819 = tpu.vector_load %arg13[%get3A_817, %get3A_818] {strides = array<i32>} : memref<512x64xf32, #tpu.memory_space<vmem>>, vector<16xf32>,
      %mul3A_820 = arith.mulf %get3A_816, %get3A_819 : vector<16xf32>
      %add3A_821 = arith.addf %broadcast_in_dim3A_813, %mul3A_820 : vector<16xf32>
      %get3A_822 = arith.index_cast %add3A_811 : i32 to index
      %get3A_823 = arith.constant 16 : index
      %get3A_824 = tpu.vector_load %arg12[%get3A_822, %get3A_823] {strides = array<i32>} : memref<512x64xf32, #tpu.memory_space<vmem>>, vector<16xf32>,
      %get3A_825 = arith.index_cast %add3A_811 : i32 to index
      %get3A_826 = arith.constant 16 : index
      %get3A_827 = tpu.vector_load %arg13[%get3A_825, %get3A_826] {strides = array<i32>} : memref<512x64xf32, #tpu.memory_space<vmem>>, vector<16xf32>,
      %mul3A_828 = arith.mulf %get3A_824, %get3A_827 : vector<16xf32>
      %add3A_829 = arith.addf %add3A_821, %mul3A_828 : vector<16xf32>
      %get3A_830 = arith.index_cast %add3A_811 : i32 to index
      %get3A_831 = arith.constant 32 : index
      %get3A_832 = tpu.vector_load %arg12[%get3A_830, %get3A_831] {strides = array<i32>} : memref<512x64xf32, #tpu.memory_space<vmem>>, vector<16xf32>,
      %get3A_833 = arith.index_cast %add3A_811 : i32 to index
      %get3A_834 = arith.constant 32 : index
      %get3A_835 = tpu.vector_load %arg13[%get3A_833, %get3A_834] {strides = array<i32>} : memref<512x64xf32, #tpu.memory_space<vmem>>, vector<16xf32>,
      %mul3A_836 = arith.mulf %get3A_832, %get3A_835 : vector<16xf32>
      %add3A_837 = arith.addf %add3A_829, %mul3A_836 : vector<16xf32>
      %get3A_838 = arith.index_cast %add3A_811 : i32 to index
      %get3A_839 = arith.constant 48 : index
      %get3A_840 = tpu.vector_load %arg12[%get3A_838, %get3A_839] {strides = array<i32>} : memref<512x64xf32, #tpu.memory_space<vmem>>, vector<16xf32>,
      %get3A_841 = arith.index_cast %add3A_811 : i32 to index
      %get3A_842 = arith.constant 48 : index
      %get3A_843 = tpu.vector_load %arg13[%get3A_841, %get3A_842] {strides = array<i32>} : memref<512x64xf32, #tpu.memory_space<vmem>>, vector<16xf32>,
      %mul3A_844 = arith.mulf %get3A_840, %get3A_843 : vector<16xf32>
      %add3A_845 = arith.addf %add3A_837, %mul3A_844 : vector<16xf32>
      %swap3A_846 = arith.constant 64 : index
      %swap3A_847 = tpu.vector_load %arg17[%swap3A_846] {strides = array<i32>} : memref<256xf32, #tpu.memory_space<vmem>>, vector<16xf32>,
      tpu.vector_store %arg17[%swap3A_846], %add3A_845 {strides = array<i32>} : memref<256xf32, #tpu.memory_space<vmem>>, vector<16xf32>,
      %mul3A_848 = arith.constant 16 : i32
      %mul3A_849 = arith.muli %scan3A_649, %mul3A_848 : i32
      %add3A_850 = arith.constant 5 : i32
      %add3A_851 = arith.addi %mul3A_849, %add3A_850 : i32
      %broadcast_in_dim3A_852 = arith.constant 0.000000e+00 : f32
      %broadcast_in_dim3A_853 = vector.broadcast %broadcast_in_dim3A_852 : f32 to vector<16xf32>
      %get3A_854 = arith.index_cast %add3A_851 : i32 to index
      %get3A_855 = arith.constant 0 : index
      %get3A_856 = tpu.vector_load %arg12[%get3A_854, %get3A_855] {strides = array<i32>} : memref<512x64xf32, #tpu.memory_space<vmem>>, vector<16xf32>,
      %get3A_857 = arith.index_cast %add3A_851 : i32 to index
      %get3A_858 = arith.constant 0 : index
      %get3A_859 = tpu.vector_load %arg13[%get3A_857, %get3A_858] {strides = array<i32>} : memref<512x64xf32, #tpu.memory_space<vmem>>, vector<16xf32>,
      %mul3A_860 = arith.mulf %get3A_856, %get3A_859 : vector<16xf32>
      %add3A_861 = arith.addf %broadcast_in_dim3A_853, %mul3A_860 : vector<16xf32>
      %get3A_862 = arith.index_cast %add3A_851 : i32 to index
      %get3A_863 = arith.constant 16 : index
      %get3A_864 = tpu.vector_load %arg12[%get3A_862, %get3A_863] {strides = array<i32>} : memref<512x64xf32, #tpu.memory_space<vmem>>, vector<16xf32>,
      %get3A_865 = arith.index_cast %add3A_851 : i32 to index
      %get3A_866 = arith.constant 16 : index
      %get3A_867 = tpu.vector_load %arg13[%get3A_865, %get3A_866] {strides = array<i32>} : memref<512x64xf32, #tpu.memory_space<vmem>>, vector<16xf32>,
      %mul3A_868 = arith.mulf %get3A_864, %get3A_867 : vector<16xf32>
      %add3A_869 = arith.addf %add3A_861, %mul3A_868 : vector<16xf32>
      %get3A_870 = arith.index_cast %add3A_851 : i32 to index
      %get3A_871 = arith.constant 32 : index
      %get3A_872 = tpu.vector_load %arg12[%get3A_870, %get3A_871] {strides = array<i32>} : memref<512x64xf32, #tpu.memory_space<vmem>>, vector<16xf32>,
      %get3A_873 = arith.index_cast %add3A_851 : i32 to index
      %get3A_874 = arith.constant 32 : index
      %get3A_875 = tpu.vector_load %arg13[%get3A_873, %get3A_874] {strides = array<i32>} : memref<512x64xf32, #tpu.memory_space<vmem>>, vector<16xf32>,
      %mul3A_876 = arith.mulf %get3A_872, %get3A_875 : vector<16xf32>
      %add3A_877 = arith.addf %add3A_869, %mul3A_876 : vector<16xf32>
      %get3A_878 = arith.index_cast %add3A_851 : i32 to index
      %get3A_879 = arith.constant 48 : index
      %get3A_880 = tpu.vector_load %arg12[%get3A_878, %get3A_879] {strides = array<i32>} : memref<512x64xf32, #tpu.memory_space<vmem>>, vector<16xf32>,
      %get3A_881 = arith.index_cast %add3A_851 : i32 to index
      %get3A_882 = arith.constant 48 : index
      %get3A_883 = tpu.vector_load %arg13[%get3A_881, %get3A_882] {strides = array<i32>} : memref<512x64xf32, #tpu.memory_space<vmem>>, vector<16xf32>,
      %mul3A_884 = arith.mulf %get3A_880, %get3A_883 : vector<16xf32>
      %add3A_885 = arith.addf %add3A_877, %mul3A_884 : vector<16xf32>
      %swap3A_886 = arith.constant 80 : index
      %swap3A_887 = tpu.vector_load %arg17[%swap3A_886] {strides = array<i32>} : memref<256xf32, #tpu.memory_space<vmem>>, vector<16xf32>,
      tpu.vector_store %arg17[%swap3A_886], %add3A_885 {strides = array<i32>} : memref<256xf32, #tpu.memory_space<vmem>>, vector<16xf32>,
      %mul3A_888 = arith.constant 16 : i32
      %mul3A_889 = arith.muli %scan3A_649, %mul3A_888 : i32
      %add3A_890 = arith.constant 6 : i32
      %add3A_891 = arith.addi %mul3A_889, %add3A_890 : i32
      %broadcast_in_dim3A_892 = arith.constant 0.000000e+00 : f32
      %broadcast_in_dim3A_893 = vector.broadcast %broadcast_in_dim3A_892 : f32 to vector<16xf32>
      %get3A_894 = arith.index_cast %add3A_891 : i32 to index
      %get3A_895 = arith.constant 0 : index
      %get3A_896 = tpu.vector_load %arg12[%get3A_894, %get3A_895] {strides = array<i32>} : memref<512x64xf32, #tpu.memory_space<vmem>>, vector<16xf32>,
      %get3A_897 = arith.index_cast %add3A_891 : i32 to index
      %get3A_898 = arith.constant 0 : index
      %get3A_899 = tpu.vector_load %arg13[%get3A_897, %get3A_898] {strides = array<i32>} : memref<512x64xf32, #tpu.memory_space<vmem>>, vector<16xf32>,
      %mul3A_900 = arith.mulf %get3A_896, %get3A_899 : vector<16xf32>
      %add3A_901 = arith.addf %broadcast_in_dim3A_893, %mul3A_900 : vector<16xf32>
      %get3A_902 = arith.index_cast %add3A_891 : i32 to index
      %get3A_903 = arith.constant 16 : index
      %get3A_904 = tpu.vector_load %arg12[%get3A_902, %get3A_903] {strides = array<i32>} : memref<512x64xf32, #tpu.memory_space<vmem>>, vector<16xf32>,
      %get3A_905 = arith.index_cast %add3A_891 : i32 to index
      %get3A_906 = arith.constant 16 : index
      %get3A_907 = tpu.vector_load %arg13[%get3A_905, %get3A_906] {strides = array<i32>} : memref<512x64xf32, #tpu.memory_space<vmem>>, vector<16xf32>,
      %mul3A_908 = arith.mulf %get3A_904, %get3A_907 : vector<16xf32>
      %add3A_909 = arith.addf %add3A_901, %mul3A_908 : vector<16xf32>
      %get3A_910 = arith.index_cast %add3A_891 : i32 to index
      %get3A_911 = arith.constant 32 : index
      %get3A_912 = tpu.vector_load %arg12[%get3A_910, %get3A_911] {strides = array<i32>} : memref<512x64xf32, #tpu.memory_space<vmem>>, vector<16xf32>,
      %get3A_913 = arith.index_cast %add3A_891 : i32 to index
      %get3A_914 = arith.constant 32 : index
      %get3A_915 = tpu.vector_load %arg13[%get3A_913, %get3A_914] {strides = array<i32>} : memref<512x64xf32, #tpu.memory_space<vmem>>, vector<16xf32>,
      %mul3A_916 = arith.mulf %get3A_912, %get3A_915 : vector<16xf32>
      %add3A_917 = arith.addf %add3A_909, %mul3A_916 : vector<16xf32>
      %get3A_918 = arith.index_cast %add3A_891 : i32 to index
      %get3A_919 = arith.constant 48 : index
      %get3A_920 = tpu.vector_load %arg12[%get3A_918, %get3A_919] {strides = array<i32>} : memref<512x64xf32, #tpu.memory_space<vmem>>, vector<16xf32>,
      %get3A_921 = arith.index_cast %add3A_891 : i32 to index
      %get3A_922 = arith.constant 48 : index
      %get3A_923 = tpu.vector_load %arg13[%get3A_921, %get3A_922] {strides = array<i32>} : memref<512x64xf32, #tpu.memory_space<vmem>>, vector<16xf32>,
      %mul3A_924 = arith.mulf %get3A_920, %get3A_923 : vector<16xf32>
      %add3A_925 = arith.addf %add3A_917, %mul3A_924 : vector<16xf32>
      %swap3A_926 = arith.constant 96 : index
      %swap3A_927 = tpu.vector_load %arg17[%swap3A_926] {strides = array<i32>} : memref<256xf32, #tpu.memory_space<vmem>>, vector<16xf32>,
      tpu.vector_store %arg17[%swap3A_926], %add3A_925 {strides = array<i32>} : memref<256xf32, #tpu.memory_space<vmem>>, vector<16xf32>,
      %mul3A_928 = arith.constant 16 : i32
      %mul3A_929 = arith.muli %scan3A_649, %mul3A_928 : i32
      %add3A_930 = arith.constant 7 : i32
      %add3A_931 = arith.addi %mul3A_929, %add3A_930 : i32
      %broadcast_in_dim3A_932 = arith.constant 0.000000e+00 : f32
      %broadcast_in_dim3A_933 = vector.broadcast %broadcast_in_dim3A_932 : f32 to vector<16xf32>
      %get3A_934 = arith.index_cast %add3A_931 : i32 to index
      %get3A_935 = arith.constant 0 : index
      %get3A_936 = tpu.vector_load %arg12[%get3A_934, %get3A_935] {strides = array<i32>} : memref<512x64xf32, #tpu.memory_space<vmem>>, vector<16xf32>,
      %get3A_937 = arith.index_cast %add3A_931 : i32 to index
      %get3A_938 = arith.constant 0 : index
      %get3A_939 = tpu.vector_load %arg13[%get3A_937, %get3A_938] {strides = array<i32>} : memref<512x64xf32, #tpu.memory_space<vmem>>, vector<16xf32>,
      %mul3A_940 = arith.mulf %get3A_936, %get3A_939 : vector<16xf32>
      %add3A_941 = arith.addf %broadcast_in_dim3A_933, %mul3A_940 : vector<16xf32>
      %get3A_942 = arith.index_cast %add3A_931 : i32 to index
      %get3A_943 = arith.constant 16 : index
      %get3A_944 = tpu.vector_load %arg12[%get3A_942, %get3A_943] {strides = array<i32>} : memref<512x64xf32, #tpu.memory_space<vmem>>, vector<16xf32>,
      %get3A_945 = arith.index_cast %add3A_931 : i32 to index
      %get3A_946 = arith.constant 16 : index
      %get3A_947 = tpu.vector_load %arg13[%get3A_945, %get3A_946] {strides = array<i32>} : memref<512x64xf32, #tpu.memory_space<vmem>>, vector<16xf32>,
      %mul3A_948 = arith.mulf %get3A_944, %get3A_947 : vector<16xf32>
      %add3A_949 = arith.addf %add3A_941, %mul3A_948 : vector<16xf32>
      %get3A_950 = arith.index_cast %add3A_931 : i32 to index
      %get3A_951 = arith.constant 32 : index
      %get3A_952 = tpu.vector_load %arg12[%get3A_950, %get3A_951] {strides = array<i32>} : memref<512x64xf32, #tpu.memory_space<vmem>>, vector<16xf32>,
      %get3A_953 = arith.index_cast %add3A_931 : i32 to index
      %get3A_954 = arith.constant 32 : index
      %get3A_955 = tpu.vector_load %arg13[%get3A_953, %get3A_954] {strides = array<i32>} : memref<512x64xf32, #tpu.memory_space<vmem>>, vector<16xf32>,
      %mul3A_956 = arith.mulf %get3A_952, %get3A_955 : vector<16xf32>
      %add3A_957 = arith.addf %add3A_949, %mul3A_956 : vector<16xf32>
      %get3A_958 = arith.index_cast %add3A_931 : i32 to index
      %get3A_959 = arith.constant 48 : index
      %get3A_960 = tpu.vector_load %arg12[%get3A_958, %get3A_959] {strides = array<i32>} : memref<512x64xf32, #tpu.memory_space<vmem>>, vector<16xf32>,
      %get3A_961 = arith.index_cast %add3A_931 : i32 to index
      %get3A_962 = arith.constant 48 : index
      %get3A_963 = tpu.vector_load %arg13[%get3A_961, %get3A_962] {strides = array<i32>} : memref<512x64xf32, #tpu.memory_space<vmem>>, vector<16xf32>,
      %mul3A_964 = arith.mulf %get3A_960, %get3A_963 : vector<16xf32>
      %add3A_965 = arith.addf %add3A_957, %mul3A_964 : vector<16xf32>
      %swap3A_966 = arith.constant 112 : index
      %swap3A_967 = tpu.vector_load %arg17[%swap3A_966] {strides = array<i32>} : memref<256xf32, #tpu.memory_space<vmem>>, vector<16xf32>,
      tpu.vector_store %arg17[%swap3A_966], %add3A_965 {strides = array<i32>} : memref<256xf32, #tpu.memory_space<vmem>>, vector<16xf32>,
      %mul3A_968 = arith.constant 16 : i32
      %mul3A_969 = arith.muli %scan3A_649, %mul3A_968 : i32
      %add3A_970 = arith.constant 8 : i32
      %add3A_971 = arith.addi %mul3A_969, %add3A_970 : i32
      %broadcast_in_dim3A_972 = arith.constant 0.000000e+00 : f32
      %broadcast_in_dim3A_973 = vector.broadcast %broadcast_in_dim3A_972 : f32 to vector<16xf32>
      %get3A_974 = arith.index_cast %add3A_971 : i32 to index
      %get3A_975 = arith.constant 0 : index
      %get3A_976 = tpu.vector_load %arg12[%get3A_974, %get3A_975] {strides = array<i32>} : memref<512x64xf32, #tpu.memory_space<vmem>>, vector<16xf32>,
      %get3A_977 = arith.index_cast %add3A_971 : i32 to index
      %get3A_978 = arith.constant 0 : index
      %get3A_979 = tpu.vector_load %arg13[%get3A_977, %get3A_978] {strides = array<i32>} : memref<512x64xf32, #tpu.memory_space<vmem>>, vector<16xf32>,
      %mul3A_980 = arith.mulf %get3A_976, %get3A_979 : vector<16xf32>
      %add3A_981 = arith.addf %broadcast_in_dim3A_973, %mul3A_980 : vector<16xf32>
      %get3A_982 = arith.index_cast %add3A_971 : i32 to index
      %get3A_983 = arith.constant 16 : index
      %get3A_984 = tpu.vector_load %arg12[%get3A_982, %get3A_983] {strides = array<i32>} : memref<512x64xf32, #tpu.memory_space<vmem>>, vector<16xf32>,
      %get3A_985 = arith.index_cast %add3A_971 : i32 to index
      %get3A_986 = arith.constant 16 : index
      %get3A_987 = tpu.vector_load %arg13[%get3A_985, %get3A_986] {strides = array<i32>} : memref<512x64xf32, #tpu.memory_space<vmem>>, vector<16xf32>,
      %mul3A_988 = arith.mulf %get3A_984, %get3A_987 : vector<16xf32>
      %add3A_989 = arith.addf %add3A_981, %mul3A_988 : vector<16xf32>
      %get3A_990 = arith.index_cast %add3A_971 : i32 to index
      %get3A_991 = arith.constant 32 : index
      %get3A_992 = tpu.vector_load %arg12[%get3A_990, %get3A_991] {strides = array<i32>} : memref<512x64xf32, #tpu.memory_space<vmem>>, vector<16xf32>,
      %get3A_993 = arith.index_cast %add3A_971 : i32 to index
      %get3A_994 = arith.constant 32 : index
      %get3A_995 = tpu.vector_load %arg13[%get3A_993, %get3A_994] {strides = array<i32>} : memref<512x64xf32, #tpu.memory_space<vmem>>, vector<16xf32>,
      %mul3A_996 = arith.mulf %get3A_992, %get3A_995 : vector<16xf32>
      %add3A_997 = arith.addf %add3A_989, %mul3A_996 : vector<16xf32>
      %get3A_998 = arith.index_cast %add3A_971 : i32 to index
      %get3A_999 = arith.constant 48 : index
      %get3A_1000 = tpu.vector_load %arg12[%get3A_998, %get3A_999] {strides = array<i32>} : memref<512x64xf32, #tpu.memory_space<vmem>>, vector<16xf32>,
      %get3A_1001 = arith.index_cast %add3A_971 : i32 to index
      %get3A_1002 = arith.constant 48 : index
      %get3A_1003 = tpu.vector_load %arg13[%get3A_1001, %get3A_1002] {strides = array<i32>} : memref<512x64xf32, #tpu.memory_space<vmem>>, vector<16xf32>,
      %mul3A_1004 = arith.mulf %get3A_1000, %get3A_1003 : vector<16xf32>
      %add3A_1005 = arith.addf %add3A_997, %mul3A_1004 : vector<16xf32>
      %swap3A_1006 = arith.constant 128 : index
      %swap3A_1007 = tpu.vector_load %arg17[%swap3A_1006] {strides = array<i32>} : memref<256xf32, #tpu.memory_space<vmem>>, vector<16xf32>,
      tpu.vector_store %arg17[%swap3A_1006], %add3A_1005 {strides = array<i32>} : memref<256xf32, #tpu.memory_space<vmem>>, vector<16xf32>,
      %mul3A_1008 = arith.constant 16 : i32
      %mul3A_1009 = arith.muli %scan3A_649, %mul3A_1008 : i32
      %add3A_1010 = arith.constant 9 : i32
      %add3A_1011 = arith.addi %mul3A_1009, %add3A_1010 : i32
      %broadcast_in_dim3A_1012 = arith.constant 0.000000e+00 : f32
      %broadcast_in_dim3A_1013 = vector.broadcast %broadcast_in_dim3A_1012 : f32 to vector<16xf32>
      %get3A_1014 = arith.index_cast %add3A_1011 : i32 to index
      %get3A_1015 = arith.constant 0 : index
      %get3A_1016 = tpu.vector_load %arg12[%get3A_1014, %get3A_1015] {strides = array<i32>} : memref<512x64xf32, #tpu.memory_space<vmem>>, vector<16xf32>,
      %get3A_1017 = arith.index_cast %add3A_1011 : i32 to index
      %get3A_1018 = arith.constant 0 : index
      %get3A_1019 = tpu.vector_load %arg13[%get3A_1017, %get3A_1018] {strides = array<i32>} : memref<512x64xf32, #tpu.memory_space<vmem>>, vector<16xf32>,
      %mul3A_1020 = arith.mulf %get3A_1016, %get3A_1019 : vector<16xf32>
      %add3A_1021 = arith.addf %broadcast_in_dim3A_1013, %mul3A_1020 : vector<16xf32>
      %get3A_1022 = arith.index_cast %add3A_1011 : i32 to index
      %get3A_1023 = arith.constant 16 : index
      %get3A_1024 = tpu.vector_load %arg12[%get3A_1022, %get3A_1023] {strides = array<i32>} : memref<512x64xf32, #tpu.memory_space<vmem>>, vector<16xf32>,
      %get3A_1025 = arith.index_cast %add3A_1011 : i32 to index
      %get3A_1026 = arith.constant 16 : index
      %get3A_1027 = tpu.vector_load %arg13[%get3A_1025, %get3A_1026] {strides = array<i32>} : memref<512x64xf32, #tpu.memory_space<vmem>>, vector<16xf32>,
      %mul3A_1028 = arith.mulf %get3A_1024, %get3A_1027 : vector<16xf32>
      %add3A_1029 = arith.addf %add3A_1021, %mul3A_1028 : vector<16xf32>
      %get3A_1030 = arith.index_cast %add3A_1011 : i32 to index
      %get3A_1031 = arith.constant 32 : index
      %get3A_1032 = tpu.vector_load %arg12[%get3A_1030, %get3A_1031] {strides = array<i32>} : memref<512x64xf32, #tpu.memory_space<vmem>>, vector<16xf32>,
      %get3A_1033 = arith.index_cast %add3A_1011 : i32 to index
      %get3A_1034 = arith.constant 32 : index
      %get3A_1035 = tpu.vector_load %arg13[%get3A_1033, %get3A_1034] {strides = array<i32>} : memref<512x64xf32, #tpu.memory_space<vmem>>, vector<16xf32>,
      %mul3A_1036 = arith.mulf %get3A_1032, %get3A_1035 : vector<16xf32>
      %add3A_1037 = arith.addf %add3A_1029, %mul3A_1036 : vector<16xf32>
      %get3A_1038 = arith.index_cast %add3A_1011 : i32 to index
      %get3A_1039 = arith.constant 48 : index
      %get3A_1040 = tpu.vector_load %arg12[%get3A_1038, %get3A_1039] {strides = array<i32>} : memref<512x64xf32, #tpu.memory_space<vmem>>, vector<16xf32>,
      %get3A_1041 = arith.index_cast %add3A_1011 : i32 to index
      %get3A_1042 = arith.constant 48 : index
      %get3A_1043 = tpu.vector_load %arg13[%get3A_1041, %get3A_1042] {strides = array<i32>} : memref<512x64xf32, #tpu.memory_space<vmem>>, vector<16xf32>,
      %mul3A_1044 = arith.mulf %get3A_1040, %get3A_1043 : vector<16xf32>
      %add3A_1045 = arith.addf %add3A_1037, %mul3A_1044 : vector<16xf32>
      %swap3A_1046 = arith.constant 144 : index
      %swap3A_1047 = tpu.vector_load %arg17[%swap3A_1046] {strides = array<i32>} : memref<256xf32, #tpu.memory_space<vmem>>, vector<16xf32>,
      tpu.vector_store %arg17[%swap3A_1046], %add3A_1045 {strides = array<i32>} : memref<256xf32, #tpu.memory_space<vmem>>, vector<16xf32>,
      %mul3A_1048 = arith.constant 16 : i32
      %mul3A_1049 = arith.muli %scan3A_649, %mul3A_1048 : i32
      %add3A_1050 = arith.constant 10 : i32
      %add3A_1051 = arith.addi %mul3A_1049, %add3A_1050 : i32
      %broadcast_in_dim3A_1052 = arith.constant 0.000000e+00 : f32
      %broadcast_in_dim3A_1053 = vector.broadcast %broadcast_in_dim3A_1052 : f32 to vector<16xf32>
      %get3A_1054 = arith.index_cast %add3A_1051 : i32 to index
      %get3A_1055 = arith.constant 0 : index
      %get3A_1056 = tpu.vector_load %arg12[%get3A_1054, %get3A_1055] {strides = array<i32>} : memref<512x64xf32, #tpu.memory_space<vmem>>, vector<16xf32>,
      %get3A_1057 = arith.index_cast %add3A_1051 : i32 to index
      %get3A_1058 = arith.constant 0 : index
      %get3A_1059 = tpu.vector_load %arg13[%get3A_1057, %get3A_1058] {strides = array<i32>} : memref<512x64xf32, #tpu.memory_space<vmem>>, vector<16xf32>,
      %mul3A_1060 = arith.mulf %get3A_1056, %get3A_1059 : vector<16xf32>
      %add3A_1061 = arith.addf %broadcast_in_dim3A_1053, %mul3A_1060 : vector<16xf32>
      %get3A_1062 = arith.index_cast %add3A_1051 : i32 to index
      %get3A_1063 = arith.constant 16 : index
      %get3A_1064 = tpu.vector_load %arg12[%get3A_1062, %get3A_1063] {strides = array<i32>} : memref<512x64xf32, #tpu.memory_space<vmem>>, vector<16xf32>,
      %get3A_1065 = arith.index_cast %add3A_1051 : i32 to index
      %get3A_1066 = arith.constant 16 : index
      %get3A_1067 = tpu.vector_load %arg13[%get3A_1065, %get3A_1066] {strides = array<i32>} : memref<512x64xf32, #tpu.memory_space<vmem>>, vector<16xf32>,
      %mul3A_1068 = arith.mulf %get3A_1064, %get3A_1067 : vector<16xf32>
      %add3A_1069 = arith.addf %add3A_1061, %mul3A_1068 : vector<16xf32>
      %get3A_1070 = arith.index_cast %add3A_1051 : i32 to index
      %get3A_1071 = arith.constant 32 : index
      %get3A_1072 = tpu.vector_load %arg12[%get3A_1070, %get3A_1071] {strides = array<i32>} : memref<512x64xf32, #tpu.memory_space<vmem>>, vector<16xf32>,
      %get3A_1073 = arith.index_cast %add3A_1051 : i32 to index
      %get3A_1074 = arith.constant 32 : index
      %get3A_1075 = tpu.vector_load %arg13[%get3A_1073, %get3A_1074] {strides = array<i32>} : memref<512x64xf32, #tpu.memory_space<vmem>>, vector<16xf32>,
      %mul3A_1076 = arith.mulf %get3A_1072, %get3A_1075 : vector<16xf32>
      %add3A_1077 = arith.addf %add3A_1069, %mul3A_1076 : vector<16xf32>
      %get3A_1078 = arith.index_cast %add3A_1051 : i32 to index
      %get3A_1079 = arith.constant 48 : index
      %get3A_1080 = tpu.vector_load %arg12[%get3A_1078, %get3A_1079] {strides = array<i32>} : memref<512x64xf32, #tpu.memory_space<vmem>>, vector<16xf32>,
      %get3A_1081 = arith.index_cast %add3A_1051 : i32 to index
      %get3A_1082 = arith.constant 48 : index
      %get3A_1083 = tpu.vector_load %arg13[%get3A_1081, %get3A_1082] {strides = array<i32>} : memref<512x64xf32, #tpu.memory_space<vmem>>, vector<16xf32>,
      %mul3A_1084 = arith.mulf %get3A_1080, %get3A_1083 : vector<16xf32>
      %add3A_1085 = arith.addf %add3A_1077, %mul3A_1084 : vector<16xf32>
      %swap3A_1086 = arith.constant 160 : index
      %swap3A_1087 = tpu.vector_load %arg17[%swap3A_1086] {strides = array<i32>} : memref<256xf32, #tpu.memory_space<vmem>>, vector<16xf32>,
      tpu.vector_store %arg17[%swap3A_1086], %add3A_1085 {strides = array<i32>} : memref<256xf32, #tpu.memory_space<vmem>>, vector<16xf32>,
      %mul3A_1088 = arith.constant 16 : i32
      %mul3A_1089 = arith.muli %scan3A_649, %mul3A_1088 : i32
      %add3A_1090 = arith.constant 11 : i32
      %add3A_1091 = arith.addi %mul3A_1089, %add3A_1090 : i32
      %broadcast_in_dim3A_1092 = arith.constant 0.000000e+00 : f32
      %broadcast_in_dim3A_1093 = vector.broadcast %broadcast_in_dim3A_1092 : f32 to vector<16xf32>
      %get3A_1094 = arith.index_cast %add3A_1091 : i32 to index
      %get3A_1095 = arith.constant 0 : index
      %get3A_1096 = tpu.vector_load %arg12[%get3A_1094, %get3A_1095] {strides = array<i32>} : memref<512x64xf32, #tpu.memory_space<vmem>>, vector<16xf32>,
      %get3A_1097 = arith.index_cast %add3A_1091 : i32 to index
      %get3A_1098 = arith.constant 0 : index
      %get3A_1099 = tpu.vector_load %arg13[%get3A_1097, %get3A_1098] {strides = array<i32>} : memref<512x64xf32, #tpu.memory_space<vmem>>, vector<16xf32>,
      %mul3A_1100 = arith.mulf %get3A_1096, %get3A_1099 : vector<16xf32>
      %add3A_1101 = arith.addf %broadcast_in_dim3A_1093, %mul3A_1100 : vector<16xf32>
      %get3A_1102 = arith.index_cast %add3A_1091 : i32 to index
      %get3A_1103 = arith.constant 16 : index
      %get3A_1104 = tpu.vector_load %arg12[%get3A_1102, %get3A_1103] {strides = array<i32>} : memref<512x64xf32, #tpu.memory_space<vmem>>, vector<16xf32>,
      %get3A_1105 = arith.index_cast %add3A_1091 : i32 to index
      %get3A_1106 = arith.constant 16 : index
      %get3A_1107 = tpu.vector_load %arg13[%get3A_1105, %get3A_1106] {strides = array<i32>} : memref<512x64xf32, #tpu.memory_space<vmem>>, vector<16xf32>,
      %mul3A_1108 = arith.mulf %get3A_1104, %get3A_1107 : vector<16xf32>
      %add3A_1109 = arith.addf %add3A_1101, %mul3A_1108 : vector<16xf32>
      %get3A_1110 = arith.index_cast %add3A_1091 : i32 to index
      %get3A_1111 = arith.constant 32 : index
      %get3A_1112 = tpu.vector_load %arg12[%get3A_1110, %get3A_1111] {strides = array<i32>} : memref<512x64xf32, #tpu.memory_space<vmem>>, vector<16xf32>,
      %get3A_1113 = arith.index_cast %add3A_1091 : i32 to index
      %get3A_1114 = arith.constant 32 : index
      %get3A_1115 = tpu.vector_load %arg13[%get3A_1113, %get3A_1114] {strides = array<i32>} : memref<512x64xf32, #tpu.memory_space<vmem>>, vector<16xf32>,
      %mul3A_1116 = arith.mulf %get3A_1112, %get3A_1115 : vector<16xf32>
      %add3A_1117 = arith.addf %add3A_1109, %mul3A_1116 : vector<16xf32>
      %get3A_1118 = arith.index_cast %add3A_1091 : i32 to index
      %get3A_1119 = arith.constant 48 : index
      %get3A_1120 = tpu.vector_load %arg12[%get3A_1118, %get3A_1119] {strides = array<i32>} : memref<512x64xf32, #tpu.memory_space<vmem>>, vector<16xf32>,
      %get3A_1121 = arith.index_cast %add3A_1091 : i32 to index
      %get3A_1122 = arith.constant 48 : index
      %get3A_1123 = tpu.vector_load %arg13[%get3A_1121, %get3A_1122] {strides = array<i32>} : memref<512x64xf32, #tpu.memory_space<vmem>>, vector<16xf32>,
      %mul3A_1124 = arith.mulf %get3A_1120, %get3A_1123 : vector<16xf32>
      %add3A_1125 = arith.addf %add3A_1117, %mul3A_1124 : vector<16xf32>
      %swap3A_1126 = arith.constant 176 : index
      %swap3A_1127 = tpu.vector_load %arg17[%swap3A_1126] {strides = array<i32>} : memref<256xf32, #tpu.memory_space<vmem>>, vector<16xf32>,
      tpu.vector_store %arg17[%swap3A_1126], %add3A_1125 {strides = array<i32>} : memref<256xf32, #tpu.memory_space<vmem>>, vector<16xf32>,
      %mul3A_1128 = arith.constant 16 : i32
      %mul3A_1129 = arith.muli %scan3A_649, %mul3A_1128 : i32
      %add3A_1130 = arith.constant 12 : i32
      %add3A_1131 = arith.addi %mul3A_1129, %add3A_1130 : i32
      %broadcast_in_dim3A_1132 = arith.constant 0.000000e+00 : f32
      %broadcast_in_dim3A_1133 = vector.broadcast %broadcast_in_dim3A_1132 : f32 to vector<16xf32>
      %get3A_1134 = arith.index_cast %add3A_1131 : i32 to index
      %get3A_1135 = arith.constant 0 : index
      %get3A_1136 = tpu.vector_load %arg12[%get3A_1134, %get3A_1135] {strides = array<i32>} : memref<512x64xf32, #tpu.memory_space<vmem>>, vector<16xf32>,
      %get3A_1137 = arith.index_cast %add3A_1131 : i32 to index
      %get3A_1138 = arith.constant 0 : index
      %get3A_1139 = tpu.vector_load %arg13[%get3A_1137, %get3A_1138] {strides = array<i32>} : memref<512x64xf32, #tpu.memory_space<vmem>>, vector<16xf32>,
      %mul3A_1140 = arith.mulf %get3A_1136, %get3A_1139 : vector<16xf32>
      %add3A_1141 = arith.addf %broadcast_in_dim3A_1133, %mul3A_1140 : vector<16xf32>
      %get3A_1142 = arith.index_cast %add3A_1131 : i32 to index
      %get3A_1143 = arith.constant 16 : index
      %get3A_1144 = tpu.vector_load %arg12[%get3A_1142, %get3A_1143] {strides = array<i32>} : memref<512x64xf32, #tpu.memory_space<vmem>>, vector<16xf32>,
      %get3A_1145 = arith.index_cast %add3A_1131 : i32 to index
      %get3A_1146 = arith.constant 16 : index
      %get3A_1147 = tpu.vector_load %arg13[%get3A_1145, %get3A_1146] {strides = array<i32>} : memref<512x64xf32, #tpu.memory_space<vmem>>, vector<16xf32>,
      %mul3A_1148 = arith.mulf %get3A_1144, %get3A_1147 : vector<16xf32>
      %add3A_1149 = arith.addf %add3A_1141, %mul3A_1148 : vector<16xf32>
      %get3A_1150 = arith.index_cast %add3A_1131 : i32 to index
      %get3A_1151 = arith.constant 32 : index
      %get3A_1152 = tpu.vector_load %arg12[%get3A_1150, %get3A_1151] {strides = array<i32>} : memref<512x64xf32, #tpu.memory_space<vmem>>, vector<16xf32>,
      %get3A_1153 = arith.index_cast %add3A_1131 : i32 to index
      %get3A_1154 = arith.constant 32 : index
      %get3A_1155 = tpu.vector_load %arg13[%get3A_1153, %get3A_1154] {strides = array<i32>} : memref<512x64xf32, #tpu.memory_space<vmem>>, vector<16xf32>,
      %mul3A_1156 = arith.mulf %get3A_1152, %get3A_1155 : vector<16xf32>
      %add3A_1157 = arith.addf %add3A_1149, %mul3A_1156 : vector<16xf32>
      %get3A_1158 = arith.index_cast %add3A_1131 : i32 to index
      %get3A_1159 = arith.constant 48 : index
      %get3A_1160 = tpu.vector_load %arg12[%get3A_1158, %get3A_1159] {strides = array<i32>} : memref<512x64xf32, #tpu.memory_space<vmem>>, vector<16xf32>,
      %get3A_1161 = arith.index_cast %add3A_1131 : i32 to index
      %get3A_1162 = arith.constant 48 : index
      %get3A_1163 = tpu.vector_load %arg13[%get3A_1161, %get3A_1162] {strides = array<i32>} : memref<512x64xf32, #tpu.memory_space<vmem>>, vector<16xf32>,
      %mul3A_1164 = arith.mulf %get3A_1160, %get3A_1163 : vector<16xf32>
      %add3A_1165 = arith.addf %add3A_1157, %mul3A_1164 : vector<16xf32>
      %swap3A_1166 = arith.constant 192 : index
      %swap3A_1167 = tpu.vector_load %arg17[%swap3A_1166] {strides = array<i32>} : memref<256xf32, #tpu.memory_space<vmem>>, vector<16xf32>,
      tpu.vector_store %arg17[%swap3A_1166], %add3A_1165 {strides = array<i32>} : memref<256xf32, #tpu.memory_space<vmem>>, vector<16xf32>,
      %mul3A_1168 = arith.constant 16 : i32
      %mul3A_1169 = arith.muli %scan3A_649, %mul3A_1168 : i32
      %add3A_1170 = arith.constant 13 : i32
      %add3A_1171 = arith.addi %mul3A_1169, %add3A_1170 : i32
      %broadcast_in_dim3A_1172 = arith.constant 0.000000e+00 : f32
      %broadcast_in_dim3A_1173 = vector.broadcast %broadcast_in_dim3A_1172 : f32 to vector<16xf32>
      %get3A_1174 = arith.index_cast %add3A_1171 : i32 to index
      %get3A_1175 = arith.constant 0 : index
      %get3A_1176 = tpu.vector_load %arg12[%get3A_1174, %get3A_1175] {strides = array<i32>} : memref<512x64xf32, #tpu.memory_space<vmem>>, vector<16xf32>,
      %get3A_1177 = arith.index_cast %add3A_1171 : i32 to index
      %get3A_1178 = arith.constant 0 : index
      %get3A_1179 = tpu.vector_load %arg13[%get3A_1177, %get3A_1178] {strides = array<i32>} : memref<512x64xf32, #tpu.memory_space<vmem>>, vector<16xf32>,
      %mul3A_1180 = arith.mulf %get3A_1176, %get3A_1179 : vector<16xf32>
      %add3A_1181 = arith.addf %broadcast_in_dim3A_1173, %mul3A_1180 : vector<16xf32>
      %get3A_1182 = arith.index_cast %add3A_1171 : i32 to index
      %get3A_1183 = arith.constant 16 : index
      %get3A_1184 = tpu.vector_load %arg12[%get3A_1182, %get3A_1183] {strides = array<i32>} : memref<512x64xf32, #tpu.memory_space<vmem>>, vector<16xf32>,
      %get3A_1185 = arith.index_cast %add3A_1171 : i32 to index
      %get3A_1186 = arith.constant 16 : index
      %get3A_1187 = tpu.vector_load %arg13[%get3A_1185, %get3A_1186] {strides = array<i32>} : memref<512x64xf32, #tpu.memory_space<vmem>>, vector<16xf32>,
      %mul3A_1188 = arith.mulf %get3A_1184, %get3A_1187 : vector<16xf32>
      %add3A_1189 = arith.addf %add3A_1181, %mul3A_1188 : vector<16xf32>
      %get3A_1190 = arith.index_cast %add3A_1171 : i32 to index
      %get3A_1191 = arith.constant 32 : index
      %get3A_1192 = tpu.vector_load %arg12[%get3A_1190, %get3A_1191] {strides = array<i32>} : memref<512x64xf32, #tpu.memory_space<vmem>>, vector<16xf32>,
      %get3A_1193 = arith.index_cast %add3A_1171 : i32 to index
      %get3A_1194 = arith.constant 32 : index
      %get3A_1195 = tpu.vector_load %arg13[%get3A_1193, %get3A_1194] {strides = array<i32>} : memref<512x64xf32, #tpu.memory_space<vmem>>, vector<16xf32>,
      %mul3A_1196 = arith.mulf %get3A_1192, %get3A_1195 : vector<16xf32>
      %add3A_1197 = arith.addf %add3A_1189, %mul3A_1196 : vector<16xf32>
      %get3A_1198 = arith.index_cast %add3A_1171 : i32 to index
      %get3A_1199 = arith.constant 48 : index
      %get3A_1200 = tpu.vector_load %arg12[%get3A_1198, %get3A_1199] {strides = array<i32>} : memref<512x64xf32, #tpu.memory_space<vmem>>, vector<16xf32>,
      %get3A_1201 = arith.index_cast %add3A_1171 : i32 to index
      %get3A_1202 = arith.constant 48 : index
      %get3A_1203 = tpu.vector_load %arg13[%get3A_1201, %get3A_1202] {strides = array<i32>} : memref<512x64xf32, #tpu.memory_space<vmem>>, vector<16xf32>,
      %mul3A_1204 = arith.mulf %get3A_1200, %get3A_1203 : vector<16xf32>
      %add3A_1205 = arith.addf %add3A_1197, %mul3A_1204 : vector<16xf32>
      %swap3A_1206 = arith.constant 208 : index
      %swap3A_1207 = tpu.vector_load %arg17[%swap3A_1206] {strides = array<i32>} : memref<256xf32, #tpu.memory_space<vmem>>, vector<16xf32>,
      tpu.vector_store %arg17[%swap3A_1206], %add3A_1205 {strides = array<i32>} : memref<256xf32, #tpu.memory_space<vmem>>, vector<16xf32>,
      %mul3A_1208 = arith.constant 16 : i32
      %mul3A_1209 = arith.muli %scan3A_649, %mul3A_1208 : i32
      %add3A_1210 = arith.constant 14 : i32
      %add3A_1211 = arith.addi %mul3A_1209, %add3A_1210 : i32
      %broadcast_in_dim3A_1212 = arith.constant 0.000000e+00 : f32
      %broadcast_in_dim3A_1213 = vector.broadcast %broadcast_in_dim3A_1212 : f32 to vector<16xf32>
      %get3A_1214 = arith.index_cast %add3A_1211 : i32 to index
      %get3A_1215 = arith.constant 0 : index
      %get3A_1216 = tpu.vector_load %arg12[%get3A_1214, %get3A_1215] {strides = array<i32>} : memref<512x64xf32, #tpu.memory_space<vmem>>, vector<16xf32>,
      %get3A_1217 = arith.index_cast %add3A_1211 : i32 to index
      %get3A_1218 = arith.constant 0 : index
      %get3A_1219 = tpu.vector_load %arg13[%get3A_1217, %get3A_1218] {strides = array<i32>} : memref<512x64xf32, #tpu.memory_space<vmem>>, vector<16xf32>,
      %mul3A_1220 = arith.mulf %get3A_1216, %get3A_1219 : vector<16xf32>
      %add3A_1221 = arith.addf %broadcast_in_dim3A_1213, %mul3A_1220 : vector<16xf32>
      %get3A_1222 = arith.index_cast %add3A_1211 : i32 to index
      %get3A_1223 = arith.constant 16 : index
      %get3A_1224 = tpu.vector_load %arg12[%get3A_1222, %get3A_1223] {strides = array<i32>} : memref<512x64xf32, #tpu.memory_space<vmem>>, vector<16xf32>,
      %get3A_1225 = arith.index_cast %add3A_1211 : i32 to index
      %get3A_1226 = arith.constant 16 : index
      %get3A_1227 = tpu.vector_load %arg13[%get3A_1225, %get3A_1226] {strides = array<i32>} : memref<512x64xf32, #tpu.memory_space<vmem>>, vector<16xf32>,
      %mul3A_1228 = arith.mulf %get3A_1224, %get3A_1227 : vector<16xf32>
      %add3A_1229 = arith.addf %add3A_1221, %mul3A_1228 : vector<16xf32>
      %get3A_1230 = arith.index_cast %add3A_1211 : i32 to index
      %get3A_1231 = arith.constant 32 : index
      %get3A_1232 = tpu.vector_load %arg12[%get3A_1230, %get3A_1231] {strides = array<i32>} : memref<512x64xf32, #tpu.memory_space<vmem>>, vector<16xf32>,
      %get3A_1233 = arith.index_cast %add3A_1211 : i32 to index
      %get3A_1234 = arith.constant 32 : index
      %get3A_1235 = tpu.vector_load %arg13[%get3A_1233, %get3A_1234] {strides = array<i32>} : memref<512x64xf32, #tpu.memory_space<vmem>>, vector<16xf32>,
      %mul3A_1236 = arith.mulf %get3A_1232, %get3A_1235 : vector<16xf32>
      %add3A_1237 = arith.addf %add3A_1229, %mul3A_1236 : vector<16xf32>
      %get3A_1238 = arith.index_cast %add3A_1211 : i32 to index
      %get3A_1239 = arith.constant 48 : index
      %get3A_1240 = tpu.vector_load %arg12[%get3A_1238, %get3A_1239] {strides = array<i32>} : memref<512x64xf32, #tpu.memory_space<vmem>>, vector<16xf32>,
      %get3A_1241 = arith.index_cast %add3A_1211 : i32 to index
      %get3A_1242 = arith.constant 48 : index
      %get3A_1243 = tpu.vector_load %arg13[%get3A_1241, %get3A_1242] {strides = array<i32>} : memref<512x64xf32, #tpu.memory_space<vmem>>, vector<16xf32>,
      %mul3A_1244 = arith.mulf %get3A_1240, %get3A_1243 : vector<16xf32>
      %add3A_1245 = arith.addf %add3A_1237, %mul3A_1244 : vector<16xf32>
      %swap3A_1246 = arith.constant 224 : index
      %swap3A_1247 = tpu.vector_load %arg17[%swap3A_1246] {strides = array<i32>} : memref<256xf32, #tpu.memory_space<vmem>>, vector<16xf32>,
      tpu.vector_store %arg17[%swap3A_1246], %add3A_1245 {strides = array<i32>} : memref<256xf32, #tpu.memory_space<vmem>>, vector<16xf32>,
      %mul3A_1248 = arith.constant 16 : i32
      %mul3A_1249 = arith.muli %scan3A_649, %mul3A_1248 : i32
      %add3A_1250 = arith.constant 15 : i32
      %add3A_1251 = arith.addi %mul3A_1249, %add3A_1250 : i32
      %broadcast_in_dim3A_1252 = arith.constant 0.000000e+00 : f32
      %broadcast_in_dim3A_1253 = vector.broadcast %broadcast_in_dim3A_1252 : f32 to vector<16xf32>
      %get3A_1254 = arith.index_cast %add3A_1251 : i32 to index
      %get3A_1255 = arith.constant 0 : index
      %get3A_1256 = tpu.vector_load %arg12[%get3A_1254, %get3A_1255] {strides = array<i32>} : memref<512x64xf32, #tpu.memory_space<vmem>>, vector<16xf32>,
      %get3A_1257 = arith.index_cast %add3A_1251 : i32 to index
      %get3A_1258 = arith.constant 0 : index
      %get3A_1259 = tpu.vector_load %arg13[%get3A_1257, %get3A_1258] {strides = array<i32>} : memref<512x64xf32, #tpu.memory_space<vmem>>, vector<16xf32>,
      %mul3A_1260 = arith.mulf %get3A_1256, %get3A_1259 : vector<16xf32>
      %add3A_1261 = arith.addf %broadcast_in_dim3A_1253, %mul3A_1260 : vector<16xf32>
      %get3A_1262 = arith.index_cast %add3A_1251 : i32 to index
      %get3A_1263 = arith.constant 16 : index
      %get3A_1264 = tpu.vector_load %arg12[%get3A_1262, %get3A_1263] {strides = array<i32>} : memref<512x64xf32, #tpu.memory_space<vmem>>, vector<16xf32>,
      %get3A_1265 = arith.index_cast %add3A_1251 : i32 to index
      %get3A_1266 = arith.constant 16 : index
      %get3A_1267 = tpu.vector_load %arg13[%get3A_1265, %get3A_1266] {strides = array<i32>} : memref<512x64xf32, #tpu.memory_space<vmem>>, vector<16xf32>,
      %mul3A_1268 = arith.mulf %get3A_1264, %get3A_1267 : vector<16xf32>
      %add3A_1269 = arith.addf %add3A_1261, %mul3A_1268 : vector<16xf32>
      %get3A_1270 = arith.index_cast %add3A_1251 : i32 to index
      %get3A_1271 = arith.constant 32 : index
      %get3A_1272 = tpu.vector_load %arg12[%get3A_1270, %get3A_1271] {strides = array<i32>} : memref<512x64xf32, #tpu.memory_space<vmem>>, vector<16xf32>,
      %get3A_1273 = arith.index_cast %add3A_1251 : i32 to index
      %get3A_1274 = arith.constant 32 : index
      %get3A_1275 = tpu.vector_load %arg13[%get3A_1273, %get3A_1274] {strides = array<i32>} : memref<512x64xf32, #tpu.memory_space<vmem>>, vector<16xf32>,
      %mul3A_1276 = arith.mulf %get3A_1272, %get3A_1275 : vector<16xf32>
      %add3A_1277 = arith.addf %add3A_1269, %mul3A_1276 : vector<16xf32>
      %get3A_1278 = arith.index_cast %add3A_1251 : i32 to index
      %get3A_1279 = arith.constant 48 : index
      %get3A_1280 = tpu.vector_load %arg12[%get3A_1278, %get3A_1279] {strides = array<i32>} : memref<512x64xf32, #tpu.memory_space<vmem>>, vector<16xf32>,
      %get3A_1281 = arith.index_cast %add3A_1251 : i32 to index
      %get3A_1282 = arith.constant 48 : index
      %get3A_1283 = tpu.vector_load %arg13[%get3A_1281, %get3A_1282] {strides = array<i32>} : memref<512x64xf32, #tpu.memory_space<vmem>>, vector<16xf32>,
      %mul3A_1284 = arith.mulf %get3A_1280, %get3A_1283 : vector<16xf32>
      %add3A_1285 = arith.addf %add3A_1277, %mul3A_1284 : vector<16xf32>
      %swap3A_1286 = arith.constant 240 : index
      %swap3A_1287 = tpu.vector_load %arg17[%swap3A_1286] {strides = array<i32>} : memref<256xf32, #tpu.memory_space<vmem>>, vector<16xf32>,
      tpu.vector_store %arg17[%swap3A_1286], %add3A_1285 {strides = array<i32>} : memref<256xf32, #tpu.memory_space<vmem>>, vector<16xf32>,
      %broadcast_in_dim3A_1288 = arith.constant 0.000000e+00 : f32
      %broadcast_in_dim3A_1289 = vector.broadcast %broadcast_in_dim3A_1288 : f32 to vector<16xf32>
      %add3A_1290 = arith.constant 0 : i32
      %add3A_1291 = vector.broadcast %add3A_1290 : i32 to vector<16xi32>
      %add3A_1292 = arith.addi %iota3A, %add3A_1291 : vector<16xi32>
      %and3A = arith.constant 15 : i32
      %and3A_1293 = vector.broadcast %and3A : i32 to vector<16xi32>
      %and3A_1294 = arith.andi %add3A_1292, %and3A_1293 : vector<16xi32>
      %add3A_1295 = arith.addi %mul3A_316, %and3A_1294 : vector<16xi32>
      %gather3A = tpu.vector_load_idx %arg17[%add3A_1295] : memref<256xf32, #tpu.memory_space<vmem>>[vector<16xi32>], vector<16xf32>,
      %add3A_1296 = arith.addf %broadcast_in_dim3A_1289, %gather3A : vector<16xf32>
      %add3A_1297 = arith.constant 1 : i32
      %add3A_1298 = vector.broadcast %add3A_1297 : i32 to vector<16xi32>
      %add3A_1299 = arith.addi %iota3A, %add3A_1298 : vector<16xi32>
      %and3A_1300 = arith.constant 15 : i32
      %and3A_1301 = vector.broadcast %and3A_1300 : i32 to vector<16xi32>
      %and3A_1302 = arith.andi %add3A_1299, %and3A_1301 : vector<16xi32>
      %add3A_1303 = arith.addi %mul3A_316, %and3A_1302 : vector<16xi32>
      %gather3A_1304 = tpu.vector_load_idx %arg17[%add3A_1303] : memref<256xf32, #tpu.memory_space<vmem>>[vector<16xi32>], vector<16xf32>,
      %add3A_1305 = arith.addf %add3A_1296, %gather3A_1304 : vector<16xf32>
      %add3A_1306 = arith.constant 2 : i32
      %add3A_1307 = vector.broadcast %add3A_1306 : i32 to vector<16xi32>
      %add3A_1308 = arith.addi %iota3A, %add3A_1307 : vector<16xi32>
      %and3A_1309 = arith.constant 15 : i32
      %and3A_1310 = vector.broadcast %and3A_1309 : i32 to vector<16xi32>
      %and3A_1311 = arith.andi %add3A_1308, %and3A_1310 : vector<16xi32>
      %add3A_1312 = arith.addi %mul3A_316, %and3A_1311 : vector<16xi32>
      %gather3A_1313 = tpu.vector_load_idx %arg17[%add3A_1312] : memref<256xf32, #tpu.memory_space<vmem>>[vector<16xi32>], vector<16xf32>,
      %add3A_1314 = arith.addf %add3A_1305, %gather3A_1313 : vector<16xf32>
      %add3A_1315 = arith.constant 3 : i32
      %add3A_1316 = vector.broadcast %add3A_1315 : i32 to vector<16xi32>
      %add3A_1317 = arith.addi %iota3A, %add3A_1316 : vector<16xi32>
      %and3A_1318 = arith.constant 15 : i32
      %and3A_1319 = vector.broadcast %and3A_1318 : i32 to vector<16xi32>
      %and3A_1320 = arith.andi %add3A_1317, %and3A_1319 : vector<16xi32>
      %add3A_1321 = arith.addi %mul3A_316, %and3A_1320 : vector<16xi32>
      %gather3A_1322 = tpu.vector_load_idx %arg17[%add3A_1321] : memref<256xf32, #tpu.memory_space<vmem>>[vector<16xi32>], vector<16xf32>,
      %add3A_1323 = arith.addf %add3A_1314, %gather3A_1322 : vector<16xf32>
      %add3A_1324 = arith.constant 4 : i32
      %add3A_1325 = vector.broadcast %add3A_1324 : i32 to vector<16xi32>
      %add3A_1326 = arith.addi %iota3A, %add3A_1325 : vector<16xi32>
      %and3A_1327 = arith.constant 15 : i32
      %and3A_1328 = vector.broadcast %and3A_1327 : i32 to vector<16xi32>
      %and3A_1329 = arith.andi %add3A_1326, %and3A_1328 : vector<16xi32>
      %add3A_1330 = arith.addi %mul3A_316, %and3A_1329 : vector<16xi32>
      %gather3A_1331 = tpu.vector_load_idx %arg17[%add3A_1330] : memref<256xf32, #tpu.memory_space<vmem>>[vector<16xi32>], vector<16xf32>,
      %add3A_1332 = arith.addf %add3A_1323, %gather3A_1331 : vector<16xf32>
      %add3A_1333 = arith.constant 5 : i32
      %add3A_1334 = vector.broadcast %add3A_1333 : i32 to vector<16xi32>
      %add3A_1335 = arith.addi %iota3A, %add3A_1334 : vector<16xi32>
      %and3A_1336 = arith.constant 15 : i32
      %and3A_1337 = vector.broadcast %and3A_1336 : i32 to vector<16xi32>
      %and3A_1338 = arith.andi %add3A_1335, %and3A_1337 : vector<16xi32>
      %add3A_1339 = arith.addi %mul3A_316, %and3A_1338 : vector<16xi32>
      %gather3A_1340 = tpu.vector_load_idx %arg17[%add3A_1339] : memref<256xf32, #tpu.memory_space<vmem>>[vector<16xi32>], vector<16xf32>,
      %add3A_1341 = arith.addf %add3A_1332, %gather3A_1340 : vector<16xf32>
      %add3A_1342 = arith.constant 6 : i32
      %add3A_1343 = vector.broadcast %add3A_1342 : i32 to vector<16xi32>
      %add3A_1344 = arith.addi %iota3A, %add3A_1343 : vector<16xi32>
      %and3A_1345 = arith.constant 15 : i32
      %and3A_1346 = vector.broadcast %and3A_1345 : i32 to vector<16xi32>
      %and3A_1347 = arith.andi %add3A_1344, %and3A_1346 : vector<16xi32>
      %add3A_1348 = arith.addi %mul3A_316, %and3A_1347 : vector<16xi32>
      %gather3A_1349 = tpu.vector_load_idx %arg17[%add3A_1348] : memref<256xf32, #tpu.memory_space<vmem>>[vector<16xi32>], vector<16xf32>,
      %add3A_1350 = arith.addf %add3A_1341, %gather3A_1349 : vector<16xf32>
      %add3A_1351 = arith.constant 7 : i32
      %add3A_1352 = vector.broadcast %add3A_1351 : i32 to vector<16xi32>
      %add3A_1353 = arith.addi %iota3A, %add3A_1352 : vector<16xi32>
      %and3A_1354 = arith.constant 15 : i32
      %and3A_1355 = vector.broadcast %and3A_1354 : i32 to vector<16xi32>
      %and3A_1356 = arith.andi %add3A_1353, %and3A_1355 : vector<16xi32>
      %add3A_1357 = arith.addi %mul3A_316, %and3A_1356 : vector<16xi32>
      %gather3A_1358 = tpu.vector_load_idx %arg17[%add3A_1357] : memref<256xf32, #tpu.memory_space<vmem>>[vector<16xi32>], vector<16xf32>,
      %add3A_1359 = arith.addf %add3A_1350, %gather3A_1358 : vector<16xf32>
      %add3A_1360 = arith.constant 8 : i32
      %add3A_1361 = vector.broadcast %add3A_1360 : i32 to vector<16xi32>
      %add3A_1362 = arith.addi %iota3A, %add3A_1361 : vector<16xi32>
      %and3A_1363 = arith.constant 15 : i32
      %and3A_1364 = vector.broadcast %and3A_1363 : i32 to vector<16xi32>
      %and3A_1365 = arith.andi %add3A_1362, %and3A_1364 : vector<16xi32>
      %add3A_1366 = arith.addi %mul3A_316, %and3A_1365 : vector<16xi32>
      %gather3A_1367 = tpu.vector_load_idx %arg17[%add3A_1366] : memref<256xf32, #tpu.memory_space<vmem>>[vector<16xi32>], vector<16xf32>,
      %add3A_1368 = arith.addf %add3A_1359, %gather3A_1367 : vector<16xf32>
      %add3A_1369 = arith.constant 9 : i32
      %add3A_1370 = vector.broadcast %add3A_1369 : i32 to vector<16xi32>
      %add3A_1371 = arith.addi %iota3A, %add3A_1370 : vector<16xi32>
      %and3A_1372 = arith.constant 15 : i32
      %and3A_1373 = vector.broadcast %and3A_1372 : i32 to vector<16xi32>
      %and3A_1374 = arith.andi %add3A_1371, %and3A_1373 : vector<16xi32>
      %add3A_1375 = arith.addi %mul3A_316, %and3A_1374 : vector<16xi32>
      %gather3A_1376 = tpu.vector_load_idx %arg17[%add3A_1375] : memref<256xf32, #tpu.memory_space<vmem>>[vector<16xi32>], vector<16xf32>,
      %add3A_1377 = arith.addf %add3A_1368, %gather3A_1376 : vector<16xf32>
      %add3A_1378 = arith.constant 10 : i32
      %add3A_1379 = vector.broadcast %add3A_1378 : i32 to vector<16xi32>
      %add3A_1380 = arith.addi %iota3A, %add3A_1379 : vector<16xi32>
      %and3A_1381 = arith.constant 15 : i32
      %and3A_1382 = vector.broadcast %and3A_1381 : i32 to vector<16xi32>
      %and3A_1383 = arith.andi %add3A_1380, %and3A_1382 : vector<16xi32>
      %add3A_1384 = arith.addi %mul3A_316, %and3A_1383 : vector<16xi32>
      %gather3A_1385 = tpu.vector_load_idx %arg17[%add3A_1384] : memref<256xf32, #tpu.memory_space<vmem>>[vector<16xi32>], vector<16xf32>,
      %add3A_1386 = arith.addf %add3A_1377, %gather3A_1385 : vector<16xf32>
      %add3A_1387 = arith.constant 11 : i32
      %add3A_1388 = vector.broadcast %add3A_1387 : i32 to vector<16xi32>
      %add3A_1389 = arith.addi %iota3A, %add3A_1388 : vector<16xi32>
      %and3A_1390 = arith.constant 15 : i32
      %and3A_1391 = vector.broadcast %and3A_1390 : i32 to vector<16xi32>
      %and3A_1392 = arith.andi %add3A_1389, %and3A_1391 : vector<16xi32>
      %add3A_1393 = arith.addi %mul3A_316, %and3A_1392 : vector<16xi32>
      %gather3A_1394 = tpu.vector_load_idx %arg17[%add3A_1393] : memref<256xf32, #tpu.memory_space<vmem>>[vector<16xi32>], vector<16xf32>,
      %add3A_1395 = arith.addf %add3A_1386, %gather3A_1394 : vector<16xf32>
      %add3A_1396 = arith.constant 12 : i32
      %add3A_1397 = vector.broadcast %add3A_1396 : i32 to vector<16xi32>
      %add3A_1398 = arith.addi %iota3A, %add3A_1397 : vector<16xi32>
      %and3A_1399 = arith.constant 15 : i32
      %and3A_1400 = vector.broadcast %and3A_1399 : i32 to vector<16xi32>
      %and3A_1401 = arith.andi %add3A_1398, %and3A_1400 : vector<16xi32>
      %add3A_1402 = arith.addi %mul3A_316, %and3A_1401 : vector<16xi32>
      %gather3A_1403 = tpu.vector_load_idx %arg17[%add3A_1402] : memref<256xf32, #tpu.memory_space<vmem>>[vector<16xi32>], vector<16xf32>,
      %add3A_1404 = arith.addf %add3A_1395, %gather3A_1403 : vector<16xf32>
      %add3A_1405 = arith.constant 13 : i32
      %add3A_1406 = vector.broadcast %add3A_1405 : i32 to vector<16xi32>
      %add3A_1407 = arith.addi %iota3A, %add3A_1406 : vector<16xi32>
      %and3A_1408 = arith.constant 15 : i32
      %and3A_1409 = vector.broadcast %and3A_1408 : i32 to vector<16xi32>
      %and3A_1410 = arith.andi %add3A_1407, %and3A_1409 : vector<16xi32>
      %add3A_1411 = arith.addi %mul3A_316, %and3A_1410 : vector<16xi32>
      %gather3A_1412 = tpu.vector_load_idx %arg17[%add3A_1411] : memref<256xf32, #tpu.memory_space<vmem>>[vector<16xi32>], vector<16xf32>,
      %add3A_1413 = arith.addf %add3A_1404, %gather3A_1412 : vector<16xf32>
      %add3A_1414 = arith.constant 14 : i32
      %add3A_1415 = vector.broadcast %add3A_1414 : i32 to vector<16xi32>
      %add3A_1416 = arith.addi %iota3A, %add3A_1415 : vector<16xi32>
      %and3A_1417 = arith.constant 15 : i32
      %and3A_1418 = vector.broadcast %and3A_1417 : i32 to vector<16xi32>
      %and3A_1419 = arith.andi %add3A_1416, %and3A_1418 : vector<16xi32>
      %add3A_1420 = arith.addi %mul3A_316, %and3A_1419 : vector<16xi32>
      %gather3A_1421 = tpu.vector_load_idx %arg17[%add3A_1420] : memref<256xf32, #tpu.memory_space<vmem>>[vector<16xi32>], vector<16xf32>,
      %add3A_1422 = arith.addf %add3A_1413, %gather3A_1421 : vector<16xf32>
      %add3A_1423 = arith.constant 15 : i32
      %add3A_1424 = vector.broadcast %add3A_1423 : i32 to vector<16xi32>
      %add3A_1425 = arith.addi %iota3A, %add3A_1424 : vector<16xi32>
      %and3A_1426 = arith.constant 15 : i32
      %and3A_1427 = vector.broadcast %and3A_1426 : i32 to vector<16xi32>
      %and3A_1428 = arith.andi %add3A_1425, %and3A_1427 : vector<16xi32>
      %add3A_1429 = arith.addi %mul3A_316, %and3A_1428 : vector<16xi32>
      %gather3A_1430 = tpu.vector_load_idx %arg17[%add3A_1429] : memref<256xf32, #tpu.memory_space<vmem>>[vector<16xi32>], vector<16xf32>,
      %add3A_1431 = arith.addf %add3A_1422, %gather3A_1430 : vector<16xf32>
      %mul3A_1432 = arith.constant 16 : i32
      %mul3A_1433 = arith.muli %scan3A_649, %mul3A_1432 : i32
      %get3A_1434 = arith.index_cast %mul3A_1433 : i32 to index
      %get3A_1435 = tpu.vector_load %arg14[%get3A_1434] {strides = array<i32>} : memref<512xf32, #tpu.memory_space<vmem>>, vector<16xf32>,
      %mul3A_1436 = arith.constant 16 : i32
      %mul3A_1437 = arith.muli %scan3A_649, %mul3A_1436 : i32
      %get3A_1438 = arith.index_cast %mul3A_1437 : i32 to index
      %get3A_1439 = tpu.vector_load %arg15[%get3A_1438] {strides = array<i32>} : memref<512xf32, #tpu.memory_space<vmem>>, vector<16xf32>,
      %add3A_1440 = arith.addf %add3A_1431, %get3A_1435 : vector<16xf32>
      %add3A_1441 = arith.addf %add3A_1440, %get3A_1439 : vector<16xf32>
      %add3A_1442 = arith.addf %add3A_1441, %get3A_317 : vector<16xf32>
      %mul3A_1443 = arith.constant 16 : i32
      %mul3A_1444 = arith.muli %scan3A_649, %mul3A_1443 : i32
      %swap3A_1445 = arith.index_cast %mul3A_1444 : i32 to index
      %swap3A_1446 = tpu.vector_load %arg18[%swap3A_1445] {strides = array<i32>} : memref<512xf32, #tpu.memory_space<vmem>>, vector<16xf32>,
      tpu.vector_store %arg18[%swap3A_1445], %add3A_1442 {strides = array<i32>} : memref<512xf32, #tpu.memory_space<vmem>>, vector<16xf32>,
    }
    %scan3A_321 = arith.constant 32 : i32
    "tpu.region"() ({
      %run_scoped3A_649 = tpu.sem_alloc : memref<!tpu.dma_semaphore, #tpu.memory_space<semaphore_mem>>
      %dma_start3A_650 = tpu.memref_slice %arg9[%mul3A_4] : memref<16384xf32, #tpu.memory_space<hbm>> -> memref<512xf32, #tpu.memory_space<hbm>>
      %dma_start3A_651 = tpu.memref_slice %arg9[%mul3A_4] : memref<16384xf32, #tpu.memory_space<hbm>> -> memref<512xf32, #tpu.memory_space<hbm>>
      tpu.enqueue_dma source(%arg18 : memref<512xf32, #tpu.memory_space<vmem>>) target(%dma_start3A_651 : memref<512xf32, #tpu.memory_space<hbm>>) target_semaphore(%run_scoped3A_649 : memref<!tpu.dma_semaphore, #tpu.memory_space<semaphore_mem>>)
      %dma_wait3A_652 = tpu.memref_slice %arg9[%mul3A_4] : memref<16384xf32, #tpu.memory_space<hbm>> -> memref<512xf32, #tpu.memory_space<hbm>>
      %dma_wait3A_653 = tpu.memref_slice %arg9[%mul3A_4] : memref<16384xf32, #tpu.memory_space<hbm>> -> memref<512xf32, #tpu.memory_space<hbm>>
      tpu.wait_dma2 semaphore(%run_scoped3A_649 : memref<!tpu.dma_semaphore, #tpu.memory_space<semaphore_mem>>) src(%arg18 : memref<512xf32, #tpu.memory_space<vmem>>) dst(%dma_wait3A_653 : memref<512xf32, #tpu.memory_space<hbm>>)
      tpu.yield
    }) : () -> ()
    %add3A_322 = arith.constant 16 : i32
    %add3A_323 = arith.addi %add3A_322, %add3A : i32
    %mul3A_324 = arith.constant 512 : i32
    %mul3A_325 = arith.muli %add3A_323, %mul3A_324 : i32
    %add3A_326 = arith.constant 0 : i32
    %add3A_327 = arith.addi %mul3A_325, %add3A_326 : i32
    %run_scoped3A_328 = arith.constant 0 : i32
    "tpu.region"() ({
      %run_scoped3A_649 = tpu.sem_alloc : memref<!tpu.dma_semaphore, #tpu.memory_space<semaphore_mem>>
      %dma_start3A_650 = arith.constant 0 : i32
      %dma_start3A_651 = tpu.memref_slice %arg10[%run_scoped3A_328, %dma_start3A_650] : memref<4x128xi32, #tpu.memory_space<vmem>> -> memref<1x128xi32, #tpu.memory_space<vmem>>
      %dma_start3A_652 = tpu.memref_squeeze %dma_start3A_651 : memref<1x128xi32, #tpu.memory_space<vmem>> -> memref<128xi32, #tpu.memory_space<vmem>>
      %dma_start3A_653 = tpu.memref_slice %arg2[%add3A_327] : memref<16384xi32, #tpu.memory_space<hbm>> -> memref<128xi32, #tpu.memory_space<hbm>>
      %dma_start3A_654 = arith.constant 0 : i32
      %dma_start3A_655 = tpu.memref_slice %arg10[%run_scoped3A_328, %dma_start3A_654] : memref<4x128xi32, #tpu.memory_space<vmem>> -> memref<1x128xi32, #tpu.memory_space<vmem>>
      %dma_start3A_656 = tpu.memref_squeeze %dma_start3A_655 : memref<1x128xi32, #tpu.memory_space<vmem>> -> memref<128xi32, #tpu.memory_space<vmem>>
      %dma_start3A_657 = tpu.memref_slice %arg2[%add3A_327] : memref<16384xi32, #tpu.memory_space<hbm>> -> memref<128xi32, #tpu.memory_space<hbm>>
      tpu.enqueue_dma source(%dma_start3A_657 : memref<128xi32, #tpu.memory_space<hbm>>) target(%dma_start3A_656 : memref<128xi32, #tpu.memory_space<vmem>>) target_semaphore(%run_scoped3A_649 : memref<!tpu.dma_semaphore, #tpu.memory_space<semaphore_mem>>)
      %dma_wait3A_658 = arith.constant 0 : i32
      %dma_wait3A_659 = tpu.memref_slice %arg10[%run_scoped3A_328, %dma_wait3A_658] : memref<4x128xi32, #tpu.memory_space<vmem>> -> memref<1x128xi32, #tpu.memory_space<vmem>>
      %dma_wait3A_660 = tpu.memref_squeeze %dma_wait3A_659 : memref<1x128xi32, #tpu.memory_space<vmem>> -> memref<128xi32, #tpu.memory_space<vmem>>
      %dma_wait3A_661 = tpu.memref_slice %arg2[%add3A_327] : memref<16384xi32, #tpu.memory_space<hbm>> -> memref<128xi32, #tpu.memory_space<hbm>>
      %dma_wait3A_662 = arith.constant 0 : i32
      %dma_wait3A_663 = tpu.memref_slice %arg10[%run_scoped3A_328, %dma_wait3A_662] : memref<4x128xi32, #tpu.memory_space<vmem>> -> memref<1x128xi32, #tpu.memory_space<vmem>>
      %dma_wait3A_664 = tpu.memref_squeeze %dma_wait3A_663 : memref<1x128xi32, #tpu.memory_space<vmem>> -> memref<128xi32, #tpu.memory_space<vmem>>
      %dma_wait3A_665 = tpu.memref_slice %arg2[%add3A_327] : memref<16384xi32, #tpu.memory_space<hbm>> -> memref<128xi32, #tpu.memory_space<hbm>>
      tpu.wait_dma2 semaphore(%run_scoped3A_649 : memref<!tpu.dma_semaphore, #tpu.memory_space<semaphore_mem>>) src(%dma_wait3A_665 : memref<128xi32, #tpu.memory_space<hbm>>) dst(%dma_wait3A_664 : memref<128xi32, #tpu.memory_space<vmem>>)
      tpu.yield
    }) : () -> ()
    %add3A_329 = arith.constant 0 : i32
    %add3A_330 = arith.addi %mul3A_325, %add3A_329 : i32
    %run_scoped3A_331 = arith.constant 0 : i32
    "tpu.region"() ({
      %run_scoped3A_649 = tpu.sem_alloc : memref<!tpu.dma_semaphore, #tpu.memory_space<semaphore_mem>>
      %dma_start3A_650 = arith.constant 0 : i32
      %dma_start3A_651 = tpu.memref_slice %arg11[%run_scoped3A_331, %dma_start3A_650] : memref<4x128xi32, #tpu.memory_space<vmem>> -> memref<1x128xi32, #tpu.memory_space<vmem>>
      %dma_start3A_652 = tpu.memref_squeeze %dma_start3A_651 : memref<1x128xi32, #tpu.memory_space<vmem>> -> memref<128xi32, #tpu.memory_space<vmem>>
      %dma_start3A_653 = tpu.memref_slice %arg3[%add3A_330] : memref<16384xi32, #tpu.memory_space<hbm>> -> memref<128xi32, #tpu.memory_space<hbm>>
      %dma_start3A_654 = arith.constant 0 : i32
      %dma_start3A_655 = tpu.memref_slice %arg11[%run_scoped3A_331, %dma_start3A_654] : memref<4x128xi32, #tpu.memory_space<vmem>> -> memref<1x128xi32, #tpu.memory_space<vmem>>
      %dma_start3A_656 = tpu.memref_squeeze %dma_start3A_655 : memref<1x128xi32, #tpu.memory_space<vmem>> -> memref<128xi32, #tpu.memory_space<vmem>>
      %dma_start3A_657 = tpu.memref_slice %arg3[%add3A_330] : memref<16384xi32, #tpu.memory_space<hbm>> -> memref<128xi32, #tpu.memory_space<hbm>>
      tpu.enqueue_dma source(%dma_start3A_657 : memref<128xi32, #tpu.memory_space<hbm>>) target(%dma_start3A_656 : memref<128xi32, #tpu.memory_space<vmem>>) target_semaphore(%run_scoped3A_649 : memref<!tpu.dma_semaphore, #tpu.memory_space<semaphore_mem>>)
      %dma_wait3A_658 = arith.constant 0 : i32
      %dma_wait3A_659 = tpu.memref_slice %arg11[%run_scoped3A_331, %dma_wait3A_658] : memref<4x128xi32, #tpu.memory_space<vmem>> -> memref<1x128xi32, #tpu.memory_space<vmem>>
      %dma_wait3A_660 = tpu.memref_squeeze %dma_wait3A_659 : memref<1x128xi32, #tpu.memory_space<vmem>> -> memref<128xi32, #tpu.memory_space<vmem>>
      %dma_wait3A_661 = tpu.memref_slice %arg3[%add3A_330] : memref<16384xi32, #tpu.memory_space<hbm>> -> memref<128xi32, #tpu.memory_space<hbm>>
      %dma_wait3A_662 = arith.constant 0 : i32
      %dma_wait3A_663 = tpu.memref_slice %arg11[%run_scoped3A_331, %dma_wait3A_662] : memref<4x128xi32, #tpu.memory_space<vmem>> -> memref<1x128xi32, #tpu.memory_space<vmem>>
      %dma_wait3A_664 = tpu.memref_squeeze %dma_wait3A_663 : memref<1x128xi32, #tpu.memory_space<vmem>> -> memref<128xi32, #tpu.memory_space<vmem>>
      %dma_wait3A_665 = tpu.memref_slice %arg3[%add3A_330] : memref<16384xi32, #tpu.memory_space<hbm>> -> memref<128xi32, #tpu.memory_space<hbm>>
      tpu.wait_dma2 semaphore(%run_scoped3A_649 : memref<!tpu.dma_semaphore, #tpu.memory_space<semaphore_mem>>) src(%dma_wait3A_665 : memref<128xi32, #tpu.memory_space<hbm>>) dst(%dma_wait3A_664 : memref<128xi32, #tpu.memory_space<vmem>>)
      tpu.yield
    }) : () -> ()
    %add3A_332 = arith.constant 128 : i32
    %add3A_333 = arith.addi %mul3A_325, %add3A_332 : i32
    %run_scoped3A_334 = arith.constant 1 : i32
    "tpu.region"() ({
      %run_scoped3A_649 = tpu.sem_alloc : memref<!tpu.dma_semaphore, #tpu.memory_space<semaphore_mem>>
      %dma_start3A_650 = arith.constant 0 : i32
      %dma_start3A_651 = tpu.memref_slice %arg10[%run_scoped3A_334, %dma_start3A_650] : memref<4x128xi32, #tpu.memory_space<vmem>> -> memref<1x128xi32, #tpu.memory_space<vmem>>
      %dma_start3A_652 = tpu.memref_squeeze %dma_start3A_651 : memref<1x128xi32, #tpu.memory_space<vmem>> -> memref<128xi32, #tpu.memory_space<vmem>>
      %dma_start3A_653 = tpu.memref_slice %arg2[%add3A_333] : memref<16384xi32, #tpu.memory_space<hbm>> -> memref<128xi32, #tpu.memory_space<hbm>>
      %dma_start3A_654 = arith.constant 0 : i32
      %dma_start3A_655 = tpu.memref_slice %arg10[%run_scoped3A_334, %dma_start3A_654] : memref<4x128xi32, #tpu.memory_space<vmem>> -> memref<1x128xi32, #tpu.memory_space<vmem>>
      %dma_start3A_656 = tpu.memref_squeeze %dma_start3A_655 : memref<1x128xi32, #tpu.memory_space<vmem>> -> memref<128xi32, #tpu.memory_space<vmem>>
      %dma_start3A_657 = tpu.memref_slice %arg2[%add3A_333] : memref<16384xi32, #tpu.memory_space<hbm>> -> memref<128xi32, #tpu.memory_space<hbm>>
      tpu.enqueue_dma source(%dma_start3A_657 : memref<128xi32, #tpu.memory_space<hbm>>) target(%dma_start3A_656 : memref<128xi32, #tpu.memory_space<vmem>>) target_semaphore(%run_scoped3A_649 : memref<!tpu.dma_semaphore, #tpu.memory_space<semaphore_mem>>)
      %dma_wait3A_658 = arith.constant 0 : i32
      %dma_wait3A_659 = tpu.memref_slice %arg10[%run_scoped3A_334, %dma_wait3A_658] : memref<4x128xi32, #tpu.memory_space<vmem>> -> memref<1x128xi32, #tpu.memory_space<vmem>>
      %dma_wait3A_660 = tpu.memref_squeeze %dma_wait3A_659 : memref<1x128xi32, #tpu.memory_space<vmem>> -> memref<128xi32, #tpu.memory_space<vmem>>
      %dma_wait3A_661 = tpu.memref_slice %arg2[%add3A_333] : memref<16384xi32, #tpu.memory_space<hbm>> -> memref<128xi32, #tpu.memory_space<hbm>>
      %dma_wait3A_662 = arith.constant 0 : i32
      %dma_wait3A_663 = tpu.memref_slice %arg10[%run_scoped3A_334, %dma_wait3A_662] : memref<4x128xi32, #tpu.memory_space<vmem>> -> memref<1x128xi32, #tpu.memory_space<vmem>>
      %dma_wait3A_664 = tpu.memref_squeeze %dma_wait3A_663 : memref<1x128xi32, #tpu.memory_space<vmem>> -> memref<128xi32, #tpu.memory_space<vmem>>
      %dma_wait3A_665 = tpu.memref_slice %arg2[%add3A_333] : memref<16384xi32, #tpu.memory_space<hbm>> -> memref<128xi32, #tpu.memory_space<hbm>>
      tpu.wait_dma2 semaphore(%run_scoped3A_649 : memref<!tpu.dma_semaphore, #tpu.memory_space<semaphore_mem>>) src(%dma_wait3A_665 : memref<128xi32, #tpu.memory_space<hbm>>) dst(%dma_wait3A_664 : memref<128xi32, #tpu.memory_space<vmem>>)
      tpu.yield
    }) : () -> ()
    %add3A_335 = arith.constant 128 : i32
    %add3A_336 = arith.addi %mul3A_325, %add3A_335 : i32
    %run_scoped3A_337 = arith.constant 1 : i32
    "tpu.region"() ({
      %run_scoped3A_649 = tpu.sem_alloc : memref<!tpu.dma_semaphore, #tpu.memory_space<semaphore_mem>>
      %dma_start3A_650 = arith.constant 0 : i32
      %dma_start3A_651 = tpu.memref_slice %arg11[%run_scoped3A_337, %dma_start3A_650] : memref<4x128xi32, #tpu.memory_space<vmem>> -> memref<1x128xi32, #tpu.memory_space<vmem>>
      %dma_start3A_652 = tpu.memref_squeeze %dma_start3A_651 : memref<1x128xi32, #tpu.memory_space<vmem>> -> memref<128xi32, #tpu.memory_space<vmem>>
      %dma_start3A_653 = tpu.memref_slice %arg3[%add3A_336] : memref<16384xi32, #tpu.memory_space<hbm>> -> memref<128xi32, #tpu.memory_space<hbm>>
      %dma_start3A_654 = arith.constant 0 : i32
      %dma_start3A_655 = tpu.memref_slice %arg11[%run_scoped3A_337, %dma_start3A_654] : memref<4x128xi32, #tpu.memory_space<vmem>> -> memref<1x128xi32, #tpu.memory_space<vmem>>
      %dma_start3A_656 = tpu.memref_squeeze %dma_start3A_655 : memref<1x128xi32, #tpu.memory_space<vmem>> -> memref<128xi32, #tpu.memory_space<vmem>>
      %dma_start3A_657 = tpu.memref_slice %arg3[%add3A_336] : memref<16384xi32, #tpu.memory_space<hbm>> -> memref<128xi32, #tpu.memory_space<hbm>>
      tpu.enqueue_dma source(%dma_start3A_657 : memref<128xi32, #tpu.memory_space<hbm>>) target(%dma_start3A_656 : memref<128xi32, #tpu.memory_space<vmem>>) target_semaphore(%run_scoped3A_649 : memref<!tpu.dma_semaphore, #tpu.memory_space<semaphore_mem>>)
      %dma_wait3A_658 = arith.constant 0 : i32
      %dma_wait3A_659 = tpu.memref_slice %arg11[%run_scoped3A_337, %dma_wait3A_658] : memref<4x128xi32, #tpu.memory_space<vmem>> -> memref<1x128xi32, #tpu.memory_space<vmem>>
      %dma_wait3A_660 = tpu.memref_squeeze %dma_wait3A_659 : memref<1x128xi32, #tpu.memory_space<vmem>> -> memref<128xi32, #tpu.memory_space<vmem>>
      %dma_wait3A_661 = tpu.memref_slice %arg3[%add3A_336] : memref<16384xi32, #tpu.memory_space<hbm>> -> memref<128xi32, #tpu.memory_space<hbm>>
      %dma_wait3A_662 = arith.constant 0 : i32
      %dma_wait3A_663 = tpu.memref_slice %arg11[%run_scoped3A_337, %dma_wait3A_662] : memref<4x128xi32, #tpu.memory_space<vmem>> -> memref<1x128xi32, #tpu.memory_space<vmem>>
      %dma_wait3A_664 = tpu.memref_squeeze %dma_wait3A_663 : memref<1x128xi32, #tpu.memory_space<vmem>> -> memref<128xi32, #tpu.memory_space<vmem>>
      %dma_wait3A_665 = tpu.memref_slice %arg3[%add3A_336] : memref<16384xi32, #tpu.memory_space<hbm>> -> memref<128xi32, #tpu.memory_space<hbm>>
      tpu.wait_dma2 semaphore(%run_scoped3A_649 : memref<!tpu.dma_semaphore, #tpu.memory_space<semaphore_mem>>) src(%dma_wait3A_665 : memref<128xi32, #tpu.memory_space<hbm>>) dst(%dma_wait3A_664 : memref<128xi32, #tpu.memory_space<vmem>>)
      tpu.yield
    }) : () -> ()
    %add3A_338 = arith.constant 256 : i32
    %add3A_339 = arith.addi %mul3A_325, %add3A_338 : i32
    %run_scoped3A_340 = arith.constant 2 : i32
    "tpu.region"() ({
      %run_scoped3A_649 = tpu.sem_alloc : memref<!tpu.dma_semaphore, #tpu.memory_space<semaphore_mem>>
      %dma_start3A_650 = arith.constant 0 : i32
      %dma_start3A_651 = tpu.memref_slice %arg10[%run_scoped3A_340, %dma_start3A_650] : memref<4x128xi32, #tpu.memory_space<vmem>> -> memref<1x128xi32, #tpu.memory_space<vmem>>
      %dma_start3A_652 = tpu.memref_squeeze %dma_start3A_651 : memref<1x128xi32, #tpu.memory_space<vmem>> -> memref<128xi32, #tpu.memory_space<vmem>>
      %dma_start3A_653 = tpu.memref_slice %arg2[%add3A_339] : memref<16384xi32, #tpu.memory_space<hbm>> -> memref<128xi32, #tpu.memory_space<hbm>>
      %dma_start3A_654 = arith.constant 0 : i32
      %dma_start3A_655 = tpu.memref_slice %arg10[%run_scoped3A_340, %dma_start3A_654] : memref<4x128xi32, #tpu.memory_space<vmem>> -> memref<1x128xi32, #tpu.memory_space<vmem>>
      %dma_start3A_656 = tpu.memref_squeeze %dma_start3A_655 : memref<1x128xi32, #tpu.memory_space<vmem>> -> memref<128xi32, #tpu.memory_space<vmem>>
      %dma_start3A_657 = tpu.memref_slice %arg2[%add3A_339] : memref<16384xi32, #tpu.memory_space<hbm>> -> memref<128xi32, #tpu.memory_space<hbm>>
      tpu.enqueue_dma source(%dma_start3A_657 : memref<128xi32, #tpu.memory_space<hbm>>) target(%dma_start3A_656 : memref<128xi32, #tpu.memory_space<vmem>>) target_semaphore(%run_scoped3A_649 : memref<!tpu.dma_semaphore, #tpu.memory_space<semaphore_mem>>)
      %dma_wait3A_658 = arith.constant 0 : i32
      %dma_wait3A_659 = tpu.memref_slice %arg10[%run_scoped3A_340, %dma_wait3A_658] : memref<4x128xi32, #tpu.memory_space<vmem>> -> memref<1x128xi32, #tpu.memory_space<vmem>>
      %dma_wait3A_660 = tpu.memref_squeeze %dma_wait3A_659 : memref<1x128xi32, #tpu.memory_space<vmem>> -> memref<128xi32, #tpu.memory_space<vmem>>
      %dma_wait3A_661 = tpu.memref_slice %arg2[%add3A_339] : memref<16384xi32, #tpu.memory_space<hbm>> -> memref<128xi32, #tpu.memory_space<hbm>>
      %dma_wait3A_662 = arith.constant 0 : i32
      %dma_wait3A_663 = tpu.memref_slice %arg10[%run_scoped3A_340, %dma_wait3A_662] : memref<4x128xi32, #tpu.memory_space<vmem>> -> memref<1x128xi32, #tpu.memory_space<vmem>>
      %dma_wait3A_664 = tpu.memref_squeeze %dma_wait3A_663 : memref<1x128xi32, #tpu.memory_space<vmem>> -> memref<128xi32, #tpu.memory_space<vmem>>
      %dma_wait3A_665 = tpu.memref_slice %arg2[%add3A_339] : memref<16384xi32, #tpu.memory_space<hbm>> -> memref<128xi32, #tpu.memory_space<hbm>>
      tpu.wait_dma2 semaphore(%run_scoped3A_649 : memref<!tpu.dma_semaphore, #tpu.memory_space<semaphore_mem>>) src(%dma_wait3A_665 : memref<128xi32, #tpu.memory_space<hbm>>) dst(%dma_wait3A_664 : memref<128xi32, #tpu.memory_space<vmem>>)
      tpu.yield
    }) : () -> ()
    %add3A_341 = arith.constant 256 : i32
    %add3A_342 = arith.addi %mul3A_325, %add3A_341 : i32
    %run_scoped3A_343 = arith.constant 2 : i32
    "tpu.region"() ({
      %run_scoped3A_649 = tpu.sem_alloc : memref<!tpu.dma_semaphore, #tpu.memory_space<semaphore_mem>>
      %dma_start3A_650 = arith.constant 0 : i32
      %dma_start3A_651 = tpu.memref_slice %arg11[%run_scoped3A_343, %dma_start3A_650] : memref<4x128xi32, #tpu.memory_space<vmem>> -> memref<1x128xi32, #tpu.memory_space<vmem>>
      %dma_start3A_652 = tpu.memref_squeeze %dma_start3A_651 : memref<1x128xi32, #tpu.memory_space<vmem>> -> memref<128xi32, #tpu.memory_space<vmem>>
      %dma_start3A_653 = tpu.memref_slice %arg3[%add3A_342] : memref<16384xi32, #tpu.memory_space<hbm>> -> memref<128xi32, #tpu.memory_space<hbm>>
      %dma_start3A_654 = arith.constant 0 : i32
      %dma_start3A_655 = tpu.memref_slice %arg11[%run_scoped3A_343, %dma_start3A_654] : memref<4x128xi32, #tpu.memory_space<vmem>> -> memref<1x128xi32, #tpu.memory_space<vmem>>
      %dma_start3A_656 = tpu.memref_squeeze %dma_start3A_655 : memref<1x128xi32, #tpu.memory_space<vmem>> -> memref<128xi32, #tpu.memory_space<vmem>>
      %dma_start3A_657 = tpu.memref_slice %arg3[%add3A_342] : memref<16384xi32, #tpu.memory_space<hbm>> -> memref<128xi32, #tpu.memory_space<hbm>>
      tpu.enqueue_dma source(%dma_start3A_657 : memref<128xi32, #tpu.memory_space<hbm>>) target(%dma_start3A_656 : memref<128xi32, #tpu.memory_space<vmem>>) target_semaphore(%run_scoped3A_649 : memref<!tpu.dma_semaphore, #tpu.memory_space<semaphore_mem>>)
      %dma_wait3A_658 = arith.constant 0 : i32
      %dma_wait3A_659 = tpu.memref_slice %arg11[%run_scoped3A_343, %dma_wait3A_658] : memref<4x128xi32, #tpu.memory_space<vmem>> -> memref<1x128xi32, #tpu.memory_space<vmem>>
      %dma_wait3A_660 = tpu.memref_squeeze %dma_wait3A_659 : memref<1x128xi32, #tpu.memory_space<vmem>> -> memref<128xi32, #tpu.memory_space<vmem>>
      %dma_wait3A_661 = tpu.memref_slice %arg3[%add3A_342] : memref<16384xi32, #tpu.memory_space<hbm>> -> memref<128xi32, #tpu.memory_space<hbm>>
      %dma_wait3A_662 = arith.constant 0 : i32
      %dma_wait3A_663 = tpu.memref_slice %arg11[%run_scoped3A_343, %dma_wait3A_662] : memref<4x128xi32, #tpu.memory_space<vmem>> -> memref<1x128xi32, #tpu.memory_space<vmem>>
      %dma_wait3A_664 = tpu.memref_squeeze %dma_wait3A_663 : memref<1x128xi32, #tpu.memory_space<vmem>> -> memref<128xi32, #tpu.memory_space<vmem>>
      %dma_wait3A_665 = tpu.memref_slice %arg3[%add3A_342] : memref<16384xi32, #tpu.memory_space<hbm>> -> memref<128xi32, #tpu.memory_space<hbm>>
      tpu.wait_dma2 semaphore(%run_scoped3A_649 : memref<!tpu.dma_semaphore, #tpu.memory_space<semaphore_mem>>) src(%dma_wait3A_665 : memref<128xi32, #tpu.memory_space<hbm>>) dst(%dma_wait3A_664 : memref<128xi32, #tpu.memory_space<vmem>>)
      tpu.yield
    }) : () -> ()
    %add3A_344 = arith.constant 384 : i32
    %add3A_345 = arith.addi %mul3A_325, %add3A_344 : i32
    %run_scoped3A_346 = arith.constant 3 : i32
    "tpu.region"() ({
      %run_scoped3A_649 = tpu.sem_alloc : memref<!tpu.dma_semaphore, #tpu.memory_space<semaphore_mem>>
      %dma_start3A_650 = arith.constant 0 : i32
      %dma_start3A_651 = tpu.memref_slice %arg10[%run_scoped3A_346, %dma_start3A_650] : memref<4x128xi32, #tpu.memory_space<vmem>> -> memref<1x128xi32, #tpu.memory_space<vmem>>
      %dma_start3A_652 = tpu.memref_squeeze %dma_start3A_651 : memref<1x128xi32, #tpu.memory_space<vmem>> -> memref<128xi32, #tpu.memory_space<vmem>>
      %dma_start3A_653 = tpu.memref_slice %arg2[%add3A_345] : memref<16384xi32, #tpu.memory_space<hbm>> -> memref<128xi32, #tpu.memory_space<hbm>>
      %dma_start3A_654 = arith.constant 0 : i32
      %dma_start3A_655 = tpu.memref_slice %arg10[%run_scoped3A_346, %dma_start3A_654] : memref<4x128xi32, #tpu.memory_space<vmem>> -> memref<1x128xi32, #tpu.memory_space<vmem>>
      %dma_start3A_656 = tpu.memref_squeeze %dma_start3A_655 : memref<1x128xi32, #tpu.memory_space<vmem>> -> memref<128xi32, #tpu.memory_space<vmem>>
      %dma_start3A_657 = tpu.memref_slice %arg2[%add3A_345] : memref<16384xi32, #tpu.memory_space<hbm>> -> memref<128xi32, #tpu.memory_space<hbm>>
      tpu.enqueue_dma source(%dma_start3A_657 : memref<128xi32, #tpu.memory_space<hbm>>) target(%dma_start3A_656 : memref<128xi32, #tpu.memory_space<vmem>>) target_semaphore(%run_scoped3A_649 : memref<!tpu.dma_semaphore, #tpu.memory_space<semaphore_mem>>)
      %dma_wait3A_658 = arith.constant 0 : i32
      %dma_wait3A_659 = tpu.memref_slice %arg10[%run_scoped3A_346, %dma_wait3A_658] : memref<4x128xi32, #tpu.memory_space<vmem>> -> memref<1x128xi32, #tpu.memory_space<vmem>>
      %dma_wait3A_660 = tpu.memref_squeeze %dma_wait3A_659 : memref<1x128xi32, #tpu.memory_space<vmem>> -> memref<128xi32, #tpu.memory_space<vmem>>
      %dma_wait3A_661 = tpu.memref_slice %arg2[%add3A_345] : memref<16384xi32, #tpu.memory_space<hbm>> -> memref<128xi32, #tpu.memory_space<hbm>>
      %dma_wait3A_662 = arith.constant 0 : i32
      %dma_wait3A_663 = tpu.memref_slice %arg10[%run_scoped3A_346, %dma_wait3A_662] : memref<4x128xi32, #tpu.memory_space<vmem>> -> memref<1x128xi32, #tpu.memory_space<vmem>>
      %dma_wait3A_664 = tpu.memref_squeeze %dma_wait3A_663 : memref<1x128xi32, #tpu.memory_space<vmem>> -> memref<128xi32, #tpu.memory_space<vmem>>
      %dma_wait3A_665 = tpu.memref_slice %arg2[%add3A_345] : memref<16384xi32, #tpu.memory_space<hbm>> -> memref<128xi32, #tpu.memory_space<hbm>>
      tpu.wait_dma2 semaphore(%run_scoped3A_649 : memref<!tpu.dma_semaphore, #tpu.memory_space<semaphore_mem>>) src(%dma_wait3A_665 : memref<128xi32, #tpu.memory_space<hbm>>) dst(%dma_wait3A_664 : memref<128xi32, #tpu.memory_space<vmem>>)
      tpu.yield
    }) : () -> ()
    %add3A_347 = arith.constant 384 : i32
    %add3A_348 = arith.addi %mul3A_325, %add3A_347 : i32
    %run_scoped3A_349 = arith.constant 3 : i32
    "tpu.region"() ({
      %run_scoped3A_649 = tpu.sem_alloc : memref<!tpu.dma_semaphore, #tpu.memory_space<semaphore_mem>>
      %dma_start3A_650 = arith.constant 0 : i32
      %dma_start3A_651 = tpu.memref_slice %arg11[%run_scoped3A_349, %dma_start3A_650] : memref<4x128xi32, #tpu.memory_space<vmem>> -> memref<1x128xi32, #tpu.memory_space<vmem>>
      %dma_start3A_652 = tpu.memref_squeeze %dma_start3A_651 : memref<1x128xi32, #tpu.memory_space<vmem>> -> memref<128xi32, #tpu.memory_space<vmem>>
      %dma_start3A_653 = tpu.memref_slice %arg3[%add3A_348] : memref<16384xi32, #tpu.memory_space<hbm>> -> memref<128xi32, #tpu.memory_space<hbm>>
      %dma_start3A_654 = arith.constant 0 : i32
      %dma_start3A_655 = tpu.memref_slice %arg11[%run_scoped3A_349, %dma_start3A_654] : memref<4x128xi32, #tpu.memory_space<vmem>> -> memref<1x128xi32, #tpu.memory_space<vmem>>
      %dma_start3A_656 = tpu.memref_squeeze %dma_start3A_655 : memref<1x128xi32, #tpu.memory_space<vmem>> -> memref<128xi32, #tpu.memory_space<vmem>>
      %dma_start3A_657 = tpu.memref_slice %arg3[%add3A_348] : memref<16384xi32, #tpu.memory_space<hbm>> -> memref<128xi32, #tpu.memory_space<hbm>>
      tpu.enqueue_dma source(%dma_start3A_657 : memref<128xi32, #tpu.memory_space<hbm>>) target(%dma_start3A_656 : memref<128xi32, #tpu.memory_space<vmem>>) target_semaphore(%run_scoped3A_649 : memref<!tpu.dma_semaphore, #tpu.memory_space<semaphore_mem>>)
      %dma_wait3A_658 = arith.constant 0 : i32
      %dma_wait3A_659 = tpu.memref_slice %arg11[%run_scoped3A_349, %dma_wait3A_658] : memref<4x128xi32, #tpu.memory_space<vmem>> -> memref<1x128xi32, #tpu.memory_space<vmem>>
      %dma_wait3A_660 = tpu.memref_squeeze %dma_wait3A_659 : memref<1x128xi32, #tpu.memory_space<vmem>> -> memref<128xi32, #tpu.memory_space<vmem>>
      %dma_wait3A_661 = tpu.memref_slice %arg3[%add3A_348] : memref<16384xi32, #tpu.memory_space<hbm>> -> memref<128xi32, #tpu.memory_space<hbm>>
      %dma_wait3A_662 = arith.constant 0 : i32
      %dma_wait3A_663 = tpu.memref_slice %arg11[%run_scoped3A_349, %dma_wait3A_662] : memref<4x128xi32, #tpu.memory_space<vmem>> -> memref<1x128xi32, #tpu.memory_space<vmem>>
      %dma_wait3A_664 = tpu.memref_squeeze %dma_wait3A_663 : memref<1x128xi32, #tpu.memory_space<vmem>> -> memref<128xi32, #tpu.memory_space<vmem>>
      %dma_wait3A_665 = tpu.memref_slice %arg3[%add3A_348] : memref<16384xi32, #tpu.memory_space<hbm>> -> memref<128xi32, #tpu.memory_space<hbm>>
      tpu.wait_dma2 semaphore(%run_scoped3A_649 : memref<!tpu.dma_semaphore, #tpu.memory_space<semaphore_mem>>) src(%dma_wait3A_665 : memref<128xi32, #tpu.memory_space<hbm>>) dst(%dma_wait3A_664 : memref<128xi32, #tpu.memory_space<vmem>>)
      tpu.yield
    }) : () -> ()
    %dma_start3A_350 = arith.constant 0 : i32
    %dma_start3A_351 = arith.constant 0 : i32
    %dma_start3A_352 = arith.constant 0 : i32
    %dma_start3A_353 = tpu.memref_slice %arg12[%dma_start3A_351, %dma_start3A_352] : memref<512x64xf32, #tpu.memory_space<vmem>> -> memref<128x64xf32, #tpu.memory_space<vmem>>
    %dma_start3A_354 = arith.constant 0 : i32
    %dma_start3A_355 = tpu.memref_slice %arg10[%dma_start3A_350, %dma_start3A_354] : memref<4x128xi32, #tpu.memory_space<vmem>> -> memref<1x128xi32, #tpu.memory_space<vmem>>
    %dma_start3A_356 = tpu.memref_squeeze %dma_start3A_355 : memref<1x128xi32, #tpu.memory_space<vmem>> -> memref<128xi32, #tpu.memory_space<vmem>>
    %dma_start3A_357 = arith.constant 0 : i32
    %dma_start3A_358 = arith.constant 0 : i32
    %dma_start3A_359 = tpu.memref_slice %arg4[%dma_start3A_357, %dma_start3A_358] : memref<1000000x64xf32, #tpu.memory_space<hbm>> -> memref<1000000x64xf32, #tpu.memory_space<hbm>>
    tpu.enqueue_indirect_dma source(%dma_start3A_359 : memref<1000000x64xf32, #tpu.memory_space<hbm>>) target(%dma_start3A_353 : memref<128x64xf32, #tpu.memory_space<vmem>>) offsets(%dma_start3A_356 : memref<128xi32, #tpu.memory_space<vmem>>) semaphore(%arg19 : memref<!tpu.dma_semaphore, #tpu.memory_space<semaphore_mem>>)
    %dma_start3A_360 = arith.constant 0 : i32
    %dma_start3A_361 = arith.constant 0 : i32
    %dma_start3A_362 = arith.constant 0 : i32
    %dma_start3A_363 = tpu.memref_slice %arg13[%dma_start3A_361, %dma_start3A_362] : memref<512x64xf32, #tpu.memory_space<vmem>> -> memref<128x64xf32, #tpu.memory_space<vmem>>
    %dma_start3A_364 = arith.constant 0 : i32
    %dma_start3A_365 = tpu.memref_slice %arg11[%dma_start3A_360, %dma_start3A_364] : memref<4x128xi32, #tpu.memory_space<vmem>> -> memref<1x128xi32, #tpu.memory_space<vmem>>
    %dma_start3A_366 = tpu.memref_squeeze %dma_start3A_365 : memref<1x128xi32, #tpu.memory_space<vmem>> -> memref<128xi32, #tpu.memory_space<vmem>>
    %dma_start3A_367 = arith.constant 0 : i32
    %dma_start3A_368 = arith.constant 0 : i32
    %dma_start3A_369 = tpu.memref_slice %arg5[%dma_start3A_367, %dma_start3A_368] : memref<100000x64xf32, #tpu.memory_space<hbm>> -> memref<100000x64xf32, #tpu.memory_space<hbm>>
    tpu.enqueue_indirect_dma source(%dma_start3A_369 : memref<100000x64xf32, #tpu.memory_space<hbm>>) target(%dma_start3A_363 : memref<128x64xf32, #tpu.memory_space<vmem>>) offsets(%dma_start3A_366 : memref<128xi32, #tpu.memory_space<vmem>>) semaphore(%arg19 : memref<!tpu.dma_semaphore, #tpu.memory_space<semaphore_mem>>)
    %dma_start3A_370 = arith.constant 0 : i32
    %dma_start3A_371 = arith.constant 0 : i32
    %dma_start3A_372 = tpu.memref_slice %arg14[%dma_start3A_371] : memref<512xf32, #tpu.memory_space<vmem>> -> memref<128xf32, #tpu.memory_space<vmem>>
    %dma_start3A_373 = arith.constant 0 : i32
    %dma_start3A_374 = tpu.memref_slice %arg10[%dma_start3A_370, %dma_start3A_373] : memref<4x128xi32, #tpu.memory_space<vmem>> -> memref<1x128xi32, #tpu.memory_space<vmem>>
    %dma_start3A_375 = tpu.memref_squeeze %dma_start3A_374 : memref<1x128xi32, #tpu.memory_space<vmem>> -> memref<128xi32, #tpu.memory_space<vmem>>
    %dma_start3A_376 = arith.constant 0 : i32
    %dma_start3A_377 = tpu.memref_slice %arg6[%dma_start3A_376] : memref<1000000xf32, #tpu.memory_space<hbm>> -> memref<1000000xf32, #tpu.memory_space<hbm>>
    tpu.enqueue_indirect_dma source(%dma_start3A_377 : memref<1000000xf32, #tpu.memory_space<hbm>>) target(%dma_start3A_372 : memref<128xf32, #tpu.memory_space<vmem>>) offsets(%dma_start3A_375 : memref<128xi32, #tpu.memory_space<vmem>>) semaphore(%arg19 : memref<!tpu.dma_semaphore, #tpu.memory_space<semaphore_mem>>)
    %dma_start3A_378 = arith.constant 0 : i32
    %dma_start3A_379 = arith.constant 0 : i32
    %dma_start3A_380 = tpu.memref_slice %arg15[%dma_start3A_379] : memref<512xf32, #tpu.memory_space<vmem>> -> memref<128xf32, #tpu.memory_space<vmem>>
    %dma_start3A_381 = arith.constant 0 : i32
    %dma_start3A_382 = tpu.memref_slice %arg11[%dma_start3A_378, %dma_start3A_381] : memref<4x128xi32, #tpu.memory_space<vmem>> -> memref<1x128xi32, #tpu.memory_space<vmem>>
    %dma_start3A_383 = tpu.memref_squeeze %dma_start3A_382 : memref<1x128xi32, #tpu.memory_space<vmem>> -> memref<128xi32, #tpu.memory_space<vmem>>
    %dma_start3A_384 = arith.constant 0 : i32
    %dma_start3A_385 = tpu.memref_slice %arg7[%dma_start3A_384] : memref<100000xf32, #tpu.memory_space<hbm>> -> memref<100000xf32, #tpu.memory_space<hbm>>
    tpu.enqueue_indirect_dma source(%dma_start3A_385 : memref<100000xf32, #tpu.memory_space<hbm>>) target(%dma_start3A_380 : memref<128xf32, #tpu.memory_space<vmem>>) offsets(%dma_start3A_383 : memref<128xi32, #tpu.memory_space<vmem>>) semaphore(%arg19 : memref<!tpu.dma_semaphore, #tpu.memory_space<semaphore_mem>>)
    %dma_start3A_386 = arith.constant 1 : i32
    %dma_start3A_387 = arith.constant 128 : i32
    %dma_start3A_388 = arith.constant 0 : i32
    %dma_start3A_389 = tpu.memref_slice %arg12[%dma_start3A_387, %dma_start3A_388] : memref<512x64xf32, #tpu.memory_space<vmem>> -> memref<128x64xf32, #tpu.memory_space<vmem>>
    %dma_start3A_390 = arith.constant 0 : i32
    %dma_start3A_391 = tpu.memref_slice %arg10[%dma_start3A_386, %dma_start3A_390] : memref<4x128xi32, #tpu.memory_space<vmem>> -> memref<1x128xi32, #tpu.memory_space<vmem>>
    %dma_start3A_392 = tpu.memref_squeeze %dma_start3A_391 : memref<1x128xi32, #tpu.memory_space<vmem>> -> memref<128xi32, #tpu.memory_space<vmem>>
    %dma_start3A_393 = arith.constant 0 : i32
    %dma_start3A_394 = arith.constant 0 : i32
    %dma_start3A_395 = tpu.memref_slice %arg4[%dma_start3A_393, %dma_start3A_394] : memref<1000000x64xf32, #tpu.memory_space<hbm>> -> memref<1000000x64xf32, #tpu.memory_space<hbm>>
    tpu.enqueue_indirect_dma source(%dma_start3A_395 : memref<1000000x64xf32, #tpu.memory_space<hbm>>) target(%dma_start3A_389 : memref<128x64xf32, #tpu.memory_space<vmem>>) offsets(%dma_start3A_392 : memref<128xi32, #tpu.memory_space<vmem>>) semaphore(%arg19 : memref<!tpu.dma_semaphore, #tpu.memory_space<semaphore_mem>>)
    %dma_start3A_396 = arith.constant 1 : i32
    %dma_start3A_397 = arith.constant 128 : i32
    %dma_start3A_398 = arith.constant 0 : i32
    %dma_start3A_399 = tpu.memref_slice %arg13[%dma_start3A_397, %dma_start3A_398] : memref<512x64xf32, #tpu.memory_space<vmem>> -> memref<128x64xf32, #tpu.memory_space<vmem>>
    %dma_start3A_400 = arith.constant 0 : i32
    %dma_start3A_401 = tpu.memref_slice %arg11[%dma_start3A_396, %dma_start3A_400] : memref<4x128xi32, #tpu.memory_space<vmem>> -> memref<1x128xi32, #tpu.memory_space<vmem>>
    %dma_start3A_402 = tpu.memref_squeeze %dma_start3A_401 : memref<1x128xi32, #tpu.memory_space<vmem>> -> memref<128xi32, #tpu.memory_space<vmem>>
    %dma_start3A_403 = arith.constant 0 : i32
    %dma_start3A_404 = arith.constant 0 : i32
    %dma_start3A_405 = tpu.memref_slice %arg5[%dma_start3A_403, %dma_start3A_404] : memref<100000x64xf32, #tpu.memory_space<hbm>> -> memref<100000x64xf32, #tpu.memory_space<hbm>>
    tpu.enqueue_indirect_dma source(%dma_start3A_405 : memref<100000x64xf32, #tpu.memory_space<hbm>>) target(%dma_start3A_399 : memref<128x64xf32, #tpu.memory_space<vmem>>) offsets(%dma_start3A_402 : memref<128xi32, #tpu.memory_space<vmem>>) semaphore(%arg19 : memref<!tpu.dma_semaphore, #tpu.memory_space<semaphore_mem>>)
    %dma_start3A_406 = arith.constant 1 : i32
    %dma_start3A_407 = arith.constant 128 : i32
    %dma_start3A_408 = tpu.memref_slice %arg14[%dma_start3A_407] : memref<512xf32, #tpu.memory_space<vmem>> -> memref<128xf32, #tpu.memory_space<vmem>>
    %dma_start3A_409 = arith.constant 0 : i32
    %dma_start3A_410 = tpu.memref_slice %arg10[%dma_start3A_406, %dma_start3A_409] : memref<4x128xi32, #tpu.memory_space<vmem>> -> memref<1x128xi32, #tpu.memory_space<vmem>>
    %dma_start3A_411 = tpu.memref_squeeze %dma_start3A_410 : memref<1x128xi32, #tpu.memory_space<vmem>> -> memref<128xi32, #tpu.memory_space<vmem>>
    %dma_start3A_412 = arith.constant 0 : i32
    %dma_start3A_413 = tpu.memref_slice %arg6[%dma_start3A_412] : memref<1000000xf32, #tpu.memory_space<hbm>> -> memref<1000000xf32, #tpu.memory_space<hbm>>
    tpu.enqueue_indirect_dma source(%dma_start3A_413 : memref<1000000xf32, #tpu.memory_space<hbm>>) target(%dma_start3A_408 : memref<128xf32, #tpu.memory_space<vmem>>) offsets(%dma_start3A_411 : memref<128xi32, #tpu.memory_space<vmem>>) semaphore(%arg19 : memref<!tpu.dma_semaphore, #tpu.memory_space<semaphore_mem>>)
    %dma_start3A_414 = arith.constant 1 : i32
    %dma_start3A_415 = arith.constant 128 : i32
    %dma_start3A_416 = tpu.memref_slice %arg15[%dma_start3A_415] : memref<512xf32, #tpu.memory_space<vmem>> -> memref<128xf32, #tpu.memory_space<vmem>>
    %dma_start3A_417 = arith.constant 0 : i32
    %dma_start3A_418 = tpu.memref_slice %arg11[%dma_start3A_414, %dma_start3A_417] : memref<4x128xi32, #tpu.memory_space<vmem>> -> memref<1x128xi32, #tpu.memory_space<vmem>>
    %dma_start3A_419 = tpu.memref_squeeze %dma_start3A_418 : memref<1x128xi32, #tpu.memory_space<vmem>> -> memref<128xi32, #tpu.memory_space<vmem>>
    %dma_start3A_420 = arith.constant 0 : i32
    %dma_start3A_421 = tpu.memref_slice %arg7[%dma_start3A_420] : memref<100000xf32, #tpu.memory_space<hbm>> -> memref<100000xf32, #tpu.memory_space<hbm>>
    tpu.enqueue_indirect_dma source(%dma_start3A_421 : memref<100000xf32, #tpu.memory_space<hbm>>) target(%dma_start3A_416 : memref<128xf32, #tpu.memory_space<vmem>>) offsets(%dma_start3A_419 : memref<128xi32, #tpu.memory_space<vmem>>) semaphore(%arg19 : memref<!tpu.dma_semaphore, #tpu.memory_space<semaphore_mem>>)
    %dma_start3A_422 = arith.constant 2 : i32
    %dma_start3A_423 = arith.constant 256 : i32
    %dma_start3A_424 = arith.constant 0 : i32
    %dma_start3A_425 = tpu.memref_slice %arg12[%dma_start3A_423, %dma_start3A_424] : memref<512x64xf32, #tpu.memory_space<vmem>> -> memref<128x64xf32, #tpu.memory_space<vmem>>
    %dma_start3A_426 = arith.constant 0 : i32
    %dma_start3A_427 = tpu.memref_slice %arg10[%dma_start3A_422, %dma_start3A_426] : memref<4x128xi32, #tpu.memory_space<vmem>> -> memref<1x128xi32, #tpu.memory_space<vmem>>
    %dma_start3A_428 = tpu.memref_squeeze %dma_start3A_427 : memref<1x128xi32, #tpu.memory_space<vmem>> -> memref<128xi32, #tpu.memory_space<vmem>>
    %dma_start3A_429 = arith.constant 0 : i32
    %dma_start3A_430 = arith.constant 0 : i32
    %dma_start3A_431 = tpu.memref_slice %arg4[%dma_start3A_429, %dma_start3A_430] : memref<1000000x64xf32, #tpu.memory_space<hbm>> -> memref<1000000x64xf32, #tpu.memory_space<hbm>>
    tpu.enqueue_indirect_dma source(%dma_start3A_431 : memref<1000000x64xf32, #tpu.memory_space<hbm>>) target(%dma_start3A_425 : memref<128x64xf32, #tpu.memory_space<vmem>>) offsets(%dma_start3A_428 : memref<128xi32, #tpu.memory_space<vmem>>) semaphore(%arg19 : memref<!tpu.dma_semaphore, #tpu.memory_space<semaphore_mem>>)
    %dma_start3A_432 = arith.constant 2 : i32
    %dma_start3A_433 = arith.constant 256 : i32
    %dma_start3A_434 = arith.constant 0 : i32
    %dma_start3A_435 = tpu.memref_slice %arg13[%dma_start3A_433, %dma_start3A_434] : memref<512x64xf32, #tpu.memory_space<vmem>> -> memref<128x64xf32, #tpu.memory_space<vmem>>
    %dma_start3A_436 = arith.constant 0 : i32
    %dma_start3A_437 = tpu.memref_slice %arg11[%dma_start3A_432, %dma_start3A_436] : memref<4x128xi32, #tpu.memory_space<vmem>> -> memref<1x128xi32, #tpu.memory_space<vmem>>
    %dma_start3A_438 = tpu.memref_squeeze %dma_start3A_437 : memref<1x128xi32, #tpu.memory_space<vmem>> -> memref<128xi32, #tpu.memory_space<vmem>>
    %dma_start3A_439 = arith.constant 0 : i32
    %dma_start3A_440 = arith.constant 0 : i32
    %dma_start3A_441 = tpu.memref_slice %arg5[%dma_start3A_439, %dma_start3A_440] : memref<100000x64xf32, #tpu.memory_space<hbm>> -> memref<100000x64xf32, #tpu.memory_space<hbm>>
    tpu.enqueue_indirect_dma source(%dma_start3A_441 : memref<100000x64xf32, #tpu.memory_space<hbm>>) target(%dma_start3A_435 : memref<128x64xf32, #tpu.memory_space<vmem>>) offsets(%dma_start3A_438 : memref<128xi32, #tpu.memory_space<vmem>>) semaphore(%arg19 : memref<!tpu.dma_semaphore, #tpu.memory_space<semaphore_mem>>)
    %dma_start3A_442 = arith.constant 2 : i32
    %dma_start3A_443 = arith.constant 256 : i32
    %dma_start3A_444 = tpu.memref_slice %arg14[%dma_start3A_443] : memref<512xf32, #tpu.memory_space<vmem>> -> memref<128xf32, #tpu.memory_space<vmem>>
    %dma_start3A_445 = arith.constant 0 : i32
    %dma_start3A_446 = tpu.memref_slice %arg10[%dma_start3A_442, %dma_start3A_445] : memref<4x128xi32, #tpu.memory_space<vmem>> -> memref<1x128xi32, #tpu.memory_space<vmem>>
    %dma_start3A_447 = tpu.memref_squeeze %dma_start3A_446 : memref<1x128xi32, #tpu.memory_space<vmem>> -> memref<128xi32, #tpu.memory_space<vmem>>
    %dma_start3A_448 = arith.constant 0 : i32
    %dma_start3A_449 = tpu.memref_slice %arg6[%dma_start3A_448] : memref<1000000xf32, #tpu.memory_space<hbm>> -> memref<1000000xf32, #tpu.memory_space<hbm>>
    tpu.enqueue_indirect_dma source(%dma_start3A_449 : memref<1000000xf32, #tpu.memory_space<hbm>>) target(%dma_start3A_444 : memref<128xf32, #tpu.memory_space<vmem>>) offsets(%dma_start3A_447 : memref<128xi32, #tpu.memory_space<vmem>>) semaphore(%arg19 : memref<!tpu.dma_semaphore, #tpu.memory_space<semaphore_mem>>)
    %dma_start3A_450 = arith.constant 2 : i32
    %dma_start3A_451 = arith.constant 256 : i32
    %dma_start3A_452 = tpu.memref_slice %arg15[%dma_start3A_451] : memref<512xf32, #tpu.memory_space<vmem>> -> memref<128xf32, #tpu.memory_space<vmem>>
    %dma_start3A_453 = arith.constant 0 : i32
    %dma_start3A_454 = tpu.memref_slice %arg11[%dma_start3A_450, %dma_start3A_453] : memref<4x128xi32, #tpu.memory_space<vmem>> -> memref<1x128xi32, #tpu.memory_space<vmem>>
    %dma_start3A_455 = tpu.memref_squeeze %dma_start3A_454 : memref<1x128xi32, #tpu.memory_space<vmem>> -> memref<128xi32, #tpu.memory_space<vmem>>
    %dma_start3A_456 = arith.constant 0 : i32
    %dma_start3A_457 = tpu.memref_slice %arg7[%dma_start3A_456] : memref<100000xf32, #tpu.memory_space<hbm>> -> memref<100000xf32, #tpu.memory_space<hbm>>
    tpu.enqueue_indirect_dma source(%dma_start3A_457 : memref<100000xf32, #tpu.memory_space<hbm>>) target(%dma_start3A_452 : memref<128xf32, #tpu.memory_space<vmem>>) offsets(%dma_start3A_455 : memref<128xi32, #tpu.memory_space<vmem>>) semaphore(%arg19 : memref<!tpu.dma_semaphore, #tpu.memory_space<semaphore_mem>>)
    %dma_start3A_458 = arith.constant 3 : i32
    %dma_start3A_459 = arith.constant 384 : i32
    %dma_start3A_460 = arith.constant 0 : i32
    %dma_start3A_461 = tpu.memref_slice %arg12[%dma_start3A_459, %dma_start3A_460] : memref<512x64xf32, #tpu.memory_space<vmem>> -> memref<128x64xf32, #tpu.memory_space<vmem>>
    %dma_start3A_462 = arith.constant 0 : i32
    %dma_start3A_463 = tpu.memref_slice %arg10[%dma_start3A_458, %dma_start3A_462] : memref<4x128xi32, #tpu.memory_space<vmem>> -> memref<1x128xi32, #tpu.memory_space<vmem>>
    %dma_start3A_464 = tpu.memref_squeeze %dma_start3A_463 : memref<1x128xi32, #tpu.memory_space<vmem>> -> memref<128xi32, #tpu.memory_space<vmem>>
    %dma_start3A_465 = arith.constant 0 : i32
    %dma_start3A_466 = arith.constant 0 : i32
    %dma_start3A_467 = tpu.memref_slice %arg4[%dma_start3A_465, %dma_start3A_466] : memref<1000000x64xf32, #tpu.memory_space<hbm>> -> memref<1000000x64xf32, #tpu.memory_space<hbm>>
    tpu.enqueue_indirect_dma source(%dma_start3A_467 : memref<1000000x64xf32, #tpu.memory_space<hbm>>) target(%dma_start3A_461 : memref<128x64xf32, #tpu.memory_space<vmem>>) offsets(%dma_start3A_464 : memref<128xi32, #tpu.memory_space<vmem>>) semaphore(%arg19 : memref<!tpu.dma_semaphore, #tpu.memory_space<semaphore_mem>>)
    %dma_start3A_468 = arith.constant 3 : i32
    %dma_start3A_469 = arith.constant 384 : i32
    %dma_start3A_470 = arith.constant 0 : i32
    %dma_start3A_471 = tpu.memref_slice %arg13[%dma_start3A_469, %dma_start3A_470] : memref<512x64xf32, #tpu.memory_space<vmem>> -> memref<128x64xf32, #tpu.memory_space<vmem>>
    %dma_start3A_472 = arith.constant 0 : i32
    %dma_start3A_473 = tpu.memref_slice %arg11[%dma_start3A_468, %dma_start3A_472] : memref<4x128xi32, #tpu.memory_space<vmem>> -> memref<1x128xi32, #tpu.memory_space<vmem>>
    %dma_start3A_474 = tpu.memref_squeeze %dma_start3A_473 : memref<1x128xi32, #tpu.memory_space<vmem>> -> memref<128xi32, #tpu.memory_space<vmem>>
    %dma_start3A_475 = arith.constant 0 : i32
    %dma_start3A_476 = arith.constant 0 : i32
    %dma_start3A_477 = tpu.memref_slice %arg5[%dma_start3A_475, %dma_start3A_476] : memref<100000x64xf32, #tpu.memory_space<hbm>> -> memref<100000x64xf32, #tpu.memory_space<hbm>>
    tpu.enqueue_indirect_dma source(%dma_start3A_477 : memref<100000x64xf32, #tpu.memory_space<hbm>>) target(%dma_start3A_471 : memref<128x64xf32, #tpu.memory_space<vmem>>) offsets(%dma_start3A_474 : memref<128xi32, #tpu.memory_space<vmem>>) semaphore(%arg19 : memref<!tpu.dma_semaphore, #tpu.memory_space<semaphore_mem>>)
    %dma_start3A_478 = arith.constant 3 : i32
    %dma_start3A_479 = arith.constant 384 : i32
    %dma_start3A_480 = tpu.memref_slice %arg14[%dma_start3A_479] : memref<512xf32, #tpu.memory_space<vmem>> -> memref<128xf32, #tpu.memory_space<vmem>>
    %dma_start3A_481 = arith.constant 0 : i32
    %dma_start3A_482 = tpu.memref_slice %arg10[%dma_start3A_478, %dma_start3A_481] : memref<4x128xi32, #tpu.memory_space<vmem>> -> memref<1x128xi32, #tpu.memory_space<vmem>>
    %dma_start3A_483 = tpu.memref_squeeze %dma_start3A_482 : memref<1x128xi32, #tpu.memory_space<vmem>> -> memref<128xi32, #tpu.memory_space<vmem>>
    %dma_start3A_484 = arith.constant 0 : i32
    %dma_start3A_485 = tpu.memref_slice %arg6[%dma_start3A_484] : memref<1000000xf32, #tpu.memory_space<hbm>> -> memref<1000000xf32, #tpu.memory_space<hbm>>
    tpu.enqueue_indirect_dma source(%dma_start3A_485 : memref<1000000xf32, #tpu.memory_space<hbm>>) target(%dma_start3A_480 : memref<128xf32, #tpu.memory_space<vmem>>) offsets(%dma_start3A_483 : memref<128xi32, #tpu.memory_space<vmem>>) semaphore(%arg19 : memref<!tpu.dma_semaphore, #tpu.memory_space<semaphore_mem>>)
    %dma_start3A_486 = arith.constant 3 : i32
    %dma_start3A_487 = arith.constant 384 : i32
    %dma_start3A_488 = tpu.memref_slice %arg15[%dma_start3A_487] : memref<512xf32, #tpu.memory_space<vmem>> -> memref<128xf32, #tpu.memory_space<vmem>>
    %dma_start3A_489 = arith.constant 0 : i32
    %dma_start3A_490 = tpu.memref_slice %arg11[%dma_start3A_486, %dma_start3A_489] : memref<4x128xi32, #tpu.memory_space<vmem>> -> memref<1x128xi32, #tpu.memory_space<vmem>>
    %dma_start3A_491 = tpu.memref_squeeze %dma_start3A_490 : memref<1x128xi32, #tpu.memory_space<vmem>> -> memref<128xi32, #tpu.memory_space<vmem>>
    %dma_start3A_492 = arith.constant 0 : i32
    %dma_start3A_493 = tpu.memref_slice %arg7[%dma_start3A_492] : memref<100000xf32, #tpu.memory_space<hbm>> -> memref<100000xf32, #tpu.memory_space<hbm>>
    tpu.enqueue_indirect_dma source(%dma_start3A_493 : memref<100000xf32, #tpu.memory_space<hbm>>) target(%dma_start3A_488 : memref<128xf32, #tpu.memory_space<vmem>>) offsets(%dma_start3A_491 : memref<128xi32, #tpu.memory_space<vmem>>) semaphore(%arg19 : memref<!tpu.dma_semaphore, #tpu.memory_space<semaphore_mem>>)
    %dma_wait3A_494 = arith.constant 0 : i32
    %dma_wait3A_495 = arith.constant 0 : i32
    %dma_wait3A_496 = arith.constant 0 : i32
    %dma_wait3A_497 = tpu.memref_slice %arg12[%dma_wait3A_495, %dma_wait3A_496] : memref<512x64xf32, #tpu.memory_space<vmem>> -> memref<128x64xf32, #tpu.memory_space<vmem>>
    %dma_wait3A_498 = arith.constant 0 : i32
    %dma_wait3A_499 = tpu.memref_slice %arg10[%dma_wait3A_494, %dma_wait3A_498] : memref<4x128xi32, #tpu.memory_space<vmem>> -> memref<1x128xi32, #tpu.memory_space<vmem>>
    %dma_wait3A_500 = tpu.memref_squeeze %dma_wait3A_499 : memref<1x128xi32, #tpu.memory_space<vmem>> -> memref<128xi32, #tpu.memory_space<vmem>>
    %dma_wait3A_501 = arith.constant 0 : i32
    %dma_wait3A_502 = arith.constant 0 : i32
    %dma_wait3A_503 = tpu.memref_slice %arg4[%dma_wait3A_501, %dma_wait3A_502] : memref<1000000x64xf32, #tpu.memory_space<hbm>> -> memref<1000000x64xf32, #tpu.memory_space<hbm>>
    tpu.wait_indirect_dma semaphore(%arg19 : memref<!tpu.dma_semaphore, #tpu.memory_space<semaphore_mem>>) src(%dma_wait3A_503 : memref<1000000x64xf32, #tpu.memory_space<hbm>>) dst(%dma_wait3A_497 : memref<128x64xf32, #tpu.memory_space<vmem>>)
    %dma_wait3A_504 = arith.constant 0 : i32
    %dma_wait3A_505 = arith.constant 0 : i32
    %dma_wait3A_506 = arith.constant 0 : i32
    %dma_wait3A_507 = tpu.memref_slice %arg13[%dma_wait3A_505, %dma_wait3A_506] : memref<512x64xf32, #tpu.memory_space<vmem>> -> memref<128x64xf32, #tpu.memory_space<vmem>>
    %dma_wait3A_508 = arith.constant 0 : i32
    %dma_wait3A_509 = tpu.memref_slice %arg11[%dma_wait3A_504, %dma_wait3A_508] : memref<4x128xi32, #tpu.memory_space<vmem>> -> memref<1x128xi32, #tpu.memory_space<vmem>>
    %dma_wait3A_510 = tpu.memref_squeeze %dma_wait3A_509 : memref<1x128xi32, #tpu.memory_space<vmem>> -> memref<128xi32, #tpu.memory_space<vmem>>
    %dma_wait3A_511 = arith.constant 0 : i32
    %dma_wait3A_512 = arith.constant 0 : i32
    %dma_wait3A_513 = tpu.memref_slice %arg5[%dma_wait3A_511, %dma_wait3A_512] : memref<100000x64xf32, #tpu.memory_space<hbm>> -> memref<100000x64xf32, #tpu.memory_space<hbm>>
    tpu.wait_indirect_dma semaphore(%arg19 : memref<!tpu.dma_semaphore, #tpu.memory_space<semaphore_mem>>) src(%dma_wait3A_513 : memref<100000x64xf32, #tpu.memory_space<hbm>>) dst(%dma_wait3A_507 : memref<128x64xf32, #tpu.memory_space<vmem>>)
    %dma_wait3A_514 = arith.constant 0 : i32
    %dma_wait3A_515 = arith.constant 0 : i32
    %dma_wait3A_516 = tpu.memref_slice %arg14[%dma_wait3A_515] : memref<512xf32, #tpu.memory_space<vmem>> -> memref<128xf32, #tpu.memory_space<vmem>>
    %dma_wait3A_517 = arith.constant 0 : i32
    %dma_wait3A_518 = tpu.memref_slice %arg10[%dma_wait3A_514, %dma_wait3A_517] : memref<4x128xi32, #tpu.memory_space<vmem>> -> memref<1x128xi32, #tpu.memory_space<vmem>>
    %dma_wait3A_519 = tpu.memref_squeeze %dma_wait3A_518 : memref<1x128xi32, #tpu.memory_space<vmem>> -> memref<128xi32, #tpu.memory_space<vmem>>
    %dma_wait3A_520 = arith.constant 0 : i32
    %dma_wait3A_521 = tpu.memref_slice %arg6[%dma_wait3A_520] : memref<1000000xf32, #tpu.memory_space<hbm>> -> memref<1000000xf32, #tpu.memory_space<hbm>>
    tpu.wait_indirect_dma semaphore(%arg19 : memref<!tpu.dma_semaphore, #tpu.memory_space<semaphore_mem>>) src(%dma_wait3A_521 : memref<1000000xf32, #tpu.memory_space<hbm>>) dst(%dma_wait3A_516 : memref<128xf32, #tpu.memory_space<vmem>>)
    %dma_wait3A_522 = arith.constant 0 : i32
    %dma_wait3A_523 = arith.constant 0 : i32
    %dma_wait3A_524 = tpu.memref_slice %arg15[%dma_wait3A_523] : memref<512xf32, #tpu.memory_space<vmem>> -> memref<128xf32, #tpu.memory_space<vmem>>
    %dma_wait3A_525 = arith.constant 0 : i32
    %dma_wait3A_526 = tpu.memref_slice %arg11[%dma_wait3A_522, %dma_wait3A_525] : memref<4x128xi32, #tpu.memory_space<vmem>> -> memref<1x128xi32, #tpu.memory_space<vmem>>
    %dma_wait3A_527 = tpu.memref_squeeze %dma_wait3A_526 : memref<1x128xi32, #tpu.memory_space<vmem>> -> memref<128xi32, #tpu.memory_space<vmem>>
    %dma_wait3A_528 = arith.constant 0 : i32
    %dma_wait3A_529 = tpu.memref_slice %arg7[%dma_wait3A_528] : memref<100000xf32, #tpu.memory_space<hbm>> -> memref<100000xf32, #tpu.memory_space<hbm>>
    tpu.wait_indirect_dma semaphore(%arg19 : memref<!tpu.dma_semaphore, #tpu.memory_space<semaphore_mem>>) src(%dma_wait3A_529 : memref<100000xf32, #tpu.memory_space<hbm>>) dst(%dma_wait3A_524 : memref<128xf32, #tpu.memory_space<vmem>>)
    %dma_wait3A_530 = arith.constant 1 : i32
    %dma_wait3A_531 = arith.constant 128 : i32
    %dma_wait3A_532 = arith.constant 0 : i32
    %dma_wait3A_533 = tpu.memref_slice %arg12[%dma_wait3A_531, %dma_wait3A_532] : memref<512x64xf32, #tpu.memory_space<vmem>> -> memref<128x64xf32, #tpu.memory_space<vmem>>
    %dma_wait3A_534 = arith.constant 0 : i32
    %dma_wait3A_535 = tpu.memref_slice %arg10[%dma_wait3A_530, %dma_wait3A_534] : memref<4x128xi32, #tpu.memory_space<vmem>> -> memref<1x128xi32, #tpu.memory_space<vmem>>
    %dma_wait3A_536 = tpu.memref_squeeze %dma_wait3A_535 : memref<1x128xi32, #tpu.memory_space<vmem>> -> memref<128xi32, #tpu.memory_space<vmem>>
    %dma_wait3A_537 = arith.constant 0 : i32
    %dma_wait3A_538 = arith.constant 0 : i32
    %dma_wait3A_539 = tpu.memref_slice %arg4[%dma_wait3A_537, %dma_wait3A_538] : memref<1000000x64xf32, #tpu.memory_space<hbm>> -> memref<1000000x64xf32, #tpu.memory_space<hbm>>
    tpu.wait_indirect_dma semaphore(%arg19 : memref<!tpu.dma_semaphore, #tpu.memory_space<semaphore_mem>>) src(%dma_wait3A_539 : memref<1000000x64xf32, #tpu.memory_space<hbm>>) dst(%dma_wait3A_533 : memref<128x64xf32, #tpu.memory_space<vmem>>)
    %dma_wait3A_540 = arith.constant 1 : i32
    %dma_wait3A_541 = arith.constant 128 : i32
    %dma_wait3A_542 = arith.constant 0 : i32
    %dma_wait3A_543 = tpu.memref_slice %arg13[%dma_wait3A_541, %dma_wait3A_542] : memref<512x64xf32, #tpu.memory_space<vmem>> -> memref<128x64xf32, #tpu.memory_space<vmem>>
    %dma_wait3A_544 = arith.constant 0 : i32
    %dma_wait3A_545 = tpu.memref_slice %arg11[%dma_wait3A_540, %dma_wait3A_544] : memref<4x128xi32, #tpu.memory_space<vmem>> -> memref<1x128xi32, #tpu.memory_space<vmem>>
    %dma_wait3A_546 = tpu.memref_squeeze %dma_wait3A_545 : memref<1x128xi32, #tpu.memory_space<vmem>> -> memref<128xi32, #tpu.memory_space<vmem>>
    %dma_wait3A_547 = arith.constant 0 : i32
    %dma_wait3A_548 = arith.constant 0 : i32
    %dma_wait3A_549 = tpu.memref_slice %arg5[%dma_wait3A_547, %dma_wait3A_548] : memref<100000x64xf32, #tpu.memory_space<hbm>> -> memref<100000x64xf32, #tpu.memory_space<hbm>>
    tpu.wait_indirect_dma semaphore(%arg19 : memref<!tpu.dma_semaphore, #tpu.memory_space<semaphore_mem>>) src(%dma_wait3A_549 : memref<100000x64xf32, #tpu.memory_space<hbm>>) dst(%dma_wait3A_543 : memref<128x64xf32, #tpu.memory_space<vmem>>)
    %dma_wait3A_550 = arith.constant 1 : i32
    %dma_wait3A_551 = arith.constant 128 : i32
    %dma_wait3A_552 = tpu.memref_slice %arg14[%dma_wait3A_551] : memref<512xf32, #tpu.memory_space<vmem>> -> memref<128xf32, #tpu.memory_space<vmem>>
    %dma_wait3A_553 = arith.constant 0 : i32
    %dma_wait3A_554 = tpu.memref_slice %arg10[%dma_wait3A_550, %dma_wait3A_553] : memref<4x128xi32, #tpu.memory_space<vmem>> -> memref<1x128xi32, #tpu.memory_space<vmem>>
    %dma_wait3A_555 = tpu.memref_squeeze %dma_wait3A_554 : memref<1x128xi32, #tpu.memory_space<vmem>> -> memref<128xi32, #tpu.memory_space<vmem>>
    %dma_wait3A_556 = arith.constant 0 : i32
    %dma_wait3A_557 = tpu.memref_slice %arg6[%dma_wait3A_556] : memref<1000000xf32, #tpu.memory_space<hbm>> -> memref<1000000xf32, #tpu.memory_space<hbm>>
    tpu.wait_indirect_dma semaphore(%arg19 : memref<!tpu.dma_semaphore, #tpu.memory_space<semaphore_mem>>) src(%dma_wait3A_557 : memref<1000000xf32, #tpu.memory_space<hbm>>) dst(%dma_wait3A_552 : memref<128xf32, #tpu.memory_space<vmem>>)
    %dma_wait3A_558 = arith.constant 1 : i32
    %dma_wait3A_559 = arith.constant 128 : i32
    %dma_wait3A_560 = tpu.memref_slice %arg15[%dma_wait3A_559] : memref<512xf32, #tpu.memory_space<vmem>> -> memref<128xf32, #tpu.memory_space<vmem>>
    %dma_wait3A_561 = arith.constant 0 : i32
    %dma_wait3A_562 = tpu.memref_slice %arg11[%dma_wait3A_558, %dma_wait3A_561] : memref<4x128xi32, #tpu.memory_space<vmem>> -> memref<1x128xi32, #tpu.memory_space<vmem>>
    %dma_wait3A_563 = tpu.memref_squeeze %dma_wait3A_562 : memref<1x128xi32, #tpu.memory_space<vmem>> -> memref<128xi32, #tpu.memory_space<vmem>>
    %dma_wait3A_564 = arith.constant 0 : i32
    %dma_wait3A_565 = tpu.memref_slice %arg7[%dma_wait3A_564] : memref<100000xf32, #tpu.memory_space<hbm>> -> memref<100000xf32, #tpu.memory_space<hbm>>
    tpu.wait_indirect_dma semaphore(%arg19 : memref<!tpu.dma_semaphore, #tpu.memory_space<semaphore_mem>>) src(%dma_wait3A_565 : memref<100000xf32, #tpu.memory_space<hbm>>) dst(%dma_wait3A_560 : memref<128xf32, #tpu.memory_space<vmem>>)
    %dma_wait3A_566 = arith.constant 2 : i32
    %dma_wait3A_567 = arith.constant 256 : i32
    %dma_wait3A_568 = arith.constant 0 : i32
    %dma_wait3A_569 = tpu.memref_slice %arg12[%dma_wait3A_567, %dma_wait3A_568] : memref<512x64xf32, #tpu.memory_space<vmem>> -> memref<128x64xf32, #tpu.memory_space<vmem>>
    %dma_wait3A_570 = arith.constant 0 : i32
    %dma_wait3A_571 = tpu.memref_slice %arg10[%dma_wait3A_566, %dma_wait3A_570] : memref<4x128xi32, #tpu.memory_space<vmem>> -> memref<1x128xi32, #tpu.memory_space<vmem>>
    %dma_wait3A_572 = tpu.memref_squeeze %dma_wait3A_571 : memref<1x128xi32, #tpu.memory_space<vmem>> -> memref<128xi32, #tpu.memory_space<vmem>>
    %dma_wait3A_573 = arith.constant 0 : i32
    %dma_wait3A_574 = arith.constant 0 : i32
    %dma_wait3A_575 = tpu.memref_slice %arg4[%dma_wait3A_573, %dma_wait3A_574] : memref<1000000x64xf32, #tpu.memory_space<hbm>> -> memref<1000000x64xf32, #tpu.memory_space<hbm>>
    tpu.wait_indirect_dma semaphore(%arg19 : memref<!tpu.dma_semaphore, #tpu.memory_space<semaphore_mem>>) src(%dma_wait3A_575 : memref<1000000x64xf32, #tpu.memory_space<hbm>>) dst(%dma_wait3A_569 : memref<128x64xf32, #tpu.memory_space<vmem>>)
    %dma_wait3A_576 = arith.constant 2 : i32
    %dma_wait3A_577 = arith.constant 256 : i32
    %dma_wait3A_578 = arith.constant 0 : i32
    %dma_wait3A_579 = tpu.memref_slice %arg13[%dma_wait3A_577, %dma_wait3A_578] : memref<512x64xf32, #tpu.memory_space<vmem>> -> memref<128x64xf32, #tpu.memory_space<vmem>>
    %dma_wait3A_580 = arith.constant 0 : i32
    %dma_wait3A_581 = tpu.memref_slice %arg11[%dma_wait3A_576, %dma_wait3A_580] : memref<4x128xi32, #tpu.memory_space<vmem>> -> memref<1x128xi32, #tpu.memory_space<vmem>>
    %dma_wait3A_582 = tpu.memref_squeeze %dma_wait3A_581 : memref<1x128xi32, #tpu.memory_space<vmem>> -> memref<128xi32, #tpu.memory_space<vmem>>
    %dma_wait3A_583 = arith.constant 0 : i32
    %dma_wait3A_584 = arith.constant 0 : i32
    %dma_wait3A_585 = tpu.memref_slice %arg5[%dma_wait3A_583, %dma_wait3A_584] : memref<100000x64xf32, #tpu.memory_space<hbm>> -> memref<100000x64xf32, #tpu.memory_space<hbm>>
    tpu.wait_indirect_dma semaphore(%arg19 : memref<!tpu.dma_semaphore, #tpu.memory_space<semaphore_mem>>) src(%dma_wait3A_585 : memref<100000x64xf32, #tpu.memory_space<hbm>>) dst(%dma_wait3A_579 : memref<128x64xf32, #tpu.memory_space<vmem>>)
    %dma_wait3A_586 = arith.constant 2 : i32
    %dma_wait3A_587 = arith.constant 256 : i32
    %dma_wait3A_588 = tpu.memref_slice %arg14[%dma_wait3A_587] : memref<512xf32, #tpu.memory_space<vmem>> -> memref<128xf32, #tpu.memory_space<vmem>>
    %dma_wait3A_589 = arith.constant 0 : i32
    %dma_wait3A_590 = tpu.memref_slice %arg10[%dma_wait3A_586, %dma_wait3A_589] : memref<4x128xi32, #tpu.memory_space<vmem>> -> memref<1x128xi32, #tpu.memory_space<vmem>>
    %dma_wait3A_591 = tpu.memref_squeeze %dma_wait3A_590 : memref<1x128xi32, #tpu.memory_space<vmem>> -> memref<128xi32, #tpu.memory_space<vmem>>
    %dma_wait3A_592 = arith.constant 0 : i32
    %dma_wait3A_593 = tpu.memref_slice %arg6[%dma_wait3A_592] : memref<1000000xf32, #tpu.memory_space<hbm>> -> memref<1000000xf32, #tpu.memory_space<hbm>>
    tpu.wait_indirect_dma semaphore(%arg19 : memref<!tpu.dma_semaphore, #tpu.memory_space<semaphore_mem>>) src(%dma_wait3A_593 : memref<1000000xf32, #tpu.memory_space<hbm>>) dst(%dma_wait3A_588 : memref<128xf32, #tpu.memory_space<vmem>>)
    %dma_wait3A_594 = arith.constant 2 : i32
    %dma_wait3A_595 = arith.constant 256 : i32
    %dma_wait3A_596 = tpu.memref_slice %arg15[%dma_wait3A_595] : memref<512xf32, #tpu.memory_space<vmem>> -> memref<128xf32, #tpu.memory_space<vmem>>
    %dma_wait3A_597 = arith.constant 0 : i32
    %dma_wait3A_598 = tpu.memref_slice %arg11[%dma_wait3A_594, %dma_wait3A_597] : memref<4x128xi32, #tpu.memory_space<vmem>> -> memref<1x128xi32, #tpu.memory_space<vmem>>
    %dma_wait3A_599 = tpu.memref_squeeze %dma_wait3A_598 : memref<1x128xi32, #tpu.memory_space<vmem>> -> memref<128xi32, #tpu.memory_space<vmem>>
    %dma_wait3A_600 = arith.constant 0 : i32
    %dma_wait3A_601 = tpu.memref_slice %arg7[%dma_wait3A_600] : memref<100000xf32, #tpu.memory_space<hbm>> -> memref<100000xf32, #tpu.memory_space<hbm>>
    tpu.wait_indirect_dma semaphore(%arg19 : memref<!tpu.dma_semaphore, #tpu.memory_space<semaphore_mem>>) src(%dma_wait3A_601 : memref<100000xf32, #tpu.memory_space<hbm>>) dst(%dma_wait3A_596 : memref<128xf32, #tpu.memory_space<vmem>>)
    %dma_wait3A_602 = arith.constant 3 : i32
    %dma_wait3A_603 = arith.constant 384 : i32
    %dma_wait3A_604 = arith.constant 0 : i32
    %dma_wait3A_605 = tpu.memref_slice %arg12[%dma_wait3A_603, %dma_wait3A_604] : memref<512x64xf32, #tpu.memory_space<vmem>> -> memref<128x64xf32, #tpu.memory_space<vmem>>
    %dma_wait3A_606 = arith.constant 0 : i32
    %dma_wait3A_607 = tpu.memref_slice %arg10[%dma_wait3A_602, %dma_wait3A_606] : memref<4x128xi32, #tpu.memory_space<vmem>> -> memref<1x128xi32, #tpu.memory_space<vmem>>
    %dma_wait3A_608 = tpu.memref_squeeze %dma_wait3A_607 : memref<1x128xi32, #tpu.memory_space<vmem>> -> memref<128xi32, #tpu.memory_space<vmem>>
    %dma_wait3A_609 = arith.constant 0 : i32
    %dma_wait3A_610 = arith.constant 0 : i32
    %dma_wait3A_611 = tpu.memref_slice %arg4[%dma_wait3A_609, %dma_wait3A_610] : memref<1000000x64xf32, #tpu.memory_space<hbm>> -> memref<1000000x64xf32, #tpu.memory_space<hbm>>
    tpu.wait_indirect_dma semaphore(%arg19 : memref<!tpu.dma_semaphore, #tpu.memory_space<semaphore_mem>>) src(%dma_wait3A_611 : memref<1000000x64xf32, #tpu.memory_space<hbm>>) dst(%dma_wait3A_605 : memref<128x64xf32, #tpu.memory_space<vmem>>)
    %dma_wait3A_612 = arith.constant 3 : i32
    %dma_wait3A_613 = arith.constant 384 : i32
    %dma_wait3A_614 = arith.constant 0 : i32
    %dma_wait3A_615 = tpu.memref_slice %arg13[%dma_wait3A_613, %dma_wait3A_614] : memref<512x64xf32, #tpu.memory_space<vmem>> -> memref<128x64xf32, #tpu.memory_space<vmem>>
    %dma_wait3A_616 = arith.constant 0 : i32
    %dma_wait3A_617 = tpu.memref_slice %arg11[%dma_wait3A_612, %dma_wait3A_616] : memref<4x128xi32, #tpu.memory_space<vmem>> -> memref<1x128xi32, #tpu.memory_space<vmem>>
    %dma_wait3A_618 = tpu.memref_squeeze %dma_wait3A_617 : memref<1x128xi32, #tpu.memory_space<vmem>> -> memref<128xi32, #tpu.memory_space<vmem>>
    %dma_wait3A_619 = arith.constant 0 : i32
    %dma_wait3A_620 = arith.constant 0 : i32
    %dma_wait3A_621 = tpu.memref_slice %arg5[%dma_wait3A_619, %dma_wait3A_620] : memref<100000x64xf32, #tpu.memory_space<hbm>> -> memref<100000x64xf32, #tpu.memory_space<hbm>>
    tpu.wait_indirect_dma semaphore(%arg19 : memref<!tpu.dma_semaphore, #tpu.memory_space<semaphore_mem>>) src(%dma_wait3A_621 : memref<100000x64xf32, #tpu.memory_space<hbm>>) dst(%dma_wait3A_615 : memref<128x64xf32, #tpu.memory_space<vmem>>)
    %dma_wait3A_622 = arith.constant 3 : i32
    %dma_wait3A_623 = arith.constant 384 : i32
    %dma_wait3A_624 = tpu.memref_slice %arg14[%dma_wait3A_623] : memref<512xf32, #tpu.memory_space<vmem>> -> memref<128xf32, #tpu.memory_space<vmem>>
    %dma_wait3A_625 = arith.constant 0 : i32
    %dma_wait3A_626 = tpu.memref_slice %arg10[%dma_wait3A_622, %dma_wait3A_625] : memref<4x128xi32, #tpu.memory_space<vmem>> -> memref<1x128xi32, #tpu.memory_space<vmem>>
    %dma_wait3A_627 = tpu.memref_squeeze %dma_wait3A_626 : memref<1x128xi32, #tpu.memory_space<vmem>> -> memref<128xi32, #tpu.memory_space<vmem>>
    %dma_wait3A_628 = arith.constant 0 : i32
    %dma_wait3A_629 = tpu.memref_slice %arg6[%dma_wait3A_628] : memref<1000000xf32, #tpu.memory_space<hbm>> -> memref<1000000xf32, #tpu.memory_space<hbm>>
    tpu.wait_indirect_dma semaphore(%arg19 : memref<!tpu.dma_semaphore, #tpu.memory_space<semaphore_mem>>) src(%dma_wait3A_629 : memref<1000000xf32, #tpu.memory_space<hbm>>) dst(%dma_wait3A_624 : memref<128xf32, #tpu.memory_space<vmem>>)
    %dma_wait3A_630 = arith.constant 3 : i32
    %dma_wait3A_631 = arith.constant 384 : i32
    %dma_wait3A_632 = tpu.memref_slice %arg15[%dma_wait3A_631] : memref<512xf32, #tpu.memory_space<vmem>> -> memref<128xf32, #tpu.memory_space<vmem>>
    %dma_wait3A_633 = arith.constant 0 : i32
    %dma_wait3A_634 = tpu.memref_slice %arg11[%dma_wait3A_630, %dma_wait3A_633] : memref<4x128xi32, #tpu.memory_space<vmem>> -> memref<1x128xi32, #tpu.memory_space<vmem>>
    %dma_wait3A_635 = tpu.memref_squeeze %dma_wait3A_634 : memref<1x128xi32, #tpu.memory_space<vmem>> -> memref<128xi32, #tpu.memory_space<vmem>>
    %dma_wait3A_636 = arith.constant 0 : i32
    %dma_wait3A_637 = tpu.memref_slice %arg7[%dma_wait3A_636] : memref<100000xf32, #tpu.memory_space<hbm>> -> memref<100000xf32, #tpu.memory_space<hbm>>
    tpu.wait_indirect_dma semaphore(%arg19 : memref<!tpu.dma_semaphore, #tpu.memory_space<semaphore_mem>>) src(%dma_wait3A_637 : memref<100000xf32, #tpu.memory_space<hbm>>) dst(%dma_wait3A_632 : memref<128xf32, #tpu.memory_space<vmem>>)
    %iota3A_638 = tpu.iota {dimensions = array<i32: 0>} : vector<16xi32>
    %mul3A_639 = arith.constant 16 : i32
    %mul3A_640 = vector.broadcast %mul3A_639 : i32 to vector<16xi32>
    %mul3A_641 = arith.muli %iota3A_638, %mul3A_640 : vector<16xi32>
    %get3A_642 = arith.constant 0 : index
    %get3A_643 = tpu.vector_load %arg16[%get3A_642] {strides = array<i32>} : memref<16xf32, #tpu.memory_space<vmem>>, vector<16xf32>,
    %scan3A_644 = arith.constant 0 : i32
    %scan3A_645 = arith.constant 32 : i32
    %scan3A_646 = arith.addi %scan3A_644, %scan3A_645 : i32
    %scan3A_647 = arith.constant 1 : i32
    scf.for %scan3A_649 = %scan3A_644 to %scan3A_646 step %scan3A_647  : i32 {
      %mul3A_650 = arith.constant 16 : i32
      %mul3A_651 = arith.muli %scan3A_649, %mul3A_650 : i32
      %add3A_652 = arith.constant 0 : i32
      %add3A_653 = arith.addi %mul3A_651, %add3A_652 : i32
      %broadcast_in_dim3A = arith.constant 0.000000e+00 : f32
      %broadcast_in_dim3A_654 = vector.broadcast %broadcast_in_dim3A : f32 to vector<16xf32>
      %get3A_655 = arith.index_cast %add3A_653 : i32 to index
      %get3A_656 = arith.constant 0 : index
      %get3A_657 = tpu.vector_load %arg12[%get3A_655, %get3A_656] {strides = array<i32>} : memref<512x64xf32, #tpu.memory_space<vmem>>, vector<16xf32>,
      %get3A_658 = arith.index_cast %add3A_653 : i32 to index
      %get3A_659 = arith.constant 0 : index
      %get3A_660 = tpu.vector_load %arg13[%get3A_658, %get3A_659] {strides = array<i32>} : memref<512x64xf32, #tpu.memory_space<vmem>>, vector<16xf32>,
      %mul3A_661 = arith.mulf %get3A_657, %get3A_660 : vector<16xf32>
      %add3A_662 = arith.addf %broadcast_in_dim3A_654, %mul3A_661 : vector<16xf32>
      %get3A_663 = arith.index_cast %add3A_653 : i32 to index
      %get3A_664 = arith.constant 16 : index
      %get3A_665 = tpu.vector_load %arg12[%get3A_663, %get3A_664] {strides = array<i32>} : memref<512x64xf32, #tpu.memory_space<vmem>>, vector<16xf32>,
      %get3A_666 = arith.index_cast %add3A_653 : i32 to index
      %get3A_667 = arith.constant 16 : index
      %get3A_668 = tpu.vector_load %arg13[%get3A_666, %get3A_667] {strides = array<i32>} : memref<512x64xf32, #tpu.memory_space<vmem>>, vector<16xf32>,
      %mul3A_669 = arith.mulf %get3A_665, %get3A_668 : vector<16xf32>
      %add3A_670 = arith.addf %add3A_662, %mul3A_669 : vector<16xf32>
      %get3A_671 = arith.index_cast %add3A_653 : i32 to index
      %get3A_672 = arith.constant 32 : index
      %get3A_673 = tpu.vector_load %arg12[%get3A_671, %get3A_672] {strides = array<i32>} : memref<512x64xf32, #tpu.memory_space<vmem>>, vector<16xf32>,
      %get3A_674 = arith.index_cast %add3A_653 : i32 to index
      %get3A_675 = arith.constant 32 : index
      %get3A_676 = tpu.vector_load %arg13[%get3A_674, %get3A_675] {strides = array<i32>} : memref<512x64xf32, #tpu.memory_space<vmem>>, vector<16xf32>,
      %mul3A_677 = arith.mulf %get3A_673, %get3A_676 : vector<16xf32>
      %add3A_678 = arith.addf %add3A_670, %mul3A_677 : vector<16xf32>
      %get3A_679 = arith.index_cast %add3A_653 : i32 to index
      %get3A_680 = arith.constant 48 : index
      %get3A_681 = tpu.vector_load %arg12[%get3A_679, %get3A_680] {strides = array<i32>} : memref<512x64xf32, #tpu.memory_space<vmem>>, vector<16xf32>,
      %get3A_682 = arith.index_cast %add3A_653 : i32 to index
      %get3A_683 = arith.constant 48 : index
      %get3A_684 = tpu.vector_load %arg13[%get3A_682, %get3A_683] {strides = array<i32>} : memref<512x64xf32, #tpu.memory_space<vmem>>, vector<16xf32>,
      %mul3A_685 = arith.mulf %get3A_681, %get3A_684 : vector<16xf32>
      %add3A_686 = arith.addf %add3A_678, %mul3A_685 : vector<16xf32>
      %swap3A = arith.constant 0 : index
      %swap3A_687 = tpu.vector_load %arg17[%swap3A] {strides = array<i32>} : memref<256xf32, #tpu.memory_space<vmem>>, vector<16xf32>,
      tpu.vector_store %arg17[%swap3A], %add3A_686 {strides = array<i32>} : memref<256xf32, #tpu.memory_space<vmem>>, vector<16xf32>,
      %mul3A_688 = arith.constant 16 : i32
      %mul3A_689 = arith.muli %scan3A_649, %mul3A_688 : i32
      %add3A_690 = arith.constant 1 : i32
      %add3A_691 = arith.addi %mul3A_689, %add3A_690 : i32
      %broadcast_in_dim3A_692 = arith.constant 0.000000e+00 : f32
      %broadcast_in_dim3A_693 = vector.broadcast %broadcast_in_dim3A_692 : f32 to vector<16xf32>
      %get3A_694 = arith.index_cast %add3A_691 : i32 to index
      %get3A_695 = arith.constant 0 : index
      %get3A_696 = tpu.vector_load %arg12[%get3A_694, %get3A_695] {strides = array<i32>} : memref<512x64xf32, #tpu.memory_space<vmem>>, vector<16xf32>,
      %get3A_697 = arith.index_cast %add3A_691 : i32 to index
      %get3A_698 = arith.constant 0 : index
      %get3A_699 = tpu.vector_load %arg13[%get3A_697, %get3A_698] {strides = array<i32>} : memref<512x64xf32, #tpu.memory_space<vmem>>, vector<16xf32>,
      %mul3A_700 = arith.mulf %get3A_696, %get3A_699 : vector<16xf32>
      %add3A_701 = arith.addf %broadcast_in_dim3A_693, %mul3A_700 : vector<16xf32>
      %get3A_702 = arith.index_cast %add3A_691 : i32 to index
      %get3A_703 = arith.constant 16 : index
      %get3A_704 = tpu.vector_load %arg12[%get3A_702, %get3A_703] {strides = array<i32>} : memref<512x64xf32, #tpu.memory_space<vmem>>, vector<16xf32>,
      %get3A_705 = arith.index_cast %add3A_691 : i32 to index
      %get3A_706 = arith.constant 16 : index
      %get3A_707 = tpu.vector_load %arg13[%get3A_705, %get3A_706] {strides = array<i32>} : memref<512x64xf32, #tpu.memory_space<vmem>>, vector<16xf32>,
      %mul3A_708 = arith.mulf %get3A_704, %get3A_707 : vector<16xf32>
      %add3A_709 = arith.addf %add3A_701, %mul3A_708 : vector<16xf32>
      %get3A_710 = arith.index_cast %add3A_691 : i32 to index
      %get3A_711 = arith.constant 32 : index
      %get3A_712 = tpu.vector_load %arg12[%get3A_710, %get3A_711] {strides = array<i32>} : memref<512x64xf32, #tpu.memory_space<vmem>>, vector<16xf32>,
      %get3A_713 = arith.index_cast %add3A_691 : i32 to index
      %get3A_714 = arith.constant 32 : index
      %get3A_715 = tpu.vector_load %arg13[%get3A_713, %get3A_714] {strides = array<i32>} : memref<512x64xf32, #tpu.memory_space<vmem>>, vector<16xf32>,
      %mul3A_716 = arith.mulf %get3A_712, %get3A_715 : vector<16xf32>
      %add3A_717 = arith.addf %add3A_709, %mul3A_716 : vector<16xf32>
      %get3A_718 = arith.index_cast %add3A_691 : i32 to index
      %get3A_719 = arith.constant 48 : index
      %get3A_720 = tpu.vector_load %arg12[%get3A_718, %get3A_719] {strides = array<i32>} : memref<512x64xf32, #tpu.memory_space<vmem>>, vector<16xf32>,
      %get3A_721 = arith.index_cast %add3A_691 : i32 to index
      %get3A_722 = arith.constant 48 : index
      %get3A_723 = tpu.vector_load %arg13[%get3A_721, %get3A_722] {strides = array<i32>} : memref<512x64xf32, #tpu.memory_space<vmem>>, vector<16xf32>,
      %mul3A_724 = arith.mulf %get3A_720, %get3A_723 : vector<16xf32>
      %add3A_725 = arith.addf %add3A_717, %mul3A_724 : vector<16xf32>
      %swap3A_726 = arith.constant 16 : index
      %swap3A_727 = tpu.vector_load %arg17[%swap3A_726] {strides = array<i32>} : memref<256xf32, #tpu.memory_space<vmem>>, vector<16xf32>,
      tpu.vector_store %arg17[%swap3A_726], %add3A_725 {strides = array<i32>} : memref<256xf32, #tpu.memory_space<vmem>>, vector<16xf32>,
      %mul3A_728 = arith.constant 16 : i32
      %mul3A_729 = arith.muli %scan3A_649, %mul3A_728 : i32
      %add3A_730 = arith.constant 2 : i32
      %add3A_731 = arith.addi %mul3A_729, %add3A_730 : i32
      %broadcast_in_dim3A_732 = arith.constant 0.000000e+00 : f32
      %broadcast_in_dim3A_733 = vector.broadcast %broadcast_in_dim3A_732 : f32 to vector<16xf32>
      %get3A_734 = arith.index_cast %add3A_731 : i32 to index
      %get3A_735 = arith.constant 0 : index
      %get3A_736 = tpu.vector_load %arg12[%get3A_734, %get3A_735] {strides = array<i32>} : memref<512x64xf32, #tpu.memory_space<vmem>>, vector<16xf32>,
      %get3A_737 = arith.index_cast %add3A_731 : i32 to index
      %get3A_738 = arith.constant 0 : index
      %get3A_739 = tpu.vector_load %arg13[%get3A_737, %get3A_738] {strides = array<i32>} : memref<512x64xf32, #tpu.memory_space<vmem>>, vector<16xf32>,
      %mul3A_740 = arith.mulf %get3A_736, %get3A_739 : vector<16xf32>
      %add3A_741 = arith.addf %broadcast_in_dim3A_733, %mul3A_740 : vector<16xf32>
      %get3A_742 = arith.index_cast %add3A_731 : i32 to index
      %get3A_743 = arith.constant 16 : index
      %get3A_744 = tpu.vector_load %arg12[%get3A_742, %get3A_743] {strides = array<i32>} : memref<512x64xf32, #tpu.memory_space<vmem>>, vector<16xf32>,
      %get3A_745 = arith.index_cast %add3A_731 : i32 to index
      %get3A_746 = arith.constant 16 : index
      %get3A_747 = tpu.vector_load %arg13[%get3A_745, %get3A_746] {strides = array<i32>} : memref<512x64xf32, #tpu.memory_space<vmem>>, vector<16xf32>,
      %mul3A_748 = arith.mulf %get3A_744, %get3A_747 : vector<16xf32>
      %add3A_749 = arith.addf %add3A_741, %mul3A_748 : vector<16xf32>
      %get3A_750 = arith.index_cast %add3A_731 : i32 to index
      %get3A_751 = arith.constant 32 : index
      %get3A_752 = tpu.vector_load %arg12[%get3A_750, %get3A_751] {strides = array<i32>} : memref<512x64xf32, #tpu.memory_space<vmem>>, vector<16xf32>,
      %get3A_753 = arith.index_cast %add3A_731 : i32 to index
      %get3A_754 = arith.constant 32 : index
      %get3A_755 = tpu.vector_load %arg13[%get3A_753, %get3A_754] {strides = array<i32>} : memref<512x64xf32, #tpu.memory_space<vmem>>, vector<16xf32>,
      %mul3A_756 = arith.mulf %get3A_752, %get3A_755 : vector<16xf32>
      %add3A_757 = arith.addf %add3A_749, %mul3A_756 : vector<16xf32>
      %get3A_758 = arith.index_cast %add3A_731 : i32 to index
      %get3A_759 = arith.constant 48 : index
      %get3A_760 = tpu.vector_load %arg12[%get3A_758, %get3A_759] {strides = array<i32>} : memref<512x64xf32, #tpu.memory_space<vmem>>, vector<16xf32>,
      %get3A_761 = arith.index_cast %add3A_731 : i32 to index
      %get3A_762 = arith.constant 48 : index
      %get3A_763 = tpu.vector_load %arg13[%get3A_761, %get3A_762] {strides = array<i32>} : memref<512x64xf32, #tpu.memory_space<vmem>>, vector<16xf32>,
      %mul3A_764 = arith.mulf %get3A_760, %get3A_763 : vector<16xf32>
      %add3A_765 = arith.addf %add3A_757, %mul3A_764 : vector<16xf32>
      %swap3A_766 = arith.constant 32 : index
      %swap3A_767 = tpu.vector_load %arg17[%swap3A_766] {strides = array<i32>} : memref<256xf32, #tpu.memory_space<vmem>>, vector<16xf32>,
      tpu.vector_store %arg17[%swap3A_766], %add3A_765 {strides = array<i32>} : memref<256xf32, #tpu.memory_space<vmem>>, vector<16xf32>,
      %mul3A_768 = arith.constant 16 : i32
      %mul3A_769 = arith.muli %scan3A_649, %mul3A_768 : i32
      %add3A_770 = arith.constant 3 : i32
      %add3A_771 = arith.addi %mul3A_769, %add3A_770 : i32
      %broadcast_in_dim3A_772 = arith.constant 0.000000e+00 : f32
      %broadcast_in_dim3A_773 = vector.broadcast %broadcast_in_dim3A_772 : f32 to vector<16xf32>
      %get3A_774 = arith.index_cast %add3A_771 : i32 to index
      %get3A_775 = arith.constant 0 : index
      %get3A_776 = tpu.vector_load %arg12[%get3A_774, %get3A_775] {strides = array<i32>} : memref<512x64xf32, #tpu.memory_space<vmem>>, vector<16xf32>,
      %get3A_777 = arith.index_cast %add3A_771 : i32 to index
      %get3A_778 = arith.constant 0 : index
      %get3A_779 = tpu.vector_load %arg13[%get3A_777, %get3A_778] {strides = array<i32>} : memref<512x64xf32, #tpu.memory_space<vmem>>, vector<16xf32>,
      %mul3A_780 = arith.mulf %get3A_776, %get3A_779 : vector<16xf32>
      %add3A_781 = arith.addf %broadcast_in_dim3A_773, %mul3A_780 : vector<16xf32>
      %get3A_782 = arith.index_cast %add3A_771 : i32 to index
      %get3A_783 = arith.constant 16 : index
      %get3A_784 = tpu.vector_load %arg12[%get3A_782, %get3A_783] {strides = array<i32>} : memref<512x64xf32, #tpu.memory_space<vmem>>, vector<16xf32>,
      %get3A_785 = arith.index_cast %add3A_771 : i32 to index
      %get3A_786 = arith.constant 16 : index
      %get3A_787 = tpu.vector_load %arg13[%get3A_785, %get3A_786] {strides = array<i32>} : memref<512x64xf32, #tpu.memory_space<vmem>>, vector<16xf32>,
      %mul3A_788 = arith.mulf %get3A_784, %get3A_787 : vector<16xf32>
      %add3A_789 = arith.addf %add3A_781, %mul3A_788 : vector<16xf32>
      %get3A_790 = arith.index_cast %add3A_771 : i32 to index
      %get3A_791 = arith.constant 32 : index
      %get3A_792 = tpu.vector_load %arg12[%get3A_790, %get3A_791] {strides = array<i32>} : memref<512x64xf32, #tpu.memory_space<vmem>>, vector<16xf32>,
      %get3A_793 = arith.index_cast %add3A_771 : i32 to index
      %get3A_794 = arith.constant 32 : index
      %get3A_795 = tpu.vector_load %arg13[%get3A_793, %get3A_794] {strides = array<i32>} : memref<512x64xf32, #tpu.memory_space<vmem>>, vector<16xf32>,
      %mul3A_796 = arith.mulf %get3A_792, %get3A_795 : vector<16xf32>
      %add3A_797 = arith.addf %add3A_789, %mul3A_796 : vector<16xf32>
      %get3A_798 = arith.index_cast %add3A_771 : i32 to index
      %get3A_799 = arith.constant 48 : index
      %get3A_800 = tpu.vector_load %arg12[%get3A_798, %get3A_799] {strides = array<i32>} : memref<512x64xf32, #tpu.memory_space<vmem>>, vector<16xf32>,
      %get3A_801 = arith.index_cast %add3A_771 : i32 to index
      %get3A_802 = arith.constant 48 : index
      %get3A_803 = tpu.vector_load %arg13[%get3A_801, %get3A_802] {strides = array<i32>} : memref<512x64xf32, #tpu.memory_space<vmem>>, vector<16xf32>,
      %mul3A_804 = arith.mulf %get3A_800, %get3A_803 : vector<16xf32>
      %add3A_805 = arith.addf %add3A_797, %mul3A_804 : vector<16xf32>
      %swap3A_806 = arith.constant 48 : index
      %swap3A_807 = tpu.vector_load %arg17[%swap3A_806] {strides = array<i32>} : memref<256xf32, #tpu.memory_space<vmem>>, vector<16xf32>,
      tpu.vector_store %arg17[%swap3A_806], %add3A_805 {strides = array<i32>} : memref<256xf32, #tpu.memory_space<vmem>>, vector<16xf32>,
      %mul3A_808 = arith.constant 16 : i32
      %mul3A_809 = arith.muli %scan3A_649, %mul3A_808 : i32
      %add3A_810 = arith.constant 4 : i32
      %add3A_811 = arith.addi %mul3A_809, %add3A_810 : i32
      %broadcast_in_dim3A_812 = arith.constant 0.000000e+00 : f32
      %broadcast_in_dim3A_813 = vector.broadcast %broadcast_in_dim3A_812 : f32 to vector<16xf32>
      %get3A_814 = arith.index_cast %add3A_811 : i32 to index
      %get3A_815 = arith.constant 0 : index
      %get3A_816 = tpu.vector_load %arg12[%get3A_814, %get3A_815] {strides = array<i32>} : memref<512x64xf32, #tpu.memory_space<vmem>>, vector<16xf32>,
      %get3A_817 = arith.index_cast %add3A_811 : i32 to index
      %get3A_818 = arith.constant 0 : index
      %get3A_819 = tpu.vector_load %arg13[%get3A_817, %get3A_818] {strides = array<i32>} : memref<512x64xf32, #tpu.memory_space<vmem>>, vector<16xf32>,
      %mul3A_820 = arith.mulf %get3A_816, %get3A_819 : vector<16xf32>
      %add3A_821 = arith.addf %broadcast_in_dim3A_813, %mul3A_820 : vector<16xf32>
      %get3A_822 = arith.index_cast %add3A_811 : i32 to index
      %get3A_823 = arith.constant 16 : index
      %get3A_824 = tpu.vector_load %arg12[%get3A_822, %get3A_823] {strides = array<i32>} : memref<512x64xf32, #tpu.memory_space<vmem>>, vector<16xf32>,
      %get3A_825 = arith.index_cast %add3A_811 : i32 to index
      %get3A_826 = arith.constant 16 : index
      %get3A_827 = tpu.vector_load %arg13[%get3A_825, %get3A_826] {strides = array<i32>} : memref<512x64xf32, #tpu.memory_space<vmem>>, vector<16xf32>,
      %mul3A_828 = arith.mulf %get3A_824, %get3A_827 : vector<16xf32>
      %add3A_829 = arith.addf %add3A_821, %mul3A_828 : vector<16xf32>
      %get3A_830 = arith.index_cast %add3A_811 : i32 to index
      %get3A_831 = arith.constant 32 : index
      %get3A_832 = tpu.vector_load %arg12[%get3A_830, %get3A_831] {strides = array<i32>} : memref<512x64xf32, #tpu.memory_space<vmem>>, vector<16xf32>,
      %get3A_833 = arith.index_cast %add3A_811 : i32 to index
      %get3A_834 = arith.constant 32 : index
      %get3A_835 = tpu.vector_load %arg13[%get3A_833, %get3A_834] {strides = array<i32>} : memref<512x64xf32, #tpu.memory_space<vmem>>, vector<16xf32>,
      %mul3A_836 = arith.mulf %get3A_832, %get3A_835 : vector<16xf32>
      %add3A_837 = arith.addf %add3A_829, %mul3A_836 : vector<16xf32>
      %get3A_838 = arith.index_cast %add3A_811 : i32 to index
      %get3A_839 = arith.constant 48 : index
      %get3A_840 = tpu.vector_load %arg12[%get3A_838, %get3A_839] {strides = array<i32>} : memref<512x64xf32, #tpu.memory_space<vmem>>, vector<16xf32>,
      %get3A_841 = arith.index_cast %add3A_811 : i32 to index
      %get3A_842 = arith.constant 48 : index
      %get3A_843 = tpu.vector_load %arg13[%get3A_841, %get3A_842] {strides = array<i32>} : memref<512x64xf32, #tpu.memory_space<vmem>>, vector<16xf32>,
      %mul3A_844 = arith.mulf %get3A_840, %get3A_843 : vector<16xf32>
      %add3A_845 = arith.addf %add3A_837, %mul3A_844 : vector<16xf32>
      %swap3A_846 = arith.constant 64 : index
      %swap3A_847 = tpu.vector_load %arg17[%swap3A_846] {strides = array<i32>} : memref<256xf32, #tpu.memory_space<vmem>>, vector<16xf32>,
      tpu.vector_store %arg17[%swap3A_846], %add3A_845 {strides = array<i32>} : memref<256xf32, #tpu.memory_space<vmem>>, vector<16xf32>,
      %mul3A_848 = arith.constant 16 : i32
      %mul3A_849 = arith.muli %scan3A_649, %mul3A_848 : i32
      %add3A_850 = arith.constant 5 : i32
      %add3A_851 = arith.addi %mul3A_849, %add3A_850 : i32
      %broadcast_in_dim3A_852 = arith.constant 0.000000e+00 : f32
      %broadcast_in_dim3A_853 = vector.broadcast %broadcast_in_dim3A_852 : f32 to vector<16xf32>
      %get3A_854 = arith.index_cast %add3A_851 : i32 to index
      %get3A_855 = arith.constant 0 : index
      %get3A_856 = tpu.vector_load %arg12[%get3A_854, %get3A_855] {strides = array<i32>} : memref<512x64xf32, #tpu.memory_space<vmem>>, vector<16xf32>,
      %get3A_857 = arith.index_cast %add3A_851 : i32 to index
      %get3A_858 = arith.constant 0 : index
      %get3A_859 = tpu.vector_load %arg13[%get3A_857, %get3A_858] {strides = array<i32>} : memref<512x64xf32, #tpu.memory_space<vmem>>, vector<16xf32>,
      %mul3A_860 = arith.mulf %get3A_856, %get3A_859 : vector<16xf32>
      %add3A_861 = arith.addf %broadcast_in_dim3A_853, %mul3A_860 : vector<16xf32>
      %get3A_862 = arith.index_cast %add3A_851 : i32 to index
      %get3A_863 = arith.constant 16 : index
      %get3A_864 = tpu.vector_load %arg12[%get3A_862, %get3A_863] {strides = array<i32>} : memref<512x64xf32, #tpu.memory_space<vmem>>, vector<16xf32>,
      %get3A_865 = arith.index_cast %add3A_851 : i32 to index
      %get3A_866 = arith.constant 16 : index
      %get3A_867 = tpu.vector_load %arg13[%get3A_865, %get3A_866] {strides = array<i32>} : memref<512x64xf32, #tpu.memory_space<vmem>>, vector<16xf32>,
      %mul3A_868 = arith.mulf %get3A_864, %get3A_867 : vector<16xf32>
      %add3A_869 = arith.addf %add3A_861, %mul3A_868 : vector<16xf32>
      %get3A_870 = arith.index_cast %add3A_851 : i32 to index
      %get3A_871 = arith.constant 32 : index
      %get3A_872 = tpu.vector_load %arg12[%get3A_870, %get3A_871] {strides = array<i32>} : memref<512x64xf32, #tpu.memory_space<vmem>>, vector<16xf32>,
      %get3A_873 = arith.index_cast %add3A_851 : i32 to index
      %get3A_874 = arith.constant 32 : index
      %get3A_875 = tpu.vector_load %arg13[%get3A_873, %get3A_874] {strides = array<i32>} : memref<512x64xf32, #tpu.memory_space<vmem>>, vector<16xf32>,
      %mul3A_876 = arith.mulf %get3A_872, %get3A_875 : vector<16xf32>
      %add3A_877 = arith.addf %add3A_869, %mul3A_876 : vector<16xf32>
      %get3A_878 = arith.index_cast %add3A_851 : i32 to index
      %get3A_879 = arith.constant 48 : index
      %get3A_880 = tpu.vector_load %arg12[%get3A_878, %get3A_879] {strides = array<i32>} : memref<512x64xf32, #tpu.memory_space<vmem>>, vector<16xf32>,
      %get3A_881 = arith.index_cast %add3A_851 : i32 to index
      %get3A_882 = arith.constant 48 : index
      %get3A_883 = tpu.vector_load %arg13[%get3A_881, %get3A_882] {strides = array<i32>} : memref<512x64xf32, #tpu.memory_space<vmem>>, vector<16xf32>,
      %mul3A_884 = arith.mulf %get3A_880, %get3A_883 : vector<16xf32>
      %add3A_885 = arith.addf %add3A_877, %mul3A_884 : vector<16xf32>
      %swap3A_886 = arith.constant 80 : index
      %swap3A_887 = tpu.vector_load %arg17[%swap3A_886] {strides = array<i32>} : memref<256xf32, #tpu.memory_space<vmem>>, vector<16xf32>,
      tpu.vector_store %arg17[%swap3A_886], %add3A_885 {strides = array<i32>} : memref<256xf32, #tpu.memory_space<vmem>>, vector<16xf32>,
      %mul3A_888 = arith.constant 16 : i32
      %mul3A_889 = arith.muli %scan3A_649, %mul3A_888 : i32
      %add3A_890 = arith.constant 6 : i32
      %add3A_891 = arith.addi %mul3A_889, %add3A_890 : i32
      %broadcast_in_dim3A_892 = arith.constant 0.000000e+00 : f32
      %broadcast_in_dim3A_893 = vector.broadcast %broadcast_in_dim3A_892 : f32 to vector<16xf32>
      %get3A_894 = arith.index_cast %add3A_891 : i32 to index
      %get3A_895 = arith.constant 0 : index
      %get3A_896 = tpu.vector_load %arg12[%get3A_894, %get3A_895] {strides = array<i32>} : memref<512x64xf32, #tpu.memory_space<vmem>>, vector<16xf32>,
      %get3A_897 = arith.index_cast %add3A_891 : i32 to index
      %get3A_898 = arith.constant 0 : index
      %get3A_899 = tpu.vector_load %arg13[%get3A_897, %get3A_898] {strides = array<i32>} : memref<512x64xf32, #tpu.memory_space<vmem>>, vector<16xf32>,
      %mul3A_900 = arith.mulf %get3A_896, %get3A_899 : vector<16xf32>
      %add3A_901 = arith.addf %broadcast_in_dim3A_893, %mul3A_900 : vector<16xf32>
      %get3A_902 = arith.index_cast %add3A_891 : i32 to index
      %get3A_903 = arith.constant 16 : index
      %get3A_904 = tpu.vector_load %arg12[%get3A_902, %get3A_903] {strides = array<i32>} : memref<512x64xf32, #tpu.memory_space<vmem>>, vector<16xf32>,
      %get3A_905 = arith.index_cast %add3A_891 : i32 to index
      %get3A_906 = arith.constant 16 : index
      %get3A_907 = tpu.vector_load %arg13[%get3A_905, %get3A_906] {strides = array<i32>} : memref<512x64xf32, #tpu.memory_space<vmem>>, vector<16xf32>,
      %mul3A_908 = arith.mulf %get3A_904, %get3A_907 : vector<16xf32>
      %add3A_909 = arith.addf %add3A_901, %mul3A_908 : vector<16xf32>
      %get3A_910 = arith.index_cast %add3A_891 : i32 to index
      %get3A_911 = arith.constant 32 : index
      %get3A_912 = tpu.vector_load %arg12[%get3A_910, %get3A_911] {strides = array<i32>} : memref<512x64xf32, #tpu.memory_space<vmem>>, vector<16xf32>,
      %get3A_913 = arith.index_cast %add3A_891 : i32 to index
      %get3A_914 = arith.constant 32 : index
      %get3A_915 = tpu.vector_load %arg13[%get3A_913, %get3A_914] {strides = array<i32>} : memref<512x64xf32, #tpu.memory_space<vmem>>, vector<16xf32>,
      %mul3A_916 = arith.mulf %get3A_912, %get3A_915 : vector<16xf32>
      %add3A_917 = arith.addf %add3A_909, %mul3A_916 : vector<16xf32>
      %get3A_918 = arith.index_cast %add3A_891 : i32 to index
      %get3A_919 = arith.constant 48 : index
      %get3A_920 = tpu.vector_load %arg12[%get3A_918, %get3A_919] {strides = array<i32>} : memref<512x64xf32, #tpu.memory_space<vmem>>, vector<16xf32>,
      %get3A_921 = arith.index_cast %add3A_891 : i32 to index
      %get3A_922 = arith.constant 48 : index
      %get3A_923 = tpu.vector_load %arg13[%get3A_921, %get3A_922] {strides = array<i32>} : memref<512x64xf32, #tpu.memory_space<vmem>>, vector<16xf32>,
      %mul3A_924 = arith.mulf %get3A_920, %get3A_923 : vector<16xf32>
      %add3A_925 = arith.addf %add3A_917, %mul3A_924 : vector<16xf32>
      %swap3A_926 = arith.constant 96 : index
      %swap3A_927 = tpu.vector_load %arg17[%swap3A_926] {strides = array<i32>} : memref<256xf32, #tpu.memory_space<vmem>>, vector<16xf32>,
      tpu.vector_store %arg17[%swap3A_926], %add3A_925 {strides = array<i32>} : memref<256xf32, #tpu.memory_space<vmem>>, vector<16xf32>,
      %mul3A_928 = arith.constant 16 : i32
      %mul3A_929 = arith.muli %scan3A_649, %mul3A_928 : i32
      %add3A_930 = arith.constant 7 : i32
      %add3A_931 = arith.addi %mul3A_929, %add3A_930 : i32
      %broadcast_in_dim3A_932 = arith.constant 0.000000e+00 : f32
      %broadcast_in_dim3A_933 = vector.broadcast %broadcast_in_dim3A_932 : f32 to vector<16xf32>
      %get3A_934 = arith.index_cast %add3A_931 : i32 to index
      %get3A_935 = arith.constant 0 : index
      %get3A_936 = tpu.vector_load %arg12[%get3A_934, %get3A_935] {strides = array<i32>} : memref<512x64xf32, #tpu.memory_space<vmem>>, vector<16xf32>,
      %get3A_937 = arith.index_cast %add3A_931 : i32 to index
      %get3A_938 = arith.constant 0 : index
      %get3A_939 = tpu.vector_load %arg13[%get3A_937, %get3A_938] {strides = array<i32>} : memref<512x64xf32, #tpu.memory_space<vmem>>, vector<16xf32>,
      %mul3A_940 = arith.mulf %get3A_936, %get3A_939 : vector<16xf32>
      %add3A_941 = arith.addf %broadcast_in_dim3A_933, %mul3A_940 : vector<16xf32>
      %get3A_942 = arith.index_cast %add3A_931 : i32 to index
      %get3A_943 = arith.constant 16 : index
      %get3A_944 = tpu.vector_load %arg12[%get3A_942, %get3A_943] {strides = array<i32>} : memref<512x64xf32, #tpu.memory_space<vmem>>, vector<16xf32>,
      %get3A_945 = arith.index_cast %add3A_931 : i32 to index
      %get3A_946 = arith.constant 16 : index
      %get3A_947 = tpu.vector_load %arg13[%get3A_945, %get3A_946] {strides = array<i32>} : memref<512x64xf32, #tpu.memory_space<vmem>>, vector<16xf32>,
      %mul3A_948 = arith.mulf %get3A_944, %get3A_947 : vector<16xf32>
      %add3A_949 = arith.addf %add3A_941, %mul3A_948 : vector<16xf32>
      %get3A_950 = arith.index_cast %add3A_931 : i32 to index
      %get3A_951 = arith.constant 32 : index
      %get3A_952 = tpu.vector_load %arg12[%get3A_950, %get3A_951] {strides = array<i32>} : memref<512x64xf32, #tpu.memory_space<vmem>>, vector<16xf32>,
      %get3A_953 = arith.index_cast %add3A_931 : i32 to index
      %get3A_954 = arith.constant 32 : index
      %get3A_955 = tpu.vector_load %arg13[%get3A_953, %get3A_954] {strides = array<i32>} : memref<512x64xf32, #tpu.memory_space<vmem>>, vector<16xf32>,
      %mul3A_956 = arith.mulf %get3A_952, %get3A_955 : vector<16xf32>
      %add3A_957 = arith.addf %add3A_949, %mul3A_956 : vector<16xf32>
      %get3A_958 = arith.index_cast %add3A_931 : i32 to index
      %get3A_959 = arith.constant 48 : index
      %get3A_960 = tpu.vector_load %arg12[%get3A_958, %get3A_959] {strides = array<i32>} : memref<512x64xf32, #tpu.memory_space<vmem>>, vector<16xf32>,
      %get3A_961 = arith.index_cast %add3A_931 : i32 to index
      %get3A_962 = arith.constant 48 : index
      %get3A_963 = tpu.vector_load %arg13[%get3A_961, %get3A_962] {strides = array<i32>} : memref<512x64xf32, #tpu.memory_space<vmem>>, vector<16xf32>,
      %mul3A_964 = arith.mulf %get3A_960, %get3A_963 : vector<16xf32>
      %add3A_965 = arith.addf %add3A_957, %mul3A_964 : vector<16xf32>
      %swap3A_966 = arith.constant 112 : index
      %swap3A_967 = tpu.vector_load %arg17[%swap3A_966] {strides = array<i32>} : memref<256xf32, #tpu.memory_space<vmem>>, vector<16xf32>,
      tpu.vector_store %arg17[%swap3A_966], %add3A_965 {strides = array<i32>} : memref<256xf32, #tpu.memory_space<vmem>>, vector<16xf32>,
      %mul3A_968 = arith.constant 16 : i32
      %mul3A_969 = arith.muli %scan3A_649, %mul3A_968 : i32
      %add3A_970 = arith.constant 8 : i32
      %add3A_971 = arith.addi %mul3A_969, %add3A_970 : i32
      %broadcast_in_dim3A_972 = arith.constant 0.000000e+00 : f32
      %broadcast_in_dim3A_973 = vector.broadcast %broadcast_in_dim3A_972 : f32 to vector<16xf32>
      %get3A_974 = arith.index_cast %add3A_971 : i32 to index
      %get3A_975 = arith.constant 0 : index
      %get3A_976 = tpu.vector_load %arg12[%get3A_974, %get3A_975] {strides = array<i32>} : memref<512x64xf32, #tpu.memory_space<vmem>>, vector<16xf32>,
      %get3A_977 = arith.index_cast %add3A_971 : i32 to index
      %get3A_978 = arith.constant 0 : index
      %get3A_979 = tpu.vector_load %arg13[%get3A_977, %get3A_978] {strides = array<i32>} : memref<512x64xf32, #tpu.memory_space<vmem>>, vector<16xf32>,
      %mul3A_980 = arith.mulf %get3A_976, %get3A_979 : vector<16xf32>
      %add3A_981 = arith.addf %broadcast_in_dim3A_973, %mul3A_980 : vector<16xf32>
      %get3A_982 = arith.index_cast %add3A_971 : i32 to index
      %get3A_983 = arith.constant 16 : index
      %get3A_984 = tpu.vector_load %arg12[%get3A_982, %get3A_983] {strides = array<i32>} : memref<512x64xf32, #tpu.memory_space<vmem>>, vector<16xf32>,
      %get3A_985 = arith.index_cast %add3A_971 : i32 to index
      %get3A_986 = arith.constant 16 : index
      %get3A_987 = tpu.vector_load %arg13[%get3A_985, %get3A_986] {strides = array<i32>} : memref<512x64xf32, #tpu.memory_space<vmem>>, vector<16xf32>,
      %mul3A_988 = arith.mulf %get3A_984, %get3A_987 : vector<16xf32>
      %add3A_989 = arith.addf %add3A_981, %mul3A_988 : vector<16xf32>
      %get3A_990 = arith.index_cast %add3A_971 : i32 to index
      %get3A_991 = arith.constant 32 : index
      %get3A_992 = tpu.vector_load %arg12[%get3A_990, %get3A_991] {strides = array<i32>} : memref<512x64xf32, #tpu.memory_space<vmem>>, vector<16xf32>,
      %get3A_993 = arith.index_cast %add3A_971 : i32 to index
      %get3A_994 = arith.constant 32 : index
      %get3A_995 = tpu.vector_load %arg13[%get3A_993, %get3A_994] {strides = array<i32>} : memref<512x64xf32, #tpu.memory_space<vmem>>, vector<16xf32>,
      %mul3A_996 = arith.mulf %get3A_992, %get3A_995 : vector<16xf32>
      %add3A_997 = arith.addf %add3A_989, %mul3A_996 : vector<16xf32>
      %get3A_998 = arith.index_cast %add3A_971 : i32 to index
      %get3A_999 = arith.constant 48 : index
      %get3A_1000 = tpu.vector_load %arg12[%get3A_998, %get3A_999] {strides = array<i32>} : memref<512x64xf32, #tpu.memory_space<vmem>>, vector<16xf32>,
      %get3A_1001 = arith.index_cast %add3A_971 : i32 to index
      %get3A_1002 = arith.constant 48 : index
      %get3A_1003 = tpu.vector_load %arg13[%get3A_1001, %get3A_1002] {strides = array<i32>} : memref<512x64xf32, #tpu.memory_space<vmem>>, vector<16xf32>,
      %mul3A_1004 = arith.mulf %get3A_1000, %get3A_1003 : vector<16xf32>
      %add3A_1005 = arith.addf %add3A_997, %mul3A_1004 : vector<16xf32>
      %swap3A_1006 = arith.constant 128 : index
      %swap3A_1007 = tpu.vector_load %arg17[%swap3A_1006] {strides = array<i32>} : memref<256xf32, #tpu.memory_space<vmem>>, vector<16xf32>,
      tpu.vector_store %arg17[%swap3A_1006], %add3A_1005 {strides = array<i32>} : memref<256xf32, #tpu.memory_space<vmem>>, vector<16xf32>,
      %mul3A_1008 = arith.constant 16 : i32
      %mul3A_1009 = arith.muli %scan3A_649, %mul3A_1008 : i32
      %add3A_1010 = arith.constant 9 : i32
      %add3A_1011 = arith.addi %mul3A_1009, %add3A_1010 : i32
      %broadcast_in_dim3A_1012 = arith.constant 0.000000e+00 : f32
      %broadcast_in_dim3A_1013 = vector.broadcast %broadcast_in_dim3A_1012 : f32 to vector<16xf32>
      %get3A_1014 = arith.index_cast %add3A_1011 : i32 to index
      %get3A_1015 = arith.constant 0 : index
      %get3A_1016 = tpu.vector_load %arg12[%get3A_1014, %get3A_1015] {strides = array<i32>} : memref<512x64xf32, #tpu.memory_space<vmem>>, vector<16xf32>,
      %get3A_1017 = arith.index_cast %add3A_1011 : i32 to index
      %get3A_1018 = arith.constant 0 : index
      %get3A_1019 = tpu.vector_load %arg13[%get3A_1017, %get3A_1018] {strides = array<i32>} : memref<512x64xf32, #tpu.memory_space<vmem>>, vector<16xf32>,
      %mul3A_1020 = arith.mulf %get3A_1016, %get3A_1019 : vector<16xf32>
      %add3A_1021 = arith.addf %broadcast_in_dim3A_1013, %mul3A_1020 : vector<16xf32>
      %get3A_1022 = arith.index_cast %add3A_1011 : i32 to index
      %get3A_1023 = arith.constant 16 : index
      %get3A_1024 = tpu.vector_load %arg12[%get3A_1022, %get3A_1023] {strides = array<i32>} : memref<512x64xf32, #tpu.memory_space<vmem>>, vector<16xf32>,
      %get3A_1025 = arith.index_cast %add3A_1011 : i32 to index
      %get3A_1026 = arith.constant 16 : index
      %get3A_1027 = tpu.vector_load %arg13[%get3A_1025, %get3A_1026] {strides = array<i32>} : memref<512x64xf32, #tpu.memory_space<vmem>>, vector<16xf32>,
      %mul3A_1028 = arith.mulf %get3A_1024, %get3A_1027 : vector<16xf32>
      %add3A_1029 = arith.addf %add3A_1021, %mul3A_1028 : vector<16xf32>
      %get3A_1030 = arith.index_cast %add3A_1011 : i32 to index
      %get3A_1031 = arith.constant 32 : index
      %get3A_1032 = tpu.vector_load %arg12[%get3A_1030, %get3A_1031] {strides = array<i32>} : memref<512x64xf32, #tpu.memory_space<vmem>>, vector<16xf32>,
      %get3A_1033 = arith.index_cast %add3A_1011 : i32 to index
      %get3A_1034 = arith.constant 32 : index
      %get3A_1035 = tpu.vector_load %arg13[%get3A_1033, %get3A_1034] {strides = array<i32>} : memref<512x64xf32, #tpu.memory_space<vmem>>, vector<16xf32>,
      %mul3A_1036 = arith.mulf %get3A_1032, %get3A_1035 : vector<16xf32>
      %add3A_1037 = arith.addf %add3A_1029, %mul3A_1036 : vector<16xf32>
      %get3A_1038 = arith.index_cast %add3A_1011 : i32 to index
      %get3A_1039 = arith.constant 48 : index
      %get3A_1040 = tpu.vector_load %arg12[%get3A_1038, %get3A_1039] {strides = array<i32>} : memref<512x64xf32, #tpu.memory_space<vmem>>, vector<16xf32>,
      %get3A_1041 = arith.index_cast %add3A_1011 : i32 to index
      %get3A_1042 = arith.constant 48 : index
      %get3A_1043 = tpu.vector_load %arg13[%get3A_1041, %get3A_1042] {strides = array<i32>} : memref<512x64xf32, #tpu.memory_space<vmem>>, vector<16xf32>,
      %mul3A_1044 = arith.mulf %get3A_1040, %get3A_1043 : vector<16xf32>
      %add3A_1045 = arith.addf %add3A_1037, %mul3A_1044 : vector<16xf32>
      %swap3A_1046 = arith.constant 144 : index
      %swap3A_1047 = tpu.vector_load %arg17[%swap3A_1046] {strides = array<i32>} : memref<256xf32, #tpu.memory_space<vmem>>, vector<16xf32>,
      tpu.vector_store %arg17[%swap3A_1046], %add3A_1045 {strides = array<i32>} : memref<256xf32, #tpu.memory_space<vmem>>, vector<16xf32>,
      %mul3A_1048 = arith.constant 16 : i32
      %mul3A_1049 = arith.muli %scan3A_649, %mul3A_1048 : i32
      %add3A_1050 = arith.constant 10 : i32
      %add3A_1051 = arith.addi %mul3A_1049, %add3A_1050 : i32
      %broadcast_in_dim3A_1052 = arith.constant 0.000000e+00 : f32
      %broadcast_in_dim3A_1053 = vector.broadcast %broadcast_in_dim3A_1052 : f32 to vector<16xf32>
      %get3A_1054 = arith.index_cast %add3A_1051 : i32 to index
      %get3A_1055 = arith.constant 0 : index
      %get3A_1056 = tpu.vector_load %arg12[%get3A_1054, %get3A_1055] {strides = array<i32>} : memref<512x64xf32, #tpu.memory_space<vmem>>, vector<16xf32>,
      %get3A_1057 = arith.index_cast %add3A_1051 : i32 to index
      %get3A_1058 = arith.constant 0 : index
      %get3A_1059 = tpu.vector_load %arg13[%get3A_1057, %get3A_1058] {strides = array<i32>} : memref<512x64xf32, #tpu.memory_space<vmem>>, vector<16xf32>,
      %mul3A_1060 = arith.mulf %get3A_1056, %get3A_1059 : vector<16xf32>
      %add3A_1061 = arith.addf %broadcast_in_dim3A_1053, %mul3A_1060 : vector<16xf32>
      %get3A_1062 = arith.index_cast %add3A_1051 : i32 to index
      %get3A_1063 = arith.constant 16 : index
      %get3A_1064 = tpu.vector_load %arg12[%get3A_1062, %get3A_1063] {strides = array<i32>} : memref<512x64xf32, #tpu.memory_space<vmem>>, vector<16xf32>,
      %get3A_1065 = arith.index_cast %add3A_1051 : i32 to index
      %get3A_1066 = arith.constant 16 : index
      %get3A_1067 = tpu.vector_load %arg13[%get3A_1065, %get3A_1066] {strides = array<i32>} : memref<512x64xf32, #tpu.memory_space<vmem>>, vector<16xf32>,
      %mul3A_1068 = arith.mulf %get3A_1064, %get3A_1067 : vector<16xf32>
      %add3A_1069 = arith.addf %add3A_1061, %mul3A_1068 : vector<16xf32>
      %get3A_1070 = arith.index_cast %add3A_1051 : i32 to index
      %get3A_1071 = arith.constant 32 : index
      %get3A_1072 = tpu.vector_load %arg12[%get3A_1070, %get3A_1071] {strides = array<i32>} : memref<512x64xf32, #tpu.memory_space<vmem>>, vector<16xf32>,
      %get3A_1073 = arith.index_cast %add3A_1051 : i32 to index
      %get3A_1074 = arith.constant 32 : index
      %get3A_1075 = tpu.vector_load %arg13[%get3A_1073, %get3A_1074] {strides = array<i32>} : memref<512x64xf32, #tpu.memory_space<vmem>>, vector<16xf32>,
      %mul3A_1076 = arith.mulf %get3A_1072, %get3A_1075 : vector<16xf32>
      %add3A_1077 = arith.addf %add3A_1069, %mul3A_1076 : vector<16xf32>
      %get3A_1078 = arith.index_cast %add3A_1051 : i32 to index
      %get3A_1079 = arith.constant 48 : index
      %get3A_1080 = tpu.vector_load %arg12[%get3A_1078, %get3A_1079] {strides = array<i32>} : memref<512x64xf32, #tpu.memory_space<vmem>>, vector<16xf32>,
      %get3A_1081 = arith.index_cast %add3A_1051 : i32 to index
      %get3A_1082 = arith.constant 48 : index
      %get3A_1083 = tpu.vector_load %arg13[%get3A_1081, %get3A_1082] {strides = array<i32>} : memref<512x64xf32, #tpu.memory_space<vmem>>, vector<16xf32>,
      %mul3A_1084 = arith.mulf %get3A_1080, %get3A_1083 : vector<16xf32>
      %add3A_1085 = arith.addf %add3A_1077, %mul3A_1084 : vector<16xf32>
      %swap3A_1086 = arith.constant 160 : index
      %swap3A_1087 = tpu.vector_load %arg17[%swap3A_1086] {strides = array<i32>} : memref<256xf32, #tpu.memory_space<vmem>>, vector<16xf32>,
      tpu.vector_store %arg17[%swap3A_1086], %add3A_1085 {strides = array<i32>} : memref<256xf32, #tpu.memory_space<vmem>>, vector<16xf32>,
      %mul3A_1088 = arith.constant 16 : i32
      %mul3A_1089 = arith.muli %scan3A_649, %mul3A_1088 : i32
      %add3A_1090 = arith.constant 11 : i32
      %add3A_1091 = arith.addi %mul3A_1089, %add3A_1090 : i32
      %broadcast_in_dim3A_1092 = arith.constant 0.000000e+00 : f32
      %broadcast_in_dim3A_1093 = vector.broadcast %broadcast_in_dim3A_1092 : f32 to vector<16xf32>
      %get3A_1094 = arith.index_cast %add3A_1091 : i32 to index
      %get3A_1095 = arith.constant 0 : index
      %get3A_1096 = tpu.vector_load %arg12[%get3A_1094, %get3A_1095] {strides = array<i32>} : memref<512x64xf32, #tpu.memory_space<vmem>>, vector<16xf32>,
      %get3A_1097 = arith.index_cast %add3A_1091 : i32 to index
      %get3A_1098 = arith.constant 0 : index
      %get3A_1099 = tpu.vector_load %arg13[%get3A_1097, %get3A_1098] {strides = array<i32>} : memref<512x64xf32, #tpu.memory_space<vmem>>, vector<16xf32>,
      %mul3A_1100 = arith.mulf %get3A_1096, %get3A_1099 : vector<16xf32>
      %add3A_1101 = arith.addf %broadcast_in_dim3A_1093, %mul3A_1100 : vector<16xf32>
      %get3A_1102 = arith.index_cast %add3A_1091 : i32 to index
      %get3A_1103 = arith.constant 16 : index
      %get3A_1104 = tpu.vector_load %arg12[%get3A_1102, %get3A_1103] {strides = array<i32>} : memref<512x64xf32, #tpu.memory_space<vmem>>, vector<16xf32>,
      %get3A_1105 = arith.index_cast %add3A_1091 : i32 to index
      %get3A_1106 = arith.constant 16 : index
      %get3A_1107 = tpu.vector_load %arg13[%get3A_1105, %get3A_1106] {strides = array<i32>} : memref<512x64xf32, #tpu.memory_space<vmem>>, vector<16xf32>,
      %mul3A_1108 = arith.mulf %get3A_1104, %get3A_1107 : vector<16xf32>
      %add3A_1109 = arith.addf %add3A_1101, %mul3A_1108 : vector<16xf32>
      %get3A_1110 = arith.index_cast %add3A_1091 : i32 to index
      %get3A_1111 = arith.constant 32 : index
      %get3A_1112 = tpu.vector_load %arg12[%get3A_1110, %get3A_1111] {strides = array<i32>} : memref<512x64xf32, #tpu.memory_space<vmem>>, vector<16xf32>,
      %get3A_1113 = arith.index_cast %add3A_1091 : i32 to index
      %get3A_1114 = arith.constant 32 : index
      %get3A_1115 = tpu.vector_load %arg13[%get3A_1113, %get3A_1114] {strides = array<i32>} : memref<512x64xf32, #tpu.memory_space<vmem>>, vector<16xf32>,
      %mul3A_1116 = arith.mulf %get3A_1112, %get3A_1115 : vector<16xf32>
      %add3A_1117 = arith.addf %add3A_1109, %mul3A_1116 : vector<16xf32>
      %get3A_1118 = arith.index_cast %add3A_1091 : i32 to index
      %get3A_1119 = arith.constant 48 : index
      %get3A_1120 = tpu.vector_load %arg12[%get3A_1118, %get3A_1119] {strides = array<i32>} : memref<512x64xf32, #tpu.memory_space<vmem>>, vector<16xf32>,
      %get3A_1121 = arith.index_cast %add3A_1091 : i32 to index
      %get3A_1122 = arith.constant 48 : index
      %get3A_1123 = tpu.vector_load %arg13[%get3A_1121, %get3A_1122] {strides = array<i32>} : memref<512x64xf32, #tpu.memory_space<vmem>>, vector<16xf32>,
      %mul3A_1124 = arith.mulf %get3A_1120, %get3A_1123 : vector<16xf32>
      %add3A_1125 = arith.addf %add3A_1117, %mul3A_1124 : vector<16xf32>
      %swap3A_1126 = arith.constant 176 : index
      %swap3A_1127 = tpu.vector_load %arg17[%swap3A_1126] {strides = array<i32>} : memref<256xf32, #tpu.memory_space<vmem>>, vector<16xf32>,
      tpu.vector_store %arg17[%swap3A_1126], %add3A_1125 {strides = array<i32>} : memref<256xf32, #tpu.memory_space<vmem>>, vector<16xf32>,
      %mul3A_1128 = arith.constant 16 : i32
      %mul3A_1129 = arith.muli %scan3A_649, %mul3A_1128 : i32
      %add3A_1130 = arith.constant 12 : i32
      %add3A_1131 = arith.addi %mul3A_1129, %add3A_1130 : i32
      %broadcast_in_dim3A_1132 = arith.constant 0.000000e+00 : f32
      %broadcast_in_dim3A_1133 = vector.broadcast %broadcast_in_dim3A_1132 : f32 to vector<16xf32>
      %get3A_1134 = arith.index_cast %add3A_1131 : i32 to index
      %get3A_1135 = arith.constant 0 : index
      %get3A_1136 = tpu.vector_load %arg12[%get3A_1134, %get3A_1135] {strides = array<i32>} : memref<512x64xf32, #tpu.memory_space<vmem>>, vector<16xf32>,
      %get3A_1137 = arith.index_cast %add3A_1131 : i32 to index
      %get3A_1138 = arith.constant 0 : index
      %get3A_1139 = tpu.vector_load %arg13[%get3A_1137, %get3A_1138] {strides = array<i32>} : memref<512x64xf32, #tpu.memory_space<vmem>>, vector<16xf32>,
      %mul3A_1140 = arith.mulf %get3A_1136, %get3A_1139 : vector<16xf32>
      %add3A_1141 = arith.addf %broadcast_in_dim3A_1133, %mul3A_1140 : vector<16xf32>
      %get3A_1142 = arith.index_cast %add3A_1131 : i32 to index
      %get3A_1143 = arith.constant 16 : index
      %get3A_1144 = tpu.vector_load %arg12[%get3A_1142, %get3A_1143] {strides = array<i32>} : memref<512x64xf32, #tpu.memory_space<vmem>>, vector<16xf32>,
      %get3A_1145 = arith.index_cast %add3A_1131 : i32 to index
      %get3A_1146 = arith.constant 16 : index
      %get3A_1147 = tpu.vector_load %arg13[%get3A_1145, %get3A_1146] {strides = array<i32>} : memref<512x64xf32, #tpu.memory_space<vmem>>, vector<16xf32>,
      %mul3A_1148 = arith.mulf %get3A_1144, %get3A_1147 : vector<16xf32>
      %add3A_1149 = arith.addf %add3A_1141, %mul3A_1148 : vector<16xf32>
      %get3A_1150 = arith.index_cast %add3A_1131 : i32 to index
      %get3A_1151 = arith.constant 32 : index
      %get3A_1152 = tpu.vector_load %arg12[%get3A_1150, %get3A_1151] {strides = array<i32>} : memref<512x64xf32, #tpu.memory_space<vmem>>, vector<16xf32>,
      %get3A_1153 = arith.index_cast %add3A_1131 : i32 to index
      %get3A_1154 = arith.constant 32 : index
      %get3A_1155 = tpu.vector_load %arg13[%get3A_1153, %get3A_1154] {strides = array<i32>} : memref<512x64xf32, #tpu.memory_space<vmem>>, vector<16xf32>,
      %mul3A_1156 = arith.mulf %get3A_1152, %get3A_1155 : vector<16xf32>
      %add3A_1157 = arith.addf %add3A_1149, %mul3A_1156 : vector<16xf32>
      %get3A_1158 = arith.index_cast %add3A_1131 : i32 to index
      %get3A_1159 = arith.constant 48 : index
      %get3A_1160 = tpu.vector_load %arg12[%get3A_1158, %get3A_1159] {strides = array<i32>} : memref<512x64xf32, #tpu.memory_space<vmem>>, vector<16xf32>,
      %get3A_1161 = arith.index_cast %add3A_1131 : i32 to index
      %get3A_1162 = arith.constant 48 : index
      %get3A_1163 = tpu.vector_load %arg13[%get3A_1161, %get3A_1162] {strides = array<i32>} : memref<512x64xf32, #tpu.memory_space<vmem>>, vector<16xf32>,
      %mul3A_1164 = arith.mulf %get3A_1160, %get3A_1163 : vector<16xf32>
      %add3A_1165 = arith.addf %add3A_1157, %mul3A_1164 : vector<16xf32>
      %swap3A_1166 = arith.constant 192 : index
      %swap3A_1167 = tpu.vector_load %arg17[%swap3A_1166] {strides = array<i32>} : memref<256xf32, #tpu.memory_space<vmem>>, vector<16xf32>,
      tpu.vector_store %arg17[%swap3A_1166], %add3A_1165 {strides = array<i32>} : memref<256xf32, #tpu.memory_space<vmem>>, vector<16xf32>,
      %mul3A_1168 = arith.constant 16 : i32
      %mul3A_1169 = arith.muli %scan3A_649, %mul3A_1168 : i32
      %add3A_1170 = arith.constant 13 : i32
      %add3A_1171 = arith.addi %mul3A_1169, %add3A_1170 : i32
      %broadcast_in_dim3A_1172 = arith.constant 0.000000e+00 : f32
      %broadcast_in_dim3A_1173 = vector.broadcast %broadcast_in_dim3A_1172 : f32 to vector<16xf32>
      %get3A_1174 = arith.index_cast %add3A_1171 : i32 to index
      %get3A_1175 = arith.constant 0 : index
      %get3A_1176 = tpu.vector_load %arg12[%get3A_1174, %get3A_1175] {strides = array<i32>} : memref<512x64xf32, #tpu.memory_space<vmem>>, vector<16xf32>,
      %get3A_1177 = arith.index_cast %add3A_1171 : i32 to index
      %get3A_1178 = arith.constant 0 : index
      %get3A_1179 = tpu.vector_load %arg13[%get3A_1177, %get3A_1178] {strides = array<i32>} : memref<512x64xf32, #tpu.memory_space<vmem>>, vector<16xf32>,
      %mul3A_1180 = arith.mulf %get3A_1176, %get3A_1179 : vector<16xf32>
      %add3A_1181 = arith.addf %broadcast_in_dim3A_1173, %mul3A_1180 : vector<16xf32>
      %get3A_1182 = arith.index_cast %add3A_1171 : i32 to index
      %get3A_1183 = arith.constant 16 : index
      %get3A_1184 = tpu.vector_load %arg12[%get3A_1182, %get3A_1183] {strides = array<i32>} : memref<512x64xf32, #tpu.memory_space<vmem>>, vector<16xf32>,
      %get3A_1185 = arith.index_cast %add3A_1171 : i32 to index
      %get3A_1186 = arith.constant 16 : index
      %get3A_1187 = tpu.vector_load %arg13[%get3A_1185, %get3A_1186] {strides = array<i32>} : memref<512x64xf32, #tpu.memory_space<vmem>>, vector<16xf32>,
      %mul3A_1188 = arith.mulf %get3A_1184, %get3A_1187 : vector<16xf32>
      %add3A_1189 = arith.addf %add3A_1181, %mul3A_1188 : vector<16xf32>
      %get3A_1190 = arith.index_cast %add3A_1171 : i32 to index
      %get3A_1191 = arith.constant 32 : index
      %get3A_1192 = tpu.vector_load %arg12[%get3A_1190, %get3A_1191] {strides = array<i32>} : memref<512x64xf32, #tpu.memory_space<vmem>>, vector<16xf32>,
      %get3A_1193 = arith.index_cast %add3A_1171 : i32 to index
      %get3A_1194 = arith.constant 32 : index
      %get3A_1195 = tpu.vector_load %arg13[%get3A_1193, %get3A_1194] {strides = array<i32>} : memref<512x64xf32, #tpu.memory_space<vmem>>, vector<16xf32>,
      %mul3A_1196 = arith.mulf %get3A_1192, %get3A_1195 : vector<16xf32>
      %add3A_1197 = arith.addf %add3A_1189, %mul3A_1196 : vector<16xf32>
      %get3A_1198 = arith.index_cast %add3A_1171 : i32 to index
      %get3A_1199 = arith.constant 48 : index
      %get3A_1200 = tpu.vector_load %arg12[%get3A_1198, %get3A_1199] {strides = array<i32>} : memref<512x64xf32, #tpu.memory_space<vmem>>, vector<16xf32>,
      %get3A_1201 = arith.index_cast %add3A_1171 : i32 to index
      %get3A_1202 = arith.constant 48 : index
      %get3A_1203 = tpu.vector_load %arg13[%get3A_1201, %get3A_1202] {strides = array<i32>} : memref<512x64xf32, #tpu.memory_space<vmem>>, vector<16xf32>,
      %mul3A_1204 = arith.mulf %get3A_1200, %get3A_1203 : vector<16xf32>
      %add3A_1205 = arith.addf %add3A_1197, %mul3A_1204 : vector<16xf32>
      %swap3A_1206 = arith.constant 208 : index
      %swap3A_1207 = tpu.vector_load %arg17[%swap3A_1206] {strides = array<i32>} : memref<256xf32, #tpu.memory_space<vmem>>, vector<16xf32>,
      tpu.vector_store %arg17[%swap3A_1206], %add3A_1205 {strides = array<i32>} : memref<256xf32, #tpu.memory_space<vmem>>, vector<16xf32>,
      %mul3A_1208 = arith.constant 16 : i32
      %mul3A_1209 = arith.muli %scan3A_649, %mul3A_1208 : i32
      %add3A_1210 = arith.constant 14 : i32
      %add3A_1211 = arith.addi %mul3A_1209, %add3A_1210 : i32
      %broadcast_in_dim3A_1212 = arith.constant 0.000000e+00 : f32
      %broadcast_in_dim3A_1213 = vector.broadcast %broadcast_in_dim3A_1212 : f32 to vector<16xf32>
      %get3A_1214 = arith.index_cast %add3A_1211 : i32 to index
      %get3A_1215 = arith.constant 0 : index
      %get3A_1216 = tpu.vector_load %arg12[%get3A_1214, %get3A_1215] {strides = array<i32>} : memref<512x64xf32, #tpu.memory_space<vmem>>, vector<16xf32>,
      %get3A_1217 = arith.index_cast %add3A_1211 : i32 to index
      %get3A_1218 = arith.constant 0 : index
      %get3A_1219 = tpu.vector_load %arg13[%get3A_1217, %get3A_1218] {strides = array<i32>} : memref<512x64xf32, #tpu.memory_space<vmem>>, vector<16xf32>,
      %mul3A_1220 = arith.mulf %get3A_1216, %get3A_1219 : vector<16xf32>
      %add3A_1221 = arith.addf %broadcast_in_dim3A_1213, %mul3A_1220 : vector<16xf32>
      %get3A_1222 = arith.index_cast %add3A_1211 : i32 to index
      %get3A_1223 = arith.constant 16 : index
      %get3A_1224 = tpu.vector_load %arg12[%get3A_1222, %get3A_1223] {strides = array<i32>} : memref<512x64xf32, #tpu.memory_space<vmem>>, vector<16xf32>,
      %get3A_1225 = arith.index_cast %add3A_1211 : i32 to index
      %get3A_1226 = arith.constant 16 : index
      %get3A_1227 = tpu.vector_load %arg13[%get3A_1225, %get3A_1226] {strides = array<i32>} : memref<512x64xf32, #tpu.memory_space<vmem>>, vector<16xf32>,
      %mul3A_1228 = arith.mulf %get3A_1224, %get3A_1227 : vector<16xf32>
      %add3A_1229 = arith.addf %add3A_1221, %mul3A_1228 : vector<16xf32>
      %get3A_1230 = arith.index_cast %add3A_1211 : i32 to index
      %get3A_1231 = arith.constant 32 : index
      %get3A_1232 = tpu.vector_load %arg12[%get3A_1230, %get3A_1231] {strides = array<i32>} : memref<512x64xf32, #tpu.memory_space<vmem>>, vector<16xf32>,
      %get3A_1233 = arith.index_cast %add3A_1211 : i32 to index
      %get3A_1234 = arith.constant 32 : index
      %get3A_1235 = tpu.vector_load %arg13[%get3A_1233, %get3A_1234] {strides = array<i32>} : memref<512x64xf32, #tpu.memory_space<vmem>>, vector<16xf32>,
      %mul3A_1236 = arith.mulf %get3A_1232, %get3A_1235 : vector<16xf32>
      %add3A_1237 = arith.addf %add3A_1229, %mul3A_1236 : vector<16xf32>
      %get3A_1238 = arith.index_cast %add3A_1211 : i32 to index
      %get3A_1239 = arith.constant 48 : index
      %get3A_1240 = tpu.vector_load %arg12[%get3A_1238, %get3A_1239] {strides = array<i32>} : memref<512x64xf32, #tpu.memory_space<vmem>>, vector<16xf32>,
      %get3A_1241 = arith.index_cast %add3A_1211 : i32 to index
      %get3A_1242 = arith.constant 48 : index
      %get3A_1243 = tpu.vector_load %arg13[%get3A_1241, %get3A_1242] {strides = array<i32>} : memref<512x64xf32, #tpu.memory_space<vmem>>, vector<16xf32>,
      %mul3A_1244 = arith.mulf %get3A_1240, %get3A_1243 : vector<16xf32>
      %add3A_1245 = arith.addf %add3A_1237, %mul3A_1244 : vector<16xf32>
      %swap3A_1246 = arith.constant 224 : index
      %swap3A_1247 = tpu.vector_load %arg17[%swap3A_1246] {strides = array<i32>} : memref<256xf32, #tpu.memory_space<vmem>>, vector<16xf32>,
      tpu.vector_store %arg17[%swap3A_1246], %add3A_1245 {strides = array<i32>} : memref<256xf32, #tpu.memory_space<vmem>>, vector<16xf32>,
      %mul3A_1248 = arith.constant 16 : i32
      %mul3A_1249 = arith.muli %scan3A_649, %mul3A_1248 : i32
      %add3A_1250 = arith.constant 15 : i32
      %add3A_1251 = arith.addi %mul3A_1249, %add3A_1250 : i32
      %broadcast_in_dim3A_1252 = arith.constant 0.000000e+00 : f32
      %broadcast_in_dim3A_1253 = vector.broadcast %broadcast_in_dim3A_1252 : f32 to vector<16xf32>
      %get3A_1254 = arith.index_cast %add3A_1251 : i32 to index
      %get3A_1255 = arith.constant 0 : index
      %get3A_1256 = tpu.vector_load %arg12[%get3A_1254, %get3A_1255] {strides = array<i32>} : memref<512x64xf32, #tpu.memory_space<vmem>>, vector<16xf32>,
      %get3A_1257 = arith.index_cast %add3A_1251 : i32 to index
      %get3A_1258 = arith.constant 0 : index
      %get3A_1259 = tpu.vector_load %arg13[%get3A_1257, %get3A_1258] {strides = array<i32>} : memref<512x64xf32, #tpu.memory_space<vmem>>, vector<16xf32>,
      %mul3A_1260 = arith.mulf %get3A_1256, %get3A_1259 : vector<16xf32>
      %add3A_1261 = arith.addf %broadcast_in_dim3A_1253, %mul3A_1260 : vector<16xf32>
      %get3A_1262 = arith.index_cast %add3A_1251 : i32 to index
      %get3A_1263 = arith.constant 16 : index
      %get3A_1264 = tpu.vector_load %arg12[%get3A_1262, %get3A_1263] {strides = array<i32>} : memref<512x64xf32, #tpu.memory_space<vmem>>, vector<16xf32>,
      %get3A_1265 = arith.index_cast %add3A_1251 : i32 to index
      %get3A_1266 = arith.constant 16 : index
      %get3A_1267 = tpu.vector_load %arg13[%get3A_1265, %get3A_1266] {strides = array<i32>} : memref<512x64xf32, #tpu.memory_space<vmem>>, vector<16xf32>,
      %mul3A_1268 = arith.mulf %get3A_1264, %get3A_1267 : vector<16xf32>
      %add3A_1269 = arith.addf %add3A_1261, %mul3A_1268 : vector<16xf32>
      %get3A_1270 = arith.index_cast %add3A_1251 : i32 to index
      %get3A_1271 = arith.constant 32 : index
      %get3A_1272 = tpu.vector_load %arg12[%get3A_1270, %get3A_1271] {strides = array<i32>} : memref<512x64xf32, #tpu.memory_space<vmem>>, vector<16xf32>,
      %get3A_1273 = arith.index_cast %add3A_1251 : i32 to index
      %get3A_1274 = arith.constant 32 : index
      %get3A_1275 = tpu.vector_load %arg13[%get3A_1273, %get3A_1274] {strides = array<i32>} : memref<512x64xf32, #tpu.memory_space<vmem>>, vector<16xf32>,
      %mul3A_1276 = arith.mulf %get3A_1272, %get3A_1275 : vector<16xf32>
      %add3A_1277 = arith.addf %add3A_1269, %mul3A_1276 : vector<16xf32>
      %get3A_1278 = arith.index_cast %add3A_1251 : i32 to index
      %get3A_1279 = arith.constant 48 : index
      %get3A_1280 = tpu.vector_load %arg12[%get3A_1278, %get3A_1279] {strides = array<i32>} : memref<512x64xf32, #tpu.memory_space<vmem>>, vector<16xf32>,
      %get3A_1281 = arith.index_cast %add3A_1251 : i32 to index
      %get3A_1282 = arith.constant 48 : index
      %get3A_1283 = tpu.vector_load %arg13[%get3A_1281, %get3A_1282] {strides = array<i32>} : memref<512x64xf32, #tpu.memory_space<vmem>>, vector<16xf32>,
      %mul3A_1284 = arith.mulf %get3A_1280, %get3A_1283 : vector<16xf32>
      %add3A_1285 = arith.addf %add3A_1277, %mul3A_1284 : vector<16xf32>
      %swap3A_1286 = arith.constant 240 : index
      %swap3A_1287 = tpu.vector_load %arg17[%swap3A_1286] {strides = array<i32>} : memref<256xf32, #tpu.memory_space<vmem>>, vector<16xf32>,
      tpu.vector_store %arg17[%swap3A_1286], %add3A_1285 {strides = array<i32>} : memref<256xf32, #tpu.memory_space<vmem>>, vector<16xf32>,
      %broadcast_in_dim3A_1288 = arith.constant 0.000000e+00 : f32
      %broadcast_in_dim3A_1289 = vector.broadcast %broadcast_in_dim3A_1288 : f32 to vector<16xf32>
      %add3A_1290 = arith.constant 0 : i32
      %add3A_1291 = vector.broadcast %add3A_1290 : i32 to vector<16xi32>
      %add3A_1292 = arith.addi %iota3A_638, %add3A_1291 : vector<16xi32>
      %and3A = arith.constant 15 : i32
      %and3A_1293 = vector.broadcast %and3A : i32 to vector<16xi32>
      %and3A_1294 = arith.andi %add3A_1292, %and3A_1293 : vector<16xi32>
      %add3A_1295 = arith.addi %mul3A_641, %and3A_1294 : vector<16xi32>
      %gather3A = tpu.vector_load_idx %arg17[%add3A_1295] : memref<256xf32, #tpu.memory_space<vmem>>[vector<16xi32>], vector<16xf32>,
      %add3A_1296 = arith.addf %broadcast_in_dim3A_1289, %gather3A : vector<16xf32>
      %add3A_1297 = arith.constant 1 : i32
      %add3A_1298 = vector.broadcast %add3A_1297 : i32 to vector<16xi32>
      %add3A_1299 = arith.addi %iota3A_638, %add3A_1298 : vector<16xi32>
      %and3A_1300 = arith.constant 15 : i32
      %and3A_1301 = vector.broadcast %and3A_1300 : i32 to vector<16xi32>
      %and3A_1302 = arith.andi %add3A_1299, %and3A_1301 : vector<16xi32>
      %add3A_1303 = arith.addi %mul3A_641, %and3A_1302 : vector<16xi32>
      %gather3A_1304 = tpu.vector_load_idx %arg17[%add3A_1303] : memref<256xf32, #tpu.memory_space<vmem>>[vector<16xi32>], vector<16xf32>,
      %add3A_1305 = arith.addf %add3A_1296, %gather3A_1304 : vector<16xf32>
      %add3A_1306 = arith.constant 2 : i32
      %add3A_1307 = vector.broadcast %add3A_1306 : i32 to vector<16xi32>
      %add3A_1308 = arith.addi %iota3A_638, %add3A_1307 : vector<16xi32>
      %and3A_1309 = arith.constant 15 : i32
      %and3A_1310 = vector.broadcast %and3A_1309 : i32 to vector<16xi32>
      %and3A_1311 = arith.andi %add3A_1308, %and3A_1310 : vector<16xi32>
      %add3A_1312 = arith.addi %mul3A_641, %and3A_1311 : vector<16xi32>
      %gather3A_1313 = tpu.vector_load_idx %arg17[%add3A_1312] : memref<256xf32, #tpu.memory_space<vmem>>[vector<16xi32>], vector<16xf32>,
      %add3A_1314 = arith.addf %add3A_1305, %gather3A_1313 : vector<16xf32>
      %add3A_1315 = arith.constant 3 : i32
      %add3A_1316 = vector.broadcast %add3A_1315 : i32 to vector<16xi32>
      %add3A_1317 = arith.addi %iota3A_638, %add3A_1316 : vector<16xi32>
      %and3A_1318 = arith.constant 15 : i32
      %and3A_1319 = vector.broadcast %and3A_1318 : i32 to vector<16xi32>
      %and3A_1320 = arith.andi %add3A_1317, %and3A_1319 : vector<16xi32>
      %add3A_1321 = arith.addi %mul3A_641, %and3A_1320 : vector<16xi32>
      %gather3A_1322 = tpu.vector_load_idx %arg17[%add3A_1321] : memref<256xf32, #tpu.memory_space<vmem>>[vector<16xi32>], vector<16xf32>,
      %add3A_1323 = arith.addf %add3A_1314, %gather3A_1322 : vector<16xf32>
      %add3A_1324 = arith.constant 4 : i32
      %add3A_1325 = vector.broadcast %add3A_1324 : i32 to vector<16xi32>
      %add3A_1326 = arith.addi %iota3A_638, %add3A_1325 : vector<16xi32>
      %and3A_1327 = arith.constant 15 : i32
      %and3A_1328 = vector.broadcast %and3A_1327 : i32 to vector<16xi32>
      %and3A_1329 = arith.andi %add3A_1326, %and3A_1328 : vector<16xi32>
      %add3A_1330 = arith.addi %mul3A_641, %and3A_1329 : vector<16xi32>
      %gather3A_1331 = tpu.vector_load_idx %arg17[%add3A_1330] : memref<256xf32, #tpu.memory_space<vmem>>[vector<16xi32>], vector<16xf32>,
      %add3A_1332 = arith.addf %add3A_1323, %gather3A_1331 : vector<16xf32>
      %add3A_1333 = arith.constant 5 : i32
      %add3A_1334 = vector.broadcast %add3A_1333 : i32 to vector<16xi32>
      %add3A_1335 = arith.addi %iota3A_638, %add3A_1334 : vector<16xi32>
      %and3A_1336 = arith.constant 15 : i32
      %and3A_1337 = vector.broadcast %and3A_1336 : i32 to vector<16xi32>
      %and3A_1338 = arith.andi %add3A_1335, %and3A_1337 : vector<16xi32>
      %add3A_1339 = arith.addi %mul3A_641, %and3A_1338 : vector<16xi32>
      %gather3A_1340 = tpu.vector_load_idx %arg17[%add3A_1339] : memref<256xf32, #tpu.memory_space<vmem>>[vector<16xi32>], vector<16xf32>,
      %add3A_1341 = arith.addf %add3A_1332, %gather3A_1340 : vector<16xf32>
      %add3A_1342 = arith.constant 6 : i32
      %add3A_1343 = vector.broadcast %add3A_1342 : i32 to vector<16xi32>
      %add3A_1344 = arith.addi %iota3A_638, %add3A_1343 : vector<16xi32>
      %and3A_1345 = arith.constant 15 : i32
      %and3A_1346 = vector.broadcast %and3A_1345 : i32 to vector<16xi32>
      %and3A_1347 = arith.andi %add3A_1344, %and3A_1346 : vector<16xi32>
      %add3A_1348 = arith.addi %mul3A_641, %and3A_1347 : vector<16xi32>
      %gather3A_1349 = tpu.vector_load_idx %arg17[%add3A_1348] : memref<256xf32, #tpu.memory_space<vmem>>[vector<16xi32>], vector<16xf32>,
      %add3A_1350 = arith.addf %add3A_1341, %gather3A_1349 : vector<16xf32>
      %add3A_1351 = arith.constant 7 : i32
      %add3A_1352 = vector.broadcast %add3A_1351 : i32 to vector<16xi32>
      %add3A_1353 = arith.addi %iota3A_638, %add3A_1352 : vector<16xi32>
      %and3A_1354 = arith.constant 15 : i32
      %and3A_1355 = vector.broadcast %and3A_1354 : i32 to vector<16xi32>
      %and3A_1356 = arith.andi %add3A_1353, %and3A_1355 : vector<16xi32>
      %add3A_1357 = arith.addi %mul3A_641, %and3A_1356 : vector<16xi32>
      %gather3A_1358 = tpu.vector_load_idx %arg17[%add3A_1357] : memref<256xf32, #tpu.memory_space<vmem>>[vector<16xi32>], vector<16xf32>,
      %add3A_1359 = arith.addf %add3A_1350, %gather3A_1358 : vector<16xf32>
      %add3A_1360 = arith.constant 8 : i32
      %add3A_1361 = vector.broadcast %add3A_1360 : i32 to vector<16xi32>
      %add3A_1362 = arith.addi %iota3A_638, %add3A_1361 : vector<16xi32>
      %and3A_1363 = arith.constant 15 : i32
      %and3A_1364 = vector.broadcast %and3A_1363 : i32 to vector<16xi32>
      %and3A_1365 = arith.andi %add3A_1362, %and3A_1364 : vector<16xi32>
      %add3A_1366 = arith.addi %mul3A_641, %and3A_1365 : vector<16xi32>
      %gather3A_1367 = tpu.vector_load_idx %arg17[%add3A_1366] : memref<256xf32, #tpu.memory_space<vmem>>[vector<16xi32>], vector<16xf32>,
      %add3A_1368 = arith.addf %add3A_1359, %gather3A_1367 : vector<16xf32>
      %add3A_1369 = arith.constant 9 : i32
      %add3A_1370 = vector.broadcast %add3A_1369 : i32 to vector<16xi32>
      %add3A_1371 = arith.addi %iota3A_638, %add3A_1370 : vector<16xi32>
      %and3A_1372 = arith.constant 15 : i32
      %and3A_1373 = vector.broadcast %and3A_1372 : i32 to vector<16xi32>
      %and3A_1374 = arith.andi %add3A_1371, %and3A_1373 : vector<16xi32>
      %add3A_1375 = arith.addi %mul3A_641, %and3A_1374 : vector<16xi32>
      %gather3A_1376 = tpu.vector_load_idx %arg17[%add3A_1375] : memref<256xf32, #tpu.memory_space<vmem>>[vector<16xi32>], vector<16xf32>,
      %add3A_1377 = arith.addf %add3A_1368, %gather3A_1376 : vector<16xf32>
      %add3A_1378 = arith.constant 10 : i32
      %add3A_1379 = vector.broadcast %add3A_1378 : i32 to vector<16xi32>
      %add3A_1380 = arith.addi %iota3A_638, %add3A_1379 : vector<16xi32>
      %and3A_1381 = arith.constant 15 : i32
      %and3A_1382 = vector.broadcast %and3A_1381 : i32 to vector<16xi32>
      %and3A_1383 = arith.andi %add3A_1380, %and3A_1382 : vector<16xi32>
      %add3A_1384 = arith.addi %mul3A_641, %and3A_1383 : vector<16xi32>
      %gather3A_1385 = tpu.vector_load_idx %arg17[%add3A_1384] : memref<256xf32, #tpu.memory_space<vmem>>[vector<16xi32>], vector<16xf32>,
      %add3A_1386 = arith.addf %add3A_1377, %gather3A_1385 : vector<16xf32>
      %add3A_1387 = arith.constant 11 : i32
      %add3A_1388 = vector.broadcast %add3A_1387 : i32 to vector<16xi32>
      %add3A_1389 = arith.addi %iota3A_638, %add3A_1388 : vector<16xi32>
      %and3A_1390 = arith.constant 15 : i32
      %and3A_1391 = vector.broadcast %and3A_1390 : i32 to vector<16xi32>
      %and3A_1392 = arith.andi %add3A_1389, %and3A_1391 : vector<16xi32>
      %add3A_1393 = arith.addi %mul3A_641, %and3A_1392 : vector<16xi32>
      %gather3A_1394 = tpu.vector_load_idx %arg17[%add3A_1393] : memref<256xf32, #tpu.memory_space<vmem>>[vector<16xi32>], vector<16xf32>,
      %add3A_1395 = arith.addf %add3A_1386, %gather3A_1394 : vector<16xf32>
      %add3A_1396 = arith.constant 12 : i32
      %add3A_1397 = vector.broadcast %add3A_1396 : i32 to vector<16xi32>
      %add3A_1398 = arith.addi %iota3A_638, %add3A_1397 : vector<16xi32>
      %and3A_1399 = arith.constant 15 : i32
      %and3A_1400 = vector.broadcast %and3A_1399 : i32 to vector<16xi32>
      %and3A_1401 = arith.andi %add3A_1398, %and3A_1400 : vector<16xi32>
      %add3A_1402 = arith.addi %mul3A_641, %and3A_1401 : vector<16xi32>
      %gather3A_1403 = tpu.vector_load_idx %arg17[%add3A_1402] : memref<256xf32, #tpu.memory_space<vmem>>[vector<16xi32>], vector<16xf32>,
      %add3A_1404 = arith.addf %add3A_1395, %gather3A_1403 : vector<16xf32>
      %add3A_1405 = arith.constant 13 : i32
      %add3A_1406 = vector.broadcast %add3A_1405 : i32 to vector<16xi32>
      %add3A_1407 = arith.addi %iota3A_638, %add3A_1406 : vector<16xi32>
      %and3A_1408 = arith.constant 15 : i32
      %and3A_1409 = vector.broadcast %and3A_1408 : i32 to vector<16xi32>
      %and3A_1410 = arith.andi %add3A_1407, %and3A_1409 : vector<16xi32>
      %add3A_1411 = arith.addi %mul3A_641, %and3A_1410 : vector<16xi32>
      %gather3A_1412 = tpu.vector_load_idx %arg17[%add3A_1411] : memref<256xf32, #tpu.memory_space<vmem>>[vector<16xi32>], vector<16xf32>,
      %add3A_1413 = arith.addf %add3A_1404, %gather3A_1412 : vector<16xf32>
      %add3A_1414 = arith.constant 14 : i32
      %add3A_1415 = vector.broadcast %add3A_1414 : i32 to vector<16xi32>
      %add3A_1416 = arith.addi %iota3A_638, %add3A_1415 : vector<16xi32>
      %and3A_1417 = arith.constant 15 : i32
      %and3A_1418 = vector.broadcast %and3A_1417 : i32 to vector<16xi32>
      %and3A_1419 = arith.andi %add3A_1416, %and3A_1418 : vector<16xi32>
      %add3A_1420 = arith.addi %mul3A_641, %and3A_1419 : vector<16xi32>
      %gather3A_1421 = tpu.vector_load_idx %arg17[%add3A_1420] : memref<256xf32, #tpu.memory_space<vmem>>[vector<16xi32>], vector<16xf32>,
      %add3A_1422 = arith.addf %add3A_1413, %gather3A_1421 : vector<16xf32>
      %add3A_1423 = arith.constant 15 : i32
      %add3A_1424 = vector.broadcast %add3A_1423 : i32 to vector<16xi32>
      %add3A_1425 = arith.addi %iota3A_638, %add3A_1424 : vector<16xi32>
      %and3A_1426 = arith.constant 15 : i32
      %and3A_1427 = vector.broadcast %and3A_1426 : i32 to vector<16xi32>
      %and3A_1428 = arith.andi %add3A_1425, %and3A_1427 : vector<16xi32>
      %add3A_1429 = arith.addi %mul3A_641, %and3A_1428 : vector<16xi32>
      %gather3A_1430 = tpu.vector_load_idx %arg17[%add3A_1429] : memref<256xf32, #tpu.memory_space<vmem>>[vector<16xi32>], vector<16xf32>,
      %add3A_1431 = arith.addf %add3A_1422, %gather3A_1430 : vector<16xf32>
      %mul3A_1432 = arith.constant 16 : i32
      %mul3A_1433 = arith.muli %scan3A_649, %mul3A_1432 : i32
      %get3A_1434 = arith.index_cast %mul3A_1433 : i32 to index
      %get3A_1435 = tpu.vector_load %arg14[%get3A_1434] {strides = array<i32>} : memref<512xf32, #tpu.memory_space<vmem>>, vector<16xf32>,
      %mul3A_1436 = arith.constant 16 : i32
      %mul3A_1437 = arith.muli %scan3A_649, %mul3A_1436 : i32
      %get3A_1438 = arith.index_cast %mul3A_1437 : i32 to index
      %get3A_1439 = tpu.vector_load %arg15[%get3A_1438] {strides = array<i32>} : memref<512xf32, #tpu.memory_space<vmem>>, vector<16xf32>,
      %add3A_1440 = arith.addf %add3A_1431, %get3A_1435 : vector<16xf32>
      %add3A_1441 = arith.addf %add3A_1440, %get3A_1439 : vector<16xf32>
      %add3A_1442 = arith.addf %add3A_1441, %get3A_643 : vector<16xf32>
      %mul3A_1443 = arith.constant 16 : i32
      %mul3A_1444 = arith.muli %scan3A_649, %mul3A_1443 : i32
      %swap3A_1445 = arith.index_cast %mul3A_1444 : i32 to index
      %swap3A_1446 = tpu.vector_load %arg18[%swap3A_1445] {strides = array<i32>} : memref<512xf32, #tpu.memory_space<vmem>>, vector<16xf32>,
      tpu.vector_store %arg18[%swap3A_1445], %add3A_1442 {strides = array<i32>} : memref<512xf32, #tpu.memory_space<vmem>>, vector<16xf32>,
    }
    %scan3A_648 = arith.constant 32 : i32
    "tpu.region"() ({
      %run_scoped3A_649 = tpu.sem_alloc : memref<!tpu.dma_semaphore, #tpu.memory_space<semaphore_mem>>
      %dma_start3A_650 = tpu.memref_slice %arg9[%mul3A_325] : memref<16384xf32, #tpu.memory_space<hbm>> -> memref<512xf32, #tpu.memory_space<hbm>>
      %dma_start3A_651 = tpu.memref_slice %arg9[%mul3A_325] : memref<16384xf32, #tpu.memory_space<hbm>> -> memref<512xf32, #tpu.memory_space<hbm>>
      tpu.enqueue_dma source(%arg18 : memref<512xf32, #tpu.memory_space<vmem>>) target(%dma_start3A_651 : memref<512xf32, #tpu.memory_space<hbm>>) target_semaphore(%run_scoped3A_649 : memref<!tpu.dma_semaphore, #tpu.memory_space<semaphore_mem>>)
      %dma_wait3A_652 = tpu.memref_slice %arg9[%mul3A_325] : memref<16384xf32, #tpu.memory_space<hbm>> -> memref<512xf32, #tpu.memory_space<hbm>>
      %dma_wait3A_653 = tpu.memref_slice %arg9[%mul3A_325] : memref<16384xf32, #tpu.memory_space<hbm>> -> memref<512xf32, #tpu.memory_space<hbm>>
      tpu.wait_dma2 semaphore(%run_scoped3A_649 : memref<!tpu.dma_semaphore, #tpu.memory_space<semaphore_mem>>) src(%arg18 : memref<512xf32, #tpu.memory_space<vmem>>) dst(%dma_wait3A_653 : memref<512xf32, #tpu.memory_space<hbm>>)
      tpu.yield
    }) : () -> ()
    return
  }
}

</mosaic_0001>

<sc_bundles>
// kernel: kernel.3.cloned.1.call-start
scs
__scs_entry_jumppad:
0x0: {  	(pc) =	sbr.rel $0x88, $3  }
0x1: {  	(tag) =	ssettag $0x0;
	lr =	simm.s32 $0x1  }
0x2: {  	[smem:$0x3F9A] =	sst lr;
	_ =	strace $0xD0000000  }
0x3: {  	_ = 	snop  }
0x4: {  	_ = 	snop  }
0x5: {  	_ = 	snop  }
0x6: {  	_ = 	snop  }
0x7: {  	_ = 	snop  }
__scs_overlays_trampoline_lowered:
0x8: {  	[smem:$0x3FA9] =	sst s0  }
0x9: {  	[smem:$0x3FAA] =	sst s1  }
0xa: {  	[smem:$0x3FAB] =	sst s2  }
0xb: {  	[smem:$0x3FAC] =	sst s3  }
0xc: {  	[smem:$0x3FAD] =	sst s4  }
0xd: {  	[smem:$0x3FAE] =	sst s5  }
0xe: {  	[smem:$0x3FAF] =	sst s6  }
0xf: {  	[smem:$0x3FB0] =	sst s7  }
0x10: {  	[smem:$0x3FB1] =	sst s8  }
0x11: {  	[smem:$0x3FB2] =	sst s9;
	s0 =	simm.s32 @!p0 $0x0  }
0x12: {  	s1 =	sld [smem:$0x3F98];
	s0 =	simm.s32 @p0 $0x1  }
0x13: {  	[smem:$0x3FB3] =	sst s0;
	s0 =	simm.s32 @!p1 $0x0  }
0x14: {  	s2 =	sld [smem:$0x3F97];
	s0 =	simm.s32 @p1 $0x1  }
0x15: {  	[smem:$0x3FB4] =	sst s0;
	s0 =	simm.s32 @!p2 $0x0  }
0x16: {  	s3 =	sld [smem:$0x3FDB];
	s0 =	simm.s32 @p2 $0x1  }
0x17: {  	s4 =	simm.s32 $0x1BF5;
	[smem:$0x3FB6] =	sst s0  }
0x18: {  	s0 =	sld [smem:$0x3F99];
	_ =	swait.ge [sflag:s4], $0x0  }
0x19: {  	s7 =	sld [smem:$0x3F9A]  }
0x1a: {  	s8 =	sadd.s32 $0xFFFFE003, lr  }
0x1b: {  	s9 =	sadd.s32 $0xFFFFFEF7, lr;
	s5 =	simm.s32 $0xFFFFFFFF;
	p2 =	slt.u32 s8, $0xFFFFF086  }
0x1c: {  	p1 =	slt.u32 s9, $0xF7A;
	s5 =	simm.s32 @!p2 $0x0  }
0x1d: {  	s5 =	simm.s32 @p1 $0x1;
	p0 =	seq.s32 s7, s2  }
0x1e: {  	s7 =	smul.u32 @!p0 $0xF7A, s2;
	p2 =	seq.s32 @!p0 s5, $0x0  }
0x1f: {  	s9 =	smul.u32 $0xF7A, s1;
	s8 =	simm.s32 @!p0 $0x1BF5;
	p2 =	por !p2, p0  }
0x20: {  	[sflag:s8] =	ssyncset.s32 @!p0 $0xFFFFF086;
	s6 =	sadd.s32 @!p0 s3, s7;
	s7 =	simm.s32 @!p0 $0x108  }
0x21: {  	s3 =	sadd.s32 s3, s9;
	s6 =	sadd.s32 @!p0 $0x88, s6;
	s7 =	simm.s32 @p2 $0x1082  }
0x22: {  	[simem:s7], [sflag:s8] =	dma.local @!p0 [hbm:s6], $0xF7A  }
0x23: {  	s9 =	sor.u32 $0xD0000000, s2;
	s6 =	simm.s32 $0x108;
	_ =	swait.ge @!p0 [sflag:s8], $0x0  }
0x24: {  	s3 =	sadd.s32 $0x88, s3;
	s6 =	simm.s32 @!p1 $0x1082;
	[sflag:s4] =	ssyncset.s32 $0xFFFFF086  }
0x25: {  	[simem:s6], [sflag:s4] =	dma.local [hbm:s3], $0xF7A  }
0x26: {  	[smem:$0x3F9A] =	sst s1;
	(tag) =	ssettag s2;
	_ =	strace s9  }
0x27: {  	s1 =	sld [smem:$0x3FAA]  }
0x28: {  	s2 =	sld [smem:$0x3FAB]  }
0x29: {  	s4 =	sld [smem:$0x3FAD]  }
0x2a: {  	p0 =	seq.s32 s5, $0x0;
	s5 =	sld [smem:$0x3FAE]  }
0x2b: {  	s6 =	sld [smem:$0x3FAF]  }
0x2c: {  	s7 =	sld [smem:$0x3FB0]  }
0x2d: {  	s3 =	simm.s32 $0x108;
	s8 =	sld [smem:$0x3FB1]  }
0x2e: {  	s3 =	simm.s32 @!p0 $0x1082;
	s9 =	sld [smem:$0x3FB2]  }
0x2f: {  	lr =	sadd.s32 s0, s3;
	s0 =	sld [smem:$0x3FA9]  }
0x30: {  	s3 =	sld [smem:$0x3FAC]  }
0x31: {  	[smem:$0x3FB5] =	sst s10  }
0x32: {  	s10 =	sld [smem:$0x3FB3];
	_ =	sdelay $0x3  }
0x33: {  	p0 =	seq.s32 s10, $0x1;
	s10 =	sld [smem:$0x3FB5];
	_ =	sdelay $0x3  }
0x34: {  	[smem:$0x3FB5] =	sst s10  }
0x35: {  	s10 =	sld [smem:$0x3FB4];
	_ =	sdelay $0x3  }
0x36: {  	p1 =	seq.s32 s10, $0x1;
	s10 =	sld [smem:$0x3FB5];
	_ =	sdelay $0x3  }
0x37: {  	[smem:$0x3FB5] =	sst s10  }
0x38: {  	s10 =	sld [smem:$0x3FB6]  }
0x39: {  	_ = 	snop;
	(pc) =	sbr.ind lr, $3  }
0x3a: {  	_ = 	snop  }
0x3b: {  	_ = 	snop  }
0x3c: {  	p2 =	seq.s32 s10, $0x1;
	s10 =	sld [smem:$0x3FB5]  }
0x3d: {  	_ =	shalt  }
0x3e: {  	_ =	shalt  }
0x3f: {  	_ =	shalt  }
0x40: {  	_ =	shalt  }
0x41: {  	_ =	shalt  }
0x42: {  	_ =	shalt  }
0x43: {  	_ =	shalt  }
0x44: {  	_ =	shalt  }
0x45: {  	_ =	shalt  }
0x46: {  	_ =	shalt  }
0x47: {  	_ =	shalt  }
0x48: {  	_ =	shalt  }
0x49: {  	_ =	shalt  }
0x4a: {  	_ =	shalt  }
0x4b: {  	_ =	shalt  }
0x4c: {  	_ =	shalt  }
0x4d: {  	_ =	shalt  }
0x4e: {  	_ =	shalt  }
0x4f: {  	_ =	shalt  }
0x50: {  	_ =	shalt  }
0x51: {  	_ =	shalt  }
0x52: {  	_ =	shalt  }
0x53: {  	_ =	shalt  }
0x54: {  	_ =	shalt  }
0x55: {  	_ =	shalt  }
0x56: {  	_ =	shalt  }
0x57: {  	_ =	shalt  }
0x58: {  	_ =	shalt  }
0x59: {  	_ =	shalt  }
0x5a: {  	_ =	shalt  }
0x5b: {  	_ =	shalt  }
0x5c: {  	_ =	shalt  }
0x5d: {  	_ =	shalt  }
0x5e: {  	_ =	shalt  }
0x5f: {  	_ =	shalt  }
0x60: {  	_ =	shalt  }
0x61: {  	_ =	shalt  }
0x62: {  	_ =	shalt  }
0x63: {  	_ =	shalt  }
0x64: {  	_ =	shalt  }
0x65: {  	_ =	shalt  }
0x66: {  	_ =	shalt  }
0x67: {  	_ =	shalt  }
0x68: {  	_ =	shalt  }
0x69: {  	_ =	shalt  }
0x6a: {  	_ =	shalt  }
0x6b: {  	_ =	shalt  }
0x6c: {  	_ =	shalt  }
0x6d: {  	_ =	shalt  }
0x6e: {  	_ =	shalt  }
0x6f: {  	_ =	shalt  }
0x70: {  	_ =	shalt  }
0x71: {  	_ =	shalt  }
0x72: {  	_ =	shalt  }
0x73: {  	_ =	shalt  }
0x74: {  	_ =	shalt  }
0x75: {  	_ =	shalt  }
0x76: {  	_ =	shalt  }
0x77: {  	_ =	shalt  }
0x78: {  	_ =	shalt  }
0x79: {  	_ =	shalt  }
0x7a: {  	_ =	shalt  }
0x7b: {  	_ =	shalt  }
0x7c: {  	_ =	shalt  }
0x7d: {  	_ =	shalt  }
0x7e: {  	_ =	shalt  }
0x7f: {  	_ =	shalt  }
0x80: {  	_ =	shalt  }
0x81: {  	_ =	shalt  }
0x82: {  	_ =	shalt  }
0x83: {  	_ =	shalt  }
0x84: {  	_ =	shalt  }
0x85: {  	_ =	shalt  }
0x86: {  	_ =	shalt  }
0x87: {  	_ =	shalt  }
.Lfunc_end0:
.L_simem_size_0:
called_computation_lowered:
.L_overlay_start_0:
0x88: {  	s0 =	sld [smem:$0x3FD9]  }
0x89: {  	s1 =	sld [smem:$0x3FFE];
	_ =	sdelay $0x3  }
0x8a: {  	s0 =	sadd.s32 s1, s0  }
0x8b: {  	[smem:$0x3FC1] =	sst s0  }
0x8c: {  	_ = 	snop  }
0x8d: {  	s0 =	sld [smem:$0x3FC9]  }
0x8e: {  	s16 =	sld [smem:$0x3FC8]  }
0x8f: {  	s2 =	sld [smem:$0x3FD0];
	(tm) =	ssettm $0x1  }
0x90: {  	s3 =	sld [smem:$0x3FFB];
	_ =	sdelay $0x3  }
0x91: {  	_ =	strace s3  }
0x92: {  	s3 =	sld [smem:$0x3FFC];
	_ =	sdelay $0x3  }
0x93: {  	_ =	strace s3  }
0x94: {  	s3 =	sld [smem:$0x3FFD];
	_ =	sdelay $0x3  }
0x95: {  	_ =	strace s3  }
0x96: {  	_ =	strace $0x8FFFFFFF  }
0x97: {  	s17 =	sld [smem:$0x3FDB];
	_ =	sdelay $0x1  }
0x98: {  	s4 =	simm.s32 $_scs_section_size  }
0x99: {  	s5 =	simm.s32 $_size__tile_overlayer_lowered;
	s6 =	simm.s32 $_tile_overlayer_lowered  }
0x9a: {  	s20 =	simm.s32 $0x1BFF;
	s19 =	sshll.u32 s6, $0x1;
	s3 =	sadd.s32 s4, s17  }
0x9b: {  	s7 =	simm.s32 $0x0;
	s18 =	sshll.u32 s5, $0x1;
	s5 =	sadd.s32 s19, s3  }
0x9c: {  	[timem:s7], [sflag:s20] =	dma.local [hbm:s5], s18  }
0x9d: {  	_ =	swait.ge [sflag:s20], s18  }
0x9e: {  	s4 =	ssub.s32 $0x0, s18;
	[sflag:s20] =	ssyncset.done $0x0  }
0x9f: {  	[sflag:s20] =	ssyncadd.s32 s4;
	_ =	sdelay $0x1  }
0xa0: {  	s21 =	simm.s32 $0x1B8B  }
0xa1: {  	_ =	swait.ge [sflag:s21], $0x1  }
0xa2: {  	[sflag:s21] =	ssyncset.done $0x0  }
0xa3: {  	s23 =	simm.s32 $0x1B8E;
	s22 =	sld [smem:$0x3FFE];
	[sflag:s21] =	ssyncadd.s32 $0xFFFFFFFF  }
0xa4: {  	s24 =	simm.s32 $execute0_lowered;
	[smem:$0x3FD2] =	sst s23  }
0xa5: {  	s5 =	sshll.u32 s24, $0x1;
	_ =	strace $0x80000046;
	[dreg:$0x1] =	wrdreg $0xFFFFFFFF  }
0xa6: {  	s25 =	simm.s32 $_size_execute0_lowered;
	s3 =	sadd.s32 s3, s5;
	[dreg:$0x0] =	wrdreg $0x0  }
0xa7: {  	s5 =	sshll.u32 s25, $0x1;
	[dreg:$0x2] =	wrdreg s3  }
0xa8: {  	[dreg:$0x3] =	wrdreg s5  }
0xa9: {  	[dreg:$0x4] =	wrdreg $0xC0  }
0xaa: {  	_ =	task [dreg:s7], $0x5FFFF  }
0xab: {  	[dreg:$0x1] =	wrdreg $0xFFFFFFFF  }
0xac: {  	[dreg:$0x0] =	wrdreg $0x60  }
0xad: {  	[dreg:$0x2] =	wrdreg s0  }
0xae: {  	[dreg:$0x3] =	wrdreg s16  }
0xaf: {  	[dreg:$0x4] =	wrdreg s22  }
0xb0: {  	[dreg:$0x5] =	wrdreg s2  }
0xb1: {  	[dreg:$0x6] =	wrdreg $0x9  }
0xb2: {  	_ =	task.clear_ibuf [dreg:s7], $0x7FFFF;
	_ =	strace $0x90000046  }
0xb3: {  	s26 =	simm.s32 $0x9;
	_ =	strace $0x80000048  }
0xb4: {  	_ =	swait.ge [sflag:s26], $0x1  }
0xb5: {  	[sflag:s26] =	ssyncadd.s32 $0xFFFFFFFF  }
0xb6: {  	_ =	strace $0x90000048  }
0xb7: {  	_ =	sfence  }
0xb8: {  	s28 =	sld [smem:$0x0];
	_ =	sdelay $0x1  }
0xb9: {  	s29 =	srdreg.scid  }
0xba: {  	s30 =	sshll.u32 s29, $0xD;
	s31 =	sshrl.u32 s29, $0x2  }
0xbb: {  	s1 =	sand.u32 $0x1, s29;
	s2 =	sand.u32 $0x4000, s30;
	s0 =	sadd.s32 s31, s28  }
0xbc: {  	s1 =	sor.u32 s2, s1;
	s0 =	sshll.u32 s0, $0x11  }
0xbd: {  	s0 =	sor.u32 s0, s1  }
0xbe: {  	s0 =	sadd.s32 $0x8F2B, s0  }
0xbf: {  	[sflag:s0] =	ssyncadd.remote.s32 $0x1  }
0xc0: {  	_ =	sfence.sel $0xFFFF  }
0xc1: {  	[dreg:$0x0] =	wrdreg $0xFFFFFFFF;
	(pc) =	sbr.abs _section_cstart, $3  }
0xc2: {  	[dreg:$0x1] =	wrdreg $0xFFFFFFFF  }
0xc3: {  	_ =	task.clear_ibuf [dreg:s7], $0x2FFFF;
	_ =	strace $0x9FFFFFFF  }
0xc4: {  	(tm) =	ssettm $0x7FFFFFFF  }
0xc5: {  	_ =	shalt  }
tec
execute0_lowered:
.L_overlay_start_1:
0x0: {  	(tag) =	ssettag $0x1  }
0x1: {  	s5 =	rddreg [dreg:$0x0]  }
0x2: {  	s4 =	rddreg [dreg:$0x1]  }
0x3: {  	s3 =	rddreg [dreg:$0x2]  }
0x4: {  	s2 =	rddreg [dreg:$0x3]  }
0x5: {  	s0 =	rddreg [dreg:$0x4];
	s9 =	simm.s32 $0x0  }
0x6: {  	s6 =	simm.s32 $0x10800;
	[smem:$0x7FF] =	sst s9  }
0x7: {  	s8 =	simm.s32 $0x2;
	s1 =	sadd.s32 $0x21C00, s3;
	_ =	strace $0x80000047  }
0x8: {  	[tilespmem:s6], [sflag:$0x2] =	stream.linear.gather [hbm4b:s1+s9], $0x10, $0x38;
	[tilespmem:$0x10B10] =	vst v63  }
0x9: {  	s1 =	stileid.u32;
	_ =	swait.ge [sflag:s8], $0x10  }
0xa: {  	s6 =	sshll.u32 s1, $0x6;
	[sflag:s8] =	ssyncset.done $0x0  }
0xb: {  	s7 =	sadd.s32 s5, s6;
	[sflag:s8] =	ssyncadd.s32 $0xFFFFFFF0  }
0xc: {  	[tilespmem:s9], [sflag:$0x2] =	stream.linear.gather [hbm4b:s7+s9], $0x80, $0x38;
	[tilespmem:$0x10B10] =	vst v63  }
0xd: {  	_ =	swait.ge [sflag:s8], $0x80  }
0xe: {  	[sflag:s8] =	ssyncset.done $0x0  }
0xf: {  	s11 =	simm.s32 $0x200;
	s22 =	sadd.s32 s4, s6;
	[sflag:s8] =	ssyncadd.s32 $0xFFFFFF80  }
0x10: {  	[tilespmem:s11], [sflag:$0x2] =	stream.linear.gather [hbm4b:s22+s9], $0x80, $0x38;
	[tilespmem:$0x10B10] =	vst v63  }
0x11: {  	_ =	swait.ge [sflag:s8], $0x80  }
0x12: {  	s23 =	sor.u32 $0x10, s6;
	[sflag:s8] =	ssyncset.done $0x0  }
0x13: {  	s10 =	simm.s32 $0x80;
	s12 =	sadd.s32 s5, s23;
	[sflag:s8] =	ssyncadd.s32 $0xFFFFFF80  }
0x14: {  	[tilespmem:s10], [sflag:$0x2] =	stream.linear.gather [hbm4b:s12+s9], $0x80, $0x38;
	[tilespmem:$0x10B10] =	vst v63  }
0x15: {  	_ =	swait.ge [sflag:s8], $0x80  }
0x16: {  	[sflag:s8] =	ssyncset.done $0x0  }
0x17: {  	s24 =	simm.s32 $0x280;
	s7 =	sadd.s32 s4, s23;
	[sflag:s8] =	ssyncadd.s32 $0xFFFFFF80  }
0x18: {  	[tilespmem:s24], [sflag:$0x2] =	stream.linear.gather [hbm4b:s7+s9], $0x80, $0x38;
	[tilespmem:$0x10B10] =	vst v63  }
0x19: {  	_ =	swait.ge [sflag:s8], $0x80  }
0x1a: {  	s25 =	sor.u32 $0x20, s6;
	[sflag:s8] =	ssyncset.done $0x0  }
0x1b: {  	s14 =	simm.s32 $0x100;
	s13 =	sadd.s32 s5, s25;
	[sflag:s8] =	ssyncadd.s32 $0xFFFFFF80  }
0x1c: {  	[tilespmem:s14], [sflag:$0x2] =	stream.linear.gather [hbm4b:s13+s9], $0x80, $0x38;
	[tilespmem:$0x10B10] =	vst v63  }
0x1d: {  	_ =	swait.ge [sflag:s8], $0x80  }
0x1e: {  	[sflag:s8] =	ssyncset.done $0x0  }
0x1f: {  	s26 =	simm.s32 $0x300;
	s7 =	sadd.s32 s4, s25;
	[sflag:s8] =	ssyncadd.s32 $0xFFFFFF80  }
0x20: {  	[tilespmem:s26], [sflag:$0x2] =	stream.linear.gather [hbm4b:s7+s9], $0x80, $0x38;
	[tilespmem:$0x10B10] =	vst v63  }
0x21: {  	_ =	swait.ge [sflag:s8], $0x80  }
0x22: {  	s28 =	sor.u32 $0x30, s6;
	[sflag:s8] =	ssyncset.done $0x0  }
0x23: {  	s16 =	simm.s32 $0x180;
	s15 =	sadd.s32 s5, s28;
	[sflag:s8] =	ssyncadd.s32 $0xFFFFFF80  }
0x24: {  	[tilespmem:s16], [sflag:$0x2] =	stream.linear.gather [hbm4b:s15+s9], $0x80, $0x38;
	[tilespmem:$0x10B10] =	vst v63  }
0x25: {  	_ =	swait.ge [sflag:s8], $0x80  }
0x26: {  	[sflag:s8] =	ssyncset.done $0x0  }
0x27: {  	s7 =	sadd.s32 s4, s28;
	s15 =	simm.s32 $0x380;
	[sflag:s8] =	ssyncadd.s32 $0xFFFFFF80  }
0x28: {  	[tilespmem:s15], [sflag:$0x2] =	stream.linear.gather [hbm4b:s7+s9], $0x80, $0x38;
	[tilespmem:$0x10B10] =	vst v63  }
0x29: {  	_ =	swait.ge [sflag:s8], $0x80  }
0x2a: {  	[sflag:s8] =	ssyncset.done $0x0  }
0x2b: {  	s29 =	simm.s32 $0x400;
	s7 =	sadd.s32 $0xF42400, s3;
	[sflag:s8] =	ssyncadd.s32 $0xFFFFFF80  }
0x2c: {  	[tilespmem:s29], [sflag:$0x1] =	stream.indirect.gather [hbm4b:s7+s10], $0x40, s9, s10, $0xb8;
	[tilespmem:$0x10B10] =	vst v63  }
0x2d: {  	s17 =	simm.s32 $0x8400;
	s8 =	sadd.s32 $0x186A00, s3  }
0x2e: {  	[tilespmem:s17], [sflag:$0x1] =	stream.indirect.gather [hbm4b:s8+s10], $0x40, s11, s10, $0xb8;
	[tilespmem:$0x10B10] =	vst v63  }
0x2f: {  	s30 =	simm.s32 $0x10400  }
0x30: {  	[tilespmem:s30], [sflag:$0x1] =	stream.indirect.gather [hbm4b:s3+s10], $0x1, s9, s10, $0xb8;
	[tilespmem:$0x10B10] =	vst v63  }
0x31: {  	s31 =	simm.s32 $0x10600;
	s9 =	sadd.s32 $0x1EA00, s3  }
0x32: {  	[tilespmem:s31], [sflag:$0x1] =	stream.indirect.gather [hbm4b:s9+s10], $0x1, s11, s10, $0xb8;
	[tilespmem:$0x10B10] =	vst v63  }
0x33: {  	s18 =	simm.s32 $0x2400  }
0x34: {  	[tilespmem:s18], [sflag:$0x1] =	stream.indirect.gather [hbm4b:s7+s10], $0x40, s10, s10, $0xb8;
	[tilespmem:$0x10B10] =	vst v63  }
0x35: {  	s19 =	simm.s32 $0xA400  }
0x36: {  	[tilespmem:s19], [sflag:$0x1] =	stream.indirect.gather [hbm4b:s8+s10], $0x40, s24, s10, $0xb8;
	[tilespmem:$0x10B10] =	vst v63  }
0x37: {  	s20 =	simm.s32 $0x10480  }
0x38: {  	[tilespmem:s20], [sflag:$0x1] =	stream.indirect.gather [hbm4b:s3+s10], $0x1, s10, s10, $0xb8;
	[tilespmem:$0x10B10] =	vst v63  }
0x39: {  	s21 =	simm.s32 $0x10680  }
0x3a: {  	[tilespmem:s21], [sflag:$0x1] =	stream.indirect.gather [hbm4b:s9+s10], $0x1, s24, s10, $0xb8;
	[tilespmem:$0x10B10] =	vst v63  }
0x3b: {  	s22 =	simm.s32 $0x4400  }
0x3c: {  	[tilespmem:s22], [sflag:$0x1] =	stream.indirect.gather [hbm4b:s7+s10], $0x40, s14, s10, $0xb8;
	[tilespmem:$0x10B10] =	vst v63  }
0x3d: {  	s23 =	simm.s32 $0xC400  }
0x3e: {  	[tilespmem:s23], [sflag:$0x1] =	stream.indirect.gather [hbm4b:s8+s10], $0x40, s26, s10, $0xb8;
	[tilespmem:$0x10B10] =	vst v63  }
0x3f: {  	s24 =	simm.s32 $0x10500  }
0x40: {  	[tilespmem:s24], [sflag:$0x1] =	stream.indirect.gather [hbm4b:s3+s10], $0x1, s14, s10, $0xb8;
	[tilespmem:$0x10B10] =	vst v63  }
0x41: {  	s25 =	simm.s32 $0x10700  }
0x42: {  	[tilespmem:s25], [sflag:$0x1] =	stream.indirect.gather [hbm4b:s9+s10], $0x1, s26, s10, $0xb8;
	[tilespmem:$0x10B10] =	vst v63  }
0x43: {  	s26 =	simm.s32 $0x6400  }
0x44: {  	[tilespmem:s26], [sflag:$0x1] =	stream.indirect.gather [hbm4b:s7+s10], $0x40, s16, s10, $0xb8;
	[tilespmem:$0x10B10] =	vst v63  }
0x45: {  	s28 =	simm.s32 $0xE400  }
0x46: {  	[tilespmem:s28], [sflag:$0x1] =	stream.indirect.gather [hbm4b:s8+s10], $0x40, s15, s10, $0xb8;
	[tilespmem:$0x10B10] =	vst v63  }
0x47: {  	s29 =	simm.s32 $0x10580  }
0x48: {  	[tilespmem:s29], [sflag:$0x1] =	stream.indirect.gather [hbm4b:s3+s10], $0x1, s16, s10, $0xb8;
	[tilespmem:$0x10B10] =	vst v63  }
0x49: {  	s30 =	simm.s32 $0x10780;
	s31 =	simm.s32 $0x1  }
0x4a: {  	[tilespmem:s30], [sflag:$0x1] =	stream.indirect.gather [hbm4b:s9+s10], $0x1, s15, s10, $0xb8;
	[tilespmem:$0x10B10] =	vst v63  }
0x4b: {  	_ =	swait.ge [sflag:s31], $0x2000  }
0x4c: {  	[sflag:s31] =	ssyncset.done $0x0  }
0x4d: {  	[sflag:s31] =	ssyncadd.s32 $0xFFFFE000  }
0x4e: {  	_ =	swait.ge [sflag:s31], $0x2000  }
0x4f: {  	[sflag:s31] =	ssyncset.done $0x0  }
0x50: {  	[sflag:s31] =	ssyncadd.s32 $0xFFFFE000  }
0x51: {  	_ =	swait.ge [sflag:s31], $0x80  }
0x52: {  	[sflag:s31] =	ssyncset.done $0x0  }
0x53: {  	[sflag:s31] =	ssyncadd.s32 $0xFFFFFF80  }
0x54: {  	_ =	swait.ge [sflag:s31], $0x80  }
0x55: {  	[sflag:s31] =	ssyncset.done $0x0  }
0x56: {  	[sflag:s31] =	ssyncadd.s32 $0xFFFFFF80  }
0x57: {  	_ =	swait.ge [sflag:s31], $0x2000  }
0x58: {  	[sflag:s31] =	ssyncset.done $0x0  }
0x59: {  	[sflag:s31] =	ssyncadd.s32 $0xFFFFE000  }
0x5a: {  	_ =	swait.ge [sflag:s31], $0x2000  }
0x5b: {  	[sflag:s31] =	ssyncset.done $0x0  }
0x5c: {  	[sflag:s31] =	ssyncadd.s32 $0xFFFFE000  }
0x5d: {  	_ =	swait.ge [sflag:s31], $0x80  }
0x5e: {  	[sflag:s31] =	ssyncset.done $0x0  }
0x5f: {  	[sflag:s31] =	ssyncadd.s32 $0xFFFFFF80  }
0x60: {  	_ =	swait.ge [sflag:s31], $0x80  }
0x61: {  	[sflag:s31] =	ssyncset.done $0x0  }
0x62: {  	[sflag:s31] =	ssyncadd.s32 $0xFFFFFF80  }
0x63: {  	_ =	swait.ge [sflag:s31], $0x2000  }
0x64: {  	[sflag:s31] =	ssyncset.done $0x0  }
0x65: {  	[sflag:s31] =	ssyncadd.s32 $0xFFFFE000  }
0x66: {  	_ =	swait.ge [sflag:s31], $0x2000  }
0x67: {  	[sflag:s31] =	ssyncset.done $0x0  }
0x68: {  	[sflag:s31] =	ssyncadd.s32 $0xFFFFE000  }
0x69: {  	_ =	swait.ge [sflag:s31], $0x80  }
0x6a: {  	[sflag:s31] =	ssyncset.done $0x0  }
0x6b: {  	[sflag:s31] =	ssyncadd.s32 $0xFFFFFF80  }
0x6c: {  	_ =	swait.ge [sflag:s31], $0x80  }
0x6d: {  	[sflag:s31] =	ssyncset.done $0x0  }
0x6e: {  	[sflag:s31] =	ssyncadd.s32 $0xFFFFFF80  }
0x6f: {  	_ =	swait.ge [sflag:s31], $0x2000  }
0x70: {  	[sflag:s31] =	ssyncset.done $0x0  }
0x71: {  	[sflag:s31] =	ssyncadd.s32 $0xFFFFE000  }
0x72: {  	_ =	swait.ge [sflag:s31], $0x2000  }
0x73: {  	[sflag:s31] =	ssyncset.done $0x0  }
0x74: {  	[sflag:s31] =	ssyncadd.s32 $0xFFFFE000  }
0x75: {  	_ =	swait.ge [sflag:s31], $0x80  }
0x76: {  	[sflag:s31] =	ssyncset.done $0x0  }
0x77: {  	[sflag:s31] =	ssyncadd.s32 $0xFFFFFF80  }
0x78: {  	_ =	swait.ge [sflag:s31], $0x80  }
0x79: {  	[sflag:s31] =	ssyncset.done $0x0  }
0x7a: {  	s10 =	simm.s32 $0x8600;
	[sflag:s31] =	ssyncadd.s32 $0xFFFFFF80  }
0x7b: {  	s11 =	simm.s32 $0x600;
	v0 =	vld [tilespmem:s10+$0xFFFFFE00]  }
0x7c: {  	v1 =	vld [tilespmem:s11+$0xFFFFFE00]  }
0x7d: {  	v2 =	vld [tilespmem:s10+$0xFFFFFE10]  }
0x7e: {  	v3 =	vld [tilespmem:s11+$0xFFFFFE10]  }
0x7f: {  	v4 =	vld [tilespmem:s10+$0xFFFFFE20]  }
0x80: {  	v5 =	vld [tilespmem:s11+$0xFFFFFE20]  }
0x81: {  	v6 =	vld [tilespmem:s11+$0xFFFFFE30];
	v0 =	vmul.f32 v0, v1  }
0x82: {  	v1 =	vld [tilespmem:s10+$0xFFFFFE30]  }
0x83: {  	v2 =	vmul.f32 v2, v3;
	v0 =	vadd.f32 $0.0e+00, v0;
	_ =	sdelay $0x1  }
0x84: {  	v0 =	vadd.f32 v2, v0;
	v2 =	vmul.f32 v4, v5;
	_ =	sdelay $0x1  }
0x85: {  	v1 =	vmul.f32 v1, v6;
	v0 =	vadd.f32 v2, v0;
	_ =	sdelay $0x1  }
0x86: {  	v0 =	vadd.f32 v1, v0;
	_ =	sdelay $0x1  }
0x87: {  	[tilespmem:$0x10810] =	vst v0  }
0x88: {  	v0 =	vld [tilespmem:s11+$0xFFFFFE40]  }
0x89: {  	v1 =	vld [tilespmem:s10+$0xFFFFFE40]  }
0x8a: {  	v2 =	vld [tilespmem:s10+$0xFFFFFE50]  }
0x8b: {  	v3 =	vld [tilespmem:s11+$0xFFFFFE50]  }
0x8c: {  	v4 =	vld [tilespmem:s10+$0xFFFFFE60]  }
0x8d: {  	v5 =	vld [tilespmem:s11+$0xFFFFFE60]  }
0x8e: {  	v6 =	vld [tilespmem:s11+$0xFFFFFE70];
	v0 =	vmul.f32 v1, v0  }
0x8f: {  	v1 =	vld [tilespmem:s10+$0xFFFFFE70]  }
0x90: {  	v2 =	vmul.f32 v2, v3;
	v0 =	vadd.f32 $0.0e+00, v0;
	_ =	sdelay $0x1  }
0x91: {  	v0 =	vadd.f32 v2, v0;
	v2 =	vmul.f32 v4, v5;
	_ =	sdelay $0x1  }
0x92: {  	v1 =	vmul.f32 v1, v6;
	v0 =	vadd.f32 v2, v0;
	_ =	sdelay $0x1  }
0x93: {  	v0 =	vadd.f32 v1, v0;
	_ =	sdelay $0x1  }
0x94: {  	[tilespmem:$0x10820] =	vst v0  }
0x95: {  	v0 =	vld [tilespmem:s11+$0xFFFFFE80]  }
0x96: {  	v1 =	vld [tilespmem:s10+$0xFFFFFE80]  }
0x97: {  	v2 =	vld [tilespmem:s11+$0xFFFFFE90]  }
0x98: {  	v3 =	vld [tilespmem:s10+$0xFFFFFE90]  }
0x99: {  	v4 =	vld [tilespmem:s11+$0xFFFFFEA0]  }
0x9a: {  	v5 =	vld [tilespmem:s10+$0xFFFFFEA0]  }
0x9b: {  	v6 =	vld [tilespmem:s10+$0xFFFFFEB0];
	v0 =	vmul.f32 v1, v0  }
0x9c: {  	v1 =	vld [tilespmem:s11+$0xFFFFFEB0]  }
0x9d: {  	v2 =	vmul.f32 v3, v2;
	v0 =	vadd.f32 $0.0e+00, v0;
	_ =	sdelay $0x1  }
0x9e: {  	v0 =	vadd.f32 v2, v0;
	v2 =	vmul.f32 v5, v4;
	_ =	sdelay $0x1  }
0x9f: {  	v1 =	vmul.f32 v6, v1;
	v0 =	vadd.f32 v2, v0;
	_ =	sdelay $0x1  }
0xa0: {  	v0 =	vadd.f32 v1, v0;
	_ =	sdelay $0x1  }
0xa1: {  	[tilespmem:$0x10830] =	vst v0  }
0xa2: {  	v0 =	vld [tilespmem:s11+$0xFFFFFEC0]  }
0xa3: {  	v1 =	vld [tilespmem:s10+$0xFFFFFEC0]  }
0xa4: {  	v2 =	vld [tilespmem:s11+$0xFFFFFED0]  }
0xa5: {  	v3 =	vld [tilespmem:s10+$0xFFFFFED0]  }
0xa6: {  	v4 =	vld [tilespmem:s11+$0xFFFFFEE0]  }
0xa7: {  	v5 =	vld [tilespmem:s10+$0xFFFFFEE0]  }
0xa8: {  	v6 =	vld [tilespmem:s10+$0xFFFFFEF0];
	v0 =	vmul.f32 v1, v0  }
0xa9: {  	v1 =	vld [tilespmem:s11+$0xFFFFFEF0]  }
0xaa: {  	v2 =	vmul.f32 v3, v2;
	v0 =	vadd.f32 $0.0e+00, v0;
	_ =	sdelay $0x1  }
0xab: {  	v0 =	vadd.f32 v2, v0;
	v2 =	vmul.f32 v5, v4;
	_ =	sdelay $0x1  }
0xac: {  	v1 =	vmul.f32 v6, v1;
	v0 =	vadd.f32 v2, v0;
	_ =	sdelay $0x1  }
0xad: {  	v0 =	vadd.f32 v1, v0;
	_ =	sdelay $0x1  }
0xae: {  	[tilespmem:$0x10840] =	vst v0  }
0xaf: {  	v0 =	vld [tilespmem:s11+$0xFFFFFF00]  }
0xb0: {  	v1 =	vld [tilespmem:s10+$0xFFFFFF00]  }
0xb1: {  	v2 =	vld [tilespmem:s11+$0xFFFFFF10]  }
0xb2: {  	v3 =	vld [tilespmem:s10+$0xFFFFFF10]  }
0xb3: {  	v4 =	vld [tilespmem:s11+$0xFFFFFF20]  }
0xb4: {  	v5 =	vld [tilespmem:s10+$0xFFFFFF20]  }
0xb5: {  	v6 =	vld [tilespmem:s10+$0xFFFFFF30];
	v0 =	vmul.f32 v1, v0  }
0xb6: {  	v1 =	vld [tilespmem:s11+$0xFFFFFF30]  }
0xb7: {  	v2 =	vmul.f32 v3, v2;
	v0 =	vadd.f32 $0.0e+00, v0;
	_ =	sdelay $0x1  }
0xb8: {  	v0 =	vadd.f32 v2, v0;
	v2 =	vmul.f32 v5, v4;
	_ =	sdelay $0x1  }
0xb9: {  	v1 =	vmul.f32 v6, v1;
	v0 =	vadd.f32 v2, v0;
	_ =	sdelay $0x1  }
0xba: {  	v0 =	vadd.f32 v1, v0;
	_ =	sdelay $0x1  }
0xbb: {  	[tilespmem:$0x10850] =	vst v0  }
0xbc: {  	v0 =	vld [tilespmem:s11+$0xFFFFFF40]  }
0xbd: {  	v1 =	vld [tilespmem:s10+$0xFFFFFF40]  }
0xbe: {  	v2 =	vld [tilespmem:s11+$0xFFFFFF50]  }
0xbf: {  	v3 =	vld [tilespmem:s10+$0xFFFFFF50]  }
0xc0: {  	v4 =	vld [tilespmem:s11+$0xFFFFFF60]  }
0xc1: {  	v5 =	vld [tilespmem:s10+$0xFFFFFF60]  }
0xc2: {  	v6 =	vld [tilespmem:s11+$0xFFFFFF70];
	v0 =	vmul.f32 v1, v0  }
0xc3: {  	v1 =	vld [tilespmem:s10+$0xFFFFFF70]  }
0xc4: {  	v2 =	vmul.f32 v3, v2;
	v0 =	vadd.f32 $0.0e+00, v0;
	_ =	sdelay $0x1  }
0xc5: {  	v0 =	vadd.f32 v2, v0;
	v2 =	vmul.f32 v5, v4;
	_ =	sdelay $0x1  }
0xc6: {  	v1 =	vmul.f32 v1, v6;
	v0 =	vadd.f32 v2, v0;
	_ =	sdelay $0x1  }
0xc7: {  	v0 =	vadd.f32 v1, v0;
	_ =	sdelay $0x1  }
0xc8: {  	[tilespmem:$0x10860] =	vst v0  }
0xc9: {  	v0 =	vld [tilespmem:s11+$0xFFFFFF80]  }
0xca: {  	v1 =	vld [tilespmem:s10+$0xFFFFFF80]  }
0xcb: {  	v2 =	vld [tilespmem:s11+$0xFFFFFF90]  }
0xcc: {  	v3 =	vld [tilespmem:s10+$0xFFFFFF90]  }
0xcd: {  	v4 =	vld [tilespmem:s11+$0xFFFFFFA0]  }
0xce: {  	v5 =	vld [tilespmem:s10+$0xFFFFFFA0]  }
0xcf: {  	v6 =	vld [tilespmem:s10+$0xFFFFFFB0];
	v0 =	vmul.f32 v1, v0  }
0xd0: {  	v1 =	vld [tilespmem:s11+$0xFFFFFFB0]  }
0xd1: {  	v2 =	vmul.f32 v3, v2;
	v0 =	vadd.f32 $0.0e+00, v0;
	_ =	sdelay $0x1  }
0xd2: {  	v0 =	vadd.f32 v2, v0;
	v2 =	vmul.f32 v5, v4;
	_ =	sdelay $0x1  }
0xd3: {  	v1 =	vmul.f32 v6, v1;
	v0 =	vadd.f32 v2, v0;
	_ =	sdelay $0x1  }
0xd4: {  	v0 =	vadd.f32 v1, v0;
	_ =	sdelay $0x1  }
0xd5: {  	[tilespmem:$0x10870] =	vst v0  }
0xd6: {  	v0 =	vld [tilespmem:s11+$0xFFFFFFC0]  }
0xd7: {  	v1 =	vld [tilespmem:s10+$0xFFFFFFC0]  }
0xd8: {  	v2 =	vld [tilespmem:s10+$0xFFFFFFD0]  }
0xd9: {  	v3 =	vld [tilespmem:s11+$0xFFFFFFD0]  }
0xda: {  	v4 =	vld [tilespmem:s10+$0xFFFFFFE0]  }
0xdb: {  	v5 =	vld [tilespmem:s11+$0xFFFFFFE0]  }
0xdc: {  	v6 =	vld [tilespmem:s11+$0xFFFFFFF0];
	v0 =	vmul.f32 v1, v0  }
0xdd: {  	v1 =	vld [tilespmem:s10+$0xFFFFFFF0]  }
0xde: {  	v2 =	vmul.f32 v2, v3;
	v0 =	vadd.f32 $0.0e+00, v0;
	_ =	sdelay $0x1  }
0xdf: {  	v0 =	vadd.f32 v2, v0;
	v2 =	vmul.f32 v4, v5;
	_ =	sdelay $0x1  }
0xe0: {  	v1 =	vmul.f32 v1, v6;
	v0 =	vadd.f32 v2, v0;
	_ =	sdelay $0x1  }
0xe1: {  	v0 =	vadd.f32 v1, v0;
	_ =	sdelay $0x1  }
0xe2: {  	[tilespmem:$0x10880] =	vst v0  }
0xe3: {  	v0 =	vld [tilespmem:s11+$0x0]  }
0xe4: {  	v1 =	vld [tilespmem:s10+$0x0]  }
0xe5: {  	v2 =	vld [tilespmem:s11+$0x10]  }
0xe6: {  	v3 =	vld [tilespmem:s10+$0x10]  }
0xe7: {  	v4 =	vld [tilespmem:s10+$0x20]  }
0xe8: {  	v5 =	vld [tilespmem:s11+$0x20]  }
0xe9: {  	v6 =	vld [tilespmem:s11+$0x30];
	v0 =	vmul.f32 v1, v0  }
0xea: {  	v1 =	vld [tilespmem:s10+$0x30]  }
0xeb: {  	v2 =	vmul.f32 v3, v2;
	v0 =	vadd.f32 $0.0e+00, v0;
	_ =	sdelay $0x1  }
0xec: {  	v0 =	vadd.f32 v2, v0;
	v2 =	vmul.f32 v4, v5;
	_ =	sdelay $0x1  }
0xed: {  	v1 =	vmul.f32 v1, v6;
	v0 =	vadd.f32 v2, v0;
	_ =	sdelay $0x1  }
0xee: {  	v0 =	vadd.f32 v1, v0;
	_ =	sdelay $0x1  }
0xef: {  	[tilespmem:$0x10890] =	vst v0  }
0xf0: {  	v0 =	vld [tilespmem:s11+$0x40]  }
0xf1: {  	v1 =	vld [tilespmem:s10+$0x40]  }
0xf2: {  	v2 =	vld [tilespmem:s11+$0x50]  }
0xf3: {  	v3 =	vld [tilespmem:s10+$0x50]  }
0xf4: {  	v4 =	vld [tilespmem:s11+$0x60]  }
0xf5: {  	v5 =	vld [tilespmem:s10+$0x60]  }
0xf6: {  	v6 =	vld [tilespmem:s10+$0x70];
	v0 =	vmul.f32 v1, v0  }
0xf7: {  	v1 =	vld [tilespmem:s11+$0x70]  }
0xf8: {  	v2 =	vmul.f32 v3, v2;
	v0 =	vadd.f32 $0.0e+00, v0;
	_ =	sdelay $0x1  }
0xf9: {  	v0 =	vadd.f32 v2, v0;
	v2 =	vmul.f32 v5, v4;
	_ =	sdelay $0x1  }
0xfa: {  	v1 =	vmul.f32 v6, v1;
	v0 =	vadd.f32 v2, v0;
	_ =	sdelay $0x1  }
0xfb: {  	v0 =	vadd.f32 v1, v0;
	_ =	sdelay $0x1  }
0xfc: {  	[tilespmem:$0x108A0] =	vst v0  }
0xfd: {  	v0 =	vld [tilespmem:s11+$0x80]  }
0xfe: {  	v1 =	vld [tilespmem:s10+$0x80]  }
0xff: {  	v2 =	vld [tilespmem:s11+$0x90]  }
0x100: {  	v3 =	vld [tilespmem:s10+$0x90]  }
0x101: {  	v4 =	vld [tilespmem:s11+$0xA0]  }
0x102: {  	v5 =	vld [tilespmem:s10+$0xA0]  }
0x103: {  	v6 =	vld [tilespmem:s10+$0xB0];
	v0 =	vmul.f32 v1, v0  }
0x104: {  	v1 =	vld [tilespmem:s11+$0xB0]  }
0x105: {  	v2 =	vmul.f32 v3, v2;
	v0 =	vadd.f32 $0.0e+00, v0;
	_ =	sdelay $0x1  }
0x106: {  	v0 =	vadd.f32 v2, v0;
	v2 =	vmul.f32 v5, v4;
	_ =	sdelay $0x1  }
0x107: {  	v1 =	vmul.f32 v6, v1;
	v0 =	vadd.f32 v2, v0;
	_ =	sdelay $0x1  }
0x108: {  	v0 =	vadd.f32 v1, v0;
	_ =	sdelay $0x1  }
0x109: {  	[tilespmem:$0x108B0] =	vst v0  }
0x10a: {  	v0 =	vld [tilespmem:s11+$0xC0]  }
0x10b: {  	v1 =	vld [tilespmem:s10+$0xC0]  }
0x10c: {  	v2 =	vld [tilespmem:s11+$0xD0]  }
0x10d: {  	v3 =	vld [tilespmem:s10+$0xD0]  }
0x10e: {  	v4 =	vld [tilespmem:s11+$0xE0]  }
0x10f: {  	v5 =	vld [tilespmem:s10+$0xE0]  }
0x110: {  	v6 =	vld [tilespmem:s10+$0xF0];
	v0 =	vmul.f32 v1, v0  }
0x111: {  	v1 =	vld [tilespmem:s11+$0xF0]  }
0x112: {  	v2 =	vmul.f32 v3, v2;
	v0 =	vadd.f32 $0.0e+00, v0;
	_ =	sdelay $0x1  }
0x113: {  	v0 =	vadd.f32 v2, v0;
	v2 =	vmul.f32 v5, v4;
	_ =	sdelay $0x1  }
0x114: {  	v1 =	vmul.f32 v6, v1;
	v0 =	vadd.f32 v2, v0;
	_ =	sdelay $0x1  }
0x115: {  	v0 =	vadd.f32 v1, v0;
	_ =	sdelay $0x1  }
0x116: {  	[tilespmem:$0x108C0] =	vst v0  }
0x117: {  	v0 =	vld [tilespmem:s11+$0x100]  }
0x118: {  	v1 =	vld [tilespmem:s10+$0x100]  }
0x119: {  	v2 =	vld [tilespmem:s10+$0x110]  }
0x11a: {  	v3 =	vld [tilespmem:s11+$0x110]  }
0x11b: {  	v4 =	vld [tilespmem:s11+$0x120]  }
0x11c: {  	v5 =	vld [tilespmem:s10+$0x120]  }
0x11d: {  	v6 =	vld [tilespmem:s10+$0x130];
	v0 =	vmul.f32 v1, v0  }
0x11e: {  	v1 =	vld [tilespmem:s11+$0x130]  }
0x11f: {  	v2 =	vmul.f32 v2, v3;
	v0 =	vadd.f32 $0.0e+00, v0;
	_ =	sdelay $0x1  }
0x120: {  	vm0 =	vcmask $0x1F10;
	v0 =	vadd.f32 v2, v0;
	v2 =	vmul.f32 v5, v4  }
0x121: {  	v7 =	vimm.s32 $0x35241302;
	v8 =	vimm.s32 $0x79685746;
	v3 =	vimm.s32 $0xBCAB9A89  }
0x122: {  	v3 =	vunpack.c.0.s8.s32 v3;
	v1 =	vmul.f32 v6, v1;
	v0 =	vadd.f32 v2, v0  }
0x123: {  	v4 =	vimm.s32 $0xF0EFDECD;
	v5 =	vimm.s32 $0x78675645;
	v6 =	vimm.s32 $0xF1E0DFCE  }
0x124: {  	v2 =	vunpack.c.0.s8.s32 v4;
	v4 =	vimm.s32 $0x34231201;
	v0 =	vadd.f32 v1, v0  }
0x125: {  	v4 =	vunpack.c.0.s8.s32 v4;
	v1 =	vunpack.c.0.s8.s32 v5;
	v5 =	vimm.s32 $0xBDAC9B8A  }
0x126: {  	v2 =	vsel vm0, v2, v3;
	v5 =	vunpack.c.0.s8.s32 v5;
	[tilespmem:$0x108D0] =	vst v0;
	v0 =	vunpack.c.0.s8.s32 v6  }
0x127: {  	v6 =	vunpack.c.0.s8.s32 v7;
	v7 =	vunpack.c.0.s8.s32 v8;
	v1 =	vsel vm0, v1, v4;
	v8 =	vld [tilespmem:s11+$0x140]  }
0x128: {  	v3 =	vld [tilespmem:s10+$0x140];
	v1 =	vcombine.low v1, v2;
	v2 =	vsel vm0, v0, v5  }
0x129: {  	v4 =	vsel vm0, v7, v6;
	v5 =	vld [tilespmem:s11+$0x150];
	v6 =	vimm.s32 $0xBEAD9C8B;
	v7 =	vimm.s32 $0xF2E1D0CF  }
0x12a: {  	v2 =	vcombine.low v4, v2;
	v4 =	vld [tilespmem:s10+$0x150];
	v6 =	vunpack.c.0.s8.s32 v6;
	v7 =	vunpack.c.0.s8.s32 v7  }
0x12b: {  	v9 =	vlaneseq.u32;
	v11 =	vimm.s32 $0x36251403;
	v12 =	vimm.s32 $0x7A695847;
	v10 =	vld [tilespmem:s10+$0x160]  }
0x12c: {  	v13 =	vimm.s32 $0xBFAE9D8C;
	v0 =	vmul.u32 $0x11, v9;
	v9 =	vld [tilespmem:s11+$0x160];
	v6 =	vsel vm0, v7, v6  }
0x12d: {  	v7 =	vunpack.c.0.s8.s32 v11;
	v11 =	vunpack.c.0.s8.s32 v12;
	v12 =	vld [tilespmem:s10+$0x170];
	v3 =	vmul.f32 v3, v8  }
0x12e: {  	v14 =	vimm.s32 $0x37261504;
	v15 =	vimm.s32 $0x7B6A5948;
	v8 =	vld [tilespmem:s11+$0x170]  }
0x12f: {  	v17 =	vimm.s32 $0x3A291807;
	v3 =	vadd.f32 $0.0e+00, v3;
	v4 =	vmul.f32 v4, v5  }
0x130: {  	v18 =	vimm.s32 $0x7E6D5C4B;
	v20 =	vimm.s32 $0xFAE9D8C7;
	v5 =	vunpack.c.0.s8.s32 v13  }
0x131: {  	v13 =	vimm.s32 $0xF3E2D1C0;
	v3 =	vadd.f32 v4, v3;
	v4 =	vmul.f32 v10, v9  }
0x132: {  	v7 =	vsel vm0, v11, v7;
	v9 =	vunpack.c.0.s8.s32 v13;
	v10 =	vunpack.c.0.s8.s32 v14  }
0x133: {  	v13 =	vunpack.c.0.s8.s32 v15;
	v3 =	vadd.f32 v4, v3;
	v4 =	vmul.f32 v12, v8  }
0x134: {  	v21 =	vimm.s32 $0x3E2D1C0B;
	v23 =	vimm.s32 $0x7261504F;
	v6 =	vcombine.low v7, v6  }
0x135: {  	v5 =	vsel vm0, v9, v5;
	v7 =	vsel vm0, v13, v10;
	v3 =	vadd.f32 v4, v3  }
0x136: {  	v11 =	vimm.s32 $0xF5E4D3C2;
	v8 =	vimm.s32 $0x38271605;
	v5 =	vcombine.low v7, v5  }
0x137: {  	v7 =	vimm.s32 $0xB0AF9E8D;
	v8 =	vunpack.c.0.s8.s32 v8;
	v4 =	vimm.s32 $0xF4E3D2C1;
	[tilespmem:$0x108E0] =	vst v3  }
0x138: {  	v7 =	vunpack.c.0.s8.s32 v7;
	v9 =	vunpack.c.0.s8.s32 v4;
	v4 =	vimm.s32 $0x7C6B5A49;
	v12 =	vld [tilespmem:s11+$0x180]  }
0x139: {  	v10 =	vunpack.c.0.s8.s32 v4;
	v4 =	vimm.s32 $0xB1A09F8E;
	v3 =	vand.u32 $0xFF, v6;
	v13 =	vld [tilespmem:s10+$0x180]  }
0x13a: {  	v6 =	vunpack.c.0.s8.s32 v4;
	v4 =	vand.u32 $0xFF, v5;
	v5 =	vsel vm0, v9, v7;
	v9 =	vld [tilespmem:s10+$0x190]  }
0x13b: {  	v17 =	vunpack.c.0.s8.s32 v17;
	v11 =	vunpack.c.0.s8.s32 v11;
	v7 =	vsel vm0, v10, v8;
	v8 =	vld [tilespmem:s11+$0x190]  }
0x13c: {  	v15 =	vimm.s32 $0xF6E5D4C3;
	v14 =	vld [tilespmem:s11+$0x1A0];
	v10 =	vimm.s32 $0x7D6C5B4A;
	v5 =	vcombine.low v7, v5  }
0x13d: {  	v16 =	vld [tilespmem:s10+$0x1A0];
	v6 =	vsel vm0, v11, v6;
	v7 =	vimm.s32 $0x39281706;
	v11 =	vimm.s32 $0xB2A1908F  }
0x13e: {  	v19 =	vld [tilespmem:s10+$0x1B0];
	v10 =	vunpack.c.0.s8.s32 v10;
	v7 =	vunpack.c.0.s8.s32 v7;
	v12 =	vmul.f32 v13, v12  }
0x13f: {  	v18 =	vunpack.c.0.s8.s32 v18;
	v15 =	vunpack.c.0.s8.s32 v15;
	v11 =	vunpack.c.0.s8.s32 v11;
	v13 =	vld [tilespmem:s11+$0x1B0]  }
0x140: {  	v7 =	vsel vm0, v10, v7;
	v8 =	vmul.f32 v9, v8;
	v10 =	vadd.f32 $0.0e+00, v12  }
0x141: {  	v6 =	vcombine.low v7, v6;
	v7 =	vsel vm0, v15, v11;
	v9 =	vsel vm0, v18, v17  }
0x142: {  	v11 =	vimm.s32 $0xB3A29180;
	v8 =	vadd.f32 v8, v10;
	v10 =	vmul.f32 v16, v14  }
0x143: {  	v7 =	vcombine.low v9, v7;
	v9 =	vunpack.c.0.s8.s32 v11;
	v11 =	vimm.s32 $0xF7E6D5C4  }
0x144: {  	v11 =	vunpack.c.0.s8.s32 v11;
	v8 =	vadd.f32 v10, v8;
	v10 =	vmul.f32 v19, v13  }
0x145: {  	v1 =	vand.u32 $0xFF, v1;
	v2 =	vand.u32 $0xFF, v2;
	v5 =	vand.u32 $0xFF, v5  }
0x146: {  	v9 =	vsel vm0, v11, v9;
	v11 =	vimm.s32 $0x3B2A1908;
	v8 =	vadd.f32 v10, v8  }
0x147: {  	v12 =	vimm.s32 $0xB4A39281;
	v10 =	vunpack.c.0.s8.s32 v11;
	v11 =	vimm.s32 $0x7F6E5D4C  }
0x148: {  	v12 =	vunpack.c.0.s8.s32 v12;
	v13 =	vimm.s32 $0xF8E7D6C5;
	v11 =	vunpack.c.0.s8.s32 v11;
	[tilespmem:$0x108F0] =	vst v8  }
0x149: {  	v14 =	vimm.s32 $0x706F5E4D;
	v8 =	vunpack.c.0.s8.s32 v13;
	v13 =	vimm.s32 $0x3C2B1A09;
	v15 =	vld [tilespmem:s11+$0x1C0]  }
0x14a: {  	v10 =	vsel vm0, v11, v10;
	v11 =	vunpack.c.0.s8.s32 v13;
	v13 =	vunpack.c.0.s8.s32 v14;
	v14 =	vld [tilespmem:s10+$0x1C0]  }
0x14b: {  	v6 =	vand.u32 $0xFF, v6;
	v16 =	vimm.s32 $0xF9E8D7C6;
	v17 =	vld [tilespmem:s11+$0x1D0];
	v8 =	vsel vm0, v8, v12  }
0x14c: {  	v12 =	vimm.s32 $0xB5A49382;
	v11 =	vsel vm0, v13, v11;
	v13 =	vunpack.c.0.s8.s32 v16;
	v16 =	vld [tilespmem:s10+$0x1D0]  }
0x14d: {  	v7 =	vand.u32 $0xFF, v7;
	v19 =	vimm.s32 $0xB6A59483;
	v18 =	vld [tilespmem:s10+$0x1E0];
	v12 =	vunpack.c.0.s8.s32 v12  }
0x14e: {  	v9 =	vcombine.low v10, v9;
	v10 =	vcombine.low v11, v8;
	v8 =	vimm.s32 $0x3D2C1B0A;
	v11 =	vld [tilespmem:s11+$0x1E0]  }
0x14f: {  	v22 =	vld [tilespmem:s10+$0x1F0];
	v12 =	vsel vm0, v13, v12;
	v13 =	vimm.s32 $0x71605F4E;
	v14 =	vmul.f32 v14, v15  }
0x150: {  	v19 =	vunpack.c.0.s8.s32 v19;
	v8 =	vunpack.c.0.s8.s32 v8;
	v13 =	vunpack.c.0.s8.s32 v13;
	v15 =	vld [tilespmem:s11+$0x1F0]  }
0x151: {  	v14 =	vadd.f32 $0.0e+00, v14;
	v16 =	vmul.f32 v16, v17;
	v17 =	vunpack.c.0.s8.s32 v20  }
0x152: {  	v20 =	vunpack.c.0.s8.s32 v21;
	v21 =	vunpack.c.0.s8.s32 v23;
	v8 =	vsel vm0, v13, v8  }
0x153: {  	v23 =	vimm.s32 $0x75645342;
	v11 =	vmul.f32 v18, v11;
	v13 =	vadd.f32 v16, v14  }
0x154: {  	v12 =	vcombine.low v8, v12;
	v18 =	vimm.s32 $0x74635241;
	v23 =	vunpack.c.0.s8.s32 v23  }
0x155: {  	v8 =	vsel vm0, v17, v19;
	v11 =	vadd.f32 v11, v13;
	v13 =	vmul.f32 v22, v15  }
0x156: {  	v14 =	vsel vm0, v21, v20;
	v16 =	vimm.s32 $0xB7A69584;
	v17 =	vimm.s32 $0x73625140  }
0x157: {  	v19 =	vimm.s32 $0xB9A89786;
	v18 =	vunpack.c.0.s8.s32 v18;
	v11 =	vadd.f32 v13, v11  }
0x158: {  	v20 =	vimm.s32 $0xFDECDBCA;
	v14 =	vcombine.low v14, v8;
	v8 =	vimm.s32 $0xFBEAD9C8  }
0x159: {  	s12 =	simm.s32 $0x10810;
	v17 =	vunpack.c.0.s8.s32 v17;
	v15 =	vunpack.c.0.s8.s32 v16;
	v16 =	vimm.s32 $0x3F2E1D0C;
	[tilespmem:$0x10900] =	vst v11  }
0x15a: {  	v16 =	vunpack.c.0.s8.s32 v16;
	v13 =	vunpack.c.0.s8.s32 v8;
	v11 =	vand.u32 $0xFF, v14;
	v14 =	vld.idx.msk [tilespmem:v0+s12+$0x0], $0xffff  }
0x15b: {  	v19 =	vunpack.c.0.s8.s32 v19;
	v8 =	vand.u32 $0xFF, v9;
	v9 =	vand.u32 $0xFF, v10  }
0x15c: {  	v10 =	vand.u32 $0xFF, v12;
	v12 =	vsel vm0, v13, v15;
	v13 =	vsel vm0, v17, v16;
	v17 =	vld.idx.msk [tilespmem:v1+s12+$0x0], $0xffff  }
0x15d: {  	v22 =	vimm.s32 $0x31201F0E;
	v15 =	vimm.s32 $0xFCEBDAC9;
	v16 =	vimm.s32 $0x302F1E0D  }
0x15e: {  	v13 =	vcombine.low v13, v12;
	v12 =	vimm.s32 $0xB8A79685;
	v16 =	vunpack.c.0.s8.s32 v16;
	v21 =	vld.idx.msk [tilespmem:v2+s12+$0x0], $0xffff  }
0x15f: {  	v15 =	vunpack.c.0.s8.s32 v15;
	v12 =	vunpack.c.0.s8.s32 v12;
	v14 =	vadd.f32 $0.0e+00, v14  }
0x160: {  	v20 =	vunpack.c.0.s8.s32 v20;
	v22 =	vunpack.c.0.s8.s32 v22;
	v24 =	vld.idx.msk [tilespmem:v3+s12+$0x0], $0xffff;
	v16 =	vsel vm0, v18, v16  }
0x161: {  	v18 =	vimm.s32 $0xBAA99887;
	v15 =	vsel vm0, v15, v12;
	v12 =	vadd.f32 v17, v14  }
0x162: {  	v18 =	vunpack.c.0.s8.s32 v18;
	v15 =	vcombine.low v16, v15;
	v14 =	vsel vm0, v20, v19;
	v19 =	vld.idx.msk [tilespmem:v4+s12+$0x0], $0xffff  }
0x163: {  	v17 =	vsel vm0, v23, v22;
	v20 =	vimm.s32 $0xFEEDDCCB;
	v21 =	vadd.f32 v21, v12  }
0x164: {  	v25 =	vld.idx.msk [tilespmem:v5+s12+$0x0], $0xffff;
	v22 =	vimm.s32 $0x3221100F;
	v23 =	vimm.s32 $0x76655443;
	v20 =	vunpack.c.0.s8.s32 v20  }
0x165: {  	v26 =	vld.idx.msk [tilespmem:v9+s12+$0x0], $0xffff;
	v22 =	vunpack.c.0.s8.s32 v22;
	v23 =	vunpack.c.0.s8.s32 v23;
	v21 =	vadd.f32 v24, v21  }
0x166: {  	v16 =	vcombine.low v17, v14;
	v14 =	vand.u32 $0xFF, v15;
	v24 =	vld.idx.msk [tilespmem:v6+s12+$0x0], $0xffff  }
0x167: {  	v12 =	vld [tilespmem:$0x10800];
	v17 =	vsel vm0, v20, v18;
	v18 =	vsel vm0, v23, v22;
	v19 =	vadd.f32 v19, v21  }
0x168: {  	v13 =	vand.u32 $0xFF, v13;
	v18 =	vcombine.low v18, v17;
	v21 =	vld.idx.msk [tilespmem:v7+s12+$0x0], $0xffff  }
0x169: {  	v15 =	vand.u32 $0xFF, v16;
	v23 =	vld.idx.msk [tilespmem:v8+s12+$0x0], $0xffff;
	v19 =	vadd.f32 v25, v19  }
0x16a: {  	v17 =	vld.idx.msk [tilespmem:v10+s12+$0x0], $0xffff;
	v16 =	vand.u32 $0xFF, v18  }
0x16b: {  	v18 =	vld.idx.msk [tilespmem:v11+s12+$0x0], $0xffff;
	v22 =	vadd.f32 v24, v19  }
0x16c: {  	v20 =	vld.idx.msk [tilespmem:v14+s12+$0x0], $0xffff  }
0x16d: {  	v19 =	vld.idx.msk [tilespmem:v13+s12+$0x0], $0xffff;
	v24 =	vadd.f32 v21, v22  }
0x16e: {  	v21 =	vld.idx.msk [tilespmem:v15+s12+$0x0], $0xffff  }
0x16f: {  	s15 =	simm.s32 $0x0;
	v22 =	vld.idx.msk [tilespmem:v16+s12+$0x0], $0xffff;
	v25 =	vadd.f32 v23, v24  }
0x170: {  	v23 =	vld [tilespmem:s15+$0x10400]  }
0x171: {  	s13 =	simm.s32 $0x40;
	v24 =	vld [tilespmem:s15+$0x10600];
	v25 =	vadd.f32 v26, v25  }
.LBB2_1:
0x172: {  	p0 =	sne.s32 s13, $0x7C0;
	s11 =	sadd.s32 $0x400, s11;
	s10 =	sadd.s32 $0x400, s10  }
0x173: {  	s14 =	smov.u32 s13;
	s13 =	sadd.s32 $0x40, s13;
	v17 =	vadd.f32 v17, v25;
	_ =	sdelay $0x1  }
0x174: {  	v17 =	vadd.f32 v18, v17;
	_ =	sdelay $0x1  }
0x175: {  	v17 =	vadd.f32 v19, v17;
	_ =	sdelay $0x1  }
0x176: {  	v17 =	vadd.f32 v20, v17;
	_ =	sdelay $0x1  }
0x177: {  	v17 =	vadd.f32 v21, v17;
	_ =	sdelay $0x1  }
0x178: {  	v17 =	vadd.f32 v22, v17;
	_ =	sdelay $0x1  }
0x179: {  	v17 =	vadd.f32 v23, v17;
	_ =	sdelay $0x1  }
0x17a: {  	v17 =	vadd.f32 v24, v17;
	_ =	sdelay $0x1  }
0x17b: {  	v17 =	vadd.f32 v17, v12;
	_ =	sdelay $0x1  }
0x17c: {  	[tilespmem:s15+$0x10910] =	vst v17  }
0x17d: {  	v17 =	vld [tilespmem:s10+$0xFFFFFE00]  }
0x17e: {  	v18 =	vld [tilespmem:s11+$0xFFFFFE00]  }
0x17f: {  	v19 =	vld [tilespmem:s10+$0xFFFFFE10]  }
0x180: {  	v20 =	vld [tilespmem:s11+$0xFFFFFE10]  }
0x181: {  	v21 =	vld [tilespmem:s10+$0xFFFFFE20]  }
0x182: {  	v22 =	vld [tilespmem:s11+$0xFFFFFE20]  }
0x183: {  	v17 =	vmul.f32 v17, v18;
	v18 =	vld [tilespmem:s10+$0xFFFFFE30]  }
0x184: {  	v23 =	vld [tilespmem:s11+$0xFFFFFE30]  }
0x185: {  	v17 =	vadd.f32 $0.0e+00, v17;
	v19 =	vmul.f32 v19, v20;
	_ =	sdelay $0x1  }
0x186: {  	v17 =	vadd.f32 v19, v17;
	v19 =	vmul.f32 v21, v22;
	_ =	sdelay $0x1  }
0x187: {  	v17 =	vadd.f32 v19, v17;
	v18 =	vmul.f32 v18, v23;
	_ =	sdelay $0x1  }
0x188: {  	v17 =	vadd.f32 v18, v17;
	_ =	sdelay $0x1  }
0x189: {  	[tilespmem:$0x10810] =	vst v17  }
0x18a: {  	v17 =	vld [tilespmem:s11+$0xFFFFFE40];
	_ =	sdelay $0x1  }
0x18b: {  	v18 =	vld [tilespmem:s10+$0xFFFFFE40]  }
0x18c: {  	v19 =	vld [tilespmem:s10+$0xFFFFFE50]  }
0x18d: {  	v20 =	vld [tilespmem:s11+$0xFFFFFE50]  }
0x18e: {  	v21 =	vld [tilespmem:s10+$0xFFFFFE60]  }
0x18f: {  	v22 =	vld [tilespmem:s11+$0xFFFFFE60]  }
0x190: {  	v17 =	vmul.f32 v18, v17;
	v18 =	vld [tilespmem:s10+$0xFFFFFE70]  }
0x191: {  	v23 =	vld [tilespmem:s11+$0xFFFFFE70]  }
0x192: {  	v17 =	vadd.f32 $0.0e+00, v17;
	v19 =	vmul.f32 v19, v20;
	_ =	sdelay $0x1  }
0x193: {  	v17 =	vadd.f32 v19, v17;
	v19 =	vmul.f32 v21, v22;
	_ =	sdelay $0x1  }
0x194: {  	v17 =	vadd.f32 v19, v17;
	v18 =	vmul.f32 v18, v23;
	_ =	sdelay $0x1  }
0x195: {  	v17 =	vadd.f32 v18, v17;
	_ =	sdelay $0x1  }
0x196: {  	[tilespmem:$0x10820] =	vst v17  }
0x197: {  	v17 =	vld [tilespmem:s11+$0xFFFFFE80]  }
0x198: {  	v18 =	vld [tilespmem:s10+$0xFFFFFE80]  }
0x199: {  	v19 =	vld [tilespmem:s11+$0xFFFFFE90]  }
0x19a: {  	v20 =	vld [tilespmem:s10+$0xFFFFFE90]  }
0x19b: {  	v21 =	vld [tilespmem:s11+$0xFFFFFEA0]  }
0x19c: {  	v22 =	vld [tilespmem:s10+$0xFFFFFEA0]  }
0x19d: {  	v17 =	vmul.f32 v18, v17;
	v18 =	vld [tilespmem:s11+$0xFFFFFEB0]  }
0x19e: {  	v23 =	vld [tilespmem:s10+$0xFFFFFEB0]  }
0x19f: {  	v17 =	vadd.f32 $0.0e+00, v17;
	v19 =	vmul.f32 v20, v19;
	_ =	sdelay $0x1  }
0x1a0: {  	v17 =	vadd.f32 v19, v17;
	v19 =	vmul.f32 v22, v21;
	_ =	sdelay $0x1  }
0x1a1: {  	v17 =	vadd.f32 v19, v17;
	v18 =	vmul.f32 v23, v18;
	_ =	sdelay $0x1  }
0x1a2: {  	v17 =	vadd.f32 v18, v17;
	_ =	sdelay $0x1  }
0x1a3: {  	[tilespmem:$0x10830] =	vst v17  }
0x1a4: {  	v17 =	vld [tilespmem:s11+$0xFFFFFEC0]  }
0x1a5: {  	v18 =	vld [tilespmem:s10+$0xFFFFFEC0]  }
0x1a6: {  	v19 =	vld [tilespmem:s11+$0xFFFFFED0]  }
0x1a7: {  	v20 =	vld [tilespmem:s10+$0xFFFFFED0]  }
0x1a8: {  	v21 =	vld [tilespmem:s11+$0xFFFFFEE0]  }
0x1a9: {  	v22 =	vld [tilespmem:s10+$0xFFFFFEE0]  }
0x1aa: {  	v17 =	vmul.f32 v18, v17;
	v18 =	vld [tilespmem:s11+$0xFFFFFEF0]  }
0x1ab: {  	v23 =	vld [tilespmem:s10+$0xFFFFFEF0]  }
0x1ac: {  	v17 =	vadd.f32 $0.0e+00, v17;
	v19 =	vmul.f32 v20, v19;
	_ =	sdelay $0x1  }
0x1ad: {  	v17 =	vadd.f32 v19, v17;
	v19 =	vmul.f32 v22, v21;
	_ =	sdelay $0x1  }
0x1ae: {  	v17 =	vadd.f32 v19, v17;
	v18 =	vmul.f32 v23, v18;
	_ =	sdelay $0x1  }
0x1af: {  	v17 =	vadd.f32 v18, v17;
	_ =	sdelay $0x1  }
0x1b0: {  	[tilespmem:$0x10840] =	vst v17  }
0x1b1: {  	v17 =	vld [tilespmem:s11+$0xFFFFFF00]  }
0x1b2: {  	v18 =	vld [tilespmem:s10+$0xFFFFFF00]  }
0x1b3: {  	v19 =	vld [tilespmem:s11+$0xFFFFFF10]  }
0x1b4: {  	v20 =	vld [tilespmem:s10+$0xFFFFFF10]  }
0x1b5: {  	v21 =	vld [tilespmem:s11+$0xFFFFFF20]  }
0x1b6: {  	v22 =	vld [tilespmem:s10+$0xFFFFFF20]  }
0x1b7: {  	v17 =	vmul.f32 v18, v17;
	v18 =	vld [tilespmem:s11+$0xFFFFFF30]  }
0x1b8: {  	v23 =	vld [tilespmem:s10+$0xFFFFFF30]  }
0x1b9: {  	v17 =	vadd.f32 $0.0e+00, v17;
	v19 =	vmul.f32 v20, v19;
	_ =	sdelay $0x1  }
0x1ba: {  	v17 =	vadd.f32 v19, v17;
	v19 =	vmul.f32 v22, v21;
	_ =	sdelay $0x1  }
0x1bb: {  	v17 =	vadd.f32 v19, v17;
	v18 =	vmul.f32 v23, v18;
	_ =	sdelay $0x1  }
0x1bc: {  	v17 =	vadd.f32 v18, v17;
	_ =	sdelay $0x1  }
0x1bd: {  	[tilespmem:$0x10850] =	vst v17  }
0x1be: {  	v17 =	vld [tilespmem:s11+$0xFFFFFF40]  }
0x1bf: {  	v18 =	vld [tilespmem:s11+$0xFFFFFF50]  }
0x1c0: {  	v19 =	vld [tilespmem:s10+$0xFFFFFF40]  }
0x1c1: {  	v20 =	vld [tilespmem:s10+$0xFFFFFF50]  }
0x1c2: {  	v21 =	vld [tilespmem:s11+$0xFFFFFF60]  }
0x1c3: {  	v22 =	vld [tilespmem:s10+$0xFFFFFF60]  }
0x1c4: {  	v23 =	vld [tilespmem:s11+$0xFFFFFF70]  }
0x1c5: {  	v17 =	vmul.f32 v19, v17;
	v19 =	vld [tilespmem:s10+$0xFFFFFF70];
	_ =	sdelay $0x1  }
0x1c6: {  	v18 =	vmul.f32 v20, v18;
	v17 =	vadd.f32 $0.0e+00, v17;
	_ =	sdelay $0x1  }
0x1c7: {  	v17 =	vadd.f32 v18, v17;
	v18 =	vmul.f32 v22, v21  }
0x1c8: {  	v19 =	vmul.f32 v19, v23  }
0x1c9: {  	v17 =	vadd.f32 v18, v17;
	_ =	sdelay $0x1  }
0x1ca: {  	v17 =	vadd.f32 v19, v17;
	_ =	sdelay $0x1  }
0x1cb: {  	[tilespmem:$0x10860] =	vst v17  }
0x1cc: {  	v17 =	vld [tilespmem:s11+$0xFFFFFF80]  }
0x1cd: {  	v18 =	vld [tilespmem:s10+$0xFFFFFF80]  }
0x1ce: {  	v19 =	vld [tilespmem:s11+$0xFFFFFF90]  }
0x1cf: {  	v20 =	vld [tilespmem:s10+$0xFFFFFF90]  }
0x1d0: {  	v21 =	vld [tilespmem:s11+$0xFFFFFFA0]  }
0x1d1: {  	v22 =	vld [tilespmem:s10+$0xFFFFFFA0]  }
0x1d2: {  	v17 =	vmul.f32 v18, v17;
	v18 =	vld [tilespmem:s11+$0xFFFFFFB0]  }
0x1d3: {  	v23 =	vld [tilespmem:s10+$0xFFFFFFB0]  }
0x1d4: {  	v17 =	vadd.f32 $0.0e+00, v17;
	v19 =	vmul.f32 v20, v19;
	_ =	sdelay $0x1  }
0x1d5: {  	v17 =	vadd.f32 v19, v17;
	v19 =	vmul.f32 v22, v21;
	_ =	sdelay $0x1  }
0x1d6: {  	v17 =	vadd.f32 v19, v17;
	v18 =	vmul.f32 v23, v18;
	_ =	sdelay $0x1  }
0x1d7: {  	v17 =	vadd.f32 v18, v17;
	_ =	sdelay $0x1  }
0x1d8: {  	[tilespmem:$0x10870] =	vst v17  }
0x1d9: {  	v17 =	vld [tilespmem:s11+$0xFFFFFFC0]  }
0x1da: {  	v18 =	vld [tilespmem:s10+$0xFFFFFFC0]  }
0x1db: {  	v19 =	vld [tilespmem:s10+$0xFFFFFFD0]  }
0x1dc: {  	v20 =	vld [tilespmem:s11+$0xFFFFFFD0]  }
0x1dd: {  	v21 =	vld [tilespmem:s10+$0xFFFFFFE0]  }
0x1de: {  	v22 =	vld [tilespmem:s11+$0xFFFFFFE0]  }
0x1df: {  	v17 =	vmul.f32 v18, v17;
	v18 =	vld [tilespmem:s10+$0xFFFFFFF0]  }
0x1e0: {  	v23 =	vld [tilespmem:s11+$0xFFFFFFF0]  }
0x1e1: {  	v17 =	vadd.f32 $0.0e+00, v17;
	v19 =	vmul.f32 v19, v20;
	_ =	sdelay $0x1  }
0x1e2: {  	v17 =	vadd.f32 v19, v17;
	v19 =	vmul.f32 v21, v22;
	_ =	sdelay $0x1  }
0x1e3: {  	v17 =	vadd.f32 v19, v17;
	v18 =	vmul.f32 v18, v23;
	_ =	sdelay $0x1  }
0x1e4: {  	v17 =	vadd.f32 v18, v17;
	_ =	sdelay $0x1  }
0x1e5: {  	[tilespmem:$0x10880] =	vst v17  }
0x1e6: {  	v17 =	vld [tilespmem:s11+$0x0]  }
0x1e7: {  	v18 =	vld [tilespmem:s10+$0x0]  }
0x1e8: {  	v19 =	vld [tilespmem:s11+$0x10]  }
0x1e9: {  	v20 =	vld [tilespmem:s10+$0x10]  }
0x1ea: {  	v21 =	vld [tilespmem:s10+$0x20]  }
0x1eb: {  	v22 =	vld [tilespmem:s11+$0x20]  }
0x1ec: {  	v17 =	vmul.f32 v18, v17;
	v18 =	vld [tilespmem:s10+$0x30]  }
0x1ed: {  	v23 =	vld [tilespmem:s11+$0x30]  }
0x1ee: {  	v17 =	vadd.f32 $0.0e+00, v17;
	v19 =	vmul.f32 v20, v19;
	_ =	sdelay $0x1  }
0x1ef: {  	v17 =	vadd.f32 v19, v17;
	v19 =	vmul.f32 v21, v22;
	_ =	sdelay $0x1  }
0x1f0: {  	v17 =	vadd.f32 v19, v17;
	v18 =	vmul.f32 v18, v23;
	_ =	sdelay $0x1  }
0x1f1: {  	v17 =	vadd.f32 v18, v17;
	_ =	sdelay $0x1  }
0x1f2: {  	[tilespmem:$0x10890] =	vst v17  }
0x1f3: {  	v17 =	vld [tilespmem:s11+$0x40]  }
0x1f4: {  	v18 =	vld [tilespmem:s10+$0x40]  }
0x1f5: {  	v19 =	vld [tilespmem:s11+$0x50]  }
0x1f6: {  	v20 =	vld [tilespmem:s10+$0x50]  }
0x1f7: {  	v21 =	vld [tilespmem:s11+$0x60]  }
0x1f8: {  	v22 =	vld [tilespmem:s10+$0x60]  }
0x1f9: {  	v17 =	vmul.f32 v18, v17;
	v18 =	vld [tilespmem:s11+$0x70]  }
0x1fa: {  	v23 =	vld [tilespmem:s10+$0x70]  }
0x1fb: {  	v17 =	vadd.f32 $0.0e+00, v17;
	v19 =	vmul.f32 v20, v19;
	_ =	sdelay $0x1  }
0x1fc: {  	v17 =	vadd.f32 v19, v17;
	v19 =	vmul.f32 v22, v21;
	_ =	sdelay $0x1  }
0x1fd: {  	v17 =	vadd.f32 v19, v17;
	v18 =	vmul.f32 v23, v18;
	_ =	sdelay $0x1  }
0x1fe: {  	v17 =	vadd.f32 v18, v17;
	_ =	sdelay $0x1  }
0x1ff: {  	[tilespmem:$0x108A0] =	vst v17  }
0x200: {  	v17 =	vld [tilespmem:s11+$0x80]  }
0x201: {  	v18 =	vld [tilespmem:s10+$0x80]  }
0x202: {  	v19 =	vld [tilespmem:s11+$0x90]  }
0x203: {  	v20 =	vld [tilespmem:s10+$0x90]  }
0x204: {  	v21 =	vld [tilespmem:s11+$0xA0]  }
0x205: {  	v22 =	vld [tilespmem:s10+$0xA0]  }
0x206: {  	v17 =	vmul.f32 v18, v17;
	v18 =	vld [tilespmem:s11+$0xB0]  }
0x207: {  	v23 =	vld [tilespmem:s10+$0xB0]  }
0x208: {  	v17 =	vadd.f32 $0.0e+00, v17;
	v19 =	vmul.f32 v20, v19;
	_ =	sdelay $0x1  }
0x209: {  	v17 =	vadd.f32 v19, v17;
	v19 =	vmul.f32 v22, v21;
	_ =	sdelay $0x1  }
0x20a: {  	v17 =	vadd.f32 v19, v17;
	v18 =	vmul.f32 v23, v18;
	_ =	sdelay $0x1  }
0x20b: {  	v17 =	vadd.f32 v18, v17;
	_ =	sdelay $0x1  }
0x20c: {  	[tilespmem:$0x108B0] =	vst v17  }
0x20d: {  	v17 =	vld [tilespmem:s11+$0xC0]  }
0x20e: {  	v18 =	vld [tilespmem:s10+$0xC0]  }
0x20f: {  	v19 =	vld [tilespmem:s11+$0xD0]  }
0x210: {  	v20 =	vld [tilespmem:s10+$0xD0]  }
0x211: {  	v21 =	vld [tilespmem:s11+$0xE0]  }
0x212: {  	v22 =	vld [tilespmem:s10+$0xE0]  }
0x213: {  	v17 =	vmul.f32 v18, v17;
	v18 =	vld [tilespmem:s11+$0xF0]  }
0x214: {  	v23 =	vld [tilespmem:s10+$0xF0]  }
0x215: {  	v17 =	vadd.f32 $0.0e+00, v17;
	v19 =	vmul.f32 v20, v19;
	_ =	sdelay $0x1  }
0x216: {  	v17 =	vadd.f32 v19, v17;
	v19 =	vmul.f32 v22, v21;
	_ =	sdelay $0x1  }
0x217: {  	v17 =	vadd.f32 v19, v17;
	v18 =	vmul.f32 v23, v18;
	_ =	sdelay $0x1  }
0x218: {  	v17 =	vadd.f32 v18, v17;
	_ =	sdelay $0x1  }
0x219: {  	[tilespmem:$0x108C0] =	vst v17  }
0x21a: {  	v17 =	vld [tilespmem:s11+$0x100]  }
0x21b: {  	v18 =	vld [tilespmem:s10+$0x100]  }
0x21c: {  	v19 =	vld [tilespmem:s10+$0x110]  }
0x21d: {  	v20 =	vld [tilespmem:s11+$0x110]  }
0x21e: {  	v21 =	vld [tilespmem:s11+$0x120]  }
0x21f: {  	v22 =	vld [tilespmem:s10+$0x120]  }
0x220: {  	v17 =	vmul.f32 v18, v17;
	v18 =	vld [tilespmem:s11+$0x130]  }
0x221: {  	v23 =	vld [tilespmem:s10+$0x130]  }
0x222: {  	v17 =	vadd.f32 $0.0e+00, v17;
	v19 =	vmul.f32 v19, v20;
	_ =	sdelay $0x1  }
0x223: {  	v17 =	vadd.f32 v19, v17;
	v19 =	vmul.f32 v22, v21;
	_ =	sdelay $0x1  }
0x224: {  	v17 =	vadd.f32 v19, v17;
	v18 =	vmul.f32 v23, v18;
	_ =	sdelay $0x1  }
0x225: {  	v17 =	vadd.f32 v18, v17;
	_ =	sdelay $0x1  }
0x226: {  	[tilespmem:$0x108D0] =	vst v17  }
0x227: {  	v17 =	vld [tilespmem:s11+$0x140]  }
0x228: {  	v18 =	vld [tilespmem:s10+$0x140]  }
0x229: {  	v19 =	vld [tilespmem:s11+$0x150]  }
0x22a: {  	v20 =	vld [tilespmem:s10+$0x150]  }
0x22b: {  	v21 =	vld [tilespmem:s11+$0x160]  }
0x22c: {  	v22 =	vld [tilespmem:s10+$0x160]  }
0x22d: {  	v17 =	vmul.f32 v18, v17;
	v18 =	vld [tilespmem:s11+$0x170]  }
0x22e: {  	v23 =	vld [tilespmem:s10+$0x170]  }
0x22f: {  	v17 =	vadd.f32 $0.0e+00, v17;
	v19 =	vmul.f32 v20, v19;
	_ =	sdelay $0x1  }
0x230: {  	v17 =	vadd.f32 v19, v17;
	v19 =	vmul.f32 v22, v21;
	_ =	sdelay $0x1  }
0x231: {  	v17 =	vadd.f32 v19, v17;
	v18 =	vmul.f32 v23, v18;
	_ =	sdelay $0x1  }
0x232: {  	v17 =	vadd.f32 v18, v17;
	_ =	sdelay $0x1  }
0x233: {  	[tilespmem:$0x108E0] =	vst v17  }
0x234: {  	v17 =	vld [tilespmem:s11+$0x180]  }
0x235: {  	v18 =	vld [tilespmem:s10+$0x180]  }
0x236: {  	v19 =	vld [tilespmem:s11+$0x190]  }
0x237: {  	v20 =	vld [tilespmem:s10+$0x190]  }
0x238: {  	v21 =	vld [tilespmem:s11+$0x1A0]  }
0x239: {  	v22 =	vld [tilespmem:s10+$0x1A0]  }
0x23a: {  	v17 =	vmul.f32 v18, v17;
	v18 =	vld [tilespmem:s11+$0x1B0]  }
0x23b: {  	v23 =	vld [tilespmem:s10+$0x1B0]  }
0x23c: {  	v17 =	vadd.f32 $0.0e+00, v17;
	v19 =	vmul.f32 v20, v19;
	_ =	sdelay $0x1  }
0x23d: {  	v17 =	vadd.f32 v19, v17;
	v19 =	vmul.f32 v22, v21;
	_ =	sdelay $0x1  }
0x23e: {  	v17 =	vadd.f32 v19, v17;
	v18 =	vmul.f32 v23, v18;
	_ =	sdelay $0x1  }
0x23f: {  	v17 =	vadd.f32 v18, v17;
	_ =	sdelay $0x1  }
0x240: {  	[tilespmem:$0x108F0] =	vst v17  }
0x241: {  	v17 =	vld [tilespmem:s11+$0x1C0]  }
0x242: {  	v18 =	vld [tilespmem:s10+$0x1C0]  }
0x243: {  	v19 =	vld [tilespmem:s11+$0x1D0]  }
0x244: {  	v20 =	vld [tilespmem:s10+$0x1D0]  }
0x245: {  	v21 =	vld [tilespmem:s11+$0x1E0]  }
0x246: {  	v22 =	vld [tilespmem:s10+$0x1E0]  }
0x247: {  	v17 =	vmul.f32 v18, v17;
	v18 =	vld [tilespmem:s11+$0x1F0]  }
0x248: {  	v23 =	vld [tilespmem:s10+$0x1F0]  }
0x249: {  	v17 =	vadd.f32 $0.0e+00, v17;
	v19 =	vmul.f32 v20, v19;
	_ =	sdelay $0x1  }
0x24a: {  	v17 =	vadd.f32 v19, v17;
	v19 =	vmul.f32 v22, v21;
	_ =	sdelay $0x1  }
0x24b: {  	v17 =	vadd.f32 v19, v17;
	v18 =	vmul.f32 v23, v18;
	_ =	sdelay $0x1  }
0x24c: {  	v17 =	vadd.f32 v18, v17;
	_ =	sdelay $0x1  }
0x24d: {  	[tilespmem:$0x10900] =	vst v17  }
0x24e: {  	v25 =	vld.idx.msk [tilespmem:v9+s12+$0x0], $0xffff  }
0x24f: {  	v20 =	vld.idx.msk [tilespmem:v0+s12+$0x0], $0xffff  }
0x250: {  	v17 =	vld.idx.msk [tilespmem:v10+s12+$0x0], $0xffff  }
0x251: {  	v21 =	vld.idx.msk [tilespmem:v1+s12+$0x0], $0xffff  }
0x252: {  	v18 =	vld.idx.msk [tilespmem:v11+s12+$0x0], $0xffff  }
0x253: {  	v22 =	vld.idx.msk [tilespmem:v2+s12+$0x0], $0xffff  }
0x254: {  	v19 =	vld.idx.msk [tilespmem:v13+s12+$0x0], $0xffff  }
0x255: {  	v23 =	vadd.f32 $0.0e+00, v20;
	v24 =	vld.idx.msk [tilespmem:v3+s12+$0x0], $0xffff  }
0x256: {  	v20 =	vld.idx.msk [tilespmem:v14+s12+$0x0], $0xffff  }
0x257: {  	v23 =	vadd.f32 v21, v23;
	v26 =	vld.idx.msk [tilespmem:v4+s12+$0x0], $0xffff  }
0x258: {  	v21 =	vld.idx.msk [tilespmem:v15+s12+$0x0], $0xffff  }
0x259: {  	v23 =	vadd.f32 v22, v23;
	v27 =	vld.idx.msk [tilespmem:v5+s12+$0x0], $0xffff  }
0x25a: {  	v22 =	vld.idx.msk [tilespmem:v16+s12+$0x0], $0xffff  }
0x25b: {  	v23 =	vadd.f32 v24, v23;
	v28 =	vld.idx.msk [tilespmem:v6+s12+$0x0], $0xffff  }
0x25c: {  	s15 =	sshra.s32 s14, $0x2;
	v29 =	vld.idx.msk [tilespmem:v7+s12+$0x0], $0xffff  }
0x25d: {  	v24 =	vadd.f32 v26, v23;
	v23 =	vld [tilespmem:s15+$0x10400]  }
0x25e: {  	v26 =	vld.idx.msk [tilespmem:v8+s12+$0x0], $0xffff  }
0x25f: {  	v27 =	vadd.f32 v27, v24;
	v24 =	vld [tilespmem:s15+$0x10600];
	_ =	sdelay $0x1  }
0x260: {  	v27 =	vadd.f32 v28, v27;
	_ =	sdelay $0x1  }
.Ltmp0:
0x261: {  	v27 =	vadd.f32 v29, v27;
	(pc) =	sbr.rel @p0 .LBB2_1-.Ltmp0, $3  }
0x262: {  	_ = 	snop  }
0x263: {  	v26 =	vadd.f32 v26, v27;
	_ =	sdelay $0x1  }
0x264: {  	v25 =	vadd.f32 v25, v26  }
0x265: {  	_ = 	snop  }
0x266: {  	v0 =	vadd.f32 v17, v25;
	_ =	sdelay $0x1  }
0x267: {  	v0 =	vadd.f32 v18, v0;
	_ =	sdelay $0x1  }
0x268: {  	v0 =	vadd.f32 v19, v0;
	_ =	sdelay $0x1  }
0x269: {  	v0 =	vadd.f32 v20, v0;
	_ =	sdelay $0x1  }
0x26a: {  	v0 =	vadd.f32 v21, v0;
	_ =	sdelay $0x1  }
0x26b: {  	v0 =	vadd.f32 v22, v0;
	_ =	sdelay $0x1  }
0x26c: {  	v0 =	vadd.f32 v23, v0;
	_ =	sdelay $0x1  }
0x26d: {  	v0 =	vadd.f32 v24, v0;
	_ =	sdelay $0x1  }
0x26e: {  	v0 =	vadd.f32 v0, v12  }
0x26f: {  	s10 =	sadd.s32 s2, s6  }
0x270: {  	s12 =	simm.s32 $0x0;
	s11 =	simm.s32 $0x10910;
	s13 =	simm.s32 $0x2;
	[tilespmem:s15+$0x10910] =	vst v0  }
0x271: {  	[hbm4b:s10+s12] =	stream.linear.scatter [tilespmem:s11], [sflag:$0x2], $0x200, $0x38;
	[tilespmem:$0x10B10] =	vst v63  }
0x272: {  	_ =	swait.ge [sflag:s13], $0x200  }
0x273: {  	s10 =	sor.u32 $0x400, s6;
	[sflag:s13] =	ssyncset.done $0x0  }
0x274: {  	s21 =	sadd.s32 s5, s10;
	[sflag:s13] =	ssyncadd.s32 $0xFFFFFE00  }
0x275: {  	[tilespmem:s12], [sflag:$0x2] =	stream.linear.gather [hbm4b:s21+s12], $0x80, $0x38;
	[tilespmem:$0x10B10] =	vst v63  }
0x276: {  	_ =	swait.ge [sflag:s13], $0x80  }
0x277: {  	[sflag:s13] =	ssyncset.done $0x0  }
0x278: {  	s14 =	simm.s32 $0x200;
	s22 =	sadd.s32 s4, s10;
	[sflag:s13] =	ssyncadd.s32 $0xFFFFFF80  }
0x279: {  	[tilespmem:s14], [sflag:$0x2] =	stream.linear.gather [hbm4b:s22+s12], $0x80, $0x38;
	[tilespmem:$0x10B10] =	vst v63  }
0x27a: {  	_ =	swait.ge [sflag:s13], $0x80  }
0x27b: {  	s23 =	sor.u32 $0x410, s6;
	[sflag:s13] =	ssyncset.done $0x0  }
0x27c: {  	s16 =	sadd.s32 s5, s23;
	s11 =	simm.s32 $0x80;
	[sflag:s13] =	ssyncadd.s32 $0xFFFFFF80  }
0x27d: {  	[tilespmem:s11], [sflag:$0x2] =	stream.linear.gather [hbm4b:s16+s12], $0x80, $0x38;
	[tilespmem:$0x10B10] =	vst v63  }
0x27e: {  	_ =	swait.ge [sflag:s13], $0x80  }
0x27f: {  	[sflag:s13] =	ssyncset.done $0x0  }
0x280: {  	s24 =	simm.s32 $0x280;
	s15 =	sadd.s32 s4, s23;
	[sflag:s13] =	ssyncadd.s32 $0xFFFFFF80  }
0x281: {  	[tilespmem:s24], [sflag:$0x2] =	stream.linear.gather [hbm4b:s15+s12], $0x80, $0x38;
	[tilespmem:$0x10B10] =	vst v63  }
0x282: {  	_ =	swait.ge [sflag:s13], $0x80  }
0x283: {  	s25 =	sor.u32 $0x420, s6;
	[sflag:s13] =	ssyncset.done $0x0  }
0x284: {  	s18 =	simm.s32 $0x100;
	s17 =	sadd.s32 s5, s25;
	[sflag:s13] =	ssyncadd.s32 $0xFFFFFF80  }
0x285: {  	[tilespmem:s18], [sflag:$0x2] =	stream.linear.gather [hbm4b:s17+s12], $0x80, $0x38;
	[tilespmem:$0x10B10] =	vst v63  }
0x286: {  	_ =	swait.ge [sflag:s13], $0x80  }
0x287: {  	[sflag:s13] =	ssyncset.done $0x0  }
0x288: {  	s15 =	sadd.s32 s4, s25;
	s17 =	simm.s32 $0x300;
	[sflag:s13] =	ssyncadd.s32 $0xFFFFFF80  }
0x289: {  	[tilespmem:s17], [sflag:$0x2] =	stream.linear.gather [hbm4b:s15+s12], $0x80, $0x38;
	[tilespmem:$0x10B10] =	vst v63  }
0x28a: {  	_ =	swait.ge [sflag:s13], $0x80  }
0x28b: {  	s26 =	sor.u32 $0x430, s6;
	[sflag:s13] =	ssyncset.done $0x0  }
0x28c: {  	s28 =	sadd.s32 s5, s26;
	s15 =	simm.s32 $0x180;
	[sflag:s13] =	ssyncadd.s32 $0xFFFFFF80  }
0x28d: {  	[tilespmem:s15], [sflag:$0x2] =	stream.linear.gather [hbm4b:s28+s12], $0x80, $0x38;
	[tilespmem:$0x10B10] =	vst v63  }
0x28e: {  	_ =	swait.ge [sflag:s13], $0x80  }
0x28f: {  	[sflag:s13] =	ssyncset.done $0x0  }
0x290: {  	s29 =	sadd.s32 s4, s26;
	s5 =	simm.s32 $0x380;
	[sflag:s13] =	ssyncadd.s32 $0xFFFFFF80  }
0x291: {  	[tilespmem:s5], [sflag:$0x2] =	stream.linear.gather [hbm4b:s29+s12], $0x80, $0x38;
	[tilespmem:$0x10B10] =	vst v63  }
0x292: {  	_ =	swait.ge [sflag:s13], $0x80  }
0x293: {  	[sflag:s13] =	ssyncset.done $0x0  }
0x294: {  	s30 =	simm.s32 $0x400;
	[sflag:s13] =	ssyncadd.s32 $0xFFFFFF80  }
0x295: {  	[tilespmem:s30], [sflag:$0x1] =	stream.indirect.gather [hbm4b:s7+s11], $0x40, s12, s11, $0xb8;
	[tilespmem:$0x10B10] =	vst v63  }
0x296: {  	s31 =	simm.s32 $0x8400  }
0x297: {  	[tilespmem:s31], [sflag:$0x1] =	stream.indirect.gather [hbm4b:s8+s11], $0x40, s14, s11, $0xb8;
	[tilespmem:$0x10B10] =	vst v63  }
0x298: {  	s6 =	simm.s32 $0x10400  }
0x299: {  	[tilespmem:s6], [sflag:$0x1] =	stream.indirect.gather [hbm4b:s3+s11], $0x1, s12, s11, $0xb8;
	[tilespmem:$0x10B10] =	vst v63  }
0x29a: {  	s13 =	simm.s32 $0x10600  }
0x29b: {  	[tilespmem:s13], [sflag:$0x1] =	stream.indirect.gather [hbm4b:s9+s11], $0x1, s14, s11, $0xb8;
	[tilespmem:$0x10B10] =	vst v63  }
0x29c: {  	s14 =	simm.s32 $0x2400  }
0x29d: {  	[tilespmem:s14], [sflag:$0x1] =	stream.indirect.gather [hbm4b:s7+s11], $0x40, s11, s11, $0xb8;
	[tilespmem:$0x10B10] =	vst v63  }
0x29e: {  	s19 =	simm.s32 $0xA400  }
0x29f: {  	[tilespmem:s19], [sflag:$0x1] =	stream.indirect.gather [hbm4b:s8+s11], $0x40, s24, s11, $0xb8;
	[tilespmem:$0x10B10] =	vst v63  }
0x2a0: {  	s20 =	simm.s32 $0x10480  }
0x2a1: {  	[tilespmem:s20], [sflag:$0x1] =	stream.indirect.gather [hbm4b:s3+s11], $0x1, s11, s11, $0xb8;
	[tilespmem:$0x10B10] =	vst v63  }
0x2a2: {  	s21 =	simm.s32 $0x10680  }
0x2a3: {  	[tilespmem:s21], [sflag:$0x1] =	stream.indirect.gather [hbm4b:s9+s11], $0x1, s24, s11, $0xb8;
	[tilespmem:$0x10B10] =	vst v63  }
0x2a4: {  	s22 =	simm.s32 $0x4400  }
0x2a5: {  	[tilespmem:s22], [sflag:$0x1] =	stream.indirect.gather [hbm4b:s7+s11], $0x40, s18, s11, $0xb8;
	[tilespmem:$0x10B10] =	vst v63  }
0x2a6: {  	s23 =	simm.s32 $0xC400  }
0x2a7: {  	[tilespmem:s23], [sflag:$0x1] =	stream.indirect.gather [hbm4b:s8+s11], $0x40, s17, s11, $0xb8;
	[tilespmem:$0x10B10] =	vst v63  }
0x2a8: {  	s24 =	simm.s32 $0x10500  }
0x2a9: {  	[tilespmem:s24], [sflag:$0x1] =	stream.indirect.gather [hbm4b:s3+s11], $0x1, s18, s11, $0xb8;
	[tilespmem:$0x10B10] =	vst v63  }
0x2aa: {  	s25 =	simm.s32 $0x10700  }
0x2ab: {  	[tilespmem:s25], [sflag:$0x1] =	stream.indirect.gather [hbm4b:s9+s11], $0x1, s17, s11, $0xb8;
	[tilespmem:$0x10B10] =	vst v63  }
0x2ac: {  	s26 =	simm.s32 $0x6400  }
0x2ad: {  	[tilespmem:s26], [sflag:$0x1] =	stream.indirect.gather [hbm4b:s7+s11], $0x40, s15, s11, $0xb8;
	[tilespmem:$0x10B10] =	vst v63  }
0x2ae: {  	s28 =	simm.s32 $0xE400  }
0x2af: {  	[tilespmem:s28], [sflag:$0x1] =	stream.indirect.gather [hbm4b:s8+s11], $0x40, s5, s11, $0xb8;
	[tilespmem:$0x10B10] =	vst v63  }
0x2b0: {  	s29 =	simm.s32 $0x10580  }
0x2b1: {  	[tilespmem:s29], [sflag:$0x1] =	stream.indirect.gather [hbm4b:s3+s11], $0x1, s15, s11, $0xb8;
	[tilespmem:$0x10B10] =	vst v63  }
0x2b2: {  	s30 =	simm.s32 $0x10780;
	s31 =	simm.s32 $0x1  }
0x2b3: {  	[tilespmem:s30], [sflag:$0x1] =	stream.indirect.gather [hbm4b:s9+s11], $0x1, s5, s11, $0xb8;
	[tilespmem:$0x10B10] =	vst v63  }
0x2b4: {  	_ =	swait.ge [sflag:s31], $0x2000  }
0x2b5: {  	[sflag:s31] =	ssyncset.done $0x0  }
0x2b6: {  	[sflag:s31] =	ssyncadd.s32 $0xFFFFE000  }
0x2b7: {  	_ =	swait.ge [sflag:s31], $0x2000  }
0x2b8: {  	[sflag:s31] =	ssyncset.done $0x0  }
0x2b9: {  	[sflag:s31] =	ssyncadd.s32 $0xFFFFE000  }
0x2ba: {  	_ =	swait.ge [sflag:s31], $0x80  }
0x2bb: {  	[sflag:s31] =	ssyncset.done $0x0  }
0x2bc: {  	[sflag:s31] =	ssyncadd.s32 $0xFFFFFF80  }
0x2bd: {  	_ =	swait.ge [sflag:s31], $0x80  }
0x2be: {  	[sflag:s31] =	ssyncset.done $0x0  }
0x2bf: {  	[sflag:s31] =	ssyncadd.s32 $0xFFFFFF80  }
0x2c0: {  	_ =	swait.ge [sflag:s31], $0x2000  }
0x2c1: {  	[sflag:s31] =	ssyncset.done $0x0  }
0x2c2: {  	[sflag:s31] =	ssyncadd.s32 $0xFFFFE000  }
0x2c3: {  	_ =	swait.ge [sflag:s31], $0x2000  }
0x2c4: {  	[sflag:s31] =	ssyncset.done $0x0  }
0x2c5: {  	[sflag:s31] =	ssyncadd.s32 $0xFFFFE000  }
0x2c6: {  	_ =	swait.ge [sflag:s31], $0x80  }
0x2c7: {  	[sflag:s31] =	ssyncset.done $0x0  }
0x2c8: {  	[sflag:s31] =	ssyncadd.s32 $0xFFFFFF80  }
0x2c9: {  	_ =	swait.ge [sflag:s31], $0x80  }
0x2ca: {  	[sflag:s31] =	ssyncset.done $0x0  }
0x2cb: {  	[sflag:s31] =	ssyncadd.s32 $0xFFFFFF80  }
0x2cc: {  	_ =	swait.ge [sflag:s31], $0x2000  }
0x2cd: {  	[sflag:s31] =	ssyncset.done $0x0  }
0x2ce: {  	[sflag:s31] =	ssyncadd.s32 $0xFFFFE000  }
0x2cf: {  	_ =	swait.ge [sflag:s31], $0x2000  }
0x2d0: {  	[sflag:s31] =	ssyncset.done $0x0  }
0x2d1: {  	[sflag:s31] =	ssyncadd.s32 $0xFFFFE000  }
0x2d2: {  	_ =	swait.ge [sflag:s31], $0x80  }
0x2d3: {  	[sflag:s31] =	ssyncset.done $0x0  }
0x2d4: {  	[sflag:s31] =	ssyncadd.s32 $0xFFFFFF80  }
0x2d5: {  	_ =	swait.ge [sflag:s31], $0x80  }
0x2d6: {  	[sflag:s31] =	ssyncset.done $0x0  }
0x2d7: {  	[sflag:s31] =	ssyncadd.s32 $0xFFFFFF80  }
0x2d8: {  	_ =	swait.ge [sflag:s31], $0x2000  }
0x2d9: {  	[sflag:s31] =	ssyncset.done $0x0  }
0x2da: {  	[sflag:s31] =	ssyncadd.s32 $0xFFFFE000  }
0x2db: {  	_ =	swait.ge [sflag:s31], $0x2000  }
0x2dc: {  	[sflag:s31] =	ssyncset.done $0x0  }
0x2dd: {  	[sflag:s31] =	ssyncadd.s32 $0xFFFFE000  }
0x2de: {  	_ =	swait.ge [sflag:s31], $0x80  }
0x2df: {  	[sflag:s31] =	ssyncset.done $0x0  }
0x2e0: {  	[sflag:s31] =	ssyncadd.s32 $0xFFFFFF80  }
0x2e1: {  	_ =	swait.ge [sflag:s31], $0x80  }
0x2e2: {  	[sflag:s31] =	ssyncset.done $0x0  }
0x2e3: {  	s3 =	simm.s32 $0x8600;
	[sflag:s31] =	ssyncadd.s32 $0xFFFFFF80  }
0x2e4: {  	s4 =	simm.s32 $0x600;
	v0 =	vld [tilespmem:s3+$0xFFFFFE00]  }
0x2e5: {  	v1 =	vld [tilespmem:s4+$0xFFFFFE00]  }
0x2e6: {  	v2 =	vld [tilespmem:s3+$0xFFFFFE10]  }
0x2e7: {  	v3 =	vld [tilespmem:s4+$0xFFFFFE10]  }
0x2e8: {  	v4 =	vld [tilespmem:s3+$0xFFFFFE20]  }
0x2e9: {  	v5 =	vld [tilespmem:s4+$0xFFFFFE20]  }
0x2ea: {  	v6 =	vld [tilespmem:s4+$0xFFFFFE30];
	v0 =	vmul.f32 v0, v1  }
0x2eb: {  	v1 =	vld [tilespmem:s3+$0xFFFFFE30]  }
0x2ec: {  	v2 =	vmul.f32 v2, v3;
	v0 =	vadd.f32 $0.0e+00, v0;
	_ =	sdelay $0x1  }
0x2ed: {  	v0 =	vadd.f32 v2, v0;
	v2 =	vmul.f32 v4, v5;
	_ =	sdelay $0x1  }
0x2ee: {  	v1 =	vmul.f32 v1, v6;
	v0 =	vadd.f32 v2, v0;
	_ =	sdelay $0x1  }
0x2ef: {  	v0 =	vadd.f32 v1, v0;
	_ =	sdelay $0x1  }
0x2f0: {  	[tilespmem:$0x10810] =	vst v0  }
0x2f1: {  	v0 =	vld [tilespmem:s4+$0xFFFFFE40]  }
0x2f2: {  	v1 =	vld [tilespmem:s3+$0xFFFFFE40]  }
0x2f3: {  	v2 =	vld [tilespmem:s3+$0xFFFFFE50]  }
0x2f4: {  	v3 =	vld [tilespmem:s4+$0xFFFFFE50]  }
0x2f5: {  	v4 =	vld [tilespmem:s3+$0xFFFFFE60]  }
0x2f6: {  	v5 =	vld [tilespmem:s4+$0xFFFFFE60]  }
0x2f7: {  	v6 =	vld [tilespmem:s4+$0xFFFFFE70];
	v0 =	vmul.f32 v1, v0  }
0x2f8: {  	v1 =	vld [tilespmem:s3+$0xFFFFFE70]  }
0x2f9: {  	v2 =	vmul.f32 v2, v3;
	v0 =	vadd.f32 $0.0e+00, v0;
	_ =	sdelay $0x1  }
0x2fa: {  	v0 =	vadd.f32 v2, v0;
	v2 =	vmul.f32 v4, v5;
	_ =	sdelay $0x1  }
0x2fb: {  	v1 =	vmul.f32 v1, v6;
	v0 =	vadd.f32 v2, v0;
	_ =	sdelay $0x1  }
0x2fc: {  	v0 =	vadd.f32 v1, v0;
	_ =	sdelay $0x1  }
0x2fd: {  	[tilespmem:$0x10820] =	vst v0  }
0x2fe: {  	v0 =	vld [tilespmem:s4+$0xFFFFFE80]  }
0x2ff: {  	v1 =	vld [tilespmem:s3+$0xFFFFFE80]  }
0x300: {  	v2 =	vld [tilespmem:s4+$0xFFFFFE90]  }
0x301: {  	v3 =	vld [tilespmem:s3+$0xFFFFFE90]  }
0x302: {  	v4 =	vld [tilespmem:s4+$0xFFFFFEA0]  }
0x303: {  	v5 =	vld [tilespmem:s3+$0xFFFFFEA0]  }
0x304: {  	v6 =	vld [tilespmem:s3+$0xFFFFFEB0];
	v0 =	vmul.f32 v1, v0  }
0x305: {  	v1 =	vld [tilespmem:s4+$0xFFFFFEB0]  }
0x306: {  	v2 =	vmul.f32 v3, v2;
	v0 =	vadd.f32 $0.0e+00, v0;
	_ =	sdelay $0x1  }
0x307: {  	v0 =	vadd.f32 v2, v0;
	v2 =	vmul.f32 v5, v4;
	_ =	sdelay $0x1  }
0x308: {  	v1 =	vmul.f32 v6, v1;
	v0 =	vadd.f32 v2, v0;
	_ =	sdelay $0x1  }
0x309: {  	v0 =	vadd.f32 v1, v0;
	_ =	sdelay $0x1  }
0x30a: {  	[tilespmem:$0x10830] =	vst v0  }
0x30b: {  	v0 =	vld [tilespmem:s4+$0xFFFFFEC0]  }
0x30c: {  	v1 =	vld [tilespmem:s3+$0xFFFFFEC0]  }
0x30d: {  	v2 =	vld [tilespmem:s4+$0xFFFFFED0]  }
0x30e: {  	v3 =	vld [tilespmem:s3+$0xFFFFFED0]  }
0x30f: {  	v4 =	vld [tilespmem:s4+$0xFFFFFEE0]  }
0x310: {  	v5 =	vld [tilespmem:s3+$0xFFFFFEE0]  }
0x311: {  	v6 =	vld [tilespmem:s3+$0xFFFFFEF0];
	v0 =	vmul.f32 v1, v0  }
0x312: {  	v1 =	vld [tilespmem:s4+$0xFFFFFEF0]  }
0x313: {  	v2 =	vmul.f32 v3, v2;
	v0 =	vadd.f32 $0.0e+00, v0;
	_ =	sdelay $0x1  }
0x314: {  	v0 =	vadd.f32 v2, v0;
	v2 =	vmul.f32 v5, v4;
	_ =	sdelay $0x1  }
0x315: {  	v1 =	vmul.f32 v6, v1;
	v0 =	vadd.f32 v2, v0;
	_ =	sdelay $0x1  }
0x316: {  	v0 =	vadd.f32 v1, v0;
	_ =	sdelay $0x1  }
0x317: {  	[tilespmem:$0x10840] =	vst v0  }
0x318: {  	v0 =	vld [tilespmem:s4+$0xFFFFFF00]  }
0x319: {  	v1 =	vld [tilespmem:s3+$0xFFFFFF00]  }
0x31a: {  	v2 =	vld [tilespmem:s4+$0xFFFFFF10]  }
0x31b: {  	v3 =	vld [tilespmem:s3+$0xFFFFFF10]  }
0x31c: {  	v4 =	vld [tilespmem:s4+$0xFFFFFF20]  }
0x31d: {  	v5 =	vld [tilespmem:s3+$0xFFFFFF20]  }
0x31e: {  	v6 =	vld [tilespmem:s3+$0xFFFFFF30];
	v0 =	vmul.f32 v1, v0  }
0x31f: {  	v1 =	vld [tilespmem:s4+$0xFFFFFF30]  }
0x320: {  	v2 =	vmul.f32 v3, v2;
	v0 =	vadd.f32 $0.0e+00, v0;
	_ =	sdelay $0x1  }
0x321: {  	v0 =	vadd.f32 v2, v0;
	v2 =	vmul.f32 v5, v4;
	_ =	sdelay $0x1  }
0x322: {  	v1 =	vmul.f32 v6, v1;
	v0 =	vadd.f32 v2, v0;
	_ =	sdelay $0x1  }
0x323: {  	v0 =	vadd.f32 v1, v0;
	_ =	sdelay $0x1  }
0x324: {  	[tilespmem:$0x10850] =	vst v0  }
0x325: {  	v0 =	vld [tilespmem:s4+$0xFFFFFF40]  }
0x326: {  	v1 =	vld [tilespmem:s3+$0xFFFFFF40]  }
0x327: {  	v2 =	vld [tilespmem:s4+$0xFFFFFF50]  }
0x328: {  	v3 =	vld [tilespmem:s3+$0xFFFFFF50]  }
0x329: {  	v4 =	vld [tilespmem:s4+$0xFFFFFF60]  }
0x32a: {  	v5 =	vld [tilespmem:s3+$0xFFFFFF60]  }
0x32b: {  	v6 =	vld [tilespmem:s4+$0xFFFFFF70];
	v0 =	vmul.f32 v1, v0  }
0x32c: {  	v1 =	vld [tilespmem:s3+$0xFFFFFF70]  }
0x32d: {  	v2 =	vmul.f32 v3, v2;
	v0 =	vadd.f32 $0.0e+00, v0;
	_ =	sdelay $0x1  }
0x32e: {  	v0 =	vadd.f32 v2, v0;
	v2 =	vmul.f32 v5, v4;
	_ =	sdelay $0x1  }
0x32f: {  	v1 =	vmul.f32 v1, v6;
	v0 =	vadd.f32 v2, v0;
	_ =	sdelay $0x1  }
0x330: {  	v0 =	vadd.f32 v1, v0;
	_ =	sdelay $0x1  }
0x331: {  	[tilespmem:$0x10860] =	vst v0  }
0x332: {  	v0 =	vld [tilespmem:s4+$0xFFFFFF80]  }
0x333: {  	v1 =	vld [tilespmem:s3+$0xFFFFFF80]  }
0x334: {  	v2 =	vld [tilespmem:s4+$0xFFFFFF90]  }
0x335: {  	v3 =	vld [tilespmem:s3+$0xFFFFFF90]  }
0x336: {  	v4 =	vld [tilespmem:s4+$0xFFFFFFA0]  }
0x337: {  	v5 =	vld [tilespmem:s3+$0xFFFFFFA0]  }
0x338: {  	v6 =	vld [tilespmem:s3+$0xFFFFFFB0];
	v0 =	vmul.f32 v1, v0  }
0x339: {  	v1 =	vld [tilespmem:s4+$0xFFFFFFB0]  }
0x33a: {  	v2 =	vmul.f32 v3, v2;
	v0 =	vadd.f32 $0.0e+00, v0;
	_ =	sdelay $0x1  }
0x33b: {  	v0 =	vadd.f32 v2, v0;
	v2 =	vmul.f32 v5, v4;
	_ =	sdelay $0x1  }
0x33c: {  	v1 =	vmul.f32 v6, v1;
	v0 =	vadd.f32 v2, v0;
	_ =	sdelay $0x1  }
0x33d: {  	v0 =	vadd.f32 v1, v0;
	_ =	sdelay $0x1  }
0x33e: {  	[tilespmem:$0x10870] =	vst v0  }
0x33f: {  	v0 =	vld [tilespmem:s4+$0xFFFFFFC0]  }
0x340: {  	v1 =	vld [tilespmem:s3+$0xFFFFFFC0]  }
0x341: {  	v2 =	vld [tilespmem:s3+$0xFFFFFFD0]  }
0x342: {  	v3 =	vld [tilespmem:s4+$0xFFFFFFD0]  }
0x343: {  	v4 =	vld [tilespmem:s3+$0xFFFFFFE0]  }
0x344: {  	v5 =	vld [tilespmem:s4+$0xFFFFFFE0]  }
0x345: {  	v6 =	vld [tilespmem:s4+$0xFFFFFFF0];
	v0 =	vmul.f32 v1, v0  }
0x346: {  	v1 =	vld [tilespmem:s3+$0xFFFFFFF0]  }
0x347: {  	v2 =	vmul.f32 v2, v3;
	v0 =	vadd.f32 $0.0e+00, v0;
	_ =	sdelay $0x1  }
0x348: {  	v0 =	vadd.f32 v2, v0;
	v2 =	vmul.f32 v4, v5;
	_ =	sdelay $0x1  }
0x349: {  	v1 =	vmul.f32 v1, v6;
	v0 =	vadd.f32 v2, v0;
	_ =	sdelay $0x1  }
0x34a: {  	v0 =	vadd.f32 v1, v0;
	_ =	sdelay $0x1  }
0x34b: {  	[tilespmem:$0x10880] =	vst v0  }
0x34c: {  	v0 =	vld [tilespmem:s4+$0x0]  }
0x34d: {  	v1 =	vld [tilespmem:s3+$0x0]  }
0x34e: {  	v2 =	vld [tilespmem:s4+$0x10]  }
0x34f: {  	v3 =	vld [tilespmem:s3+$0x10]  }
0x350: {  	v4 =	vld [tilespmem:s3+$0x20]  }
0x351: {  	v5 =	vld [tilespmem:s4+$0x20]  }
0x352: {  	v6 =	vld [tilespmem:s4+$0x30];
	v0 =	vmul.f32 v1, v0  }
0x353: {  	v1 =	vld [tilespmem:s3+$0x30]  }
0x354: {  	v2 =	vmul.f32 v3, v2;
	v0 =	vadd.f32 $0.0e+00, v0;
	_ =	sdelay $0x1  }
0x355: {  	v0 =	vadd.f32 v2, v0;
	v2 =	vmul.f32 v4, v5;
	_ =	sdelay $0x1  }
0x356: {  	v1 =	vmul.f32 v1, v6;
	v0 =	vadd.f32 v2, v0;
	_ =	sdelay $0x1  }
0x357: {  	v0 =	vadd.f32 v1, v0;
	_ =	sdelay $0x1  }
0x358: {  	[tilespmem:$0x10890] =	vst v0  }
0x359: {  	v0 =	vld [tilespmem:s4+$0x40]  }
0x35a: {  	v1 =	vld [tilespmem:s3+$0x40]  }
0x35b: {  	v2 =	vld [tilespmem:s4+$0x50]  }
0x35c: {  	v3 =	vld [tilespmem:s3+$0x50]  }
0x35d: {  	v4 =	vld [tilespmem:s4+$0x60]  }
0x35e: {  	v5 =	vld [tilespmem:s3+$0x60]  }
0x35f: {  	v6 =	vld [tilespmem:s3+$0x70];
	v0 =	vmul.f32 v1, v0  }
0x360: {  	v1 =	vld [tilespmem:s4+$0x70]  }
0x361: {  	v2 =	vmul.f32 v3, v2;
	v0 =	vadd.f32 $0.0e+00, v0;
	_ =	sdelay $0x1  }
0x362: {  	v0 =	vadd.f32 v2, v0;
	v2 =	vmul.f32 v5, v4;
	_ =	sdelay $0x1  }
0x363: {  	v1 =	vmul.f32 v6, v1;
	v0 =	vadd.f32 v2, v0;
	_ =	sdelay $0x1  }
0x364: {  	v0 =	vadd.f32 v1, v0;
	_ =	sdelay $0x1  }
0x365: {  	[tilespmem:$0x108A0] =	vst v0  }
0x366: {  	v0 =	vld [tilespmem:s4+$0x80]  }
0x367: {  	v1 =	vld [tilespmem:s3+$0x80]  }
0x368: {  	v2 =	vld [tilespmem:s4+$0x90]  }
0x369: {  	v3 =	vld [tilespmem:s3+$0x90]  }
0x36a: {  	v4 =	vld [tilespmem:s4+$0xA0]  }
0x36b: {  	v5 =	vld [tilespmem:s3+$0xA0]  }
0x36c: {  	v6 =	vld [tilespmem:s3+$0xB0];
	v0 =	vmul.f32 v1, v0  }
0x36d: {  	v1 =	vld [tilespmem:s4+$0xB0]  }
0x36e: {  	v2 =	vmul.f32 v3, v2;
	v0 =	vadd.f32 $0.0e+00, v0;
	_ =	sdelay $0x1  }
0x36f: {  	v0 =	vadd.f32 v2, v0;
	v2 =	vmul.f32 v5, v4;
	_ =	sdelay $0x1  }
0x370: {  	v1 =	vmul.f32 v6, v1;
	v0 =	vadd.f32 v2, v0;
	_ =	sdelay $0x1  }
0x371: {  	v0 =	vadd.f32 v1, v0;
	_ =	sdelay $0x1  }
0x372: {  	[tilespmem:$0x108B0] =	vst v0  }
0x373: {  	v0 =	vld [tilespmem:s4+$0xC0]  }
0x374: {  	v1 =	vld [tilespmem:s3+$0xC0]  }
0x375: {  	v2 =	vld [tilespmem:s4+$0xD0]  }
0x376: {  	v3 =	vld [tilespmem:s3+$0xD0]  }
0x377: {  	v4 =	vld [tilespmem:s4+$0xE0]  }
0x378: {  	v5 =	vld [tilespmem:s3+$0xE0]  }
0x379: {  	v6 =	vld [tilespmem:s3+$0xF0];
	v0 =	vmul.f32 v1, v0  }
0x37a: {  	v1 =	vld [tilespmem:s4+$0xF0]  }
0x37b: {  	v2 =	vmul.f32 v3, v2;
	v0 =	vadd.f32 $0.0e+00, v0;
	_ =	sdelay $0x1  }
0x37c: {  	v0 =	vadd.f32 v2, v0;
	v2 =	vmul.f32 v5, v4;
	_ =	sdelay $0x1  }
0x37d: {  	v1 =	vmul.f32 v6, v1;
	v0 =	vadd.f32 v2, v0;
	_ =	sdelay $0x1  }
0x37e: {  	v0 =	vadd.f32 v1, v0;
	_ =	sdelay $0x1  }
0x37f: {  	[tilespmem:$0x108C0] =	vst v0  }
0x380: {  	v0 =	vld [tilespmem:s4+$0x100]  }
0x381: {  	v1 =	vld [tilespmem:s3+$0x100]  }
0x382: {  	v2 =	vld [tilespmem:s3+$0x110]  }
0x383: {  	v3 =	vld [tilespmem:s4+$0x110]  }
0x384: {  	v4 =	vld [tilespmem:s4+$0x120]  }
0x385: {  	v5 =	vld [tilespmem:s3+$0x120]  }
0x386: {  	v6 =	vld [tilespmem:s3+$0x130];
	v0 =	vmul.f32 v1, v0  }
0x387: {  	v1 =	vld [tilespmem:s4+$0x130]  }
0x388: {  	v2 =	vmul.f32 v2, v3;
	v0 =	vadd.f32 $0.0e+00, v0;
	_ =	sdelay $0x1  }
0x389: {  	v0 =	vadd.f32 v2, v0;
	v2 =	vmul.f32 v5, v4  }
0x38a: {  	v7 =	vimm.s32 $0x35241302;
	v8 =	vimm.s32 $0x79685746;
	v3 =	vimm.s32 $0xBCAB9A89  }
0x38b: {  	v4 =	vimm.s32 $0xF0EFDECD;
	v1 =	vmul.f32 v6, v1;
	v0 =	vadd.f32 v2, v0  }
0x38c: {  	v5 =	vimm.s32 $0x78675645;
	v6 =	vimm.s32 $0xF1E0DFCE;
	v2 =	vunpack.c.0.s8.s32 v3  }
0x38d: {  	v3 =	vunpack.c.0.s8.s32 v4;
	v4 =	vimm.s32 $0x34231201;
	v0 =	vadd.f32 v1, v0  }
0x38e: {  	v4 =	vunpack.c.0.s8.s32 v4;
	v1 =	vunpack.c.0.s8.s32 v5;
	v5 =	vimm.s32 $0xBDAC9B8A  }
0x38f: {  	v2 =	vsel vm0, v3, v2;
	v5 =	vunpack.c.0.s8.s32 v5;
	[tilespmem:$0x108D0] =	vst v0;
	v0 =	vunpack.c.0.s8.s32 v6  }
0x390: {  	v6 =	vunpack.c.0.s8.s32 v7;
	v7 =	vunpack.c.0.s8.s32 v8;
	v1 =	vsel vm0, v1, v4;
	v8 =	vld [tilespmem:s4+$0x140]  }
0x391: {  	v3 =	vld [tilespmem:s3+$0x140];
	v1 =	vcombine.low v1, v2;
	v2 =	vsel vm0, v0, v5  }
0x392: {  	v4 =	vsel vm0, v7, v6;
	v5 =	vld [tilespmem:s4+$0x150];
	v6 =	vimm.s32 $0xBEAD9C8B;
	v7 =	vimm.s32 $0xF2E1D0CF  }
0x393: {  	v2 =	vcombine.low v4, v2;
	v4 =	vld [tilespmem:s3+$0x150];
	v6 =	vunpack.c.0.s8.s32 v6;
	v7 =	vunpack.c.0.s8.s32 v7  }
0x394: {  	v9 =	vlaneseq.u32;
	v11 =	vimm.s32 $0x36251403;
	v13 =	vimm.s32 $0xBFAE9D8C;
	v10 =	vld [tilespmem:s3+$0x160]  }
0x395: {  	v12 =	vimm.s32 $0x7A695847;
	v0 =	vmul.u32 $0x11, v9;
	v9 =	vld [tilespmem:s4+$0x160];
	v6 =	vsel vm0, v7, v6  }
0x396: {  	v7 =	vunpack.c.0.s8.s32 v11;
	v11 =	vunpack.c.0.s8.s32 v12;
	v12 =	vld [tilespmem:s3+$0x170];
	v3 =	vmul.f32 v3, v8  }
0x397: {  	v14 =	vimm.s32 $0x37261504;
	v15 =	vimm.s32 $0x7B6A5948;
	v8 =	vld [tilespmem:s4+$0x170]  }
0x398: {  	v17 =	vimm.s32 $0x3A291807;
	v3 =	vadd.f32 $0.0e+00, v3;
	v4 =	vmul.f32 v4, v5  }
0x399: {  	v17 =	vunpack.c.0.s8.s32 v17;
	v18 =	vimm.s32 $0x7E6D5C4B;
	v5 =	vunpack.c.0.s8.s32 v13  }
0x39a: {  	v13 =	vimm.s32 $0xF3E2D1C0;
	v3 =	vadd.f32 v4, v3;
	v4 =	vmul.f32 v10, v9  }
0x39b: {  	v7 =	vsel vm0, v11, v7;
	v9 =	vunpack.c.0.s8.s32 v13;
	v10 =	vunpack.c.0.s8.s32 v14  }
0x39c: {  	v13 =	vunpack.c.0.s8.s32 v15;
	v3 =	vadd.f32 v4, v3;
	v4 =	vmul.f32 v12, v8  }
0x39d: {  	v18 =	vunpack.c.0.s8.s32 v18;
	v20 =	vimm.s32 $0xFAE9D8C7;
	v6 =	vcombine.low v7, v6  }
0x39e: {  	v5 =	vsel vm0, v9, v5;
	v7 =	vsel vm0, v13, v10;
	v3 =	vadd.f32 v4, v3  }
0x39f: {  	v11 =	vimm.s32 $0xF5E4D3C2;
	v8 =	vimm.s32 $0x38271605;
	v5 =	vcombine.low v7, v5  }
0x3a0: {  	v7 =	vimm.s32 $0xB0AF9E8D;
	v8 =	vunpack.c.0.s8.s32 v8;
	v4 =	vimm.s32 $0xF4E3D2C1;
	[tilespmem:$0x108E0] =	vst v3  }
0x3a1: {  	v7 =	vunpack.c.0.s8.s32 v7;
	v9 =	vunpack.c.0.s8.s32 v4;
	v4 =	vimm.s32 $0x7C6B5A49;
	v12 =	vld [tilespmem:s4+$0x180]  }
0x3a2: {  	v10 =	vunpack.c.0.s8.s32 v4;
	v4 =	vimm.s32 $0xB1A09F8E;
	v3 =	vand.u32 $0xFF, v6;
	v13 =	vld [tilespmem:s3+$0x180]  }
0x3a3: {  	v6 =	vunpack.c.0.s8.s32 v4;
	v4 =	vand.u32 $0xFF, v5;
	v5 =	vsel vm0, v9, v7;
	v9 =	vld [tilespmem:s3+$0x190]  }
0x3a4: {  	v21 =	vimm.s32 $0x3E2D1C0B;
	v11 =	vunpack.c.0.s8.s32 v11;
	v7 =	vsel vm0, v10, v8;
	v8 =	vld [tilespmem:s4+$0x190]  }
0x3a5: {  	v15 =	vimm.s32 $0xF6E5D4C3;
	v14 =	vld [tilespmem:s4+$0x1A0];
	v10 =	vimm.s32 $0x7D6C5B4A;
	v5 =	vcombine.low v7, v5  }
0x3a6: {  	v16 =	vld [tilespmem:s3+$0x1A0];
	v6 =	vsel vm0, v11, v6;
	v7 =	vimm.s32 $0x39281706;
	v11 =	vimm.s32 $0xB2A1908F  }
0x3a7: {  	v19 =	vld [tilespmem:s3+$0x1B0];
	v10 =	vunpack.c.0.s8.s32 v10;
	v7 =	vunpack.c.0.s8.s32 v7;
	v12 =	vmul.f32 v13, v12  }
0x3a8: {  	v23 =	vimm.s32 $0x7261504F;
	v15 =	vunpack.c.0.s8.s32 v15;
	v11 =	vunpack.c.0.s8.s32 v11;
	v13 =	vld [tilespmem:s4+$0x1B0]  }
0x3a9: {  	v7 =	vsel vm0, v10, v7;
	v8 =	vmul.f32 v9, v8;
	v10 =	vadd.f32 $0.0e+00, v12  }
0x3aa: {  	v6 =	vcombine.low v7, v6;
	v7 =	vsel vm0, v15, v11;
	v9 =	vsel vm0, v18, v17  }
0x3ab: {  	v11 =	vimm.s32 $0xB3A29180;
	v8 =	vadd.f32 v8, v10;
	v10 =	vmul.f32 v16, v14  }
0x3ac: {  	v7 =	vcombine.low v9, v7;
	v9 =	vunpack.c.0.s8.s32 v11;
	v11 =	vimm.s32 $0xF7E6D5C4  }
0x3ad: {  	v11 =	vunpack.c.0.s8.s32 v11;
	v8 =	vadd.f32 v10, v8;
	v10 =	vmul.f32 v19, v13  }
0x3ae: {  	v1 =	vand.u32 $0xFF, v1;
	v2 =	vand.u32 $0xFF, v2;
	v5 =	vand.u32 $0xFF, v5  }
0x3af: {  	v9 =	vsel vm0, v11, v9;
	v11 =	vimm.s32 $0x3B2A1908;
	v8 =	vadd.f32 v10, v8  }
0x3b0: {  	v12 =	vimm.s32 $0xB4A39281;
	v10 =	vunpack.c.0.s8.s32 v11;
	v11 =	vimm.s32 $0x7F6E5D4C  }
0x3b1: {  	v12 =	vunpack.c.0.s8.s32 v12;
	v13 =	vimm.s32 $0xF8E7D6C5;
	v11 =	vunpack.c.0.s8.s32 v11;
	[tilespmem:$0x108F0] =	vst v8  }
0x3b2: {  	v14 =	vimm.s32 $0x706F5E4D;
	v8 =	vunpack.c.0.s8.s32 v13;
	v13 =	vimm.s32 $0x3C2B1A09;
	v15 =	vld [tilespmem:s4+$0x1C0]  }
0x3b3: {  	v10 =	vsel vm0, v11, v10;
	v11 =	vunpack.c.0.s8.s32 v13;
	v13 =	vunpack.c.0.s8.s32 v14;
	v14 =	vld [tilespmem:s3+$0x1C0]  }
0x3b4: {  	v6 =	vand.u32 $0xFF, v6;
	v16 =	vimm.s32 $0xF9E8D7C6;
	v17 =	vld [tilespmem:s4+$0x1D0];
	v8 =	vsel vm0, v8, v12  }
0x3b5: {  	v12 =	vimm.s32 $0xB5A49382;
	v11 =	vsel vm0, v13, v11;
	v13 =	vunpack.c.0.s8.s32 v16;
	v16 =	vld [tilespmem:s3+$0x1D0]  }
0x3b6: {  	v7 =	vand.u32 $0xFF, v7;
	v19 =	vimm.s32 $0xB6A59483;
	v18 =	vld [tilespmem:s3+$0x1E0];
	v12 =	vunpack.c.0.s8.s32 v12  }
0x3b7: {  	v9 =	vcombine.low v10, v9;
	v10 =	vcombine.low v11, v8;
	v8 =	vimm.s32 $0x3D2C1B0A;
	v11 =	vld [tilespmem:s4+$0x1E0]  }
0x3b8: {  	v22 =	vld [tilespmem:s3+$0x1F0];
	v12 =	vsel vm0, v13, v12;
	v13 =	vimm.s32 $0x71605F4E;
	v14 =	vmul.f32 v14, v15  }
0x3b9: {  	v19 =	vunpack.c.0.s8.s32 v19;
	v8 =	vunpack.c.0.s8.s32 v8;
	v13 =	vunpack.c.0.s8.s32 v13;
	v15 =	vld [tilespmem:s4+$0x1F0]  }
0x3ba: {  	v14 =	vadd.f32 $0.0e+00, v14;
	v16 =	vmul.f32 v16, v17;
	v17 =	vunpack.c.0.s8.s32 v20  }
0x3bb: {  	v20 =	vunpack.c.0.s8.s32 v21;
	v21 =	vunpack.c.0.s8.s32 v23;
	v8 =	vsel vm0, v13, v8  }
0x3bc: {  	v23 =	vimm.s32 $0x75645342;
	v11 =	vmul.f32 v18, v11;
	v13 =	vadd.f32 v16, v14  }
0x3bd: {  	v12 =	vcombine.low v8, v12;
	v18 =	vimm.s32 $0x74635241;
	v23 =	vunpack.c.0.s8.s32 v23  }
0x3be: {  	v8 =	vsel vm0, v17, v19;
	v11 =	vadd.f32 v11, v13;
	v13 =	vmul.f32 v22, v15  }
0x3bf: {  	v14 =	vsel vm0, v21, v20;
	v16 =	vimm.s32 $0xB7A69584;
	v17 =	vimm.s32 $0x73625140  }
0x3c0: {  	v19 =	vimm.s32 $0xB9A89786;
	v18 =	vunpack.c.0.s8.s32 v18;
	v11 =	vadd.f32 v13, v11  }
0x3c1: {  	v20 =	vimm.s32 $0xFDECDBCA;
	v14 =	vcombine.low v14, v8;
	v8 =	vimm.s32 $0xFBEAD9C8  }
0x3c2: {  	s5 =	simm.s32 $0x10810;
	v17 =	vunpack.c.0.s8.s32 v17;
	v15 =	vunpack.c.0.s8.s32 v16;
	v16 =	vimm.s32 $0x3F2E1D0C;
	[tilespmem:$0x10900] =	vst v11  }
0x3c3: {  	v16 =	vunpack.c.0.s8.s32 v16;
	v13 =	vunpack.c.0.s8.s32 v8;
	v11 =	vand.u32 $0xFF, v14;
	v14 =	vld.idx.msk [tilespmem:v0+s5+$0x0], $0xffff  }
0x3c4: {  	v19 =	vunpack.c.0.s8.s32 v19;
	v8 =	vand.u32 $0xFF, v9;
	v9 =	vand.u32 $0xFF, v10  }
0x3c5: {  	v10 =	vand.u32 $0xFF, v12;
	v12 =	vsel vm0, v13, v15;
	v13 =	vsel vm0, v17, v16;
	v17 =	vld.idx.msk [tilespmem:v1+s5+$0x0], $0xffff  }
0x3c6: {  	v22 =	vimm.s32 $0x31201F0E;
	v15 =	vimm.s32 $0xFCEBDAC9;
	v16 =	vimm.s32 $0x302F1E0D  }
0x3c7: {  	v13 =	vcombine.low v13, v12;
	v12 =	vimm.s32 $0xB8A79685;
	v16 =	vunpack.c.0.s8.s32 v16;
	v21 =	vld.idx.msk [tilespmem:v2+s5+$0x0], $0xffff  }
0x3c8: {  	v15 =	vunpack.c.0.s8.s32 v15;
	v12 =	vunpack.c.0.s8.s32 v12;
	v14 =	vadd.f32 $0.0e+00, v14  }
0x3c9: {  	v20 =	vunpack.c.0.s8.s32 v20;
	v22 =	vunpack.c.0.s8.s32 v22;
	v24 =	vld.idx.msk [tilespmem:v3+s5+$0x0], $0xffff;
	v16 =	vsel vm0, v18, v16  }
0x3ca: {  	v18 =	vimm.s32 $0xBAA99887;
	v15 =	vsel vm0, v15, v12;
	v12 =	vadd.f32 v17, v14  }
0x3cb: {  	v18 =	vunpack.c.0.s8.s32 v18;
	v15 =	vcombine.low v16, v15;
	v14 =	vsel vm0, v20, v19;
	v19 =	vld.idx.msk [tilespmem:v4+s5+$0x0], $0xffff  }
0x3cc: {  	v17 =	vsel vm0, v23, v22;
	v20 =	vimm.s32 $0xFEEDDCCB;
	v21 =	vadd.f32 v21, v12  }
0x3cd: {  	v25 =	vld.idx.msk [tilespmem:v5+s5+$0x0], $0xffff;
	v22 =	vimm.s32 $0x3221100F;
	v23 =	vimm.s32 $0x76655443;
	v20 =	vunpack.c.0.s8.s32 v20  }
0x3ce: {  	v26 =	vld.idx.msk [tilespmem:v9+s5+$0x0], $0xffff;
	v22 =	vunpack.c.0.s8.s32 v22;
	v23 =	vunpack.c.0.s8.s32 v23;
	v21 =	vadd.f32 v24, v21  }
0x3cf: {  	v16 =	vcombine.low v17, v14;
	v14 =	vand.u32 $0xFF, v15;
	v24 =	vld.idx.msk [tilespmem:v6+s5+$0x0], $0xffff  }
0x3d0: {  	v12 =	vld [tilespmem:$0x10800];
	v17 =	vsel vm0, v20, v18;
	v18 =	vsel vm0, v23, v22;
	v19 =	vadd.f32 v19, v21  }
0x3d1: {  	v13 =	vand.u32 $0xFF, v13;
	v18 =	vcombine.low v18, v17;
	v21 =	vld.idx.msk [tilespmem:v7+s5+$0x0], $0xffff  }
0x3d2: {  	v15 =	vand.u32 $0xFF, v16;
	v23 =	vld.idx.msk [tilespmem:v8+s5+$0x0], $0xffff;
	v19 =	vadd.f32 v25, v19  }
0x3d3: {  	v17 =	vld.idx.msk [tilespmem:v10+s5+$0x0], $0xffff;
	v16 =	vand.u32 $0xFF, v18  }
0x3d4: {  	v18 =	vld.idx.msk [tilespmem:v11+s5+$0x0], $0xffff;
	v22 =	vadd.f32 v24, v19  }
0x3d5: {  	v20 =	vld.idx.msk [tilespmem:v14+s5+$0x0], $0xffff  }
0x3d6: {  	v19 =	vld.idx.msk [tilespmem:v13+s5+$0x0], $0xffff;
	v24 =	vadd.f32 v21, v22  }
0x3d7: {  	v21 =	vld.idx.msk [tilespmem:v15+s5+$0x0], $0xffff  }
0x3d8: {  	s8 =	simm.s32 $0x0;
	v22 =	vld.idx.msk [tilespmem:v16+s5+$0x0], $0xffff;
	v25 =	vadd.f32 v23, v24  }
0x3d9: {  	v23 =	vld [tilespmem:s8+$0x10400]  }
0x3da: {  	s6 =	simm.s32 $0x40;
	v24 =	vld [tilespmem:s8+$0x10600];
	v25 =	vadd.f32 v26, v25  }
.LBB2_3:
0x3db: {  	p0 =	sne.s32 s6, $0x7C0;
	s4 =	sadd.s32 $0x400, s4;
	s3 =	sadd.s32 $0x400, s3  }
0x3dc: {  	s7 =	smov.u32 s6;
	s6 =	sadd.s32 $0x40, s6;
	v17 =	vadd.f32 v17, v25;
	_ =	sdelay $0x1  }
0x3dd: {  	v17 =	vadd.f32 v18, v17;
	_ =	sdelay $0x1  }
0x3de: {  	v17 =	vadd.f32 v19, v17;
	_ =	sdelay $0x1  }
0x3df: {  	v17 =	vadd.f32 v20, v17;
	_ =	sdelay $0x1  }
0x3e0: {  	v17 =	vadd.f32 v21, v17;
	_ =	sdelay $0x1  }
0x3e1: {  	v17 =	vadd.f32 v22, v17;
	_ =	sdelay $0x1  }
0x3e2: {  	v17 =	vadd.f32 v23, v17;
	_ =	sdelay $0x1  }
0x3e3: {  	v17 =	vadd.f32 v24, v17;
	_ =	sdelay $0x1  }
0x3e4: {  	v17 =	vadd.f32 v17, v12;
	_ =	sdelay $0x1  }
0x3e5: {  	[tilespmem:s8+$0x10910] =	vst v17  }
0x3e6: {  	v17 =	vld [tilespmem:s3+$0xFFFFFE00]  }
0x3e7: {  	v18 =	vld [tilespmem:s4+$0xFFFFFE00]  }
0x3e8: {  	v19 =	vld [tilespmem:s3+$0xFFFFFE10]  }
0x3e9: {  	v20 =	vld [tilespmem:s4+$0xFFFFFE10]  }
0x3ea: {  	v21 =	vld [tilespmem:s3+$0xFFFFFE20]  }
0x3eb: {  	v22 =	vld [tilespmem:s4+$0xFFFFFE20]  }
0x3ec: {  	v17 =	vmul.f32 v17, v18;
	v18 =	vld [tilespmem:s3+$0xFFFFFE30]  }
0x3ed: {  	v23 =	vld [tilespmem:s4+$0xFFFFFE30]  }
0x3ee: {  	v17 =	vadd.f32 $0.0e+00, v17;
	v19 =	vmul.f32 v19, v20;
	_ =	sdelay $0x1  }
0x3ef: {  	v17 =	vadd.f32 v19, v17;
	v19 =	vmul.f32 v21, v22;
	_ =	sdelay $0x1  }
0x3f0: {  	v17 =	vadd.f32 v19, v17;
	v18 =	vmul.f32 v18, v23;
	_ =	sdelay $0x1  }
0x3f1: {  	v17 =	vadd.f32 v18, v17;
	_ =	sdelay $0x1  }
0x3f2: {  	[tilespmem:$0x10810] =	vst v17  }
0x3f3: {  	v17 =	vld [tilespmem:s4+$0xFFFFFE40];
	_ =	sdelay $0x1  }
0x3f4: {  	v18 =	vld [tilespmem:s3+$0xFFFFFE40]  }
0x3f5: {  	v19 =	vld [tilespmem:s3+$0xFFFFFE50]  }
0x3f6: {  	v20 =	vld [tilespmem:s4+$0xFFFFFE50]  }
0x3f7: {  	v21 =	vld [tilespmem:s3+$0xFFFFFE60]  }
0x3f8: {  	v22 =	vld [tilespmem:s4+$0xFFFFFE60]  }
0x3f9: {  	v17 =	vmul.f32 v18, v17;
	v18 =	vld [tilespmem:s3+$0xFFFFFE70]  }
0x3fa: {  	v23 =	vld [tilespmem:s4+$0xFFFFFE70]  }
0x3fb: {  	v17 =	vadd.f32 $0.0e+00, v17;
	v19 =	vmul.f32 v19, v20;
	_ =	sdelay $0x1  }
0x3fc: {  	v17 =	vadd.f32 v19, v17;
	v19 =	vmul.f32 v21, v22;
	_ =	sdelay $0x1  }
0x3fd: {  	v17 =	vadd.f32 v19, v17;
	v18 =	vmul.f32 v18, v23;
	_ =	sdelay $0x1  }
0x3fe: {  	v17 =	vadd.f32 v18, v17;
	_ =	sdelay $0x1  }
0x3ff: {  	[tilespmem:$0x10820] =	vst v17  }
0x400: {  	v17 =	vld [tilespmem:s4+$0xFFFFFE80]  }
0x401: {  	v18 =	vld [tilespmem:s3+$0xFFFFFE80]  }
0x402: {  	v19 =	vld [tilespmem:s4+$0xFFFFFE90]  }
0x403: {  	v20 =	vld [tilespmem:s3+$0xFFFFFE90]  }
0x404: {  	v21 =	vld [tilespmem:s4+$0xFFFFFEA0]  }
0x405: {  	v22 =	vld [tilespmem:s3+$0xFFFFFEA0]  }
0x406: {  	v17 =	vmul.f32 v18, v17;
	v18 =	vld [tilespmem:s4+$0xFFFFFEB0]  }
0x407: {  	v23 =	vld [tilespmem:s3+$0xFFFFFEB0]  }
0x408: {  	v17 =	vadd.f32 $0.0e+00, v17;
	v19 =	vmul.f32 v20, v19;
	_ =	sdelay $0x1  }
0x409: {  	v17 =	vadd.f32 v19, v17;
	v19 =	vmul.f32 v22, v21;
	_ =	sdelay $0x1  }
0x40a: {  	v17 =	vadd.f32 v19, v17;
	v18 =	vmul.f32 v23, v18;
	_ =	sdelay $0x1  }
0x40b: {  	v17 =	vadd.f32 v18, v17;
	_ =	sdelay $0x1  }
0x40c: {  	[tilespmem:$0x10830] =	vst v17  }
0x40d: {  	v17 =	vld [tilespmem:s4+$0xFFFFFEC0]  }
0x40e: {  	v18 =	vld [tilespmem:s3+$0xFFFFFEC0]  }
0x40f: {  	v19 =	vld [tilespmem:s4+$0xFFFFFED0]  }
0x410: {  	v20 =	vld [tilespmem:s3+$0xFFFFFED0]  }
0x411: {  	v21 =	vld [tilespmem:s4+$0xFFFFFEE0]  }
0x412: {  	v22 =	vld [tilespmem:s3+$0xFFFFFEE0]  }
0x413: {  	v17 =	vmul.f32 v18, v17;
	v18 =	vld [tilespmem:s4+$0xFFFFFEF0]  }
0x414: {  	v23 =	vld [tilespmem:s3+$0xFFFFFEF0]  }
0x415: {  	v17 =	vadd.f32 $0.0e+00, v17;
	v19 =	vmul.f32 v20, v19;
	_ =	sdelay $0x1  }
0x416: {  	v17 =	vadd.f32 v19, v17;
	v19 =	vmul.f32 v22, v21;
	_ =	sdelay $0x1  }
0x417: {  	v17 =	vadd.f32 v19, v17;
	v18 =	vmul.f32 v23, v18;
	_ =	sdelay $0x1  }
0x418: {  	v17 =	vadd.f32 v18, v17;
	_ =	sdelay $0x1  }
0x419: {  	[tilespmem:$0x10840] =	vst v17  }
0x41a: {  	v17 =	vld [tilespmem:s4+$0xFFFFFF00]  }
0x41b: {  	v18 =	vld [tilespmem:s3+$0xFFFFFF00]  }
0x41c: {  	v19 =	vld [tilespmem:s4+$0xFFFFFF10]  }
0x41d: {  	v20 =	vld [tilespmem:s3+$0xFFFFFF10]  }
0x41e: {  	v21 =	vld [tilespmem:s4+$0xFFFFFF20]  }
0x41f: {  	v22 =	vld [tilespmem:s3+$0xFFFFFF20]  }
0x420: {  	v17 =	vmul.f32 v18, v17;
	v18 =	vld [tilespmem:s4+$0xFFFFFF30]  }
0x421: {  	v23 =	vld [tilespmem:s3+$0xFFFFFF30]  }
0x422: {  	v17 =	vadd.f32 $0.0e+00, v17;
	v19 =	vmul.f32 v20, v19;
	_ =	sdelay $0x1  }
0x423: {  	v17 =	vadd.f32 v19, v17;
	v19 =	vmul.f32 v22, v21;
	_ =	sdelay $0x1  }
0x424: {  	v17 =	vadd.f32 v19, v17;
	v18 =	vmul.f32 v23, v18;
	_ =	sdelay $0x1  }
0x425: {  	v17 =	vadd.f32 v18, v17;
	_ =	sdelay $0x1  }
0x426: {  	[tilespmem:$0x10850] =	vst v17  }
0x427: {  	v17 =	vld [tilespmem:s4+$0xFFFFFF40]  }
0x428: {  	v18 =	vld [tilespmem:s4+$0xFFFFFF50]  }
0x429: {  	v19 =	vld [tilespmem:s3+$0xFFFFFF40]  }
0x42a: {  	v20 =	vld [tilespmem:s3+$0xFFFFFF50]  }
0x42b: {  	v21 =	vld [tilespmem:s4+$0xFFFFFF60]  }
0x42c: {  	v22 =	vld [tilespmem:s3+$0xFFFFFF60]  }
0x42d: {  	v23 =	vld [tilespmem:s4+$0xFFFFFF70]  }
0x42e: {  	v17 =	vmul.f32 v19, v17;
	v19 =	vld [tilespmem:s3+$0xFFFFFF70];
	_ =	sdelay $0x1  }
0x42f: {  	v18 =	vmul.f32 v20, v18;
	v17 =	vadd.f32 $0.0e+00, v17;
	_ =	sdelay $0x1  }
0x430: {  	v17 =	vadd.f32 v18, v17;
	v18 =	vmul.f32 v22, v21  }
0x431: {  	v19 =	vmul.f32 v19, v23  }
0x432: {  	v17 =	vadd.f32 v18, v17;
	_ =	sdelay $0x1  }
0x433: {  	v17 =	vadd.f32 v19, v17;
	_ =	sdelay $0x1  }
0x434: {  	[tilespmem:$0x10860] =	vst v17  }
0x435: {  	v17 =	vld [tilespmem:s4+$0xFFFFFF80]  }
0x436: {  	v18 =	vld [tilespmem:s3+$0xFFFFFF80]  }
0x437: {  	v19 =	vld [tilespmem:s4+$0xFFFFFF90]  }
0x438: {  	v20 =	vld [tilespmem:s3+$0xFFFFFF90]  }
0x439: {  	v21 =	vld [tilespmem:s4+$0xFFFFFFA0]  }
0x43a: {  	v22 =	vld [tilespmem:s3+$0xFFFFFFA0]  }
0x43b: {  	v17 =	vmul.f32 v18, v17;
	v18 =	vld [tilespmem:s4+$0xFFFFFFB0]  }
0x43c: {  	v23 =	vld [tilespmem:s3+$0xFFFFFFB0]  }
0x43d: {  	v17 =	vadd.f32 $0.0e+00, v17;
	v19 =	vmul.f32 v20, v19;
	_ =	sdelay $0x1  }
0x43e: {  	v17 =	vadd.f32 v19, v17;
	v19 =	vmul.f32 v22, v21;
	_ =	sdelay $0x1  }
0x43f: {  	v17 =	vadd.f32 v19, v17;
	v18 =	vmul.f32 v23, v18;
	_ =	sdelay $0x1  }
0x440: {  	v17 =	vadd.f32 v18, v17;
	_ =	sdelay $0x1  }
0x441: {  	[tilespmem:$0x10870] =	vst v17  }
0x442: {  	v17 =	vld [tilespmem:s4+$0xFFFFFFC0]  }
0x443: {  	v18 =	vld [tilespmem:s3+$0xFFFFFFC0]  }
0x444: {  	v19 =	vld [tilespmem:s3+$0xFFFFFFD0]  }
0x445: {  	v20 =	vld [tilespmem:s4+$0xFFFFFFD0]  }
0x446: {  	v21 =	vld [tilespmem:s3+$0xFFFFFFE0]  }
0x447: {  	v22 =	vld [tilespmem:s4+$0xFFFFFFE0]  }
0x448: {  	v17 =	vmul.f32 v18, v17;
	v18 =	vld [tilespmem:s3+$0xFFFFFFF0]  }
0x449: {  	v23 =	vld [tilespmem:s4+$0xFFFFFFF0]  }
0x44a: {  	v17 =	vadd.f32 $0.0e+00, v17;
	v19 =	vmul.f32 v19, v20;
	_ =	sdelay $0x1  }
0x44b: {  	v17 =	vadd.f32 v19, v17;
	v19 =	vmul.f32 v21, v22;
	_ =	sdelay $0x1  }
0x44c: {  	v17 =	vadd.f32 v19, v17;
	v18 =	vmul.f32 v18, v23;
	_ =	sdelay $0x1  }
0x44d: {  	v17 =	vadd.f32 v18, v17;
	_ =	sdelay $0x1  }
0x44e: {  	[tilespmem:$0x10880] =	vst v17  }
0x44f: {  	v17 =	vld [tilespmem:s4+$0x0]  }
0x450: {  	v18 =	vld [tilespmem:s3+$0x0]  }
0x451: {  	v19 =	vld [tilespmem:s4+$0x10]  }
0x452: {  	v20 =	vld [tilespmem:s3+$0x10]  }
0x453: {  	v21 =	vld [tilespmem:s3+$0x20]  }
0x454: {  	v22 =	vld [tilespmem:s4+$0x20]  }
0x455: {  	v17 =	vmul.f32 v18, v17;
	v18 =	vld [tilespmem:s3+$0x30]  }
0x456: {  	v23 =	vld [tilespmem:s4+$0x30]  }
0x457: {  	v17 =	vadd.f32 $0.0e+00, v17;
	v19 =	vmul.f32 v20, v19;
	_ =	sdelay $0x1  }
0x458: {  	v17 =	vadd.f32 v19, v17;
	v19 =	vmul.f32 v21, v22;
	_ =	sdelay $0x1  }
0x459: {  	v17 =	vadd.f32 v19, v17;
	v18 =	vmul.f32 v18, v23;
	_ =	sdelay $0x1  }
0x45a: {  	v17 =	vadd.f32 v18, v17;
	_ =	sdelay $0x1  }
0x45b: {  	[tilespmem:$0x10890] =	vst v17  }
0x45c: {  	v17 =	vld [tilespmem:s4+$0x40]  }
0x45d: {  	v18 =	vld [tilespmem:s3+$0x40]  }
0x45e: {  	v19 =	vld [tilespmem:s4+$0x50]  }
0x45f: {  	v20 =	vld [tilespmem:s3+$0x50]  }
0x460: {  	v21 =	vld [tilespmem:s4+$0x60]  }
0x461: {  	v22 =	vld [tilespmem:s3+$0x60]  }
0x462: {  	v17 =	vmul.f32 v18, v17;
	v18 =	vld [tilespmem:s4+$0x70]  }
0x463: {  	v23 =	vld [tilespmem:s3+$0x70]  }
0x464: {  	v17 =	vadd.f32 $0.0e+00, v17;
	v19 =	vmul.f32 v20, v19;
	_ =	sdelay $0x1  }
0x465: {  	v17 =	vadd.f32 v19, v17;
	v19 =	vmul.f32 v22, v21;
	_ =	sdelay $0x1  }
0x466: {  	v17 =	vadd.f32 v19, v17;
	v18 =	vmul.f32 v23, v18;
	_ =	sdelay $0x1  }
0x467: {  	v17 =	vadd.f32 v18, v17;
	_ =	sdelay $0x1  }
0x468: {  	[tilespmem:$0x108A0] =	vst v17  }
0x469: {  	v17 =	vld [tilespmem:s4+$0x80]  }
0x46a: {  	v18 =	vld [tilespmem:s3+$0x80]  }
0x46b: {  	v19 =	vld [tilespmem:s4+$0x90]  }
0x46c: {  	v20 =	vld [tilespmem:s3+$0x90]  }
0x46d: {  	v21 =	vld [tilespmem:s4+$0xA0]  }
0x46e: {  	v22 =	vld [tilespmem:s3+$0xA0]  }
0x46f: {  	v17 =	vmul.f32 v18, v17;
	v18 =	vld [tilespmem:s4+$0xB0]  }
0x470: {  	v23 =	vld [tilespmem:s3+$0xB0]  }
0x471: {  	v17 =	vadd.f32 $0.0e+00, v17;
	v19 =	vmul.f32 v20, v19;
	_ =	sdelay $0x1  }
0x472: {  	v17 =	vadd.f32 v19, v17;
	v19 =	vmul.f32 v22, v21;
	_ =	sdelay $0x1  }
0x473: {  	v17 =	vadd.f32 v19, v17;
	v18 =	vmul.f32 v23, v18;
	_ =	sdelay $0x1  }
0x474: {  	v17 =	vadd.f32 v18, v17;
	_ =	sdelay $0x1  }
0x475: {  	[tilespmem:$0x108B0] =	vst v17  }
0x476: {  	v17 =	vld [tilespmem:s4+$0xC0]  }
0x477: {  	v18 =	vld [tilespmem:s3+$0xC0]  }
0x478: {  	v19 =	vld [tilespmem:s4+$0xD0]  }
0x479: {  	v20 =	vld [tilespmem:s3+$0xD0]  }
0x47a: {  	v21 =	vld [tilespmem:s4+$0xE0]  }
0x47b: {  	v22 =	vld [tilespmem:s3+$0xE0]  }
0x47c: {  	v17 =	vmul.f32 v18, v17;
	v18 =	vld [tilespmem:s4+$0xF0]  }
0x47d: {  	v23 =	vld [tilespmem:s3+$0xF0]  }
0x47e: {  	v17 =	vadd.f32 $0.0e+00, v17;
	v19 =	vmul.f32 v20, v19;
	_ =	sdelay $0x1  }
0x47f: {  	v17 =	vadd.f32 v19, v17;
	v19 =	vmul.f32 v22, v21;
	_ =	sdelay $0x1  }
0x480: {  	v17 =	vadd.f32 v19, v17;
	v18 =	vmul.f32 v23, v18;
	_ =	sdelay $0x1  }
0x481: {  	v17 =	vadd.f32 v18, v17;
	_ =	sdelay $0x1  }
0x482: {  	[tilespmem:$0x108C0] =	vst v17  }
0x483: {  	v17 =	vld [tilespmem:s4+$0x100]  }
0x484: {  	v18 =	vld [tilespmem:s3+$0x100]  }
0x485: {  	v19 =	vld [tilespmem:s3+$0x110]  }
0x486: {  	v20 =	vld [tilespmem:s4+$0x110]  }
0x487: {  	v21 =	vld [tilespmem:s4+$0x120]  }
0x488: {  	v22 =	vld [tilespmem:s3+$0x120]  }
0x489: {  	v17 =	vmul.f32 v18, v17;
	v18 =	vld [tilespmem:s4+$0x130]  }
0x48a: {  	v23 =	vld [tilespmem:s3+$0x130]  }
0x48b: {  	v17 =	vadd.f32 $0.0e+00, v17;
	v19 =	vmul.f32 v19, v20;
	_ =	sdelay $0x1  }
0x48c: {  	v17 =	vadd.f32 v19, v17;
	v19 =	vmul.f32 v22, v21;
	_ =	sdelay $0x1  }
0x48d: {  	v17 =	vadd.f32 v19, v17;
	v18 =	vmul.f32 v23, v18;
	_ =	sdelay $0x1  }
0x48e: {  	v17 =	vadd.f32 v18, v17;
	_ =	sdelay $0x1  }
0x48f: {  	[tilespmem:$0x108D0] =	vst v17  }
0x490: {  	v17 =	vld [tilespmem:s4+$0x140]  }
0x491: {  	v18 =	vld [tilespmem:s3+$0x140]  }
0x492: {  	v19 =	vld [tilespmem:s4+$0x150]  }
0x493: {  	v20 =	vld [tilespmem:s3+$0x150]  }
0x494: {  	v21 =	vld [tilespmem:s4+$0x160]  }
0x495: {  	v22 =	vld [tilespmem:s3+$0x160]  }
0x496: {  	v17 =	vmul.f32 v18, v17;
	v18 =	vld [tilespmem:s4+$0x170]  }
0x497: {  	v23 =	vld [tilespmem:s3+$0x170]  }
0x498: {  	v17 =	vadd.f32 $0.0e+00, v17;
	v19 =	vmul.f32 v20, v19;
	_ =	sdelay $0x1  }
0x499: {  	v17 =	vadd.f32 v19, v17;
	v19 =	vmul.f32 v22, v21;
	_ =	sdelay $0x1  }
0x49a: {  	v17 =	vadd.f32 v19, v17;
	v18 =	vmul.f32 v23, v18;
	_ =	sdelay $0x1  }
0x49b: {  	v17 =	vadd.f32 v18, v17;
	_ =	sdelay $0x1  }
0x49c: {  	[tilespmem:$0x108E0] =	vst v17  }
0x49d: {  	v17 =	vld [tilespmem:s4+$0x180]  }
0x49e: {  	v18 =	vld [tilespmem:s3+$0x180]  }
0x49f: {  	v19 =	vld [tilespmem:s4+$0x190]  }
0x4a0: {  	v20 =	vld [tilespmem:s3+$0x190]  }
0x4a1: {  	v21 =	vld [tilespmem:s4+$0x1A0]  }
0x4a2: {  	v22 =	vld [tilespmem:s3+$0x1A0]  }
0x4a3: {  	v17 =	vmul.f32 v18, v17;
	v18 =	vld [tilespmem:s4+$0x1B0]  }
0x4a4: {  	v23 =	vld [tilespmem:s3+$0x1B0]  }
0x4a5: {  	v17 =	vadd.f32 $0.0e+00, v17;
	v19 =	vmul.f32 v20, v19;
	_ =	sdelay $0x1  }
0x4a6: {  	v17 =	vadd.f32 v19, v17;
	v19 =	vmul.f32 v22, v21;
	_ =	sdelay $0x1  }
0x4a7: {  	v17 =	vadd.f32 v19, v17;
	v18 =	vmul.f32 v23, v18;
	_ =	sdelay $0x1  }
0x4a8: {  	v17 =	vadd.f32 v18, v17;
	_ =	sdelay $0x1  }
0x4a9: {  	[tilespmem:$0x108F0] =	vst v17  }
0x4aa: {  	v17 =	vld [tilespmem:s4+$0x1C0]  }
0x4ab: {  	v18 =	vld [tilespmem:s3+$0x1C0]  }
0x4ac: {  	v19 =	vld [tilespmem:s4+$0x1D0]  }
0x4ad: {  	v20 =	vld [tilespmem:s3+$0x1D0]  }
0x4ae: {  	v21 =	vld [tilespmem:s4+$0x1E0]  }
0x4af: {  	v22 =	vld [tilespmem:s3+$0x1E0]  }
0x4b0: {  	v17 =	vmul.f32 v18, v17;
	v18 =	vld [tilespmem:s4+$0x1F0]  }
0x4b1: {  	v23 =	vld [tilespmem:s3+$0x1F0]  }
0x4b2: {  	v17 =	vadd.f32 $0.0e+00, v17;
	v19 =	vmul.f32 v20, v19;
	_ =	sdelay $0x1  }
0x4b3: {  	v17 =	vadd.f32 v19, v17;
	v19 =	vmul.f32 v22, v21;
	_ =	sdelay $0x1  }
0x4b4: {  	v17 =	vadd.f32 v19, v17;
	v18 =	vmul.f32 v23, v18;
	_ =	sdelay $0x1  }
0x4b5: {  	v17 =	vadd.f32 v18, v17;
	_ =	sdelay $0x1  }
0x4b6: {  	[tilespmem:$0x10900] =	vst v17  }
0x4b7: {  	v25 =	vld.idx.msk [tilespmem:v9+s5+$0x0], $0xffff  }
0x4b8: {  	v20 =	vld.idx.msk [tilespmem:v0+s5+$0x0], $0xffff  }
0x4b9: {  	v17 =	vld.idx.msk [tilespmem:v10+s5+$0x0], $0xffff  }
0x4ba: {  	v21 =	vld.idx.msk [tilespmem:v1+s5+$0x0], $0xffff  }
0x4bb: {  	v18 =	vld.idx.msk [tilespmem:v11+s5+$0x0], $0xffff  }
0x4bc: {  	v22 =	vld.idx.msk [tilespmem:v2+s5+$0x0], $0xffff  }
0x4bd: {  	v19 =	vld.idx.msk [tilespmem:v13+s5+$0x0], $0xffff  }
0x4be: {  	v23 =	vadd.f32 $0.0e+00, v20;
	v24 =	vld.idx.msk [tilespmem:v3+s5+$0x0], $0xffff  }
0x4bf: {  	v20 =	vld.idx.msk [tilespmem:v14+s5+$0x0], $0xffff  }
0x4c0: {  	v23 =	vadd.f32 v21, v23;
	v26 =	vld.idx.msk [tilespmem:v4+s5+$0x0], $0xffff  }
0x4c1: {  	v21 =	vld.idx.msk [tilespmem:v15+s5+$0x0], $0xffff  }
0x4c2: {  	v23 =	vadd.f32 v22, v23;
	v27 =	vld.idx.msk [tilespmem:v5+s5+$0x0], $0xffff  }
0x4c3: {  	v22 =	vld.idx.msk [tilespmem:v16+s5+$0x0], $0xffff  }
0x4c4: {  	v23 =	vadd.f32 v24, v23;
	v28 =	vld.idx.msk [tilespmem:v6+s5+$0x0], $0xffff  }
0x4c5: {  	s8 =	sshra.s32 s7, $0x2;
	v29 =	vld.idx.msk [tilespmem:v7+s5+$0x0], $0xffff  }
0x4c6: {  	v24 =	vadd.f32 v26, v23;
	v23 =	vld [tilespmem:s8+$0x10400]  }
0x4c7: {  	v26 =	vld.idx.msk [tilespmem:v8+s5+$0x0], $0xffff  }
0x4c8: {  	v27 =	vadd.f32 v27, v24;
	v24 =	vld [tilespmem:s8+$0x10600];
	_ =	sdelay $0x1  }
0x4c9: {  	v27 =	vadd.f32 v28, v27;
	_ =	sdelay $0x1  }
.Ltmp1:
0x4ca: {  	v27 =	vadd.f32 v29, v27;
	(pc) =	sbr.rel @p0 .LBB2_3-.Ltmp1, $3  }
0x4cb: {  	_ = 	snop  }
0x4cc: {  	v26 =	vadd.f32 v26, v27;
	_ =	sdelay $0x1  }
0x4cd: {  	v25 =	vadd.f32 v25, v26  }
0x4ce: {  	_ = 	snop  }
0x4cf: {  	v0 =	vadd.f32 v17, v25;
	_ =	sdelay $0x1  }
0x4d0: {  	v0 =	vadd.f32 v18, v0;
	_ =	sdelay $0x1  }
0x4d1: {  	v0 =	vadd.f32 v19, v0;
	_ =	sdelay $0x1  }
0x4d2: {  	v0 =	vadd.f32 v20, v0;
	_ =	sdelay $0x1  }
0x4d3: {  	v0 =	vadd.f32 v21, v0;
	_ =	sdelay $0x1  }
0x4d4: {  	v0 =	vadd.f32 v22, v0;
	_ =	sdelay $0x1  }
0x4d5: {  	v0 =	vadd.f32 v23, v0;
	_ =	sdelay $0x1  }
0x4d6: {  	v0 =	vadd.f32 v24, v0;
	_ =	sdelay $0x1  }
0x4d7: {  	v0 =	vadd.f32 v0, v12  }
0x4d8: {  	s2 =	sadd.s32 s2, s10  }
0x4d9: {  	s3 =	simm.s32 $0x0;
	s4 =	simm.s32 $0x10910;
	s31 =	simm.s32 $0x2;
	[tilespmem:s8+$0x10910] =	vst v0  }
0x4da: {  	[hbm4b:s2+s3] =	stream.linear.scatter [tilespmem:s4], [sflag:$0x2], $0x200, $0x38;
	[tilespmem:$0x10B10] =	vst v63  }
0x4db: {  	_ =	swait.ge [sflag:s31], $0x200  }
0x4dc: {  	[sflag:s31] =	ssyncset.done $0x0  }
0x4dd: {  	[sflag:s31] =	ssyncadd.s32 $0xFFFFFE00  }
0x4de: {  	_ =	sfence.sel $0x180000  }
0x4df: {  	[bflag:$0x0] =	sbarrier.arrive $0xFFFF  }
0x4e0: {  	p0 =	sne.s32 s1, $0x0;
	_ =	strace $0x90000047  }
0x4e1: {  	s0 =	sadd.s32 @!p0 $0x100000, s0;
	[bflag:$0x2] =	sbarrier.arrive $0xFFFF  }
0x4e2: {  	[sflag:s0] =	ssyncadd.tile.s32 @!p0 $0x1;
	_ =	shalt  }
.Lfunc_end2:
_tile_overlayer_lowered:
.L_overlay_start_2:
0x4e3: {  	(tag) =	ssettag $0x2  }
0x4e4: {  	s0 =	rddreg [dreg:$0x0];
	s2 =	stileid.u32  }
0x4e5: {  	s1 =	rddreg [dreg:$0x1];
	p0 =	sne.s32 s2, $0x0  }
0x4e6: {  	s3 =	rddreg [dreg:$0x2];
	[bflag:$0x3] =	sbarrier.arrive $0xFFFF;
	s2 =	simm.s32 @!p0 $0x1C02  }
0x4e7: {  	[timem:s3], [sflag:s2] =	dma.local @!p0 [hbm:s0], s1  }
0x4e8: {  	s0 =	simm.s32 @!p0 $0x2  }
0x4e9: {  	_ =	swait.ge @!p0 [sflag:s0], s1  }
0x4ea: {  	s1 =	ssub.s32 @!p0 $0x0, s1;
	[sflag:s0] =	ssyncset.done @!p0 $0x0  }
0x4eb: {  	[sflag:s0] =	ssyncadd.s32 @!p0 s1  }
0x4ec: {  	[bflag:$0x3] =	sbarrier.arrive $0xFFFF  }
0x4ed: {  	_ =	shalt  }

</sc_bundles>
